<compile_context>
chip_gen: v7x
topology: tpu7x:2x2x1
jax: 0.10.2.dev20260603
libtpu: 0.0.44.dev20260713+nightly
codegen_flags: <defaults>
</compile_context>

<pallas_src>
import functools

import jax
import jax.numpy as jnp
from jax import lax
from jax.experimental import pallas as pl
from jax.experimental.pallas import tpu as pltpu
from jax.experimental.pallas import tpu_sc as plsc

VOCAB = 1000000
EMBED_DIM = 16
BATCH = 16384

_info = plsc.get_sparse_core_info()
_NC, _NS = _info.num_cores, _info.num_subcores
_NW = _NC * _NS
_B_PER_W = BATCH // _NW
_LANES = 16
_WAVE = 16
_N_WAVES = _B_PER_W // _WAVE
_NBUF = 3

_mesh = plsc.VectorSubcoreMesh(core_axis_name="c", subcore_axis_name="s")


@functools.partial(
    pl.kernel,
    mesh=_mesh,
    out_type=jax.ShapeDtypeStruct((EMBED_DIM, BATCH), jnp.float32),
    scratch_types=[
        pltpu.VMEM((_B_PER_W,), jnp.int32),
        pltpu.VMEM((_NBUF, _WAVE, EMBED_DIM, 128), jnp.float32),
        pltpu.VMEM((EMBED_DIM, _B_PER_W), jnp.float32),
        pltpu.SemaphoreType.DMA((_NBUF,)),
    ],
    compiler_params=pltpu.CompilerParams(needs_layout_passes=False),
)
def _gather_kernel(table_hbm, idx_hbm, out_hbm, idx_v, blocks_v, stage_v,
                   sems):
    wid = lax.axis_index("s") * _NC + lax.axis_index("c")
    base = wid * _B_PER_W
    pltpu.sync_copy(idx_hbm.at[pl.ds(base, _B_PER_W)], idx_v)

    lanes = lax.iota(jnp.int32, _LANES)
    zero128 = pl.multiple_of(jnp.int32(0), 128)

    def issue_wave(k, buf):
        vec = idx_v[pl.ds(k * _WAVE, _WAVE)]
        vbase_vec = (vec >> 7) << 7
        for l in range(_WAVE):
            vbase = vbase_vec[l]
            vbase = pl.multiple_of(vbase, 128)
            pltpu.async_copy(
                table_hbm.at[lanes, pl.ds(vbase, 128)],
                blocks_v.at[buf, l],
                sems.at[buf],
            )

    def drain_wave(buf):
        for l in range(_WAVE):
            pltpu.make_async_copy(
                table_hbm.at[lanes, pl.ds(zero128, 128)],
                blocks_v.at[buf, l],
                sems.at[buf],
            ).wait()

    def select_wave(k, buf):
        vec = idx_v[pl.ds(k * _WAVE, _WAVE)]
        cvec = vec & 127
        bufvec = jnp.full((_LANES,), buf, jnp.int32)
        for l in range(_WAVE):
            c = cvec[l]
            vals = plsc.load_gather(
                blocks_v,
                [
                    bufvec,
                    jnp.full((_LANES,), l, jnp.int32),
                    lanes,
                    jnp.full((_LANES,), c, jnp.int32),
                ],
            )
            plsc.store_scatter(
                stage_v,
                [lanes, jnp.full((_LANES,), k * _WAVE + l, jnp.int32)],
                vals,
            )

    for p in range(_NBUF - 1):
        issue_wave(p, jnp.int32(p))

    def wave_body(k, carry):
        buf = lax.rem(k, _NBUF)
        nxt = lax.rem(k + _NBUF - 1, _NBUF)

        @pl.when(k + _NBUF - 1 < _N_WAVES)
        def _():
            issue_wave(k + _NBUF - 1, nxt)

        drain_wave(buf)
        select_wave(k, buf)
        return carry

    lax.fori_loop(0, _N_WAVES, wave_body, 0)

    pltpu.sync_copy(stage_v, out_hbm.at[:, pl.ds(base, _B_PER_W)])


def kernel(g, x, attri):
    idx = jnp.squeeze(x).astype(jnp.int32)
    out_t = _gather_kernel(attri.T, idx)
    return out_t.T

# --- scband reference (transcript-rebuilt; emitter-appended) ---
"""Pipeline reference for scband-embedding-layer-attri-68049461838041 (READ-ONLY COPY).

The authoritative reference and input builder live on the scoring server;
editing this copy changes nothing except your own understanding.
"""

import jax, jax.numpy as jnp
import numpy as np

VOCAB = 1000000
EMBED_DIM = 16
BATCH = 16384

def setup_inputs(seed: int = 0) -> dict:
    key = jax.random.key(seed)
    k1, k2 = jax.random.split(key)
    # attri: pretrained (frozen in torch's from_pretrained default, but we still treat it as the table param)
    attri = jax.random.normal(k1, (VOCAB, EMBED_DIM), dtype=jnp.float32)
    x = jax.random.randint(k2, (BATCH,), 0, VOCAB, dtype=jnp.int64)
    g = 0  # graph placeholder, unused by forward
    return {"g": g, "x": x, "attri": attri}

def reference(g, x, attri):
    # forward: self.embedding(x.squeeze())
    idx = jnp.squeeze(x)
    return jnp.take(attri, idx, axis=0)

if __name__ == "__main__":
    import jax
    _d = setup_inputs()
    print(jax.jit(kernel)(*tuple(_d.values())))

</pallas_src>

<mosaic_0001>
#map = affine_map<(d0, d1) -> (0, 0)>
#map1 = affine_map<(d0, d1) -> (0)>
module attributes {stable_mosaic.version = 14 : i64} {
  func.func @_gather_kernel(%arg0: i32, %arg1: i32, %arg2: memref<16x1000000xf32, #tpu.memory_space<hbm>>, %arg3: memref<16384xi32, #tpu.memory_space<hbm>>, %arg4: memref<16x16384xf32, #tpu.memory_space<hbm>>, %arg5: memref<512xi32, #tpu.memory_space<vmem>>, %arg6: memref<3x16x16x128xf32, #tpu.memory_space<vmem>>, %arg7: memref<16x512xf32, #tpu.memory_space<vmem>>, %arg8: memref<3x!tpu.dma_semaphore, #tpu.memory_space<semaphore_mem>>) attributes {dimension_semantics = [#tpu.dimension_semantics<core_parallel>, #tpu.dimension_semantics<subcore_parallel>], iteration_bounds = array<i64: 2, 16>, scalar_prefetch = 0 : i64, scratch_operands = 4 : i64, tpu.core_type = #tpu.core_type<sc_vector_subcore>, window_params = [{transform_indices = #map}, {transform_indices = #map1}, {transform_indices = #map}]} {
    %mul3A = arith.constant 2 : i32
    %mul3A_0 = arith.muli %arg1, %mul3A : i32
    %add3A = arith.addi %mul3A_0, %arg0 : i32
    %mul3A_1 = arith.constant 512 : i32
    %mul3A_2 = arith.muli %add3A, %mul3A_1 : i32
    "tpu.region"() ({
      %run_scoped3A = tpu.sem_alloc : memref<!tpu.dma_semaphore, #tpu.memory_space<semaphore_mem>>
      %dma_start3A_467 = tpu.memref_slice %arg3[%mul3A_2] : memref<16384xi32, #tpu.memory_space<hbm>> -> memref<512xi32, #tpu.memory_space<hbm>>
      %dma_start3A_468 = tpu.memref_slice %arg3[%mul3A_2] : memref<16384xi32, #tpu.memory_space<hbm>> -> memref<512xi32, #tpu.memory_space<hbm>>
      tpu.enqueue_dma source(%dma_start3A_468 : memref<512xi32, #tpu.memory_space<hbm>>) target(%arg5 : memref<512xi32, #tpu.memory_space<vmem>>) target_semaphore(%run_scoped3A : memref<!tpu.dma_semaphore, #tpu.memory_space<semaphore_mem>>)
      %dma_wait3A = tpu.memref_slice %arg3[%mul3A_2] : memref<16384xi32, #tpu.memory_space<hbm>> -> memref<512xi32, #tpu.memory_space<hbm>>
      %dma_wait3A_469 = tpu.memref_slice %arg3[%mul3A_2] : memref<16384xi32, #tpu.memory_space<hbm>> -> memref<512xi32, #tpu.memory_space<hbm>>
      tpu.wait_dma2 semaphore(%run_scoped3A : memref<!tpu.dma_semaphore, #tpu.memory_space<semaphore_mem>>) src(%dma_wait3A_469 : memref<512xi32, #tpu.memory_space<hbm>>) dst(%arg5 : memref<512xi32, #tpu.memory_space<vmem>>)
      tpu.yield
    }) : () -> ()
    %iota3A = tpu.iota {dimensions = array<i32: 0>} : vector<16xi32>
    %multiple_of3A = arith.constant 0 : i32
    %multiple_of3A_3 = tpu.assume_multiple %multiple_of3A, 128 : i32
    %get3A = arith.constant 0 : index
    %get3A_4 = tpu.vector_load %arg5[%get3A] {strides = array<i32>} : memref<512xi32, #tpu.memory_space<vmem>>, vector<16xi32>,
    %shift_right_arithmetic3A = arith.constant 7 : i32
    %shift_right_arithmetic3A_5 = vector.broadcast %shift_right_arithmetic3A : i32 to vector<16xi32>
    %shift_right_arithmetic3A_6 = arith.shrsi %get3A_4, %shift_right_arithmetic3A_5 : vector<16xi32>
    %shift_left3A = arith.constant 7 : i32
    %shift_left3A_7 = vector.broadcast %shift_left3A : i32 to vector<16xi32>
    %shift_left3A_8 = arith.shli %shift_right_arithmetic3A_6, %shift_left3A_7 : vector<16xi32>
    %slice3A = vector.extract_strided_slice %shift_left3A_8 {offsets = [0], sizes = [1], strides = [1]} : vector<16xi32> to vector<1xi32>
    %squeeze3A = vector.extract %slice3A[0] : i32 from vector<1xi32>
    %multiple_of3A_9 = tpu.assume_multiple %squeeze3A, 128 : i32
    %dma_start3A = arith.constant 0 : i32
    %dma_start3A_10 = arith.constant 0 : i32
    %dma_start3A_11 = arith.constant 0 : i32
    %dma_start3A_12 = arith.constant 0 : i32
    %dma_start3A_13 = arith.constant 0 : i32
    %dma_start3A_14 = tpu.memref_slice %arg6[%dma_start3A, %dma_start3A_10, %dma_start3A_12, %dma_start3A_13] : memref<3x16x16x128xf32, #tpu.memory_space<vmem>> -> memref<1x1x16x128xf32, #tpu.memory_space<vmem>>
    %dma_start3A_15 = tpu.memref_squeeze %dma_start3A_14 : memref<1x1x16x128xf32, #tpu.memory_space<vmem>> -> memref<16x128xf32, #tpu.memory_space<vmem>>
    %dma_start3A_16 = arith.constant 0 : i32
    %dma_start3A_17 = tpu.memref_slice %arg2[%dma_start3A_16, %multiple_of3A_9] : memref<16x1000000xf32, #tpu.memory_space<hbm>> -> memref<16x128xf32, #tpu.memory_space<hbm>>
    %dma_start3A_18 = tpu.memref_slice %arg8[%dma_start3A_11] : memref<3x!tpu.dma_semaphore, #tpu.memory_space<semaphore_mem>> -> memref<1x!tpu.dma_semaphore, #tpu.memory_space<semaphore_mem>>
    %dma_start3A_19 = tpu.memref_squeeze %dma_start3A_18 : memref<1x!tpu.dma_semaphore, #tpu.memory_space<semaphore_mem>> -> memref<!tpu.dma_semaphore, #tpu.memory_space<semaphore_mem>>
    tpu.enqueue_indirect_dma source(%dma_start3A_17 : memref<16x128xf32, #tpu.memory_space<hbm>>) target(%dma_start3A_15 : memref<16x128xf32, #tpu.memory_space<vmem>>) offsets(%iota3A : vector<16xi32>) semaphore(%dma_start3A_19 : memref<!tpu.dma_semaphore, #tpu.memory_space<semaphore_mem>>)
    %slice3A_20 = vector.extract_strided_slice %shift_left3A_8 {offsets = [1], sizes = [1], strides = [1]} : vector<16xi32> to vector<1xi32>
    %squeeze3A_21 = vector.extract %slice3A_20[0] : i32 from vector<1xi32>
    %multiple_of3A_22 = tpu.assume_multiple %squeeze3A_21, 128 : i32
    %dma_start3A_23 = arith.constant 0 : i32
    %dma_start3A_24 = arith.constant 1 : i32
    %dma_start3A_25 = arith.constant 0 : i32
    %dma_start3A_26 = arith.constant 0 : i32
    %dma_start3A_27 = arith.constant 0 : i32
    %dma_start3A_28 = tpu.memref_slice %arg6[%dma_start3A_23, %dma_start3A_24, %dma_start3A_26, %dma_start3A_27] : memref<3x16x16x128xf32, #tpu.memory_space<vmem>> -> memref<1x1x16x128xf32, #tpu.memory_space<vmem>>
    %dma_start3A_29 = tpu.memref_squeeze %dma_start3A_28 : memref<1x1x16x128xf32, #tpu.memory_space<vmem>> -> memref<16x128xf32, #tpu.memory_space<vmem>>
    %dma_start3A_30 = arith.constant 0 : i32
    %dma_start3A_31 = tpu.memref_slice %arg2[%dma_start3A_30, %multiple_of3A_22] : memref<16x1000000xf32, #tpu.memory_space<hbm>> -> memref<16x128xf32, #tpu.memory_space<hbm>>
    %dma_start3A_32 = tpu.memref_slice %arg8[%dma_start3A_25] : memref<3x!tpu.dma_semaphore, #tpu.memory_space<semaphore_mem>> -> memref<1x!tpu.dma_semaphore, #tpu.memory_space<semaphore_mem>>
    %dma_start3A_33 = tpu.memref_squeeze %dma_start3A_32 : memref<1x!tpu.dma_semaphore, #tpu.memory_space<semaphore_mem>> -> memref<!tpu.dma_semaphore, #tpu.memory_space<semaphore_mem>>
    tpu.enqueue_indirect_dma source(%dma_start3A_31 : memref<16x128xf32, #tpu.memory_space<hbm>>) target(%dma_start3A_29 : memref<16x128xf32, #tpu.memory_space<vmem>>) offsets(%iota3A : vector<16xi32>) semaphore(%dma_start3A_33 : memref<!tpu.dma_semaphore, #tpu.memory_space<semaphore_mem>>)
    %slice3A_34 = vector.extract_strided_slice %shift_left3A_8 {offsets = [2], sizes = [1], strides = [1]} : vector<16xi32> to vector<1xi32>
    %squeeze3A_35 = vector.extract %slice3A_34[0] : i32 from vector<1xi32>
    %multiple_of3A_36 = tpu.assume_multiple %squeeze3A_35, 128 : i32
    %dma_start3A_37 = arith.constant 0 : i32
    %dma_start3A_38 = arith.constant 2 : i32
    %dma_start3A_39 = arith.constant 0 : i32
    %dma_start3A_40 = arith.constant 0 : i32
    %dma_start3A_41 = arith.constant 0 : i32
    %dma_start3A_42 = tpu.memref_slice %arg6[%dma_start3A_37, %dma_start3A_38, %dma_start3A_40, %dma_start3A_41] : memref<3x16x16x128xf32, #tpu.memory_space<vmem>> -> memref<1x1x16x128xf32, #tpu.memory_space<vmem>>
    %dma_start3A_43 = tpu.memref_squeeze %dma_start3A_42 : memref<1x1x16x128xf32, #tpu.memory_space<vmem>> -> memref<16x128xf32, #tpu.memory_space<vmem>>
    %dma_start3A_44 = arith.constant 0 : i32
    %dma_start3A_45 = tpu.memref_slice %arg2[%dma_start3A_44, %multiple_of3A_36] : memref<16x1000000xf32, #tpu.memory_space<hbm>> -> memref<16x128xf32, #tpu.memory_space<hbm>>
    %dma_start3A_46 = tpu.memref_slice %arg8[%dma_start3A_39] : memref<3x!tpu.dma_semaphore, #tpu.memory_space<semaphore_mem>> -> memref<1x!tpu.dma_semaphore, #tpu.memory_space<semaphore_mem>>
    %dma_start3A_47 = tpu.memref_squeeze %dma_start3A_46 : memref<1x!tpu.dma_semaphore, #tpu.memory_space<semaphore_mem>> -> memref<!tpu.dma_semaphore, #tpu.memory_space<semaphore_mem>>
    tpu.enqueue_indirect_dma source(%dma_start3A_45 : memref<16x128xf32, #tpu.memory_space<hbm>>) target(%dma_start3A_43 : memref<16x128xf32, #tpu.memory_space<vmem>>) offsets(%iota3A : vector<16xi32>) semaphore(%dma_start3A_47 : memref<!tpu.dma_semaphore, #tpu.memory_space<semaphore_mem>>)
    %slice3A_48 = vector.extract_strided_slice %shift_left3A_8 {offsets = [3], sizes = [1], strides = [1]} : vector<16xi32> to vector<1xi32>
    %squeeze3A_49 = vector.extract %slice3A_48[0] : i32 from vector<1xi32>
    %multiple_of3A_50 = tpu.assume_multiple %squeeze3A_49, 128 : i32
    %dma_start3A_51 = arith.constant 0 : i32
    %dma_start3A_52 = arith.constant 3 : i32
    %dma_start3A_53 = arith.constant 0 : i32
    %dma_start3A_54 = arith.constant 0 : i32
    %dma_start3A_55 = arith.constant 0 : i32
    %dma_start3A_56 = tpu.memref_slice %arg6[%dma_start3A_51, %dma_start3A_52, %dma_start3A_54, %dma_start3A_55] : memref<3x16x16x128xf32, #tpu.memory_space<vmem>> -> memref<1x1x16x128xf32, #tpu.memory_space<vmem>>
    %dma_start3A_57 = tpu.memref_squeeze %dma_start3A_56 : memref<1x1x16x128xf32, #tpu.memory_space<vmem>> -> memref<16x128xf32, #tpu.memory_space<vmem>>
    %dma_start3A_58 = arith.constant 0 : i32
    %dma_start3A_59 = tpu.memref_slice %arg2[%dma_start3A_58, %multiple_of3A_50] : memref<16x1000000xf32, #tpu.memory_space<hbm>> -> memref<16x128xf32, #tpu.memory_space<hbm>>
    %dma_start3A_60 = tpu.memref_slice %arg8[%dma_start3A_53] : memref<3x!tpu.dma_semaphore, #tpu.memory_space<semaphore_mem>> -> memref<1x!tpu.dma_semaphore, #tpu.memory_space<semaphore_mem>>
    %dma_start3A_61 = tpu.memref_squeeze %dma_start3A_60 : memref<1x!tpu.dma_semaphore, #tpu.memory_space<semaphore_mem>> -> memref<!tpu.dma_semaphore, #tpu.memory_space<semaphore_mem>>
    tpu.enqueue_indirect_dma source(%dma_start3A_59 : memref<16x128xf32, #tpu.memory_space<hbm>>) target(%dma_start3A_57 : memref<16x128xf32, #tpu.memory_space<vmem>>) offsets(%iota3A : vector<16xi32>) semaphore(%dma_start3A_61 : memref<!tpu.dma_semaphore, #tpu.memory_space<semaphore_mem>>)
    %slice3A_62 = vector.extract_strided_slice %shift_left3A_8 {offsets = [4], sizes = [1], strides = [1]} : vector<16xi32> to vector<1xi32>
    %squeeze3A_63 = vector.extract %slice3A_62[0] : i32 from vector<1xi32>
    %multiple_of3A_64 = tpu.assume_multiple %squeeze3A_63, 128 : i32
    %dma_start3A_65 = arith.constant 0 : i32
    %dma_start3A_66 = arith.constant 4 : i32
    %dma_start3A_67 = arith.constant 0 : i32
    %dma_start3A_68 = arith.constant 0 : i32
    %dma_start3A_69 = arith.constant 0 : i32
    %dma_start3A_70 = tpu.memref_slice %arg6[%dma_start3A_65, %dma_start3A_66, %dma_start3A_68, %dma_start3A_69] : memref<3x16x16x128xf32, #tpu.memory_space<vmem>> -> memref<1x1x16x128xf32, #tpu.memory_space<vmem>>
    %dma_start3A_71 = tpu.memref_squeeze %dma_start3A_70 : memref<1x1x16x128xf32, #tpu.memory_space<vmem>> -> memref<16x128xf32, #tpu.memory_space<vmem>>
    %dma_start3A_72 = arith.constant 0 : i32
    %dma_start3A_73 = tpu.memref_slice %arg2[%dma_start3A_72, %multiple_of3A_64] : memref<16x1000000xf32, #tpu.memory_space<hbm>> -> memref<16x128xf32, #tpu.memory_space<hbm>>
    %dma_start3A_74 = tpu.memref_slice %arg8[%dma_start3A_67] : memref<3x!tpu.dma_semaphore, #tpu.memory_space<semaphore_mem>> -> memref<1x!tpu.dma_semaphore, #tpu.memory_space<semaphore_mem>>
    %dma_start3A_75 = tpu.memref_squeeze %dma_start3A_74 : memref<1x!tpu.dma_semaphore, #tpu.memory_space<semaphore_mem>> -> memref<!tpu.dma_semaphore, #tpu.memory_space<semaphore_mem>>
    tpu.enqueue_indirect_dma source(%dma_start3A_73 : memref<16x128xf32, #tpu.memory_space<hbm>>) target(%dma_start3A_71 : memref<16x128xf32, #tpu.memory_space<vmem>>) offsets(%iota3A : vector<16xi32>) semaphore(%dma_start3A_75 : memref<!tpu.dma_semaphore, #tpu.memory_space<semaphore_mem>>)
    %slice3A_76 = vector.extract_strided_slice %shift_left3A_8 {offsets = [5], sizes = [1], strides = [1]} : vector<16xi32> to vector<1xi32>
    %squeeze3A_77 = vector.extract %slice3A_76[0] : i32 from vector<1xi32>
    %multiple_of3A_78 = tpu.assume_multiple %squeeze3A_77, 128 : i32
    %dma_start3A_79 = arith.constant 0 : i32
    %dma_start3A_80 = arith.constant 5 : i32
    %dma_start3A_81 = arith.constant 0 : i32
    %dma_start3A_82 = arith.constant 0 : i32
    %dma_start3A_83 = arith.constant 0 : i32
    %dma_start3A_84 = tpu.memref_slice %arg6[%dma_start3A_79, %dma_start3A_80, %dma_start3A_82, %dma_start3A_83] : memref<3x16x16x128xf32, #tpu.memory_space<vmem>> -> memref<1x1x16x128xf32, #tpu.memory_space<vmem>>
    %dma_start3A_85 = tpu.memref_squeeze %dma_start3A_84 : memref<1x1x16x128xf32, #tpu.memory_space<vmem>> -> memref<16x128xf32, #tpu.memory_space<vmem>>
    %dma_start3A_86 = arith.constant 0 : i32
    %dma_start3A_87 = tpu.memref_slice %arg2[%dma_start3A_86, %multiple_of3A_78] : memref<16x1000000xf32, #tpu.memory_space<hbm>> -> memref<16x128xf32, #tpu.memory_space<hbm>>
    %dma_start3A_88 = tpu.memref_slice %arg8[%dma_start3A_81] : memref<3x!tpu.dma_semaphore, #tpu.memory_space<semaphore_mem>> -> memref<1x!tpu.dma_semaphore, #tpu.memory_space<semaphore_mem>>
    %dma_start3A_89 = tpu.memref_squeeze %dma_start3A_88 : memref<1x!tpu.dma_semaphore, #tpu.memory_space<semaphore_mem>> -> memref<!tpu.dma_semaphore, #tpu.memory_space<semaphore_mem>>
    tpu.enqueue_indirect_dma source(%dma_start3A_87 : memref<16x128xf32, #tpu.memory_space<hbm>>) target(%dma_start3A_85 : memref<16x128xf32, #tpu.memory_space<vmem>>) offsets(%iota3A : vector<16xi32>) semaphore(%dma_start3A_89 : memref<!tpu.dma_semaphore, #tpu.memory_space<semaphore_mem>>)
    %slice3A_90 = vector.extract_strided_slice %shift_left3A_8 {offsets = [6], sizes = [1], strides = [1]} : vector<16xi32> to vector<1xi32>
    %squeeze3A_91 = vector.extract %slice3A_90[0] : i32 from vector<1xi32>
    %multiple_of3A_92 = tpu.assume_multiple %squeeze3A_91, 128 : i32
    %dma_start3A_93 = arith.constant 0 : i32
    %dma_start3A_94 = arith.constant 6 : i32
    %dma_start3A_95 = arith.constant 0 : i32
    %dma_start3A_96 = arith.constant 0 : i32
    %dma_start3A_97 = arith.constant 0 : i32
    %dma_start3A_98 = tpu.memref_slice %arg6[%dma_start3A_93, %dma_start3A_94, %dma_start3A_96, %dma_start3A_97] : memref<3x16x16x128xf32, #tpu.memory_space<vmem>> -> memref<1x1x16x128xf32, #tpu.memory_space<vmem>>
    %dma_start3A_99 = tpu.memref_squeeze %dma_start3A_98 : memref<1x1x16x128xf32, #tpu.memory_space<vmem>> -> memref<16x128xf32, #tpu.memory_space<vmem>>
    %dma_start3A_100 = arith.constant 0 : i32
    %dma_start3A_101 = tpu.memref_slice %arg2[%dma_start3A_100, %multiple_of3A_92] : memref<16x1000000xf32, #tpu.memory_space<hbm>> -> memref<16x128xf32, #tpu.memory_space<hbm>>
    %dma_start3A_102 = tpu.memref_slice %arg8[%dma_start3A_95] : memref<3x!tpu.dma_semaphore, #tpu.memory_space<semaphore_mem>> -> memref<1x!tpu.dma_semaphore, #tpu.memory_space<semaphore_mem>>
    %dma_start3A_103 = tpu.memref_squeeze %dma_start3A_102 : memref<1x!tpu.dma_semaphore, #tpu.memory_space<semaphore_mem>> -> memref<!tpu.dma_semaphore, #tpu.memory_space<semaphore_mem>>
    tpu.enqueue_indirect_dma source(%dma_start3A_101 : memref<16x128xf32, #tpu.memory_space<hbm>>) target(%dma_start3A_99 : memref<16x128xf32, #tpu.memory_space<vmem>>) offsets(%iota3A : vector<16xi32>) semaphore(%dma_start3A_103 : memref<!tpu.dma_semaphore, #tpu.memory_space<semaphore_mem>>)
    %slice3A_104 = vector.extract_strided_slice %shift_left3A_8 {offsets = [7], sizes = [1], strides = [1]} : vector<16xi32> to vector<1xi32>
    %squeeze3A_105 = vector.extract %slice3A_104[0] : i32 from vector<1xi32>
    %multiple_of3A_106 = tpu.assume_multiple %squeeze3A_105, 128 : i32
    %dma_start3A_107 = arith.constant 0 : i32
    %dma_start3A_108 = arith.constant 7 : i32
    %dma_start3A_109 = arith.constant 0 : i32
    %dma_start3A_110 = arith.constant 0 : i32
    %dma_start3A_111 = arith.constant 0 : i32
    %dma_start3A_112 = tpu.memref_slice %arg6[%dma_start3A_107, %dma_start3A_108, %dma_start3A_110, %dma_start3A_111] : memref<3x16x16x128xf32, #tpu.memory_space<vmem>> -> memref<1x1x16x128xf32, #tpu.memory_space<vmem>>
    %dma_start3A_113 = tpu.memref_squeeze %dma_start3A_112 : memref<1x1x16x128xf32, #tpu.memory_space<vmem>> -> memref<16x128xf32, #tpu.memory_space<vmem>>
    %dma_start3A_114 = arith.constant 0 : i32
    %dma_start3A_115 = tpu.memref_slice %arg2[%dma_start3A_114, %multiple_of3A_106] : memref<16x1000000xf32, #tpu.memory_space<hbm>> -> memref<16x128xf32, #tpu.memory_space<hbm>>
    %dma_start3A_116 = tpu.memref_slice %arg8[%dma_start3A_109] : memref<3x!tpu.dma_semaphore, #tpu.memory_space<semaphore_mem>> -> memref<1x!tpu.dma_semaphore, #tpu.memory_space<semaphore_mem>>
    %dma_start3A_117 = tpu.memref_squeeze %dma_start3A_116 : memref<1x!tpu.dma_semaphore, #tpu.memory_space<semaphore_mem>> -> memref<!tpu.dma_semaphore, #tpu.memory_space<semaphore_mem>>
    tpu.enqueue_indirect_dma source(%dma_start3A_115 : memref<16x128xf32, #tpu.memory_space<hbm>>) target(%dma_start3A_113 : memref<16x128xf32, #tpu.memory_space<vmem>>) offsets(%iota3A : vector<16xi32>) semaphore(%dma_start3A_117 : memref<!tpu.dma_semaphore, #tpu.memory_space<semaphore_mem>>)
    %slice3A_118 = vector.extract_strided_slice %shift_left3A_8 {offsets = [8], sizes = [1], strides = [1]} : vector<16xi32> to vector<1xi32>
    %squeeze3A_119 = vector.extract %slice3A_118[0] : i32 from vector<1xi32>
    %multiple_of3A_120 = tpu.assume_multiple %squeeze3A_119, 128 : i32
    %dma_start3A_121 = arith.constant 0 : i32
    %dma_start3A_122 = arith.constant 8 : i32
    %dma_start3A_123 = arith.constant 0 : i32
    %dma_start3A_124 = arith.constant 0 : i32
    %dma_start3A_125 = arith.constant 0 : i32
    %dma_start3A_126 = tpu.memref_slice %arg6[%dma_start3A_121, %dma_start3A_122, %dma_start3A_124, %dma_start3A_125] : memref<3x16x16x128xf32, #tpu.memory_space<vmem>> -> memref<1x1x16x128xf32, #tpu.memory_space<vmem>>
    %dma_start3A_127 = tpu.memref_squeeze %dma_start3A_126 : memref<1x1x16x128xf32, #tpu.memory_space<vmem>> -> memref<16x128xf32, #tpu.memory_space<vmem>>
    %dma_start3A_128 = arith.constant 0 : i32
    %dma_start3A_129 = tpu.memref_slice %arg2[%dma_start3A_128, %multiple_of3A_120] : memref<16x1000000xf32, #tpu.memory_space<hbm>> -> memref<16x128xf32, #tpu.memory_space<hbm>>
    %dma_start3A_130 = tpu.memref_slice %arg8[%dma_start3A_123] : memref<3x!tpu.dma_semaphore, #tpu.memory_space<semaphore_mem>> -> memref<1x!tpu.dma_semaphore, #tpu.memory_space<semaphore_mem>>
    %dma_start3A_131 = tpu.memref_squeeze %dma_start3A_130 : memref<1x!tpu.dma_semaphore, #tpu.memory_space<semaphore_mem>> -> memref<!tpu.dma_semaphore, #tpu.memory_space<semaphore_mem>>
    tpu.enqueue_indirect_dma source(%dma_start3A_129 : memref<16x128xf32, #tpu.memory_space<hbm>>) target(%dma_start3A_127 : memref<16x128xf32, #tpu.memory_space<vmem>>) offsets(%iota3A : vector<16xi32>) semaphore(%dma_start3A_131 : memref<!tpu.dma_semaphore, #tpu.memory_space<semaphore_mem>>)
    %slice3A_132 = vector.extract_strided_slice %shift_left3A_8 {offsets = [9], sizes = [1], strides = [1]} : vector<16xi32> to vector<1xi32>
    %squeeze3A_133 = vector.extract %slice3A_132[0] : i32 from vector<1xi32>
    %multiple_of3A_134 = tpu.assume_multiple %squeeze3A_133, 128 : i32
    %dma_start3A_135 = arith.constant 0 : i32
    %dma_start3A_136 = arith.constant 9 : i32
    %dma_start3A_137 = arith.constant 0 : i32
    %dma_start3A_138 = arith.constant 0 : i32
    %dma_start3A_139 = arith.constant 0 : i32
    %dma_start3A_140 = tpu.memref_slice %arg6[%dma_start3A_135, %dma_start3A_136, %dma_start3A_138, %dma_start3A_139] : memref<3x16x16x128xf32, #tpu.memory_space<vmem>> -> memref<1x1x16x128xf32, #tpu.memory_space<vmem>>
    %dma_start3A_141 = tpu.memref_squeeze %dma_start3A_140 : memref<1x1x16x128xf32, #tpu.memory_space<vmem>> -> memref<16x128xf32, #tpu.memory_space<vmem>>
    %dma_start3A_142 = arith.constant 0 : i32
    %dma_start3A_143 = tpu.memref_slice %arg2[%dma_start3A_142, %multiple_of3A_134] : memref<16x1000000xf32, #tpu.memory_space<hbm>> -> memref<16x128xf32, #tpu.memory_space<hbm>>
    %dma_start3A_144 = tpu.memref_slice %arg8[%dma_start3A_137] : memref<3x!tpu.dma_semaphore, #tpu.memory_space<semaphore_mem>> -> memref<1x!tpu.dma_semaphore, #tpu.memory_space<semaphore_mem>>
    %dma_start3A_145 = tpu.memref_squeeze %dma_start3A_144 : memref<1x!tpu.dma_semaphore, #tpu.memory_space<semaphore_mem>> -> memref<!tpu.dma_semaphore, #tpu.memory_space<semaphore_mem>>
    tpu.enqueue_indirect_dma source(%dma_start3A_143 : memref<16x128xf32, #tpu.memory_space<hbm>>) target(%dma_start3A_141 : memref<16x128xf32, #tpu.memory_space<vmem>>) offsets(%iota3A : vector<16xi32>) semaphore(%dma_start3A_145 : memref<!tpu.dma_semaphore, #tpu.memory_space<semaphore_mem>>)
    %slice3A_146 = vector.extract_strided_slice %shift_left3A_8 {offsets = [10], sizes = [1], strides = [1]} : vector<16xi32> to vector<1xi32>
    %squeeze3A_147 = vector.extract %slice3A_146[0] : i32 from vector<1xi32>
    %multiple_of3A_148 = tpu.assume_multiple %squeeze3A_147, 128 : i32
    %dma_start3A_149 = arith.constant 0 : i32
    %dma_start3A_150 = arith.constant 10 : i32
    %dma_start3A_151 = arith.constant 0 : i32
    %dma_start3A_152 = arith.constant 0 : i32
    %dma_start3A_153 = arith.constant 0 : i32
    %dma_start3A_154 = tpu.memref_slice %arg6[%dma_start3A_149, %dma_start3A_150, %dma_start3A_152, %dma_start3A_153] : memref<3x16x16x128xf32, #tpu.memory_space<vmem>> -> memref<1x1x16x128xf32, #tpu.memory_space<vmem>>
    %dma_start3A_155 = tpu.memref_squeeze %dma_start3A_154 : memref<1x1x16x128xf32, #tpu.memory_space<vmem>> -> memref<16x128xf32, #tpu.memory_space<vmem>>
    %dma_start3A_156 = arith.constant 0 : i32
    %dma_start3A_157 = tpu.memref_slice %arg2[%dma_start3A_156, %multiple_of3A_148] : memref<16x1000000xf32, #tpu.memory_space<hbm>> -> memref<16x128xf32, #tpu.memory_space<hbm>>
    %dma_start3A_158 = tpu.memref_slice %arg8[%dma_start3A_151] : memref<3x!tpu.dma_semaphore, #tpu.memory_space<semaphore_mem>> -> memref<1x!tpu.dma_semaphore, #tpu.memory_space<semaphore_mem>>
    %dma_start3A_159 = tpu.memref_squeeze %dma_start3A_158 : memref<1x!tpu.dma_semaphore, #tpu.memory_space<semaphore_mem>> -> memref<!tpu.dma_semaphore, #tpu.memory_space<semaphore_mem>>
    tpu.enqueue_indirect_dma source(%dma_start3A_157 : memref<16x128xf32, #tpu.memory_space<hbm>>) target(%dma_start3A_155 : memref<16x128xf32, #tpu.memory_space<vmem>>) offsets(%iota3A : vector<16xi32>) semaphore(%dma_start3A_159 : memref<!tpu.dma_semaphore, #tpu.memory_space<semaphore_mem>>)
    %slice3A_160 = vector.extract_strided_slice %shift_left3A_8 {offsets = [11], sizes = [1], strides = [1]} : vector<16xi32> to vector<1xi32>
    %squeeze3A_161 = vector.extract %slice3A_160[0] : i32 from vector<1xi32>
    %multiple_of3A_162 = tpu.assume_multiple %squeeze3A_161, 128 : i32
    %dma_start3A_163 = arith.constant 0 : i32
    %dma_start3A_164 = arith.constant 11 : i32
    %dma_start3A_165 = arith.constant 0 : i32
    %dma_start3A_166 = arith.constant 0 : i32
    %dma_start3A_167 = arith.constant 0 : i32
    %dma_start3A_168 = tpu.memref_slice %arg6[%dma_start3A_163, %dma_start3A_164, %dma_start3A_166, %dma_start3A_167] : memref<3x16x16x128xf32, #tpu.memory_space<vmem>> -> memref<1x1x16x128xf32, #tpu.memory_space<vmem>>
    %dma_start3A_169 = tpu.memref_squeeze %dma_start3A_168 : memref<1x1x16x128xf32, #tpu.memory_space<vmem>> -> memref<16x128xf32, #tpu.memory_space<vmem>>
    %dma_start3A_170 = arith.constant 0 : i32
    %dma_start3A_171 = tpu.memref_slice %arg2[%dma_start3A_170, %multiple_of3A_162] : memref<16x1000000xf32, #tpu.memory_space<hbm>> -> memref<16x128xf32, #tpu.memory_space<hbm>>
    %dma_start3A_172 = tpu.memref_slice %arg8[%dma_start3A_165] : memref<3x!tpu.dma_semaphore, #tpu.memory_space<semaphore_mem>> -> memref<1x!tpu.dma_semaphore, #tpu.memory_space<semaphore_mem>>
    %dma_start3A_173 = tpu.memref_squeeze %dma_start3A_172 : memref<1x!tpu.dma_semaphore, #tpu.memory_space<semaphore_mem>> -> memref<!tpu.dma_semaphore, #tpu.memory_space<semaphore_mem>>
    tpu.enqueue_indirect_dma source(%dma_start3A_171 : memref<16x128xf32, #tpu.memory_space<hbm>>) target(%dma_start3A_169 : memref<16x128xf32, #tpu.memory_space<vmem>>) offsets(%iota3A : vector<16xi32>) semaphore(%dma_start3A_173 : memref<!tpu.dma_semaphore, #tpu.memory_space<semaphore_mem>>)
    %slice3A_174 = vector.extract_strided_slice %shift_left3A_8 {offsets = [12], sizes = [1], strides = [1]} : vector<16xi32> to vector<1xi32>
    %squeeze3A_175 = vector.extract %slice3A_174[0] : i32 from vector<1xi32>
    %multiple_of3A_176 = tpu.assume_multiple %squeeze3A_175, 128 : i32
    %dma_start3A_177 = arith.constant 0 : i32
    %dma_start3A_178 = arith.constant 12 : i32
    %dma_start3A_179 = arith.constant 0 : i32
    %dma_start3A_180 = arith.constant 0 : i32
    %dma_start3A_181 = arith.constant 0 : i32
    %dma_start3A_182 = tpu.memref_slice %arg6[%dma_start3A_177, %dma_start3A_178, %dma_start3A_180, %dma_start3A_181] : memref<3x16x16x128xf32, #tpu.memory_space<vmem>> -> memref<1x1x16x128xf32, #tpu.memory_space<vmem>>
    %dma_start3A_183 = tpu.memref_squeeze %dma_start3A_182 : memref<1x1x16x128xf32, #tpu.memory_space<vmem>> -> memref<16x128xf32, #tpu.memory_space<vmem>>
    %dma_start3A_184 = arith.constant 0 : i32
    %dma_start3A_185 = tpu.memref_slice %arg2[%dma_start3A_184, %multiple_of3A_176] : memref<16x1000000xf32, #tpu.memory_space<hbm>> -> memref<16x128xf32, #tpu.memory_space<hbm>>
    %dma_start3A_186 = tpu.memref_slice %arg8[%dma_start3A_179] : memref<3x!tpu.dma_semaphore, #tpu.memory_space<semaphore_mem>> -> memref<1x!tpu.dma_semaphore, #tpu.memory_space<semaphore_mem>>
    %dma_start3A_187 = tpu.memref_squeeze %dma_start3A_186 : memref<1x!tpu.dma_semaphore, #tpu.memory_space<semaphore_mem>> -> memref<!tpu.dma_semaphore, #tpu.memory_space<semaphore_mem>>
    tpu.enqueue_indirect_dma source(%dma_start3A_185 : memref<16x128xf32, #tpu.memory_space<hbm>>) target(%dma_start3A_183 : memref<16x128xf32, #tpu.memory_space<vmem>>) offsets(%iota3A : vector<16xi32>) semaphore(%dma_start3A_187 : memref<!tpu.dma_semaphore, #tpu.memory_space<semaphore_mem>>)
    %slice3A_188 = vector.extract_strided_slice %shift_left3A_8 {offsets = [13], sizes = [1], strides = [1]} : vector<16xi32> to vector<1xi32>
    %squeeze3A_189 = vector.extract %slice3A_188[0] : i32 from vector<1xi32>
    %multiple_of3A_190 = tpu.assume_multiple %squeeze3A_189, 128 : i32
    %dma_start3A_191 = arith.constant 0 : i32
    %dma_start3A_192 = arith.constant 13 : i32
    %dma_start3A_193 = arith.constant 0 : i32
    %dma_start3A_194 = arith.constant 0 : i32
    %dma_start3A_195 = arith.constant 0 : i32
    %dma_start3A_196 = tpu.memref_slice %arg6[%dma_start3A_191, %dma_start3A_192, %dma_start3A_194, %dma_start3A_195] : memref<3x16x16x128xf32, #tpu.memory_space<vmem>> -> memref<1x1x16x128xf32, #tpu.memory_space<vmem>>
    %dma_start3A_197 = tpu.memref_squeeze %dma_start3A_196 : memref<1x1x16x128xf32, #tpu.memory_space<vmem>> -> memref<16x128xf32, #tpu.memory_space<vmem>>
    %dma_start3A_198 = arith.constant 0 : i32
    %dma_start3A_199 = tpu.memref_slice %arg2[%dma_start3A_198, %multiple_of3A_190] : memref<16x1000000xf32, #tpu.memory_space<hbm>> -> memref<16x128xf32, #tpu.memory_space<hbm>>
    %dma_start3A_200 = tpu.memref_slice %arg8[%dma_start3A_193] : memref<3x!tpu.dma_semaphore, #tpu.memory_space<semaphore_mem>> -> memref<1x!tpu.dma_semaphore, #tpu.memory_space<semaphore_mem>>
    %dma_start3A_201 = tpu.memref_squeeze %dma_start3A_200 : memref<1x!tpu.dma_semaphore, #tpu.memory_space<semaphore_mem>> -> memref<!tpu.dma_semaphore, #tpu.memory_space<semaphore_mem>>
    tpu.enqueue_indirect_dma source(%dma_start3A_199 : memref<16x128xf32, #tpu.memory_space<hbm>>) target(%dma_start3A_197 : memref<16x128xf32, #tpu.memory_space<vmem>>) offsets(%iota3A : vector<16xi32>) semaphore(%dma_start3A_201 : memref<!tpu.dma_semaphore, #tpu.memory_space<semaphore_mem>>)
    %slice3A_202 = vector.extract_strided_slice %shift_left3A_8 {offsets = [14], sizes = [1], strides = [1]} : vector<16xi32> to vector<1xi32>
    %squeeze3A_203 = vector.extract %slice3A_202[0] : i32 from vector<1xi32>
    %multiple_of3A_204 = tpu.assume_multiple %squeeze3A_203, 128 : i32
    %dma_start3A_205 = arith.constant 0 : i32
    %dma_start3A_206 = arith.constant 14 : i32
    %dma_start3A_207 = arith.constant 0 : i32
    %dma_start3A_208 = arith.constant 0 : i32
    %dma_start3A_209 = arith.constant 0 : i32
    %dma_start3A_210 = tpu.memref_slice %arg6[%dma_start3A_205, %dma_start3A_206, %dma_start3A_208, %dma_start3A_209] : memref<3x16x16x128xf32, #tpu.memory_space<vmem>> -> memref<1x1x16x128xf32, #tpu.memory_space<vmem>>
    %dma_start3A_211 = tpu.memref_squeeze %dma_start3A_210 : memref<1x1x16x128xf32, #tpu.memory_space<vmem>> -> memref<16x128xf32, #tpu.memory_space<vmem>>
    %dma_start3A_212 = arith.constant 0 : i32
    %dma_start3A_213 = tpu.memref_slice %arg2[%dma_start3A_212, %multiple_of3A_204] : memref<16x1000000xf32, #tpu.memory_space<hbm>> -> memref<16x128xf32, #tpu.memory_space<hbm>>
    %dma_start3A_214 = tpu.memref_slice %arg8[%dma_start3A_207] : memref<3x!tpu.dma_semaphore, #tpu.memory_space<semaphore_mem>> -> memref<1x!tpu.dma_semaphore, #tpu.memory_space<semaphore_mem>>
    %dma_start3A_215 = tpu.memref_squeeze %dma_start3A_214 : memref<1x!tpu.dma_semaphore, #tpu.memory_space<semaphore_mem>> -> memref<!tpu.dma_semaphore, #tpu.memory_space<semaphore_mem>>
    tpu.enqueue_indirect_dma source(%dma_start3A_213 : memref<16x128xf32, #tpu.memory_space<hbm>>) target(%dma_start3A_211 : memref<16x128xf32, #tpu.memory_space<vmem>>) offsets(%iota3A : vector<16xi32>) semaphore(%dma_start3A_215 : memref<!tpu.dma_semaphore, #tpu.memory_space<semaphore_mem>>)
    %slice3A_216 = vector.extract_strided_slice %shift_left3A_8 {offsets = [15], sizes = [1], strides = [1]} : vector<16xi32> to vector<1xi32>
    %squeeze3A_217 = vector.extract %slice3A_216[0] : i32 from vector<1xi32>
    %multiple_of3A_218 = tpu.assume_multiple %squeeze3A_217, 128 : i32
    %dma_start3A_219 = arith.constant 0 : i32
    %dma_start3A_220 = arith.constant 15 : i32
    %dma_start3A_221 = arith.constant 0 : i32
    %dma_start3A_222 = arith.constant 0 : i32
    %dma_start3A_223 = arith.constant 0 : i32
    %dma_start3A_224 = tpu.memref_slice %arg6[%dma_start3A_219, %dma_start3A_220, %dma_start3A_222, %dma_start3A_223] : memref<3x16x16x128xf32, #tpu.memory_space<vmem>> -> memref<1x1x16x128xf32, #tpu.memory_space<vmem>>
    %dma_start3A_225 = tpu.memref_squeeze %dma_start3A_224 : memref<1x1x16x128xf32, #tpu.memory_space<vmem>> -> memref<16x128xf32, #tpu.memory_space<vmem>>
    %dma_start3A_226 = arith.constant 0 : i32
    %dma_start3A_227 = tpu.memref_slice %arg2[%dma_start3A_226, %multiple_of3A_218] : memref<16x1000000xf32, #tpu.memory_space<hbm>> -> memref<16x128xf32, #tpu.memory_space<hbm>>
    %dma_start3A_228 = tpu.memref_slice %arg8[%dma_start3A_221] : memref<3x!tpu.dma_semaphore, #tpu.memory_space<semaphore_mem>> -> memref<1x!tpu.dma_semaphore, #tpu.memory_space<semaphore_mem>>
    %dma_start3A_229 = tpu.memref_squeeze %dma_start3A_228 : memref<1x!tpu.dma_semaphore, #tpu.memory_space<semaphore_mem>> -> memref<!tpu.dma_semaphore, #tpu.memory_space<semaphore_mem>>
    tpu.enqueue_indirect_dma source(%dma_start3A_227 : memref<16x128xf32, #tpu.memory_space<hbm>>) target(%dma_start3A_225 : memref<16x128xf32, #tpu.memory_space<vmem>>) offsets(%iota3A : vector<16xi32>) semaphore(%dma_start3A_229 : memref<!tpu.dma_semaphore, #tpu.memory_space<semaphore_mem>>)
    %get3A_230 = arith.constant 16 : index
    %get3A_231 = tpu.vector_load %arg5[%get3A_230] {strides = array<i32>} : memref<512xi32, #tpu.memory_space<vmem>>, vector<16xi32>,
    %shift_right_arithmetic3A_232 = arith.constant 7 : i32
    %shift_right_arithmetic3A_233 = vector.broadcast %shift_right_arithmetic3A_232 : i32 to vector<16xi32>
    %shift_right_arithmetic3A_234 = arith.shrsi %get3A_231, %shift_right_arithmetic3A_233 : vector<16xi32>
    %shift_left3A_235 = arith.constant 7 : i32
    %shift_left3A_236 = vector.broadcast %shift_left3A_235 : i32 to vector<16xi32>
    %shift_left3A_237 = arith.shli %shift_right_arithmetic3A_234, %shift_left3A_236 : vector<16xi32>
    %slice3A_238 = vector.extract_strided_slice %shift_left3A_237 {offsets = [0], sizes = [1], strides = [1]} : vector<16xi32> to vector<1xi32>
    %squeeze3A_239 = vector.extract %slice3A_238[0] : i32 from vector<1xi32>
    %multiple_of3A_240 = tpu.assume_multiple %squeeze3A_239, 128 : i32
    %dma_start3A_241 = arith.constant 1 : i32
    %dma_start3A_242 = arith.constant 0 : i32
    %dma_start3A_243 = arith.constant 1 : i32
    %dma_start3A_244 = arith.constant 0 : i32
    %dma_start3A_245 = arith.constant 0 : i32
    %dma_start3A_246 = tpu.memref_slice %arg6[%dma_start3A_241, %dma_start3A_242, %dma_start3A_244, %dma_start3A_245] : memref<3x16x16x128xf32, #tpu.memory_space<vmem>> -> memref<1x1x16x128xf32, #tpu.memory_space<vmem>>
    %dma_start3A_247 = tpu.memref_squeeze %dma_start3A_246 : memref<1x1x16x128xf32, #tpu.memory_space<vmem>> -> memref<16x128xf32, #tpu.memory_space<vmem>>
    %dma_start3A_248 = arith.constant 0 : i32
    %dma_start3A_249 = tpu.memref_slice %arg2[%dma_start3A_248, %multiple_of3A_240] : memref<16x1000000xf32, #tpu.memory_space<hbm>> -> memref<16x128xf32, #tpu.memory_space<hbm>>
    %dma_start3A_250 = tpu.memref_slice %arg8[%dma_start3A_243] : memref<3x!tpu.dma_semaphore, #tpu.memory_space<semaphore_mem>> -> memref<1x!tpu.dma_semaphore, #tpu.memory_space<semaphore_mem>>
    %dma_start3A_251 = tpu.memref_squeeze %dma_start3A_250 : memref<1x!tpu.dma_semaphore, #tpu.memory_space<semaphore_mem>> -> memref<!tpu.dma_semaphore, #tpu.memory_space<semaphore_mem>>
    tpu.enqueue_indirect_dma source(%dma_start3A_249 : memref<16x128xf32, #tpu.memory_space<hbm>>) target(%dma_start3A_247 : memref<16x128xf32, #tpu.memory_space<vmem>>) offsets(%iota3A : vector<16xi32>) semaphore(%dma_start3A_251 : memref<!tpu.dma_semaphore, #tpu.memory_space<semaphore_mem>>)
    %slice3A_252 = vector.extract_strided_slice %shift_left3A_237 {offsets = [1], sizes = [1], strides = [1]} : vector<16xi32> to vector<1xi32>
    %squeeze3A_253 = vector.extract %slice3A_252[0] : i32 from vector<1xi32>
    %multiple_of3A_254 = tpu.assume_multiple %squeeze3A_253, 128 : i32
    %dma_start3A_255 = arith.constant 1 : i32
    %dma_start3A_256 = arith.constant 1 : i32
    %dma_start3A_257 = arith.constant 1 : i32
    %dma_start3A_258 = arith.constant 0 : i32
    %dma_start3A_259 = arith.constant 0 : i32
    %dma_start3A_260 = tpu.memref_slice %arg6[%dma_start3A_255, %dma_start3A_256, %dma_start3A_258, %dma_start3A_259] : memref<3x16x16x128xf32, #tpu.memory_space<vmem>> -> memref<1x1x16x128xf32, #tpu.memory_space<vmem>>
    %dma_start3A_261 = tpu.memref_squeeze %dma_start3A_260 : memref<1x1x16x128xf32, #tpu.memory_space<vmem>> -> memref<16x128xf32, #tpu.memory_space<vmem>>
    %dma_start3A_262 = arith.constant 0 : i32
    %dma_start3A_263 = tpu.memref_slice %arg2[%dma_start3A_262, %multiple_of3A_254] : memref<16x1000000xf32, #tpu.memory_space<hbm>> -> memref<16x128xf32, #tpu.memory_space<hbm>>
    %dma_start3A_264 = tpu.memref_slice %arg8[%dma_start3A_257] : memref<3x!tpu.dma_semaphore, #tpu.memory_space<semaphore_mem>> -> memref<1x!tpu.dma_semaphore, #tpu.memory_space<semaphore_mem>>
    %dma_start3A_265 = tpu.memref_squeeze %dma_start3A_264 : memref<1x!tpu.dma_semaphore, #tpu.memory_space<semaphore_mem>> -> memref<!tpu.dma_semaphore, #tpu.memory_space<semaphore_mem>>
    tpu.enqueue_indirect_dma source(%dma_start3A_263 : memref<16x128xf32, #tpu.memory_space<hbm>>) target(%dma_start3A_261 : memref<16x128xf32, #tpu.memory_space<vmem>>) offsets(%iota3A : vector<16xi32>) semaphore(%dma_start3A_265 : memref<!tpu.dma_semaphore, #tpu.memory_space<semaphore_mem>>)
    %slice3A_266 = vector.extract_strided_slice %shift_left3A_237 {offsets = [2], sizes = [1], strides = [1]} : vector<16xi32> to vector<1xi32>
    %squeeze3A_267 = vector.extract %slice3A_266[0] : i32 from vector<1xi32>
    %multiple_of3A_268 = tpu.assume_multiple %squeeze3A_267, 128 : i32
    %dma_start3A_269 = arith.constant 1 : i32
    %dma_start3A_270 = arith.constant 2 : i32
    %dma_start3A_271 = arith.constant 1 : i32
    %dma_start3A_272 = arith.constant 0 : i32
    %dma_start3A_273 = arith.constant 0 : i32
    %dma_start3A_274 = tpu.memref_slice %arg6[%dma_start3A_269, %dma_start3A_270, %dma_start3A_272, %dma_start3A_273] : memref<3x16x16x128xf32, #tpu.memory_space<vmem>> -> memref<1x1x16x128xf32, #tpu.memory_space<vmem>>
    %dma_start3A_275 = tpu.memref_squeeze %dma_start3A_274 : memref<1x1x16x128xf32, #tpu.memory_space<vmem>> -> memref<16x128xf32, #tpu.memory_space<vmem>>
    %dma_start3A_276 = arith.constant 0 : i32
    %dma_start3A_277 = tpu.memref_slice %arg2[%dma_start3A_276, %multiple_of3A_268] : memref<16x1000000xf32, #tpu.memory_space<hbm>> -> memref<16x128xf32, #tpu.memory_space<hbm>>
    %dma_start3A_278 = tpu.memref_slice %arg8[%dma_start3A_271] : memref<3x!tpu.dma_semaphore, #tpu.memory_space<semaphore_mem>> -> memref<1x!tpu.dma_semaphore, #tpu.memory_space<semaphore_mem>>
    %dma_start3A_279 = tpu.memref_squeeze %dma_start3A_278 : memref<1x!tpu.dma_semaphore, #tpu.memory_space<semaphore_mem>> -> memref<!tpu.dma_semaphore, #tpu.memory_space<semaphore_mem>>
    tpu.enqueue_indirect_dma source(%dma_start3A_277 : memref<16x128xf32, #tpu.memory_space<hbm>>) target(%dma_start3A_275 : memref<16x128xf32, #tpu.memory_space<vmem>>) offsets(%iota3A : vector<16xi32>) semaphore(%dma_start3A_279 : memref<!tpu.dma_semaphore, #tpu.memory_space<semaphore_mem>>)
    %slice3A_280 = vector.extract_strided_slice %shift_left3A_237 {offsets = [3], sizes = [1], strides = [1]} : vector<16xi32> to vector<1xi32>
    %squeeze3A_281 = vector.extract %slice3A_280[0] : i32 from vector<1xi32>
    %multiple_of3A_282 = tpu.assume_multiple %squeeze3A_281, 128 : i32
    %dma_start3A_283 = arith.constant 1 : i32
    %dma_start3A_284 = arith.constant 3 : i32
    %dma_start3A_285 = arith.constant 1 : i32
    %dma_start3A_286 = arith.constant 0 : i32
    %dma_start3A_287 = arith.constant 0 : i32
    %dma_start3A_288 = tpu.memref_slice %arg6[%dma_start3A_283, %dma_start3A_284, %dma_start3A_286, %dma_start3A_287] : memref<3x16x16x128xf32, #tpu.memory_space<vmem>> -> memref<1x1x16x128xf32, #tpu.memory_space<vmem>>
    %dma_start3A_289 = tpu.memref_squeeze %dma_start3A_288 : memref<1x1x16x128xf32, #tpu.memory_space<vmem>> -> memref<16x128xf32, #tpu.memory_space<vmem>>
    %dma_start3A_290 = arith.constant 0 : i32
    %dma_start3A_291 = tpu.memref_slice %arg2[%dma_start3A_290, %multiple_of3A_282] : memref<16x1000000xf32, #tpu.memory_space<hbm>> -> memref<16x128xf32, #tpu.memory_space<hbm>>
    %dma_start3A_292 = tpu.memref_slice %arg8[%dma_start3A_285] : memref<3x!tpu.dma_semaphore, #tpu.memory_space<semaphore_mem>> -> memref<1x!tpu.dma_semaphore, #tpu.memory_space<semaphore_mem>>
    %dma_start3A_293 = tpu.memref_squeeze %dma_start3A_292 : memref<1x!tpu.dma_semaphore, #tpu.memory_space<semaphore_mem>> -> memref<!tpu.dma_semaphore, #tpu.memory_space<semaphore_mem>>
    tpu.enqueue_indirect_dma source(%dma_start3A_291 : memref<16x128xf32, #tpu.memory_space<hbm>>) target(%dma_start3A_289 : memref<16x128xf32, #tpu.memory_space<vmem>>) offsets(%iota3A : vector<16xi32>) semaphore(%dma_start3A_293 : memref<!tpu.dma_semaphore, #tpu.memory_space<semaphore_mem>>)
    %slice3A_294 = vector.extract_strided_slice %shift_left3A_237 {offsets = [4], sizes = [1], strides = [1]} : vector<16xi32> to vector<1xi32>
    %squeeze3A_295 = vector.extract %slice3A_294[0] : i32 from vector<1xi32>
    %multiple_of3A_296 = tpu.assume_multiple %squeeze3A_295, 128 : i32
    %dma_start3A_297 = arith.constant 1 : i32
    %dma_start3A_298 = arith.constant 4 : i32
    %dma_start3A_299 = arith.constant 1 : i32
    %dma_start3A_300 = arith.constant 0 : i32
    %dma_start3A_301 = arith.constant 0 : i32
    %dma_start3A_302 = tpu.memref_slice %arg6[%dma_start3A_297, %dma_start3A_298, %dma_start3A_300, %dma_start3A_301] : memref<3x16x16x128xf32, #tpu.memory_space<vmem>> -> memref<1x1x16x128xf32, #tpu.memory_space<vmem>>
    %dma_start3A_303 = tpu.memref_squeeze %dma_start3A_302 : memref<1x1x16x128xf32, #tpu.memory_space<vmem>> -> memref<16x128xf32, #tpu.memory_space<vmem>>
    %dma_start3A_304 = arith.constant 0 : i32
    %dma_start3A_305 = tpu.memref_slice %arg2[%dma_start3A_304, %multiple_of3A_296] : memref<16x1000000xf32, #tpu.memory_space<hbm>> -> memref<16x128xf32, #tpu.memory_space<hbm>>
    %dma_start3A_306 = tpu.memref_slice %arg8[%dma_start3A_299] : memref<3x!tpu.dma_semaphore, #tpu.memory_space<semaphore_mem>> -> memref<1x!tpu.dma_semaphore, #tpu.memory_space<semaphore_mem>>
    %dma_start3A_307 = tpu.memref_squeeze %dma_start3A_306 : memref<1x!tpu.dma_semaphore, #tpu.memory_space<semaphore_mem>> -> memref<!tpu.dma_semaphore, #tpu.memory_space<semaphore_mem>>
    tpu.enqueue_indirect_dma source(%dma_start3A_305 : memref<16x128xf32, #tpu.memory_space<hbm>>) target(%dma_start3A_303 : memref<16x128xf32, #tpu.memory_space<vmem>>) offsets(%iota3A : vector<16xi32>) semaphore(%dma_start3A_307 : memref<!tpu.dma_semaphore, #tpu.memory_space<semaphore_mem>>)
    %slice3A_308 = vector.extract_strided_slice %shift_left3A_237 {offsets = [5], sizes = [1], strides = [1]} : vector<16xi32> to vector<1xi32>
    %squeeze3A_309 = vector.extract %slice3A_308[0] : i32 from vector<1xi32>
    %multiple_of3A_310 = tpu.assume_multiple %squeeze3A_309, 128 : i32
    %dma_start3A_311 = arith.constant 1 : i32
    %dma_start3A_312 = arith.constant 5 : i32
    %dma_start3A_313 = arith.constant 1 : i32
    %dma_start3A_314 = arith.constant 0 : i32
    %dma_start3A_315 = arith.constant 0 : i32
    %dma_start3A_316 = tpu.memref_slice %arg6[%dma_start3A_311, %dma_start3A_312, %dma_start3A_314, %dma_start3A_315] : memref<3x16x16x128xf32, #tpu.memory_space<vmem>> -> memref<1x1x16x128xf32, #tpu.memory_space<vmem>>
    %dma_start3A_317 = tpu.memref_squeeze %dma_start3A_316 : memref<1x1x16x128xf32, #tpu.memory_space<vmem>> -> memref<16x128xf32, #tpu.memory_space<vmem>>
    %dma_start3A_318 = arith.constant 0 : i32
    %dma_start3A_319 = tpu.memref_slice %arg2[%dma_start3A_318, %multiple_of3A_310] : memref<16x1000000xf32, #tpu.memory_space<hbm>> -> memref<16x128xf32, #tpu.memory_space<hbm>>
    %dma_start3A_320 = tpu.memref_slice %arg8[%dma_start3A_313] : memref<3x!tpu.dma_semaphore, #tpu.memory_space<semaphore_mem>> -> memref<1x!tpu.dma_semaphore, #tpu.memory_space<semaphore_mem>>
    %dma_start3A_321 = tpu.memref_squeeze %dma_start3A_320 : memref<1x!tpu.dma_semaphore, #tpu.memory_space<semaphore_mem>> -> memref<!tpu.dma_semaphore, #tpu.memory_space<semaphore_mem>>
    tpu.enqueue_indirect_dma source(%dma_start3A_319 : memref<16x128xf32, #tpu.memory_space<hbm>>) target(%dma_start3A_317 : memref<16x128xf32, #tpu.memory_space<vmem>>) offsets(%iota3A : vector<16xi32>) semaphore(%dma_start3A_321 : memref<!tpu.dma_semaphore, #tpu.memory_space<semaphore_mem>>)
    %slice3A_322 = vector.extract_strided_slice %shift_left3A_237 {offsets = [6], sizes = [1], strides = [1]} : vector<16xi32> to vector<1xi32>
    %squeeze3A_323 = vector.extract %slice3A_322[0] : i32 from vector<1xi32>
    %multiple_of3A_324 = tpu.assume_multiple %squeeze3A_323, 128 : i32
    %dma_start3A_325 = arith.constant 1 : i32
    %dma_start3A_326 = arith.constant 6 : i32
    %dma_start3A_327 = arith.constant 1 : i32
    %dma_start3A_328 = arith.constant 0 : i32
    %dma_start3A_329 = arith.constant 0 : i32
    %dma_start3A_330 = tpu.memref_slice %arg6[%dma_start3A_325, %dma_start3A_326, %dma_start3A_328, %dma_start3A_329] : memref<3x16x16x128xf32, #tpu.memory_space<vmem>> -> memref<1x1x16x128xf32, #tpu.memory_space<vmem>>
    %dma_start3A_331 = tpu.memref_squeeze %dma_start3A_330 : memref<1x1x16x128xf32, #tpu.memory_space<vmem>> -> memref<16x128xf32, #tpu.memory_space<vmem>>
    %dma_start3A_332 = arith.constant 0 : i32
    %dma_start3A_333 = tpu.memref_slice %arg2[%dma_start3A_332, %multiple_of3A_324] : memref<16x1000000xf32, #tpu.memory_space<hbm>> -> memref<16x128xf32, #tpu.memory_space<hbm>>
    %dma_start3A_334 = tpu.memref_slice %arg8[%dma_start3A_327] : memref<3x!tpu.dma_semaphore, #tpu.memory_space<semaphore_mem>> -> memref<1x!tpu.dma_semaphore, #tpu.memory_space<semaphore_mem>>
    %dma_start3A_335 = tpu.memref_squeeze %dma_start3A_334 : memref<1x!tpu.dma_semaphore, #tpu.memory_space<semaphore_mem>> -> memref<!tpu.dma_semaphore, #tpu.memory_space<semaphore_mem>>
    tpu.enqueue_indirect_dma source(%dma_start3A_333 : memref<16x128xf32, #tpu.memory_space<hbm>>) target(%dma_start3A_331 : memref<16x128xf32, #tpu.memory_space<vmem>>) offsets(%iota3A : vector<16xi32>) semaphore(%dma_start3A_335 : memref<!tpu.dma_semaphore, #tpu.memory_space<semaphore_mem>>)
    %slice3A_336 = vector.extract_strided_slice %shift_left3A_237 {offsets = [7], sizes = [1], strides = [1]} : vector<16xi32> to vector<1xi32>
    %squeeze3A_337 = vector.extract %slice3A_336[0] : i32 from vector<1xi32>
    %multiple_of3A_338 = tpu.assume_multiple %squeeze3A_337, 128 : i32
    %dma_start3A_339 = arith.constant 1 : i32
    %dma_start3A_340 = arith.constant 7 : i32
    %dma_start3A_341 = arith.constant 1 : i32
    %dma_start3A_342 = arith.constant 0 : i32
    %dma_start3A_343 = arith.constant 0 : i32
    %dma_start3A_344 = tpu.memref_slice %arg6[%dma_start3A_339, %dma_start3A_340, %dma_start3A_342, %dma_start3A_343] : memref<3x16x16x128xf32, #tpu.memory_space<vmem>> -> memref<1x1x16x128xf32, #tpu.memory_space<vmem>>
    %dma_start3A_345 = tpu.memref_squeeze %dma_start3A_344 : memref<1x1x16x128xf32, #tpu.memory_space<vmem>> -> memref<16x128xf32, #tpu.memory_space<vmem>>
    %dma_start3A_346 = arith.constant 0 : i32
    %dma_start3A_347 = tpu.memref_slice %arg2[%dma_start3A_346, %multiple_of3A_338] : memref<16x1000000xf32, #tpu.memory_space<hbm>> -> memref<16x128xf32, #tpu.memory_space<hbm>>
    %dma_start3A_348 = tpu.memref_slice %arg8[%dma_start3A_341] : memref<3x!tpu.dma_semaphore, #tpu.memory_space<semaphore_mem>> -> memref<1x!tpu.dma_semaphore, #tpu.memory_space<semaphore_mem>>
    %dma_start3A_349 = tpu.memref_squeeze %dma_start3A_348 : memref<1x!tpu.dma_semaphore, #tpu.memory_space<semaphore_mem>> -> memref<!tpu.dma_semaphore, #tpu.memory_space<semaphore_mem>>
    tpu.enqueue_indirect_dma source(%dma_start3A_347 : memref<16x128xf32, #tpu.memory_space<hbm>>) target(%dma_start3A_345 : memref<16x128xf32, #tpu.memory_space<vmem>>) offsets(%iota3A : vector<16xi32>) semaphore(%dma_start3A_349 : memref<!tpu.dma_semaphore, #tpu.memory_space<semaphore_mem>>)
    %slice3A_350 = vector.extract_strided_slice %shift_left3A_237 {offsets = [8], sizes = [1], strides = [1]} : vector<16xi32> to vector<1xi32>
    %squeeze3A_351 = vector.extract %slice3A_350[0] : i32 from vector<1xi32>
    %multiple_of3A_352 = tpu.assume_multiple %squeeze3A_351, 128 : i32
    %dma_start3A_353 = arith.constant 1 : i32
    %dma_start3A_354 = arith.constant 8 : i32
    %dma_start3A_355 = arith.constant 1 : i32
    %dma_start3A_356 = arith.constant 0 : i32
    %dma_start3A_357 = arith.constant 0 : i32
    %dma_start3A_358 = tpu.memref_slice %arg6[%dma_start3A_353, %dma_start3A_354, %dma_start3A_356, %dma_start3A_357] : memref<3x16x16x128xf32, #tpu.memory_space<vmem>> -> memref<1x1x16x128xf32, #tpu.memory_space<vmem>>
    %dma_start3A_359 = tpu.memref_squeeze %dma_start3A_358 : memref<1x1x16x128xf32, #tpu.memory_space<vmem>> -> memref<16x128xf32, #tpu.memory_space<vmem>>
    %dma_start3A_360 = arith.constant 0 : i32
    %dma_start3A_361 = tpu.memref_slice %arg2[%dma_start3A_360, %multiple_of3A_352] : memref<16x1000000xf32, #tpu.memory_space<hbm>> -> memref<16x128xf32, #tpu.memory_space<hbm>>
    %dma_start3A_362 = tpu.memref_slice %arg8[%dma_start3A_355] : memref<3x!tpu.dma_semaphore, #tpu.memory_space<semaphore_mem>> -> memref<1x!tpu.dma_semaphore, #tpu.memory_space<semaphore_mem>>
    %dma_start3A_363 = tpu.memref_squeeze %dma_start3A_362 : memref<1x!tpu.dma_semaphore, #tpu.memory_space<semaphore_mem>> -> memref<!tpu.dma_semaphore, #tpu.memory_space<semaphore_mem>>
    tpu.enqueue_indirect_dma source(%dma_start3A_361 : memref<16x128xf32, #tpu.memory_space<hbm>>) target(%dma_start3A_359 : memref<16x128xf32, #tpu.memory_space<vmem>>) offsets(%iota3A : vector<16xi32>) semaphore(%dma_start3A_363 : memref<!tpu.dma_semaphore, #tpu.memory_space<semaphore_mem>>)
    %slice3A_364 = vector.extract_strided_slice %shift_left3A_237 {offsets = [9], sizes = [1], strides = [1]} : vector<16xi32> to vector<1xi32>
    %squeeze3A_365 = vector.extract %slice3A_364[0] : i32 from vector<1xi32>
    %multiple_of3A_366 = tpu.assume_multiple %squeeze3A_365, 128 : i32
    %dma_start3A_367 = arith.constant 1 : i32
    %dma_start3A_368 = arith.constant 9 : i32
    %dma_start3A_369 = arith.constant 1 : i32
    %dma_start3A_370 = arith.constant 0 : i32
    %dma_start3A_371 = arith.constant 0 : i32
    %dma_start3A_372 = tpu.memref_slice %arg6[%dma_start3A_367, %dma_start3A_368, %dma_start3A_370, %dma_start3A_371] : memref<3x16x16x128xf32, #tpu.memory_space<vmem>> -> memref<1x1x16x128xf32, #tpu.memory_space<vmem>>
    %dma_start3A_373 = tpu.memref_squeeze %dma_start3A_372 : memref<1x1x16x128xf32, #tpu.memory_space<vmem>> -> memref<16x128xf32, #tpu.memory_space<vmem>>
    %dma_start3A_374 = arith.constant 0 : i32
    %dma_start3A_375 = tpu.memref_slice %arg2[%dma_start3A_374, %multiple_of3A_366] : memref<16x1000000xf32, #tpu.memory_space<hbm>> -> memref<16x128xf32, #tpu.memory_space<hbm>>
    %dma_start3A_376 = tpu.memref_slice %arg8[%dma_start3A_369] : memref<3x!tpu.dma_semaphore, #tpu.memory_space<semaphore_mem>> -> memref<1x!tpu.dma_semaphore, #tpu.memory_space<semaphore_mem>>
    %dma_start3A_377 = tpu.memref_squeeze %dma_start3A_376 : memref<1x!tpu.dma_semaphore, #tpu.memory_space<semaphore_mem>> -> memref<!tpu.dma_semaphore, #tpu.memory_space<semaphore_mem>>
    tpu.enqueue_indirect_dma source(%dma_start3A_375 : memref<16x128xf32, #tpu.memory_space<hbm>>) target(%dma_start3A_373 : memref<16x128xf32, #tpu.memory_space<vmem>>) offsets(%iota3A : vector<16xi32>) semaphore(%dma_start3A_377 : memref<!tpu.dma_semaphore, #tpu.memory_space<semaphore_mem>>)
    %slice3A_378 = vector.extract_strided_slice %shift_left3A_237 {offsets = [10], sizes = [1], strides = [1]} : vector<16xi32> to vector<1xi32>
    %squeeze3A_379 = vector.extract %slice3A_378[0] : i32 from vector<1xi32>
    %multiple_of3A_380 = tpu.assume_multiple %squeeze3A_379, 128 : i32
    %dma_start3A_381 = arith.constant 1 : i32
    %dma_start3A_382 = arith.constant 10 : i32
    %dma_start3A_383 = arith.constant 1 : i32
    %dma_start3A_384 = arith.constant 0 : i32
    %dma_start3A_385 = arith.constant 0 : i32
    %dma_start3A_386 = tpu.memref_slice %arg6[%dma_start3A_381, %dma_start3A_382, %dma_start3A_384, %dma_start3A_385] : memref<3x16x16x128xf32, #tpu.memory_space<vmem>> -> memref<1x1x16x128xf32, #tpu.memory_space<vmem>>
    %dma_start3A_387 = tpu.memref_squeeze %dma_start3A_386 : memref<1x1x16x128xf32, #tpu.memory_space<vmem>> -> memref<16x128xf32, #tpu.memory_space<vmem>>
    %dma_start3A_388 = arith.constant 0 : i32
    %dma_start3A_389 = tpu.memref_slice %arg2[%dma_start3A_388, %multiple_of3A_380] : memref<16x1000000xf32, #tpu.memory_space<hbm>> -> memref<16x128xf32, #tpu.memory_space<hbm>>
    %dma_start3A_390 = tpu.memref_slice %arg8[%dma_start3A_383] : memref<3x!tpu.dma_semaphore, #tpu.memory_space<semaphore_mem>> -> memref<1x!tpu.dma_semaphore, #tpu.memory_space<semaphore_mem>>
    %dma_start3A_391 = tpu.memref_squeeze %dma_start3A_390 : memref<1x!tpu.dma_semaphore, #tpu.memory_space<semaphore_mem>> -> memref<!tpu.dma_semaphore, #tpu.memory_space<semaphore_mem>>
    tpu.enqueue_indirect_dma source(%dma_start3A_389 : memref<16x128xf32, #tpu.memory_space<hbm>>) target(%dma_start3A_387 : memref<16x128xf32, #tpu.memory_space<vmem>>) offsets(%iota3A : vector<16xi32>) semaphore(%dma_start3A_391 : memref<!tpu.dma_semaphore, #tpu.memory_space<semaphore_mem>>)
    %slice3A_392 = vector.extract_strided_slice %shift_left3A_237 {offsets = [11], sizes = [1], strides = [1]} : vector<16xi32> to vector<1xi32>
    %squeeze3A_393 = vector.extract %slice3A_392[0] : i32 from vector<1xi32>
    %multiple_of3A_394 = tpu.assume_multiple %squeeze3A_393, 128 : i32
    %dma_start3A_395 = arith.constant 1 : i32
    %dma_start3A_396 = arith.constant 11 : i32
    %dma_start3A_397 = arith.constant 1 : i32
    %dma_start3A_398 = arith.constant 0 : i32
    %dma_start3A_399 = arith.constant 0 : i32
    %dma_start3A_400 = tpu.memref_slice %arg6[%dma_start3A_395, %dma_start3A_396, %dma_start3A_398, %dma_start3A_399] : memref<3x16x16x128xf32, #tpu.memory_space<vmem>> -> memref<1x1x16x128xf32, #tpu.memory_space<vmem>>
    %dma_start3A_401 = tpu.memref_squeeze %dma_start3A_400 : memref<1x1x16x128xf32, #tpu.memory_space<vmem>> -> memref<16x128xf32, #tpu.memory_space<vmem>>
    %dma_start3A_402 = arith.constant 0 : i32
    %dma_start3A_403 = tpu.memref_slice %arg2[%dma_start3A_402, %multiple_of3A_394] : memref<16x1000000xf32, #tpu.memory_space<hbm>> -> memref<16x128xf32, #tpu.memory_space<hbm>>
    %dma_start3A_404 = tpu.memref_slice %arg8[%dma_start3A_397] : memref<3x!tpu.dma_semaphore, #tpu.memory_space<semaphore_mem>> -> memref<1x!tpu.dma_semaphore, #tpu.memory_space<semaphore_mem>>
    %dma_start3A_405 = tpu.memref_squeeze %dma_start3A_404 : memref<1x!tpu.dma_semaphore, #tpu.memory_space<semaphore_mem>> -> memref<!tpu.dma_semaphore, #tpu.memory_space<semaphore_mem>>
    tpu.enqueue_indirect_dma source(%dma_start3A_403 : memref<16x128xf32, #tpu.memory_space<hbm>>) target(%dma_start3A_401 : memref<16x128xf32, #tpu.memory_space<vmem>>) offsets(%iota3A : vector<16xi32>) semaphore(%dma_start3A_405 : memref<!tpu.dma_semaphore, #tpu.memory_space<semaphore_mem>>)
    %slice3A_406 = vector.extract_strided_slice %shift_left3A_237 {offsets = [12], sizes = [1], strides = [1]} : vector<16xi32> to vector<1xi32>
    %squeeze3A_407 = vector.extract %slice3A_406[0] : i32 from vector<1xi32>
    %multiple_of3A_408 = tpu.assume_multiple %squeeze3A_407, 128 : i32
    %dma_start3A_409 = arith.constant 1 : i32
    %dma_start3A_410 = arith.constant 12 : i32
    %dma_start3A_411 = arith.constant 1 : i32
    %dma_start3A_412 = arith.constant 0 : i32
    %dma_start3A_413 = arith.constant 0 : i32
    %dma_start3A_414 = tpu.memref_slice %arg6[%dma_start3A_409, %dma_start3A_410, %dma_start3A_412, %dma_start3A_413] : memref<3x16x16x128xf32, #tpu.memory_space<vmem>> -> memref<1x1x16x128xf32, #tpu.memory_space<vmem>>
    %dma_start3A_415 = tpu.memref_squeeze %dma_start3A_414 : memref<1x1x16x128xf32, #tpu.memory_space<vmem>> -> memref<16x128xf32, #tpu.memory_space<vmem>>
    %dma_start3A_416 = arith.constant 0 : i32
    %dma_start3A_417 = tpu.memref_slice %arg2[%dma_start3A_416, %multiple_of3A_408] : memref<16x1000000xf32, #tpu.memory_space<hbm>> -> memref<16x128xf32, #tpu.memory_space<hbm>>
    %dma_start3A_418 = tpu.memref_slice %arg8[%dma_start3A_411] : memref<3x!tpu.dma_semaphore, #tpu.memory_space<semaphore_mem>> -> memref<1x!tpu.dma_semaphore, #tpu.memory_space<semaphore_mem>>
    %dma_start3A_419 = tpu.memref_squeeze %dma_start3A_418 : memref<1x!tpu.dma_semaphore, #tpu.memory_space<semaphore_mem>> -> memref<!tpu.dma_semaphore, #tpu.memory_space<semaphore_mem>>
    tpu.enqueue_indirect_dma source(%dma_start3A_417 : memref<16x128xf32, #tpu.memory_space<hbm>>) target(%dma_start3A_415 : memref<16x128xf32, #tpu.memory_space<vmem>>) offsets(%iota3A : vector<16xi32>) semaphore(%dma_start3A_419 : memref<!tpu.dma_semaphore, #tpu.memory_space<semaphore_mem>>)
    %slice3A_420 = vector.extract_strided_slice %shift_left3A_237 {offsets = [13], sizes = [1], strides = [1]} : vector<16xi32> to vector<1xi32>
    %squeeze3A_421 = vector.extract %slice3A_420[0] : i32 from vector<1xi32>
    %multiple_of3A_422 = tpu.assume_multiple %squeeze3A_421, 128 : i32
    %dma_start3A_423 = arith.constant 1 : i32
    %dma_start3A_424 = arith.constant 13 : i32
    %dma_start3A_425 = arith.constant 1 : i32
    %dma_start3A_426 = arith.constant 0 : i32
    %dma_start3A_427 = arith.constant 0 : i32
    %dma_start3A_428 = tpu.memref_slice %arg6[%dma_start3A_423, %dma_start3A_424, %dma_start3A_426, %dma_start3A_427] : memref<3x16x16x128xf32, #tpu.memory_space<vmem>> -> memref<1x1x16x128xf32, #tpu.memory_space<vmem>>
    %dma_start3A_429 = tpu.memref_squeeze %dma_start3A_428 : memref<1x1x16x128xf32, #tpu.memory_space<vmem>> -> memref<16x128xf32, #tpu.memory_space<vmem>>
    %dma_start3A_430 = arith.constant 0 : i32
    %dma_start3A_431 = tpu.memref_slice %arg2[%dma_start3A_430, %multiple_of3A_422] : memref<16x1000000xf32, #tpu.memory_space<hbm>> -> memref<16x128xf32, #tpu.memory_space<hbm>>
    %dma_start3A_432 = tpu.memref_slice %arg8[%dma_start3A_425] : memref<3x!tpu.dma_semaphore, #tpu.memory_space<semaphore_mem>> -> memref<1x!tpu.dma_semaphore, #tpu.memory_space<semaphore_mem>>
    %dma_start3A_433 = tpu.memref_squeeze %dma_start3A_432 : memref<1x!tpu.dma_semaphore, #tpu.memory_space<semaphore_mem>> -> memref<!tpu.dma_semaphore, #tpu.memory_space<semaphore_mem>>
    tpu.enqueue_indirect_dma source(%dma_start3A_431 : memref<16x128xf32, #tpu.memory_space<hbm>>) target(%dma_start3A_429 : memref<16x128xf32, #tpu.memory_space<vmem>>) offsets(%iota3A : vector<16xi32>) semaphore(%dma_start3A_433 : memref<!tpu.dma_semaphore, #tpu.memory_space<semaphore_mem>>)
    %slice3A_434 = vector.extract_strided_slice %shift_left3A_237 {offsets = [14], sizes = [1], strides = [1]} : vector<16xi32> to vector<1xi32>
    %squeeze3A_435 = vector.extract %slice3A_434[0] : i32 from vector<1xi32>
    %multiple_of3A_436 = tpu.assume_multiple %squeeze3A_435, 128 : i32
    %dma_start3A_437 = arith.constant 1 : i32
    %dma_start3A_438 = arith.constant 14 : i32
    %dma_start3A_439 = arith.constant 1 : i32
    %dma_start3A_440 = arith.constant 0 : i32
    %dma_start3A_441 = arith.constant 0 : i32
    %dma_start3A_442 = tpu.memref_slice %arg6[%dma_start3A_437, %dma_start3A_438, %dma_start3A_440, %dma_start3A_441] : memref<3x16x16x128xf32, #tpu.memory_space<vmem>> -> memref<1x1x16x128xf32, #tpu.memory_space<vmem>>
    %dma_start3A_443 = tpu.memref_squeeze %dma_start3A_442 : memref<1x1x16x128xf32, #tpu.memory_space<vmem>> -> memref<16x128xf32, #tpu.memory_space<vmem>>
    %dma_start3A_444 = arith.constant 0 : i32
    %dma_start3A_445 = tpu.memref_slice %arg2[%dma_start3A_444, %multiple_of3A_436] : memref<16x1000000xf32, #tpu.memory_space<hbm>> -> memref<16x128xf32, #tpu.memory_space<hbm>>
    %dma_start3A_446 = tpu.memref_slice %arg8[%dma_start3A_439] : memref<3x!tpu.dma_semaphore, #tpu.memory_space<semaphore_mem>> -> memref<1x!tpu.dma_semaphore, #tpu.memory_space<semaphore_mem>>
    %dma_start3A_447 = tpu.memref_squeeze %dma_start3A_446 : memref<1x!tpu.dma_semaphore, #tpu.memory_space<semaphore_mem>> -> memref<!tpu.dma_semaphore, #tpu.memory_space<semaphore_mem>>
    tpu.enqueue_indirect_dma source(%dma_start3A_445 : memref<16x128xf32, #tpu.memory_space<hbm>>) target(%dma_start3A_443 : memref<16x128xf32, #tpu.memory_space<vmem>>) offsets(%iota3A : vector<16xi32>) semaphore(%dma_start3A_447 : memref<!tpu.dma_semaphore, #tpu.memory_space<semaphore_mem>>)
    %slice3A_448 = vector.extract_strided_slice %shift_left3A_237 {offsets = [15], sizes = [1], strides = [1]} : vector<16xi32> to vector<1xi32>
    %squeeze3A_449 = vector.extract %slice3A_448[0] : i32 from vector<1xi32>
    %multiple_of3A_450 = tpu.assume_multiple %squeeze3A_449, 128 : i32
    %dma_start3A_451 = arith.constant 1 : i32
    %dma_start3A_452 = arith.constant 15 : i32
    %dma_start3A_453 = arith.constant 1 : i32
    %dma_start3A_454 = arith.constant 0 : i32
    %dma_start3A_455 = arith.constant 0 : i32
    %dma_start3A_456 = tpu.memref_slice %arg6[%dma_start3A_451, %dma_start3A_452, %dma_start3A_454, %dma_start3A_455] : memref<3x16x16x128xf32, #tpu.memory_space<vmem>> -> memref<1x1x16x128xf32, #tpu.memory_space<vmem>>
    %dma_start3A_457 = tpu.memref_squeeze %dma_start3A_456 : memref<1x1x16x128xf32, #tpu.memory_space<vmem>> -> memref<16x128xf32, #tpu.memory_space<vmem>>
    %dma_start3A_458 = arith.constant 0 : i32
    %dma_start3A_459 = tpu.memref_slice %arg2[%dma_start3A_458, %multiple_of3A_450] : memref<16x1000000xf32, #tpu.memory_space<hbm>> -> memref<16x128xf32, #tpu.memory_space<hbm>>
    %dma_start3A_460 = tpu.memref_slice %arg8[%dma_start3A_453] : memref<3x!tpu.dma_semaphore, #tpu.memory_space<semaphore_mem>> -> memref<1x!tpu.dma_semaphore, #tpu.memory_space<semaphore_mem>>
    %dma_start3A_461 = tpu.memref_squeeze %dma_start3A_460 : memref<1x!tpu.dma_semaphore, #tpu.memory_space<semaphore_mem>> -> memref<!tpu.dma_semaphore, #tpu.memory_space<semaphore_mem>>
    tpu.enqueue_indirect_dma source(%dma_start3A_459 : memref<16x128xf32, #tpu.memory_space<hbm>>) target(%dma_start3A_457 : memref<16x128xf32, #tpu.memory_space<vmem>>) offsets(%iota3A : vector<16xi32>) semaphore(%dma_start3A_461 : memref<!tpu.dma_semaphore, #tpu.memory_space<semaphore_mem>>)
    %scan3A = arith.constant 0 : i32
    %scan3A_462 = arith.constant 0 : i32
    %scan3A_463 = arith.constant 32 : i32
    %scan3A_464 = arith.addi %scan3A_462, %scan3A_463 : i32
    %scan3A_465 = arith.constant 1 : i32
    scf.for %scan3A_467 = %scan3A_462 to %scan3A_464 step %scan3A_465  : i32 {
      %rem3A = arith.constant 3 : i32
      %rem3A_468 = arith.remsi %scan3A_467, %rem3A : i32
      %add3A_469 = arith.constant 3 : i32
      %add3A_470 = arith.addi %scan3A_467, %add3A_469 : i32
      %sub3A = arith.constant 1 : i32
      %sub3A_471 = arith.subi %add3A_470, %sub3A : i32
      %rem3A_472 = arith.constant 3 : i32
      %rem3A_473 = arith.remsi %sub3A_471, %rem3A_472 : i32
      %add3A_474 = arith.constant 3 : i32
      %add3A_475 = arith.addi %scan3A_467, %add3A_474 : i32
      %sub3A_476 = arith.constant 1 : i32
      %sub3A_477 = arith.subi %add3A_475, %sub3A_476 : i32
      %lt3A = arith.constant 32 : i32
      %lt3A_478 = arith.cmpi slt, %sub3A_477, %lt3A : i32
      %convert_element_type3A = arith.extui %lt3A_478 : i1 to i32
      %cond3A = arith.constant 0 : i32
      %cond3A_479 = arith.cmpi ne, %convert_element_type3A, %cond3A : i32
      scf.if %cond3A_479 {
        %add3A_804 = arith.constant 3 : i32
        %add3A_805 = arith.addi %scan3A_467, %add3A_804 : i32
        %sub3A_806 = arith.constant 1 : i32
        %sub3A_807 = arith.subi %add3A_805, %sub3A_806 : i32
        %mul3A_808 = arith.constant 16 : i32
        %mul3A_809 = arith.muli %sub3A_807, %mul3A_808 : i32
        %get3A_810 = arith.index_cast %mul3A_809 : i32 to index
        %get3A_811 = tpu.vector_load %arg5[%get3A_810] {strides = array<i32>} : memref<512xi32, #tpu.memory_space<vmem>>, vector<16xi32>,
        %shift_right_arithmetic3A_812 = arith.constant 7 : i32
        %shift_right_arithmetic3A_813 = vector.broadcast %shift_right_arithmetic3A_812 : i32 to vector<16xi32>
        %shift_right_arithmetic3A_814 = arith.shrsi %get3A_811, %shift_right_arithmetic3A_813 : vector<16xi32>
        %shift_left3A_815 = arith.constant 7 : i32
        %shift_left3A_816 = vector.broadcast %shift_left3A_815 : i32 to vector<16xi32>
        %shift_left3A_817 = arith.shli %shift_right_arithmetic3A_814, %shift_left3A_816 : vector<16xi32>
        %slice3A_818 = vector.extract_strided_slice %shift_left3A_817 {offsets = [0], sizes = [1], strides = [1]} : vector<16xi32> to vector<1xi32>
        %squeeze3A_819 = vector.extract %slice3A_818[0] : i32 from vector<1xi32>
        %multiple_of3A_820 = tpu.assume_multiple %squeeze3A_819, 128 : i32
        %dma_start3A_821 = arith.constant 0 : i32
        %dma_start3A_822 = arith.constant 0 : i32
        %dma_start3A_823 = arith.constant 0 : i32
        %dma_start3A_824 = tpu.memref_slice %arg6[%rem3A_473, %dma_start3A_821, %dma_start3A_822, %dma_start3A_823] : memref<3x16x16x128xf32, #tpu.memory_space<vmem>> -> memref<1x1x16x128xf32, #tpu.memory_space<vmem>>
        %dma_start3A_825 = tpu.memref_squeeze %dma_start3A_824 : memref<1x1x16x128xf32, #tpu.memory_space<vmem>> -> memref<16x128xf32, #tpu.memory_space<vmem>>
        %dma_start3A_826 = arith.constant 0 : i32
        %dma_start3A_827 = tpu.memref_slice %arg2[%dma_start3A_826, %multiple_of3A_820] : memref<16x1000000xf32, #tpu.memory_space<hbm>> -> memref<16x128xf32, #tpu.memory_space<hbm>>
        %dma_start3A_828 = tpu.memref_slice %arg8[%rem3A_473] : memref<3x!tpu.dma_semaphore, #tpu.memory_space<semaphore_mem>> -> memref<1x!tpu.dma_semaphore, #tpu.memory_space<semaphore_mem>>
        %dma_start3A_829 = tpu.memref_squeeze %dma_start3A_828 : memref<1x!tpu.dma_semaphore, #tpu.memory_space<semaphore_mem>> -> memref<!tpu.dma_semaphore, #tpu.memory_space<semaphore_mem>>
        tpu.enqueue_indirect_dma source(%dma_start3A_827 : memref<16x128xf32, #tpu.memory_space<hbm>>) target(%dma_start3A_825 : memref<16x128xf32, #tpu.memory_space<vmem>>) offsets(%iota3A : vector<16xi32>) semaphore(%dma_start3A_829 : memref<!tpu.dma_semaphore, #tpu.memory_space<semaphore_mem>>)
        %slice3A_830 = vector.extract_strided_slice %shift_left3A_817 {offsets = [1], sizes = [1], strides = [1]} : vector<16xi32> to vector<1xi32>
        %squeeze3A_831 = vector.extract %slice3A_830[0] : i32 from vector<1xi32>
        %multiple_of3A_832 = tpu.assume_multiple %squeeze3A_831, 128 : i32
        %dma_start3A_833 = arith.constant 1 : i32
        %dma_start3A_834 = arith.constant 0 : i32
        %dma_start3A_835 = arith.constant 0 : i32
        %dma_start3A_836 = tpu.memref_slice %arg6[%rem3A_473, %dma_start3A_833, %dma_start3A_834, %dma_start3A_835] : memref<3x16x16x128xf32, #tpu.memory_space<vmem>> -> memref<1x1x16x128xf32, #tpu.memory_space<vmem>>
        %dma_start3A_837 = tpu.memref_squeeze %dma_start3A_836 : memref<1x1x16x128xf32, #tpu.memory_space<vmem>> -> memref<16x128xf32, #tpu.memory_space<vmem>>
        %dma_start3A_838 = arith.constant 0 : i32
        %dma_start3A_839 = tpu.memref_slice %arg2[%dma_start3A_838, %multiple_of3A_832] : memref<16x1000000xf32, #tpu.memory_space<hbm>> -> memref<16x128xf32, #tpu.memory_space<hbm>>
        %dma_start3A_840 = tpu.memref_slice %arg8[%rem3A_473] : memref<3x!tpu.dma_semaphore, #tpu.memory_space<semaphore_mem>> -> memref<1x!tpu.dma_semaphore, #tpu.memory_space<semaphore_mem>>
        %dma_start3A_841 = tpu.memref_squeeze %dma_start3A_840 : memref<1x!tpu.dma_semaphore, #tpu.memory_space<semaphore_mem>> -> memref<!tpu.dma_semaphore, #tpu.memory_space<semaphore_mem>>
        tpu.enqueue_indirect_dma source(%dma_start3A_839 : memref<16x128xf32, #tpu.memory_space<hbm>>) target(%dma_start3A_837 : memref<16x128xf32, #tpu.memory_space<vmem>>) offsets(%iota3A : vector<16xi32>) semaphore(%dma_start3A_841 : memref<!tpu.dma_semaphore, #tpu.memory_space<semaphore_mem>>)
        %slice3A_842 = vector.extract_strided_slice %shift_left3A_817 {offsets = [2], sizes = [1], strides = [1]} : vector<16xi32> to vector<1xi32>
        %squeeze3A_843 = vector.extract %slice3A_842[0] : i32 from vector<1xi32>
        %multiple_of3A_844 = tpu.assume_multiple %squeeze3A_843, 128 : i32
        %dma_start3A_845 = arith.constant 2 : i32
        %dma_start3A_846 = arith.constant 0 : i32
        %dma_start3A_847 = arith.constant 0 : i32
        %dma_start3A_848 = tpu.memref_slice %arg6[%rem3A_473, %dma_start3A_845, %dma_start3A_846, %dma_start3A_847] : memref<3x16x16x128xf32, #tpu.memory_space<vmem>> -> memref<1x1x16x128xf32, #tpu.memory_space<vmem>>
        %dma_start3A_849 = tpu.memref_squeeze %dma_start3A_848 : memref<1x1x16x128xf32, #tpu.memory_space<vmem>> -> memref<16x128xf32, #tpu.memory_space<vmem>>
        %dma_start3A_850 = arith.constant 0 : i32
        %dma_start3A_851 = tpu.memref_slice %arg2[%dma_start3A_850, %multiple_of3A_844] : memref<16x1000000xf32, #tpu.memory_space<hbm>> -> memref<16x128xf32, #tpu.memory_space<hbm>>
        %dma_start3A_852 = tpu.memref_slice %arg8[%rem3A_473] : memref<3x!tpu.dma_semaphore, #tpu.memory_space<semaphore_mem>> -> memref<1x!tpu.dma_semaphore, #tpu.memory_space<semaphore_mem>>
        %dma_start3A_853 = tpu.memref_squeeze %dma_start3A_852 : memref<1x!tpu.dma_semaphore, #tpu.memory_space<semaphore_mem>> -> memref<!tpu.dma_semaphore, #tpu.memory_space<semaphore_mem>>
        tpu.enqueue_indirect_dma source(%dma_start3A_851 : memref<16x128xf32, #tpu.memory_space<hbm>>) target(%dma_start3A_849 : memref<16x128xf32, #tpu.memory_space<vmem>>) offsets(%iota3A : vector<16xi32>) semaphore(%dma_start3A_853 : memref<!tpu.dma_semaphore, #tpu.memory_space<semaphore_mem>>)
        %slice3A_854 = vector.extract_strided_slice %shift_left3A_817 {offsets = [3], sizes = [1], strides = [1]} : vector<16xi32> to vector<1xi32>
        %squeeze3A_855 = vector.extract %slice3A_854[0] : i32 from vector<1xi32>
        %multiple_of3A_856 = tpu.assume_multiple %squeeze3A_855, 128 : i32
        %dma_start3A_857 = arith.constant 3 : i32
        %dma_start3A_858 = arith.constant 0 : i32
        %dma_start3A_859 = arith.constant 0 : i32
        %dma_start3A_860 = tpu.memref_slice %arg6[%rem3A_473, %dma_start3A_857, %dma_start3A_858, %dma_start3A_859] : memref<3x16x16x128xf32, #tpu.memory_space<vmem>> -> memref<1x1x16x128xf32, #tpu.memory_space<vmem>>
        %dma_start3A_861 = tpu.memref_squeeze %dma_start3A_860 : memref<1x1x16x128xf32, #tpu.memory_space<vmem>> -> memref<16x128xf32, #tpu.memory_space<vmem>>
        %dma_start3A_862 = arith.constant 0 : i32
        %dma_start3A_863 = tpu.memref_slice %arg2[%dma_start3A_862, %multiple_of3A_856] : memref<16x1000000xf32, #tpu.memory_space<hbm>> -> memref<16x128xf32, #tpu.memory_space<hbm>>
        %dma_start3A_864 = tpu.memref_slice %arg8[%rem3A_473] : memref<3x!tpu.dma_semaphore, #tpu.memory_space<semaphore_mem>> -> memref<1x!tpu.dma_semaphore, #tpu.memory_space<semaphore_mem>>
        %dma_start3A_865 = tpu.memref_squeeze %dma_start3A_864 : memref<1x!tpu.dma_semaphore, #tpu.memory_space<semaphore_mem>> -> memref<!tpu.dma_semaphore, #tpu.memory_space<semaphore_mem>>
        tpu.enqueue_indirect_dma source(%dma_start3A_863 : memref<16x128xf32, #tpu.memory_space<hbm>>) target(%dma_start3A_861 : memref<16x128xf32, #tpu.memory_space<vmem>>) offsets(%iota3A : vector<16xi32>) semaphore(%dma_start3A_865 : memref<!tpu.dma_semaphore, #tpu.memory_space<semaphore_mem>>)
        %slice3A_866 = vector.extract_strided_slice %shift_left3A_817 {offsets = [4], sizes = [1], strides = [1]} : vector<16xi32> to vector<1xi32>
        %squeeze3A_867 = vector.extract %slice3A_866[0] : i32 from vector<1xi32>
        %multiple_of3A_868 = tpu.assume_multiple %squeeze3A_867, 128 : i32
        %dma_start3A_869 = arith.constant 4 : i32
        %dma_start3A_870 = arith.constant 0 : i32
        %dma_start3A_871 = arith.constant 0 : i32
        %dma_start3A_872 = tpu.memref_slice %arg6[%rem3A_473, %dma_start3A_869, %dma_start3A_870, %dma_start3A_871] : memref<3x16x16x128xf32, #tpu.memory_space<vmem>> -> memref<1x1x16x128xf32, #tpu.memory_space<vmem>>
        %dma_start3A_873 = tpu.memref_squeeze %dma_start3A_872 : memref<1x1x16x128xf32, #tpu.memory_space<vmem>> -> memref<16x128xf32, #tpu.memory_space<vmem>>
        %dma_start3A_874 = arith.constant 0 : i32
        %dma_start3A_875 = tpu.memref_slice %arg2[%dma_start3A_874, %multiple_of3A_868] : memref<16x1000000xf32, #tpu.memory_space<hbm>> -> memref<16x128xf32, #tpu.memory_space<hbm>>
        %dma_start3A_876 = tpu.memref_slice %arg8[%rem3A_473] : memref<3x!tpu.dma_semaphore, #tpu.memory_space<semaphore_mem>> -> memref<1x!tpu.dma_semaphore, #tpu.memory_space<semaphore_mem>>
        %dma_start3A_877 = tpu.memref_squeeze %dma_start3A_876 : memref<1x!tpu.dma_semaphore, #tpu.memory_space<semaphore_mem>> -> memref<!tpu.dma_semaphore, #tpu.memory_space<semaphore_mem>>
        tpu.enqueue_indirect_dma source(%dma_start3A_875 : memref<16x128xf32, #tpu.memory_space<hbm>>) target(%dma_start3A_873 : memref<16x128xf32, #tpu.memory_space<vmem>>) offsets(%iota3A : vector<16xi32>) semaphore(%dma_start3A_877 : memref<!tpu.dma_semaphore, #tpu.memory_space<semaphore_mem>>)
        %slice3A_878 = vector.extract_strided_slice %shift_left3A_817 {offsets = [5], sizes = [1], strides = [1]} : vector<16xi32> to vector<1xi32>
        %squeeze3A_879 = vector.extract %slice3A_878[0] : i32 from vector<1xi32>
        %multiple_of3A_880 = tpu.assume_multiple %squeeze3A_879, 128 : i32
        %dma_start3A_881 = arith.constant 5 : i32
        %dma_start3A_882 = arith.constant 0 : i32
        %dma_start3A_883 = arith.constant 0 : i32
        %dma_start3A_884 = tpu.memref_slice %arg6[%rem3A_473, %dma_start3A_881, %dma_start3A_882, %dma_start3A_883] : memref<3x16x16x128xf32, #tpu.memory_space<vmem>> -> memref<1x1x16x128xf32, #tpu.memory_space<vmem>>
        %dma_start3A_885 = tpu.memref_squeeze %dma_start3A_884 : memref<1x1x16x128xf32, #tpu.memory_space<vmem>> -> memref<16x128xf32, #tpu.memory_space<vmem>>
        %dma_start3A_886 = arith.constant 0 : i32
        %dma_start3A_887 = tpu.memref_slice %arg2[%dma_start3A_886, %multiple_of3A_880] : memref<16x1000000xf32, #tpu.memory_space<hbm>> -> memref<16x128xf32, #tpu.memory_space<hbm>>
        %dma_start3A_888 = tpu.memref_slice %arg8[%rem3A_473] : memref<3x!tpu.dma_semaphore, #tpu.memory_space<semaphore_mem>> -> memref<1x!tpu.dma_semaphore, #tpu.memory_space<semaphore_mem>>
        %dma_start3A_889 = tpu.memref_squeeze %dma_start3A_888 : memref<1x!tpu.dma_semaphore, #tpu.memory_space<semaphore_mem>> -> memref<!tpu.dma_semaphore, #tpu.memory_space<semaphore_mem>>
        tpu.enqueue_indirect_dma source(%dma_start3A_887 : memref<16x128xf32, #tpu.memory_space<hbm>>) target(%dma_start3A_885 : memref<16x128xf32, #tpu.memory_space<vmem>>) offsets(%iota3A : vector<16xi32>) semaphore(%dma_start3A_889 : memref<!tpu.dma_semaphore, #tpu.memory_space<semaphore_mem>>)
        %slice3A_890 = vector.extract_strided_slice %shift_left3A_817 {offsets = [6], sizes = [1], strides = [1]} : vector<16xi32> to vector<1xi32>
        %squeeze3A_891 = vector.extract %slice3A_890[0] : i32 from vector<1xi32>
        %multiple_of3A_892 = tpu.assume_multiple %squeeze3A_891, 128 : i32
        %dma_start3A_893 = arith.constant 6 : i32
        %dma_start3A_894 = arith.constant 0 : i32
        %dma_start3A_895 = arith.constant 0 : i32
        %dma_start3A_896 = tpu.memref_slice %arg6[%rem3A_473, %dma_start3A_893, %dma_start3A_894, %dma_start3A_895] : memref<3x16x16x128xf32, #tpu.memory_space<vmem>> -> memref<1x1x16x128xf32, #tpu.memory_space<vmem>>
        %dma_start3A_897 = tpu.memref_squeeze %dma_start3A_896 : memref<1x1x16x128xf32, #tpu.memory_space<vmem>> -> memref<16x128xf32, #tpu.memory_space<vmem>>
        %dma_start3A_898 = arith.constant 0 : i32
        %dma_start3A_899 = tpu.memref_slice %arg2[%dma_start3A_898, %multiple_of3A_892] : memref<16x1000000xf32, #tpu.memory_space<hbm>> -> memref<16x128xf32, #tpu.memory_space<hbm>>
        %dma_start3A_900 = tpu.memref_slice %arg8[%rem3A_473] : memref<3x!tpu.dma_semaphore, #tpu.memory_space<semaphore_mem>> -> memref<1x!tpu.dma_semaphore, #tpu.memory_space<semaphore_mem>>
        %dma_start3A_901 = tpu.memref_squeeze %dma_start3A_900 : memref<1x!tpu.dma_semaphore, #tpu.memory_space<semaphore_mem>> -> memref<!tpu.dma_semaphore, #tpu.memory_space<semaphore_mem>>
        tpu.enqueue_indirect_dma source(%dma_start3A_899 : memref<16x128xf32, #tpu.memory_space<hbm>>) target(%dma_start3A_897 : memref<16x128xf32, #tpu.memory_space<vmem>>) offsets(%iota3A : vector<16xi32>) semaphore(%dma_start3A_901 : memref<!tpu.dma_semaphore, #tpu.memory_space<semaphore_mem>>)
        %slice3A_902 = vector.extract_strided_slice %shift_left3A_817 {offsets = [7], sizes = [1], strides = [1]} : vector<16xi32> to vector<1xi32>
        %squeeze3A_903 = vector.extract %slice3A_902[0] : i32 from vector<1xi32>
        %multiple_of3A_904 = tpu.assume_multiple %squeeze3A_903, 128 : i32
        %dma_start3A_905 = arith.constant 7 : i32
        %dma_start3A_906 = arith.constant 0 : i32
        %dma_start3A_907 = arith.constant 0 : i32
        %dma_start3A_908 = tpu.memref_slice %arg6[%rem3A_473, %dma_start3A_905, %dma_start3A_906, %dma_start3A_907] : memref<3x16x16x128xf32, #tpu.memory_space<vmem>> -> memref<1x1x16x128xf32, #tpu.memory_space<vmem>>
        %dma_start3A_909 = tpu.memref_squeeze %dma_start3A_908 : memref<1x1x16x128xf32, #tpu.memory_space<vmem>> -> memref<16x128xf32, #tpu.memory_space<vmem>>
        %dma_start3A_910 = arith.constant 0 : i32
        %dma_start3A_911 = tpu.memref_slice %arg2[%dma_start3A_910, %multiple_of3A_904] : memref<16x1000000xf32, #tpu.memory_space<hbm>> -> memref<16x128xf32, #tpu.memory_space<hbm>>
        %dma_start3A_912 = tpu.memref_slice %arg8[%rem3A_473] : memref<3x!tpu.dma_semaphore, #tpu.memory_space<semaphore_mem>> -> memref<1x!tpu.dma_semaphore, #tpu.memory_space<semaphore_mem>>
        %dma_start3A_913 = tpu.memref_squeeze %dma_start3A_912 : memref<1x!tpu.dma_semaphore, #tpu.memory_space<semaphore_mem>> -> memref<!tpu.dma_semaphore, #tpu.memory_space<semaphore_mem>>
        tpu.enqueue_indirect_dma source(%dma_start3A_911 : memref<16x128xf32, #tpu.memory_space<hbm>>) target(%dma_start3A_909 : memref<16x128xf32, #tpu.memory_space<vmem>>) offsets(%iota3A : vector<16xi32>) semaphore(%dma_start3A_913 : memref<!tpu.dma_semaphore, #tpu.memory_space<semaphore_mem>>)
        %slice3A_914 = vector.extract_strided_slice %shift_left3A_817 {offsets = [8], sizes = [1], strides = [1]} : vector<16xi32> to vector<1xi32>
        %squeeze3A_915 = vector.extract %slice3A_914[0] : i32 from vector<1xi32>
        %multiple_of3A_916 = tpu.assume_multiple %squeeze3A_915, 128 : i32
        %dma_start3A_917 = arith.constant 8 : i32
        %dma_start3A_918 = arith.constant 0 : i32
        %dma_start3A_919 = arith.constant 0 : i32
        %dma_start3A_920 = tpu.memref_slice %arg6[%rem3A_473, %dma_start3A_917, %dma_start3A_918, %dma_start3A_919] : memref<3x16x16x128xf32, #tpu.memory_space<vmem>> -> memref<1x1x16x128xf32, #tpu.memory_space<vmem>>
        %dma_start3A_921 = tpu.memref_squeeze %dma_start3A_920 : memref<1x1x16x128xf32, #tpu.memory_space<vmem>> -> memref<16x128xf32, #tpu.memory_space<vmem>>
        %dma_start3A_922 = arith.constant 0 : i32
        %dma_start3A_923 = tpu.memref_slice %arg2[%dma_start3A_922, %multiple_of3A_916] : memref<16x1000000xf32, #tpu.memory_space<hbm>> -> memref<16x128xf32, #tpu.memory_space<hbm>>
        %dma_start3A_924 = tpu.memref_slice %arg8[%rem3A_473] : memref<3x!tpu.dma_semaphore, #tpu.memory_space<semaphore_mem>> -> memref<1x!tpu.dma_semaphore, #tpu.memory_space<semaphore_mem>>
        %dma_start3A_925 = tpu.memref_squeeze %dma_start3A_924 : memref<1x!tpu.dma_semaphore, #tpu.memory_space<semaphore_mem>> -> memref<!tpu.dma_semaphore, #tpu.memory_space<semaphore_mem>>
        tpu.enqueue_indirect_dma source(%dma_start3A_923 : memref<16x128xf32, #tpu.memory_space<hbm>>) target(%dma_start3A_921 : memref<16x128xf32, #tpu.memory_space<vmem>>) offsets(%iota3A : vector<16xi32>) semaphore(%dma_start3A_925 : memref<!tpu.dma_semaphore, #tpu.memory_space<semaphore_mem>>)
        %slice3A_926 = vector.extract_strided_slice %shift_left3A_817 {offsets = [9], sizes = [1], strides = [1]} : vector<16xi32> to vector<1xi32>
        %squeeze3A_927 = vector.extract %slice3A_926[0] : i32 from vector<1xi32>
        %multiple_of3A_928 = tpu.assume_multiple %squeeze3A_927, 128 : i32
        %dma_start3A_929 = arith.constant 9 : i32
        %dma_start3A_930 = arith.constant 0 : i32
        %dma_start3A_931 = arith.constant 0 : i32
        %dma_start3A_932 = tpu.memref_slice %arg6[%rem3A_473, %dma_start3A_929, %dma_start3A_930, %dma_start3A_931] : memref<3x16x16x128xf32, #tpu.memory_space<vmem>> -> memref<1x1x16x128xf32, #tpu.memory_space<vmem>>
        %dma_start3A_933 = tpu.memref_squeeze %dma_start3A_932 : memref<1x1x16x128xf32, #tpu.memory_space<vmem>> -> memref<16x128xf32, #tpu.memory_space<vmem>>
        %dma_start3A_934 = arith.constant 0 : i32
        %dma_start3A_935 = tpu.memref_slice %arg2[%dma_start3A_934, %multiple_of3A_928] : memref<16x1000000xf32, #tpu.memory_space<hbm>> -> memref<16x128xf32, #tpu.memory_space<hbm>>
        %dma_start3A_936 = tpu.memref_slice %arg8[%rem3A_473] : memref<3x!tpu.dma_semaphore, #tpu.memory_space<semaphore_mem>> -> memref<1x!tpu.dma_semaphore, #tpu.memory_space<semaphore_mem>>
        %dma_start3A_937 = tpu.memref_squeeze %dma_start3A_936 : memref<1x!tpu.dma_semaphore, #tpu.memory_space<semaphore_mem>> -> memref<!tpu.dma_semaphore, #tpu.memory_space<semaphore_mem>>
        tpu.enqueue_indirect_dma source(%dma_start3A_935 : memref<16x128xf32, #tpu.memory_space<hbm>>) target(%dma_start3A_933 : memref<16x128xf32, #tpu.memory_space<vmem>>) offsets(%iota3A : vector<16xi32>) semaphore(%dma_start3A_937 : memref<!tpu.dma_semaphore, #tpu.memory_space<semaphore_mem>>)
        %slice3A_938 = vector.extract_strided_slice %shift_left3A_817 {offsets = [10], sizes = [1], strides = [1]} : vector<16xi32> to vector<1xi32>
        %squeeze3A_939 = vector.extract %slice3A_938[0] : i32 from vector<1xi32>
        %multiple_of3A_940 = tpu.assume_multiple %squeeze3A_939, 128 : i32
        %dma_start3A_941 = arith.constant 10 : i32
        %dma_start3A_942 = arith.constant 0 : i32
        %dma_start3A_943 = arith.constant 0 : i32
        %dma_start3A_944 = tpu.memref_slice %arg6[%rem3A_473, %dma_start3A_941, %dma_start3A_942, %dma_start3A_943] : memref<3x16x16x128xf32, #tpu.memory_space<vmem>> -> memref<1x1x16x128xf32, #tpu.memory_space<vmem>>
        %dma_start3A_945 = tpu.memref_squeeze %dma_start3A_944 : memref<1x1x16x128xf32, #tpu.memory_space<vmem>> -> memref<16x128xf32, #tpu.memory_space<vmem>>
        %dma_start3A_946 = arith.constant 0 : i32
        %dma_start3A_947 = tpu.memref_slice %arg2[%dma_start3A_946, %multiple_of3A_940] : memref<16x1000000xf32, #tpu.memory_space<hbm>> -> memref<16x128xf32, #tpu.memory_space<hbm>>
        %dma_start3A_948 = tpu.memref_slice %arg8[%rem3A_473] : memref<3x!tpu.dma_semaphore, #tpu.memory_space<semaphore_mem>> -> memref<1x!tpu.dma_semaphore, #tpu.memory_space<semaphore_mem>>
        %dma_start3A_949 = tpu.memref_squeeze %dma_start3A_948 : memref<1x!tpu.dma_semaphore, #tpu.memory_space<semaphore_mem>> -> memref<!tpu.dma_semaphore, #tpu.memory_space<semaphore_mem>>
        tpu.enqueue_indirect_dma source(%dma_start3A_947 : memref<16x128xf32, #tpu.memory_space<hbm>>) target(%dma_start3A_945 : memref<16x128xf32, #tpu.memory_space<vmem>>) offsets(%iota3A : vector<16xi32>) semaphore(%dma_start3A_949 : memref<!tpu.dma_semaphore, #tpu.memory_space<semaphore_mem>>)
        %slice3A_950 = vector.extract_strided_slice %shift_left3A_817 {offsets = [11], sizes = [1], strides = [1]} : vector<16xi32> to vector<1xi32>
        %squeeze3A_951 = vector.extract %slice3A_950[0] : i32 from vector<1xi32>
        %multiple_of3A_952 = tpu.assume_multiple %squeeze3A_951, 128 : i32
        %dma_start3A_953 = arith.constant 11 : i32
        %dma_start3A_954 = arith.constant 0 : i32
        %dma_start3A_955 = arith.constant 0 : i32
        %dma_start3A_956 = tpu.memref_slice %arg6[%rem3A_473, %dma_start3A_953, %dma_start3A_954, %dma_start3A_955] : memref<3x16x16x128xf32, #tpu.memory_space<vmem>> -> memref<1x1x16x128xf32, #tpu.memory_space<vmem>>
        %dma_start3A_957 = tpu.memref_squeeze %dma_start3A_956 : memref<1x1x16x128xf32, #tpu.memory_space<vmem>> -> memref<16x128xf32, #tpu.memory_space<vmem>>
        %dma_start3A_958 = arith.constant 0 : i32
        %dma_start3A_959 = tpu.memref_slice %arg2[%dma_start3A_958, %multiple_of3A_952] : memref<16x1000000xf32, #tpu.memory_space<hbm>> -> memref<16x128xf32, #tpu.memory_space<hbm>>
        %dma_start3A_960 = tpu.memref_slice %arg8[%rem3A_473] : memref<3x!tpu.dma_semaphore, #tpu.memory_space<semaphore_mem>> -> memref<1x!tpu.dma_semaphore, #tpu.memory_space<semaphore_mem>>
        %dma_start3A_961 = tpu.memref_squeeze %dma_start3A_960 : memref<1x!tpu.dma_semaphore, #tpu.memory_space<semaphore_mem>> -> memref<!tpu.dma_semaphore, #tpu.memory_space<semaphore_mem>>
        tpu.enqueue_indirect_dma source(%dma_start3A_959 : memref<16x128xf32, #tpu.memory_space<hbm>>) target(%dma_start3A_957 : memref<16x128xf32, #tpu.memory_space<vmem>>) offsets(%iota3A : vector<16xi32>) semaphore(%dma_start3A_961 : memref<!tpu.dma_semaphore, #tpu.memory_space<semaphore_mem>>)
        %slice3A_962 = vector.extract_strided_slice %shift_left3A_817 {offsets = [12], sizes = [1], strides = [1]} : vector<16xi32> to vector<1xi32>
        %squeeze3A_963 = vector.extract %slice3A_962[0] : i32 from vector<1xi32>
        %multiple_of3A_964 = tpu.assume_multiple %squeeze3A_963, 128 : i32
        %dma_start3A_965 = arith.constant 12 : i32
        %dma_start3A_966 = arith.constant 0 : i32
        %dma_start3A_967 = arith.constant 0 : i32
        %dma_start3A_968 = tpu.memref_slice %arg6[%rem3A_473, %dma_start3A_965, %dma_start3A_966, %dma_start3A_967] : memref<3x16x16x128xf32, #tpu.memory_space<vmem>> -> memref<1x1x16x128xf32, #tpu.memory_space<vmem>>
        %dma_start3A_969 = tpu.memref_squeeze %dma_start3A_968 : memref<1x1x16x128xf32, #tpu.memory_space<vmem>> -> memref<16x128xf32, #tpu.memory_space<vmem>>
        %dma_start3A_970 = arith.constant 0 : i32
        %dma_start3A_971 = tpu.memref_slice %arg2[%dma_start3A_970, %multiple_of3A_964] : memref<16x1000000xf32, #tpu.memory_space<hbm>> -> memref<16x128xf32, #tpu.memory_space<hbm>>
        %dma_start3A_972 = tpu.memref_slice %arg8[%rem3A_473] : memref<3x!tpu.dma_semaphore, #tpu.memory_space<semaphore_mem>> -> memref<1x!tpu.dma_semaphore, #tpu.memory_space<semaphore_mem>>
        %dma_start3A_973 = tpu.memref_squeeze %dma_start3A_972 : memref<1x!tpu.dma_semaphore, #tpu.memory_space<semaphore_mem>> -> memref<!tpu.dma_semaphore, #tpu.memory_space<semaphore_mem>>
        tpu.enqueue_indirect_dma source(%dma_start3A_971 : memref<16x128xf32, #tpu.memory_space<hbm>>) target(%dma_start3A_969 : memref<16x128xf32, #tpu.memory_space<vmem>>) offsets(%iota3A : vector<16xi32>) semaphore(%dma_start3A_973 : memref<!tpu.dma_semaphore, #tpu.memory_space<semaphore_mem>>)
        %slice3A_974 = vector.extract_strided_slice %shift_left3A_817 {offsets = [13], sizes = [1], strides = [1]} : vector<16xi32> to vector<1xi32>
        %squeeze3A_975 = vector.extract %slice3A_974[0] : i32 from vector<1xi32>
        %multiple_of3A_976 = tpu.assume_multiple %squeeze3A_975, 128 : i32
        %dma_start3A_977 = arith.constant 13 : i32
        %dma_start3A_978 = arith.constant 0 : i32
        %dma_start3A_979 = arith.constant 0 : i32
        %dma_start3A_980 = tpu.memref_slice %arg6[%rem3A_473, %dma_start3A_977, %dma_start3A_978, %dma_start3A_979] : memref<3x16x16x128xf32, #tpu.memory_space<vmem>> -> memref<1x1x16x128xf32, #tpu.memory_space<vmem>>
        %dma_start3A_981 = tpu.memref_squeeze %dma_start3A_980 : memref<1x1x16x128xf32, #tpu.memory_space<vmem>> -> memref<16x128xf32, #tpu.memory_space<vmem>>
        %dma_start3A_982 = arith.constant 0 : i32
        %dma_start3A_983 = tpu.memref_slice %arg2[%dma_start3A_982, %multiple_of3A_976] : memref<16x1000000xf32, #tpu.memory_space<hbm>> -> memref<16x128xf32, #tpu.memory_space<hbm>>
        %dma_start3A_984 = tpu.memref_slice %arg8[%rem3A_473] : memref<3x!tpu.dma_semaphore, #tpu.memory_space<semaphore_mem>> -> memref<1x!tpu.dma_semaphore, #tpu.memory_space<semaphore_mem>>
        %dma_start3A_985 = tpu.memref_squeeze %dma_start3A_984 : memref<1x!tpu.dma_semaphore, #tpu.memory_space<semaphore_mem>> -> memref<!tpu.dma_semaphore, #tpu.memory_space<semaphore_mem>>
        tpu.enqueue_indirect_dma source(%dma_start3A_983 : memref<16x128xf32, #tpu.memory_space<hbm>>) target(%dma_start3A_981 : memref<16x128xf32, #tpu.memory_space<vmem>>) offsets(%iota3A : vector<16xi32>) semaphore(%dma_start3A_985 : memref<!tpu.dma_semaphore, #tpu.memory_space<semaphore_mem>>)
        %slice3A_986 = vector.extract_strided_slice %shift_left3A_817 {offsets = [14], sizes = [1], strides = [1]} : vector<16xi32> to vector<1xi32>
        %squeeze3A_987 = vector.extract %slice3A_986[0] : i32 from vector<1xi32>
        %multiple_of3A_988 = tpu.assume_multiple %squeeze3A_987, 128 : i32
        %dma_start3A_989 = arith.constant 14 : i32
        %dma_start3A_990 = arith.constant 0 : i32
        %dma_start3A_991 = arith.constant 0 : i32
        %dma_start3A_992 = tpu.memref_slice %arg6[%rem3A_473, %dma_start3A_989, %dma_start3A_990, %dma_start3A_991] : memref<3x16x16x128xf32, #tpu.memory_space<vmem>> -> memref<1x1x16x128xf32, #tpu.memory_space<vmem>>
        %dma_start3A_993 = tpu.memref_squeeze %dma_start3A_992 : memref<1x1x16x128xf32, #tpu.memory_space<vmem>> -> memref<16x128xf32, #tpu.memory_space<vmem>>
        %dma_start3A_994 = arith.constant 0 : i32
        %dma_start3A_995 = tpu.memref_slice %arg2[%dma_start3A_994, %multiple_of3A_988] : memref<16x1000000xf32, #tpu.memory_space<hbm>> -> memref<16x128xf32, #tpu.memory_space<hbm>>
        %dma_start3A_996 = tpu.memref_slice %arg8[%rem3A_473] : memref<3x!tpu.dma_semaphore, #tpu.memory_space<semaphore_mem>> -> memref<1x!tpu.dma_semaphore, #tpu.memory_space<semaphore_mem>>
        %dma_start3A_997 = tpu.memref_squeeze %dma_start3A_996 : memref<1x!tpu.dma_semaphore, #tpu.memory_space<semaphore_mem>> -> memref<!tpu.dma_semaphore, #tpu.memory_space<semaphore_mem>>
        tpu.enqueue_indirect_dma source(%dma_start3A_995 : memref<16x128xf32, #tpu.memory_space<hbm>>) target(%dma_start3A_993 : memref<16x128xf32, #tpu.memory_space<vmem>>) offsets(%iota3A : vector<16xi32>) semaphore(%dma_start3A_997 : memref<!tpu.dma_semaphore, #tpu.memory_space<semaphore_mem>>)
        %slice3A_998 = vector.extract_strided_slice %shift_left3A_817 {offsets = [15], sizes = [1], strides = [1]} : vector<16xi32> to vector<1xi32>
        %squeeze3A_999 = vector.extract %slice3A_998[0] : i32 from vector<1xi32>
        %multiple_of3A_1000 = tpu.assume_multiple %squeeze3A_999, 128 : i32
        %dma_start3A_1001 = arith.constant 15 : i32
        %dma_start3A_1002 = arith.constant 0 : i32
        %dma_start3A_1003 = arith.constant 0 : i32
        %dma_start3A_1004 = tpu.memref_slice %arg6[%rem3A_473, %dma_start3A_1001, %dma_start3A_1002, %dma_start3A_1003] : memref<3x16x16x128xf32, #tpu.memory_space<vmem>> -> memref<1x1x16x128xf32, #tpu.memory_space<vmem>>
        %dma_start3A_1005 = tpu.memref_squeeze %dma_start3A_1004 : memref<1x1x16x128xf32, #tpu.memory_space<vmem>> -> memref<16x128xf32, #tpu.memory_space<vmem>>
        %dma_start3A_1006 = arith.constant 0 : i32
        %dma_start3A_1007 = tpu.memref_slice %arg2[%dma_start3A_1006, %multiple_of3A_1000] : memref<16x1000000xf32, #tpu.memory_space<hbm>> -> memref<16x128xf32, #tpu.memory_space<hbm>>
        %dma_start3A_1008 = tpu.memref_slice %arg8[%rem3A_473] : memref<3x!tpu.dma_semaphore, #tpu.memory_space<semaphore_mem>> -> memref<1x!tpu.dma_semaphore, #tpu.memory_space<semaphore_mem>>
        %dma_start3A_1009 = tpu.memref_squeeze %dma_start3A_1008 : memref<1x!tpu.dma_semaphore, #tpu.memory_space<semaphore_mem>> -> memref<!tpu.dma_semaphore, #tpu.memory_space<semaphore_mem>>
        tpu.enqueue_indirect_dma source(%dma_start3A_1007 : memref<16x128xf32, #tpu.memory_space<hbm>>) target(%dma_start3A_1005 : memref<16x128xf32, #tpu.memory_space<vmem>>) offsets(%iota3A : vector<16xi32>) semaphore(%dma_start3A_1009 : memref<!tpu.dma_semaphore, #tpu.memory_space<semaphore_mem>>)
      } else {
      }
      %dma_wait3A = arith.constant 0 : i32
      %dma_wait3A_480 = arith.constant 0 : i32
      %dma_wait3A_481 = arith.constant 0 : i32
      %dma_wait3A_482 = tpu.memref_slice %arg6[%rem3A_468, %dma_wait3A, %dma_wait3A_480, %dma_wait3A_481] : memref<3x16x16x128xf32, #tpu.memory_space<vmem>> -> memref<1x1x16x128xf32, #tpu.memory_space<vmem>>
      %dma_wait3A_483 = tpu.memref_squeeze %dma_wait3A_482 : memref<1x1x16x128xf32, #tpu.memory_space<vmem>> -> memref<16x128xf32, #tpu.memory_space<vmem>>
      %dma_wait3A_484 = arith.constant 0 : i32
      %dma_wait3A_485 = tpu.memref_slice %arg2[%dma_wait3A_484, %multiple_of3A_3] : memref<16x1000000xf32, #tpu.memory_space<hbm>> -> memref<16x128xf32, #tpu.memory_space<hbm>>
      %dma_wait3A_486 = tpu.memref_slice %arg8[%rem3A_468] : memref<3x!tpu.dma_semaphore, #tpu.memory_space<semaphore_mem>> -> memref<1x!tpu.dma_semaphore, #tpu.memory_space<semaphore_mem>>
      %dma_wait3A_487 = tpu.memref_squeeze %dma_wait3A_486 : memref<1x!tpu.dma_semaphore, #tpu.memory_space<semaphore_mem>> -> memref<!tpu.dma_semaphore, #tpu.memory_space<semaphore_mem>>
      tpu.wait_indirect_dma semaphore(%dma_wait3A_487 : memref<!tpu.dma_semaphore, #tpu.memory_space<semaphore_mem>>) src(%dma_wait3A_485 : memref<16x128xf32, #tpu.memory_space<hbm>>) dst(%dma_wait3A_483 : memref<16x128xf32, #tpu.memory_space<vmem>>)
      %dma_wait3A_488 = arith.constant 1 : i32
      %dma_wait3A_489 = arith.constant 0 : i32
      %dma_wait3A_490 = arith.constant 0 : i32
      %dma_wait3A_491 = tpu.memref_slice %arg6[%rem3A_468, %dma_wait3A_488, %dma_wait3A_489, %dma_wait3A_490] : memref<3x16x16x128xf32, #tpu.memory_space<vmem>> -> memref<1x1x16x128xf32, #tpu.memory_space<vmem>>
      %dma_wait3A_492 = tpu.memref_squeeze %dma_wait3A_491 : memref<1x1x16x128xf32, #tpu.memory_space<vmem>> -> memref<16x128xf32, #tpu.memory_space<vmem>>
      %dma_wait3A_493 = arith.constant 0 : i32
      %dma_wait3A_494 = tpu.memref_slice %arg2[%dma_wait3A_493, %multiple_of3A_3] : memref<16x1000000xf32, #tpu.memory_space<hbm>> -> memref<16x128xf32, #tpu.memory_space<hbm>>
      %dma_wait3A_495 = tpu.memref_slice %arg8[%rem3A_468] : memref<3x!tpu.dma_semaphore, #tpu.memory_space<semaphore_mem>> -> memref<1x!tpu.dma_semaphore, #tpu.memory_space<semaphore_mem>>
      %dma_wait3A_496 = tpu.memref_squeeze %dma_wait3A_495 : memref<1x!tpu.dma_semaphore, #tpu.memory_space<semaphore_mem>> -> memref<!tpu.dma_semaphore, #tpu.memory_space<semaphore_mem>>
      tpu.wait_indirect_dma semaphore(%dma_wait3A_496 : memref<!tpu.dma_semaphore, #tpu.memory_space<semaphore_mem>>) src(%dma_wait3A_494 : memref<16x128xf32, #tpu.memory_space<hbm>>) dst(%dma_wait3A_492 : memref<16x128xf32, #tpu.memory_space<vmem>>)
      %dma_wait3A_497 = arith.constant 2 : i32
      %dma_wait3A_498 = arith.constant 0 : i32
      %dma_wait3A_499 = arith.constant 0 : i32
      %dma_wait3A_500 = tpu.memref_slice %arg6[%rem3A_468, %dma_wait3A_497, %dma_wait3A_498, %dma_wait3A_499] : memref<3x16x16x128xf32, #tpu.memory_space<vmem>> -> memref<1x1x16x128xf32, #tpu.memory_space<vmem>>
      %dma_wait3A_501 = tpu.memref_squeeze %dma_wait3A_500 : memref<1x1x16x128xf32, #tpu.memory_space<vmem>> -> memref<16x128xf32, #tpu.memory_space<vmem>>
      %dma_wait3A_502 = arith.constant 0 : i32
      %dma_wait3A_503 = tpu.memref_slice %arg2[%dma_wait3A_502, %multiple_of3A_3] : memref<16x1000000xf32, #tpu.memory_space<hbm>> -> memref<16x128xf32, #tpu.memory_space<hbm>>
      %dma_wait3A_504 = tpu.memref_slice %arg8[%rem3A_468] : memref<3x!tpu.dma_semaphore, #tpu.memory_space<semaphore_mem>> -> memref<1x!tpu.dma_semaphore, #tpu.memory_space<semaphore_mem>>
      %dma_wait3A_505 = tpu.memref_squeeze %dma_wait3A_504 : memref<1x!tpu.dma_semaphore, #tpu.memory_space<semaphore_mem>> -> memref<!tpu.dma_semaphore, #tpu.memory_space<semaphore_mem>>
      tpu.wait_indirect_dma semaphore(%dma_wait3A_505 : memref<!tpu.dma_semaphore, #tpu.memory_space<semaphore_mem>>) src(%dma_wait3A_503 : memref<16x128xf32, #tpu.memory_space<hbm>>) dst(%dma_wait3A_501 : memref<16x128xf32, #tpu.memory_space<vmem>>)
      %dma_wait3A_506 = arith.constant 3 : i32
      %dma_wait3A_507 = arith.constant 0 : i32
      %dma_wait3A_508 = arith.constant 0 : i32
      %dma_wait3A_509 = tpu.memref_slice %arg6[%rem3A_468, %dma_wait3A_506, %dma_wait3A_507, %dma_wait3A_508] : memref<3x16x16x128xf32, #tpu.memory_space<vmem>> -> memref<1x1x16x128xf32, #tpu.memory_space<vmem>>
      %dma_wait3A_510 = tpu.memref_squeeze %dma_wait3A_509 : memref<1x1x16x128xf32, #tpu.memory_space<vmem>> -> memref<16x128xf32, #tpu.memory_space<vmem>>
      %dma_wait3A_511 = arith.constant 0 : i32
      %dma_wait3A_512 = tpu.memref_slice %arg2[%dma_wait3A_511, %multiple_of3A_3] : memref<16x1000000xf32, #tpu.memory_space<hbm>> -> memref<16x128xf32, #tpu.memory_space<hbm>>
      %dma_wait3A_513 = tpu.memref_slice %arg8[%rem3A_468] : memref<3x!tpu.dma_semaphore, #tpu.memory_space<semaphore_mem>> -> memref<1x!tpu.dma_semaphore, #tpu.memory_space<semaphore_mem>>
      %dma_wait3A_514 = tpu.memref_squeeze %dma_wait3A_513 : memref<1x!tpu.dma_semaphore, #tpu.memory_space<semaphore_mem>> -> memref<!tpu.dma_semaphore, #tpu.memory_space<semaphore_mem>>
      tpu.wait_indirect_dma semaphore(%dma_wait3A_514 : memref<!tpu.dma_semaphore, #tpu.memory_space<semaphore_mem>>) src(%dma_wait3A_512 : memref<16x128xf32, #tpu.memory_space<hbm>>) dst(%dma_wait3A_510 : memref<16x128xf32, #tpu.memory_space<vmem>>)
      %dma_wait3A_515 = arith.constant 4 : i32
      %dma_wait3A_516 = arith.constant 0 : i32
      %dma_wait3A_517 = arith.constant 0 : i32
      %dma_wait3A_518 = tpu.memref_slice %arg6[%rem3A_468, %dma_wait3A_515, %dma_wait3A_516, %dma_wait3A_517] : memref<3x16x16x128xf32, #tpu.memory_space<vmem>> -> memref<1x1x16x128xf32, #tpu.memory_space<vmem>>
      %dma_wait3A_519 = tpu.memref_squeeze %dma_wait3A_518 : memref<1x1x16x128xf32, #tpu.memory_space<vmem>> -> memref<16x128xf32, #tpu.memory_space<vmem>>
      %dma_wait3A_520 = arith.constant 0 : i32
      %dma_wait3A_521 = tpu.memref_slice %arg2[%dma_wait3A_520, %multiple_of3A_3] : memref<16x1000000xf32, #tpu.memory_space<hbm>> -> memref<16x128xf32, #tpu.memory_space<hbm>>
      %dma_wait3A_522 = tpu.memref_slice %arg8[%rem3A_468] : memref<3x!tpu.dma_semaphore, #tpu.memory_space<semaphore_mem>> -> memref<1x!tpu.dma_semaphore, #tpu.memory_space<semaphore_mem>>
      %dma_wait3A_523 = tpu.memref_squeeze %dma_wait3A_522 : memref<1x!tpu.dma_semaphore, #tpu.memory_space<semaphore_mem>> -> memref<!tpu.dma_semaphore, #tpu.memory_space<semaphore_mem>>
      tpu.wait_indirect_dma semaphore(%dma_wait3A_523 : memref<!tpu.dma_semaphore, #tpu.memory_space<semaphore_mem>>) src(%dma_wait3A_521 : memref<16x128xf32, #tpu.memory_space<hbm>>) dst(%dma_wait3A_519 : memref<16x128xf32, #tpu.memory_space<vmem>>)
      %dma_wait3A_524 = arith.constant 5 : i32
      %dma_wait3A_525 = arith.constant 0 : i32
      %dma_wait3A_526 = arith.constant 0 : i32
      %dma_wait3A_527 = tpu.memref_slice %arg6[%rem3A_468, %dma_wait3A_524, %dma_wait3A_525, %dma_wait3A_526] : memref<3x16x16x128xf32, #tpu.memory_space<vmem>> -> memref<1x1x16x128xf32, #tpu.memory_space<vmem>>
      %dma_wait3A_528 = tpu.memref_squeeze %dma_wait3A_527 : memref<1x1x16x128xf32, #tpu.memory_space<vmem>> -> memref<16x128xf32, #tpu.memory_space<vmem>>
      %dma_wait3A_529 = arith.constant 0 : i32
      %dma_wait3A_530 = tpu.memref_slice %arg2[%dma_wait3A_529, %multiple_of3A_3] : memref<16x1000000xf32, #tpu.memory_space<hbm>> -> memref<16x128xf32, #tpu.memory_space<hbm>>
      %dma_wait3A_531 = tpu.memref_slice %arg8[%rem3A_468] : memref<3x!tpu.dma_semaphore, #tpu.memory_space<semaphore_mem>> -> memref<1x!tpu.dma_semaphore, #tpu.memory_space<semaphore_mem>>
      %dma_wait3A_532 = tpu.memref_squeeze %dma_wait3A_531 : memref<1x!tpu.dma_semaphore, #tpu.memory_space<semaphore_mem>> -> memref<!tpu.dma_semaphore, #tpu.memory_space<semaphore_mem>>
      tpu.wait_indirect_dma semaphore(%dma_wait3A_532 : memref<!tpu.dma_semaphore, #tpu.memory_space<semaphore_mem>>) src(%dma_wait3A_530 : memref<16x128xf32, #tpu.memory_space<hbm>>) dst(%dma_wait3A_528 : memref<16x128xf32, #tpu.memory_space<vmem>>)
      %dma_wait3A_533 = arith.constant 6 : i32
      %dma_wait3A_534 = arith.constant 0 : i32
      %dma_wait3A_535 = arith.constant 0 : i32
      %dma_wait3A_536 = tpu.memref_slice %arg6[%rem3A_468, %dma_wait3A_533, %dma_wait3A_534, %dma_wait3A_535] : memref<3x16x16x128xf32, #tpu.memory_space<vmem>> -> memref<1x1x16x128xf32, #tpu.memory_space<vmem>>
      %dma_wait3A_537 = tpu.memref_squeeze %dma_wait3A_536 : memref<1x1x16x128xf32, #tpu.memory_space<vmem>> -> memref<16x128xf32, #tpu.memory_space<vmem>>
      %dma_wait3A_538 = arith.constant 0 : i32
      %dma_wait3A_539 = tpu.memref_slice %arg2[%dma_wait3A_538, %multiple_of3A_3] : memref<16x1000000xf32, #tpu.memory_space<hbm>> -> memref<16x128xf32, #tpu.memory_space<hbm>>
      %dma_wait3A_540 = tpu.memref_slice %arg8[%rem3A_468] : memref<3x!tpu.dma_semaphore, #tpu.memory_space<semaphore_mem>> -> memref<1x!tpu.dma_semaphore, #tpu.memory_space<semaphore_mem>>
      %dma_wait3A_541 = tpu.memref_squeeze %dma_wait3A_540 : memref<1x!tpu.dma_semaphore, #tpu.memory_space<semaphore_mem>> -> memref<!tpu.dma_semaphore, #tpu.memory_space<semaphore_mem>>
      tpu.wait_indirect_dma semaphore(%dma_wait3A_541 : memref<!tpu.dma_semaphore, #tpu.memory_space<semaphore_mem>>) src(%dma_wait3A_539 : memref<16x128xf32, #tpu.memory_space<hbm>>) dst(%dma_wait3A_537 : memref<16x128xf32, #tpu.memory_space<vmem>>)
      %dma_wait3A_542 = arith.constant 7 : i32
      %dma_wait3A_543 = arith.constant 0 : i32
      %dma_wait3A_544 = arith.constant 0 : i32
      %dma_wait3A_545 = tpu.memref_slice %arg6[%rem3A_468, %dma_wait3A_542, %dma_wait3A_543, %dma_wait3A_544] : memref<3x16x16x128xf32, #tpu.memory_space<vmem>> -> memref<1x1x16x128xf32, #tpu.memory_space<vmem>>
      %dma_wait3A_546 = tpu.memref_squeeze %dma_wait3A_545 : memref<1x1x16x128xf32, #tpu.memory_space<vmem>> -> memref<16x128xf32, #tpu.memory_space<vmem>>
      %dma_wait3A_547 = arith.constant 0 : i32
      %dma_wait3A_548 = tpu.memref_slice %arg2[%dma_wait3A_547, %multiple_of3A_3] : memref<16x1000000xf32, #tpu.memory_space<hbm>> -> memref<16x128xf32, #tpu.memory_space<hbm>>
      %dma_wait3A_549 = tpu.memref_slice %arg8[%rem3A_468] : memref<3x!tpu.dma_semaphore, #tpu.memory_space<semaphore_mem>> -> memref<1x!tpu.dma_semaphore, #tpu.memory_space<semaphore_mem>>
      %dma_wait3A_550 = tpu.memref_squeeze %dma_wait3A_549 : memref<1x!tpu.dma_semaphore, #tpu.memory_space<semaphore_mem>> -> memref<!tpu.dma_semaphore, #tpu.memory_space<semaphore_mem>>
      tpu.wait_indirect_dma semaphore(%dma_wait3A_550 : memref<!tpu.dma_semaphore, #tpu.memory_space<semaphore_mem>>) src(%dma_wait3A_548 : memref<16x128xf32, #tpu.memory_space<hbm>>) dst(%dma_wait3A_546 : memref<16x128xf32, #tpu.memory_space<vmem>>)
      %dma_wait3A_551 = arith.constant 8 : i32
      %dma_wait3A_552 = arith.constant 0 : i32
      %dma_wait3A_553 = arith.constant 0 : i32
      %dma_wait3A_554 = tpu.memref_slice %arg6[%rem3A_468, %dma_wait3A_551, %dma_wait3A_552, %dma_wait3A_553] : memref<3x16x16x128xf32, #tpu.memory_space<vmem>> -> memref<1x1x16x128xf32, #tpu.memory_space<vmem>>
      %dma_wait3A_555 = tpu.memref_squeeze %dma_wait3A_554 : memref<1x1x16x128xf32, #tpu.memory_space<vmem>> -> memref<16x128xf32, #tpu.memory_space<vmem>>
      %dma_wait3A_556 = arith.constant 0 : i32
      %dma_wait3A_557 = tpu.memref_slice %arg2[%dma_wait3A_556, %multiple_of3A_3] : memref<16x1000000xf32, #tpu.memory_space<hbm>> -> memref<16x128xf32, #tpu.memory_space<hbm>>
      %dma_wait3A_558 = tpu.memref_slice %arg8[%rem3A_468] : memref<3x!tpu.dma_semaphore, #tpu.memory_space<semaphore_mem>> -> memref<1x!tpu.dma_semaphore, #tpu.memory_space<semaphore_mem>>
      %dma_wait3A_559 = tpu.memref_squeeze %dma_wait3A_558 : memref<1x!tpu.dma_semaphore, #tpu.memory_space<semaphore_mem>> -> memref<!tpu.dma_semaphore, #tpu.memory_space<semaphore_mem>>
      tpu.wait_indirect_dma semaphore(%dma_wait3A_559 : memref<!tpu.dma_semaphore, #tpu.memory_space<semaphore_mem>>) src(%dma_wait3A_557 : memref<16x128xf32, #tpu.memory_space<hbm>>) dst(%dma_wait3A_555 : memref<16x128xf32, #tpu.memory_space<vmem>>)
      %dma_wait3A_560 = arith.constant 9 : i32
      %dma_wait3A_561 = arith.constant 0 : i32
      %dma_wait3A_562 = arith.constant 0 : i32
      %dma_wait3A_563 = tpu.memref_slice %arg6[%rem3A_468, %dma_wait3A_560, %dma_wait3A_561, %dma_wait3A_562] : memref<3x16x16x128xf32, #tpu.memory_space<vmem>> -> memref<1x1x16x128xf32, #tpu.memory_space<vmem>>
      %dma_wait3A_564 = tpu.memref_squeeze %dma_wait3A_563 : memref<1x1x16x128xf32, #tpu.memory_space<vmem>> -> memref<16x128xf32, #tpu.memory_space<vmem>>
      %dma_wait3A_565 = arith.constant 0 : i32
      %dma_wait3A_566 = tpu.memref_slice %arg2[%dma_wait3A_565, %multiple_of3A_3] : memref<16x1000000xf32, #tpu.memory_space<hbm>> -> memref<16x128xf32, #tpu.memory_space<hbm>>
      %dma_wait3A_567 = tpu.memref_slice %arg8[%rem3A_468] : memref<3x!tpu.dma_semaphore, #tpu.memory_space<semaphore_mem>> -> memref<1x!tpu.dma_semaphore, #tpu.memory_space<semaphore_mem>>
      %dma_wait3A_568 = tpu.memref_squeeze %dma_wait3A_567 : memref<1x!tpu.dma_semaphore, #tpu.memory_space<semaphore_mem>> -> memref<!tpu.dma_semaphore, #tpu.memory_space<semaphore_mem>>
      tpu.wait_indirect_dma semaphore(%dma_wait3A_568 : memref<!tpu.dma_semaphore, #tpu.memory_space<semaphore_mem>>) src(%dma_wait3A_566 : memref<16x128xf32, #tpu.memory_space<hbm>>) dst(%dma_wait3A_564 : memref<16x128xf32, #tpu.memory_space<vmem>>)
      %dma_wait3A_569 = arith.constant 10 : i32
      %dma_wait3A_570 = arith.constant 0 : i32
      %dma_wait3A_571 = arith.constant 0 : i32
      %dma_wait3A_572 = tpu.memref_slice %arg6[%rem3A_468, %dma_wait3A_569, %dma_wait3A_570, %dma_wait3A_571] : memref<3x16x16x128xf32, #tpu.memory_space<vmem>> -> memref<1x1x16x128xf32, #tpu.memory_space<vmem>>
      %dma_wait3A_573 = tpu.memref_squeeze %dma_wait3A_572 : memref<1x1x16x128xf32, #tpu.memory_space<vmem>> -> memref<16x128xf32, #tpu.memory_space<vmem>>
      %dma_wait3A_574 = arith.constant 0 : i32
      %dma_wait3A_575 = tpu.memref_slice %arg2[%dma_wait3A_574, %multiple_of3A_3] : memref<16x1000000xf32, #tpu.memory_space<hbm>> -> memref<16x128xf32, #tpu.memory_space<hbm>>
      %dma_wait3A_576 = tpu.memref_slice %arg8[%rem3A_468] : memref<3x!tpu.dma_semaphore, #tpu.memory_space<semaphore_mem>> -> memref<1x!tpu.dma_semaphore, #tpu.memory_space<semaphore_mem>>
      %dma_wait3A_577 = tpu.memref_squeeze %dma_wait3A_576 : memref<1x!tpu.dma_semaphore, #tpu.memory_space<semaphore_mem>> -> memref<!tpu.dma_semaphore, #tpu.memory_space<semaphore_mem>>
      tpu.wait_indirect_dma semaphore(%dma_wait3A_577 : memref<!tpu.dma_semaphore, #tpu.memory_space<semaphore_mem>>) src(%dma_wait3A_575 : memref<16x128xf32, #tpu.memory_space<hbm>>) dst(%dma_wait3A_573 : memref<16x128xf32, #tpu.memory_space<vmem>>)
      %dma_wait3A_578 = arith.constant 11 : i32
      %dma_wait3A_579 = arith.constant 0 : i32
      %dma_wait3A_580 = arith.constant 0 : i32
      %dma_wait3A_581 = tpu.memref_slice %arg6[%rem3A_468, %dma_wait3A_578, %dma_wait3A_579, %dma_wait3A_580] : memref<3x16x16x128xf32, #tpu.memory_space<vmem>> -> memref<1x1x16x128xf32, #tpu.memory_space<vmem>>
      %dma_wait3A_582 = tpu.memref_squeeze %dma_wait3A_581 : memref<1x1x16x128xf32, #tpu.memory_space<vmem>> -> memref<16x128xf32, #tpu.memory_space<vmem>>
      %dma_wait3A_583 = arith.constant 0 : i32
      %dma_wait3A_584 = tpu.memref_slice %arg2[%dma_wait3A_583, %multiple_of3A_3] : memref<16x1000000xf32, #tpu.memory_space<hbm>> -> memref<16x128xf32, #tpu.memory_space<hbm>>
      %dma_wait3A_585 = tpu.memref_slice %arg8[%rem3A_468] : memref<3x!tpu.dma_semaphore, #tpu.memory_space<semaphore_mem>> -> memref<1x!tpu.dma_semaphore, #tpu.memory_space<semaphore_mem>>
      %dma_wait3A_586 = tpu.memref_squeeze %dma_wait3A_585 : memref<1x!tpu.dma_semaphore, #tpu.memory_space<semaphore_mem>> -> memref<!tpu.dma_semaphore, #tpu.memory_space<semaphore_mem>>
      tpu.wait_indirect_dma semaphore(%dma_wait3A_586 : memref<!tpu.dma_semaphore, #tpu.memory_space<semaphore_mem>>) src(%dma_wait3A_584 : memref<16x128xf32, #tpu.memory_space<hbm>>) dst(%dma_wait3A_582 : memref<16x128xf32, #tpu.memory_space<vmem>>)
      %dma_wait3A_587 = arith.constant 12 : i32
      %dma_wait3A_588 = arith.constant 0 : i32
      %dma_wait3A_589 = arith.constant 0 : i32
      %dma_wait3A_590 = tpu.memref_slice %arg6[%rem3A_468, %dma_wait3A_587, %dma_wait3A_588, %dma_wait3A_589] : memref<3x16x16x128xf32, #tpu.memory_space<vmem>> -> memref<1x1x16x128xf32, #tpu.memory_space<vmem>>
      %dma_wait3A_591 = tpu.memref_squeeze %dma_wait3A_590 : memref<1x1x16x128xf32, #tpu.memory_space<vmem>> -> memref<16x128xf32, #tpu.memory_space<vmem>>
      %dma_wait3A_592 = arith.constant 0 : i32
      %dma_wait3A_593 = tpu.memref_slice %arg2[%dma_wait3A_592, %multiple_of3A_3] : memref<16x1000000xf32, #tpu.memory_space<hbm>> -> memref<16x128xf32, #tpu.memory_space<hbm>>
      %dma_wait3A_594 = tpu.memref_slice %arg8[%rem3A_468] : memref<3x!tpu.dma_semaphore, #tpu.memory_space<semaphore_mem>> -> memref<1x!tpu.dma_semaphore, #tpu.memory_space<semaphore_mem>>
      %dma_wait3A_595 = tpu.memref_squeeze %dma_wait3A_594 : memref<1x!tpu.dma_semaphore, #tpu.memory_space<semaphore_mem>> -> memref<!tpu.dma_semaphore, #tpu.memory_space<semaphore_mem>>
      tpu.wait_indirect_dma semaphore(%dma_wait3A_595 : memref<!tpu.dma_semaphore, #tpu.memory_space<semaphore_mem>>) src(%dma_wait3A_593 : memref<16x128xf32, #tpu.memory_space<hbm>>) dst(%dma_wait3A_591 : memref<16x128xf32, #tpu.memory_space<vmem>>)
      %dma_wait3A_596 = arith.constant 13 : i32
      %dma_wait3A_597 = arith.constant 0 : i32
      %dma_wait3A_598 = arith.constant 0 : i32
      %dma_wait3A_599 = tpu.memref_slice %arg6[%rem3A_468, %dma_wait3A_596, %dma_wait3A_597, %dma_wait3A_598] : memref<3x16x16x128xf32, #tpu.memory_space<vmem>> -> memref<1x1x16x128xf32, #tpu.memory_space<vmem>>
      %dma_wait3A_600 = tpu.memref_squeeze %dma_wait3A_599 : memref<1x1x16x128xf32, #tpu.memory_space<vmem>> -> memref<16x128xf32, #tpu.memory_space<vmem>>
      %dma_wait3A_601 = arith.constant 0 : i32
      %dma_wait3A_602 = tpu.memref_slice %arg2[%dma_wait3A_601, %multiple_of3A_3] : memref<16x1000000xf32, #tpu.memory_space<hbm>> -> memref<16x128xf32, #tpu.memory_space<hbm>>
      %dma_wait3A_603 = tpu.memref_slice %arg8[%rem3A_468] : memref<3x!tpu.dma_semaphore, #tpu.memory_space<semaphore_mem>> -> memref<1x!tpu.dma_semaphore, #tpu.memory_space<semaphore_mem>>
      %dma_wait3A_604 = tpu.memref_squeeze %dma_wait3A_603 : memref<1x!tpu.dma_semaphore, #tpu.memory_space<semaphore_mem>> -> memref<!tpu.dma_semaphore, #tpu.memory_space<semaphore_mem>>
      tpu.wait_indirect_dma semaphore(%dma_wait3A_604 : memref<!tpu.dma_semaphore, #tpu.memory_space<semaphore_mem>>) src(%dma_wait3A_602 : memref<16x128xf32, #tpu.memory_space<hbm>>) dst(%dma_wait3A_600 : memref<16x128xf32, #tpu.memory_space<vmem>>)
      %dma_wait3A_605 = arith.constant 14 : i32
      %dma_wait3A_606 = arith.constant 0 : i32
      %dma_wait3A_607 = arith.constant 0 : i32
      %dma_wait3A_608 = tpu.memref_slice %arg6[%rem3A_468, %dma_wait3A_605, %dma_wait3A_606, %dma_wait3A_607] : memref<3x16x16x128xf32, #tpu.memory_space<vmem>> -> memref<1x1x16x128xf32, #tpu.memory_space<vmem>>
      %dma_wait3A_609 = tpu.memref_squeeze %dma_wait3A_608 : memref<1x1x16x128xf32, #tpu.memory_space<vmem>> -> memref<16x128xf32, #tpu.memory_space<vmem>>
      %dma_wait3A_610 = arith.constant 0 : i32
      %dma_wait3A_611 = tpu.memref_slice %arg2[%dma_wait3A_610, %multiple_of3A_3] : memref<16x1000000xf32, #tpu.memory_space<hbm>> -> memref<16x128xf32, #tpu.memory_space<hbm>>
      %dma_wait3A_612 = tpu.memref_slice %arg8[%rem3A_468] : memref<3x!tpu.dma_semaphore, #tpu.memory_space<semaphore_mem>> -> memref<1x!tpu.dma_semaphore, #tpu.memory_space<semaphore_mem>>
      %dma_wait3A_613 = tpu.memref_squeeze %dma_wait3A_612 : memref<1x!tpu.dma_semaphore, #tpu.memory_space<semaphore_mem>> -> memref<!tpu.dma_semaphore, #tpu.memory_space<semaphore_mem>>
      tpu.wait_indirect_dma semaphore(%dma_wait3A_613 : memref<!tpu.dma_semaphore, #tpu.memory_space<semaphore_mem>>) src(%dma_wait3A_611 : memref<16x128xf32, #tpu.memory_space<hbm>>) dst(%dma_wait3A_609 : memref<16x128xf32, #tpu.memory_space<vmem>>)
      %dma_wait3A_614 = arith.constant 15 : i32
      %dma_wait3A_615 = arith.constant 0 : i32
      %dma_wait3A_616 = arith.constant 0 : i32
      %dma_wait3A_617 = tpu.memref_slice %arg6[%rem3A_468, %dma_wait3A_614, %dma_wait3A_615, %dma_wait3A_616] : memref<3x16x16x128xf32, #tpu.memory_space<vmem>> -> memref<1x1x16x128xf32, #tpu.memory_space<vmem>>
      %dma_wait3A_618 = tpu.memref_squeeze %dma_wait3A_617 : memref<1x1x16x128xf32, #tpu.memory_space<vmem>> -> memref<16x128xf32, #tpu.memory_space<vmem>>
      %dma_wait3A_619 = arith.constant 0 : i32
      %dma_wait3A_620 = tpu.memref_slice %arg2[%dma_wait3A_619, %multiple_of3A_3] : memref<16x1000000xf32, #tpu.memory_space<hbm>> -> memref<16x128xf32, #tpu.memory_space<hbm>>
      %dma_wait3A_621 = tpu.memref_slice %arg8[%rem3A_468] : memref<3x!tpu.dma_semaphore, #tpu.memory_space<semaphore_mem>> -> memref<1x!tpu.dma_semaphore, #tpu.memory_space<semaphore_mem>>
      %dma_wait3A_622 = tpu.memref_squeeze %dma_wait3A_621 : memref<1x!tpu.dma_semaphore, #tpu.memory_space<semaphore_mem>> -> memref<!tpu.dma_semaphore, #tpu.memory_space<semaphore_mem>>
      tpu.wait_indirect_dma semaphore(%dma_wait3A_622 : memref<!tpu.dma_semaphore, #tpu.memory_space<semaphore_mem>>) src(%dma_wait3A_620 : memref<16x128xf32, #tpu.memory_space<hbm>>) dst(%dma_wait3A_618 : memref<16x128xf32, #tpu.memory_space<vmem>>)
      %mul3A_623 = arith.constant 16 : i32
      %mul3A_624 = arith.muli %scan3A_467, %mul3A_623 : i32
      %get3A_625 = arith.index_cast %mul3A_624 : i32 to index
      %get3A_626 = tpu.vector_load %arg5[%get3A_625] {strides = array<i32>} : memref<512xi32, #tpu.memory_space<vmem>>, vector<16xi32>,
      %and3A = arith.constant 127 : i32
      %and3A_627 = vector.broadcast %and3A : i32 to vector<16xi32>
      %and3A_628 = arith.andi %get3A_626, %and3A_627 : vector<16xi32>
      %broadcast_in_dim3A = vector.broadcast %rem3A_468 : i32 to vector<16xi32>
      %slice3A_629 = vector.extract_strided_slice %and3A_628 {offsets = [0], sizes = [1], strides = [1]} : vector<16xi32> to vector<1xi32>
      %squeeze3A_630 = vector.extract %slice3A_629[0] : i32 from vector<1xi32>
      %broadcast_in_dim3A_631 = arith.constant 0 : i32
      %broadcast_in_dim3A_632 = vector.broadcast %broadcast_in_dim3A_631 : i32 to vector<16xi32>
      %broadcast_in_dim3A_633 = vector.broadcast %squeeze3A_630 : i32 to vector<16xi32>
      %gather3A = tpu.vector_load_idx %arg6[%broadcast_in_dim3A, %broadcast_in_dim3A_632, %iota3A, %broadcast_in_dim3A_633] : memref<3x16x16x128xf32, #tpu.memory_space<vmem>>[vector<16xi32>, vector<16xi32>, vector<16xi32>, vector<16xi32>], vector<16xf32>,
      %mul3A_634 = arith.constant 16 : i32
      %mul3A_635 = arith.muli %scan3A_467, %mul3A_634 : i32
      %add3A_636 = arith.constant 0 : i32
      %add3A_637 = arith.addi %mul3A_635, %add3A_636 : i32
      %broadcast_in_dim3A_638 = vector.broadcast %add3A_637 : i32 to vector<16xi32>
      tpu.vector_store_idx %arg7[%iota3A, %broadcast_in_dim3A_638], %gather3A : memref<16x512xf32, #tpu.memory_space<vmem>>[vector<16xi32>, vector<16xi32>], vector<16xf32>,
      %slice3A_639 = vector.extract_strided_slice %and3A_628 {offsets = [1], sizes = [1], strides = [1]} : vector<16xi32> to vector<1xi32>
      %squeeze3A_640 = vector.extract %slice3A_639[0] : i32 from vector<1xi32>
      %broadcast_in_dim3A_641 = arith.constant 1 : i32
      %broadcast_in_dim3A_642 = vector.broadcast %broadcast_in_dim3A_641 : i32 to vector<16xi32>
      %broadcast_in_dim3A_643 = vector.broadcast %squeeze3A_640 : i32 to vector<16xi32>
      %gather3A_644 = tpu.vector_load_idx %arg6[%broadcast_in_dim3A, %broadcast_in_dim3A_642, %iota3A, %broadcast_in_dim3A_643] : memref<3x16x16x128xf32, #tpu.memory_space<vmem>>[vector<16xi32>, vector<16xi32>, vector<16xi32>, vector<16xi32>], vector<16xf32>,
      %mul3A_645 = arith.constant 16 : i32
      %mul3A_646 = arith.muli %scan3A_467, %mul3A_645 : i32
      %add3A_647 = arith.constant 1 : i32
      %add3A_648 = arith.addi %mul3A_646, %add3A_647 : i32
      %broadcast_in_dim3A_649 = vector.broadcast %add3A_648 : i32 to vector<16xi32>
      tpu.vector_store_idx %arg7[%iota3A, %broadcast_in_dim3A_649], %gather3A_644 : memref<16x512xf32, #tpu.memory_space<vmem>>[vector<16xi32>, vector<16xi32>], vector<16xf32>,
      %slice3A_650 = vector.extract_strided_slice %and3A_628 {offsets = [2], sizes = [1], strides = [1]} : vector<16xi32> to vector<1xi32>
      %squeeze3A_651 = vector.extract %slice3A_650[0] : i32 from vector<1xi32>
      %broadcast_in_dim3A_652 = arith.constant 2 : i32
      %broadcast_in_dim3A_653 = vector.broadcast %broadcast_in_dim3A_652 : i32 to vector<16xi32>
      %broadcast_in_dim3A_654 = vector.broadcast %squeeze3A_651 : i32 to vector<16xi32>
      %gather3A_655 = tpu.vector_load_idx %arg6[%broadcast_in_dim3A, %broadcast_in_dim3A_653, %iota3A, %broadcast_in_dim3A_654] : memref<3x16x16x128xf32, #tpu.memory_space<vmem>>[vector<16xi32>, vector<16xi32>, vector<16xi32>, vector<16xi32>], vector<16xf32>,
      %mul3A_656 = arith.constant 16 : i32
      %mul3A_657 = arith.muli %scan3A_467, %mul3A_656 : i32
      %add3A_658 = arith.constant 2 : i32
      %add3A_659 = arith.addi %mul3A_657, %add3A_658 : i32
      %broadcast_in_dim3A_660 = vector.broadcast %add3A_659 : i32 to vector<16xi32>
      tpu.vector_store_idx %arg7[%iota3A, %broadcast_in_dim3A_660], %gather3A_655 : memref<16x512xf32, #tpu.memory_space<vmem>>[vector<16xi32>, vector<16xi32>], vector<16xf32>,
      %slice3A_661 = vector.extract_strided_slice %and3A_628 {offsets = [3], sizes = [1], strides = [1]} : vector<16xi32> to vector<1xi32>
      %squeeze3A_662 = vector.extract %slice3A_661[0] : i32 from vector<1xi32>
      %broadcast_in_dim3A_663 = arith.constant 3 : i32
      %broadcast_in_dim3A_664 = vector.broadcast %broadcast_in_dim3A_663 : i32 to vector<16xi32>
      %broadcast_in_dim3A_665 = vector.broadcast %squeeze3A_662 : i32 to vector<16xi32>
      %gather3A_666 = tpu.vector_load_idx %arg6[%broadcast_in_dim3A, %broadcast_in_dim3A_664, %iota3A, %broadcast_in_dim3A_665] : memref<3x16x16x128xf32, #tpu.memory_space<vmem>>[vector<16xi32>, vector<16xi32>, vector<16xi32>, vector<16xi32>], vector<16xf32>,
      %mul3A_667 = arith.constant 16 : i32
      %mul3A_668 = arith.muli %scan3A_467, %mul3A_667 : i32
      %add3A_669 = arith.constant 3 : i32
      %add3A_670 = arith.addi %mul3A_668, %add3A_669 : i32
      %broadcast_in_dim3A_671 = vector.broadcast %add3A_670 : i32 to vector<16xi32>
      tpu.vector_store_idx %arg7[%iota3A, %broadcast_in_dim3A_671], %gather3A_666 : memref<16x512xf32, #tpu.memory_space<vmem>>[vector<16xi32>, vector<16xi32>], vector<16xf32>,
      %slice3A_672 = vector.extract_strided_slice %and3A_628 {offsets = [4], sizes = [1], strides = [1]} : vector<16xi32> to vector<1xi32>
      %squeeze3A_673 = vector.extract %slice3A_672[0] : i32 from vector<1xi32>
      %broadcast_in_dim3A_674 = arith.constant 4 : i32
      %broadcast_in_dim3A_675 = vector.broadcast %broadcast_in_dim3A_674 : i32 to vector<16xi32>
      %broadcast_in_dim3A_676 = vector.broadcast %squeeze3A_673 : i32 to vector<16xi32>
      %gather3A_677 = tpu.vector_load_idx %arg6[%broadcast_in_dim3A, %broadcast_in_dim3A_675, %iota3A, %broadcast_in_dim3A_676] : memref<3x16x16x128xf32, #tpu.memory_space<vmem>>[vector<16xi32>, vector<16xi32>, vector<16xi32>, vector<16xi32>], vector<16xf32>,
      %mul3A_678 = arith.constant 16 : i32
      %mul3A_679 = arith.muli %scan3A_467, %mul3A_678 : i32
      %add3A_680 = arith.constant 4 : i32
      %add3A_681 = arith.addi %mul3A_679, %add3A_680 : i32
      %broadcast_in_dim3A_682 = vector.broadcast %add3A_681 : i32 to vector<16xi32>
      tpu.vector_store_idx %arg7[%iota3A, %broadcast_in_dim3A_682], %gather3A_677 : memref<16x512xf32, #tpu.memory_space<vmem>>[vector<16xi32>, vector<16xi32>], vector<16xf32>,
      %slice3A_683 = vector.extract_strided_slice %and3A_628 {offsets = [5], sizes = [1], strides = [1]} : vector<16xi32> to vector<1xi32>
      %squeeze3A_684 = vector.extract %slice3A_683[0] : i32 from vector<1xi32>
      %broadcast_in_dim3A_685 = arith.constant 5 : i32
      %broadcast_in_dim3A_686 = vector.broadcast %broadcast_in_dim3A_685 : i32 to vector<16xi32>
      %broadcast_in_dim3A_687 = vector.broadcast %squeeze3A_684 : i32 to vector<16xi32>
      %gather3A_688 = tpu.vector_load_idx %arg6[%broadcast_in_dim3A, %broadcast_in_dim3A_686, %iota3A, %broadcast_in_dim3A_687] : memref<3x16x16x128xf32, #tpu.memory_space<vmem>>[vector<16xi32>, vector<16xi32>, vector<16xi32>, vector<16xi32>], vector<16xf32>,
      %mul3A_689 = arith.constant 16 : i32
      %mul3A_690 = arith.muli %scan3A_467, %mul3A_689 : i32
      %add3A_691 = arith.constant 5 : i32
      %add3A_692 = arith.addi %mul3A_690, %add3A_691 : i32
      %broadcast_in_dim3A_693 = vector.broadcast %add3A_692 : i32 to vector<16xi32>
      tpu.vector_store_idx %arg7[%iota3A, %broadcast_in_dim3A_693], %gather3A_688 : memref<16x512xf32, #tpu.memory_space<vmem>>[vector<16xi32>, vector<16xi32>], vector<16xf32>,
      %slice3A_694 = vector.extract_strided_slice %and3A_628 {offsets = [6], sizes = [1], strides = [1]} : vector<16xi32> to vector<1xi32>
      %squeeze3A_695 = vector.extract %slice3A_694[0] : i32 from vector<1xi32>
      %broadcast_in_dim3A_696 = arith.constant 6 : i32
      %broadcast_in_dim3A_697 = vector.broadcast %broadcast_in_dim3A_696 : i32 to vector<16xi32>
      %broadcast_in_dim3A_698 = vector.broadcast %squeeze3A_695 : i32 to vector<16xi32>
      %gather3A_699 = tpu.vector_load_idx %arg6[%broadcast_in_dim3A, %broadcast_in_dim3A_697, %iota3A, %broadcast_in_dim3A_698] : memref<3x16x16x128xf32, #tpu.memory_space<vmem>>[vector<16xi32>, vector<16xi32>, vector<16xi32>, vector<16xi32>], vector<16xf32>,
      %mul3A_700 = arith.constant 16 : i32
      %mul3A_701 = arith.muli %scan3A_467, %mul3A_700 : i32
      %add3A_702 = arith.constant 6 : i32
      %add3A_703 = arith.addi %mul3A_701, %add3A_702 : i32
      %broadcast_in_dim3A_704 = vector.broadcast %add3A_703 : i32 to vector<16xi32>
      tpu.vector_store_idx %arg7[%iota3A, %broadcast_in_dim3A_704], %gather3A_699 : memref<16x512xf32, #tpu.memory_space<vmem>>[vector<16xi32>, vector<16xi32>], vector<16xf32>,
      %slice3A_705 = vector.extract_strided_slice %and3A_628 {offsets = [7], sizes = [1], strides = [1]} : vector<16xi32> to vector<1xi32>
      %squeeze3A_706 = vector.extract %slice3A_705[0] : i32 from vector<1xi32>
      %broadcast_in_dim3A_707 = arith.constant 7 : i32
      %broadcast_in_dim3A_708 = vector.broadcast %broadcast_in_dim3A_707 : i32 to vector<16xi32>
      %broadcast_in_dim3A_709 = vector.broadcast %squeeze3A_706 : i32 to vector<16xi32>
      %gather3A_710 = tpu.vector_load_idx %arg6[%broadcast_in_dim3A, %broadcast_in_dim3A_708, %iota3A, %broadcast_in_dim3A_709] : memref<3x16x16x128xf32, #tpu.memory_space<vmem>>[vector<16xi32>, vector<16xi32>, vector<16xi32>, vector<16xi32>], vector<16xf32>,
      %mul3A_711 = arith.constant 16 : i32
      %mul3A_712 = arith.muli %scan3A_467, %mul3A_711 : i32
      %add3A_713 = arith.constant 7 : i32
      %add3A_714 = arith.addi %mul3A_712, %add3A_713 : i32
      %broadcast_in_dim3A_715 = vector.broadcast %add3A_714 : i32 to vector<16xi32>
      tpu.vector_store_idx %arg7[%iota3A, %broadcast_in_dim3A_715], %gather3A_710 : memref<16x512xf32, #tpu.memory_space<vmem>>[vector<16xi32>, vector<16xi32>], vector<16xf32>,
      %slice3A_716 = vector.extract_strided_slice %and3A_628 {offsets = [8], sizes = [1], strides = [1]} : vector<16xi32> to vector<1xi32>
      %squeeze3A_717 = vector.extract %slice3A_716[0] : i32 from vector<1xi32>
      %broadcast_in_dim3A_718 = arith.constant 8 : i32
      %broadcast_in_dim3A_719 = vector.broadcast %broadcast_in_dim3A_718 : i32 to vector<16xi32>
      %broadcast_in_dim3A_720 = vector.broadcast %squeeze3A_717 : i32 to vector<16xi32>
      %gather3A_721 = tpu.vector_load_idx %arg6[%broadcast_in_dim3A, %broadcast_in_dim3A_719, %iota3A, %broadcast_in_dim3A_720] : memref<3x16x16x128xf32, #tpu.memory_space<vmem>>[vector<16xi32>, vector<16xi32>, vector<16xi32>, vector<16xi32>], vector<16xf32>,
      %mul3A_722 = arith.constant 16 : i32
      %mul3A_723 = arith.muli %scan3A_467, %mul3A_722 : i32
      %add3A_724 = arith.constant 8 : i32
      %add3A_725 = arith.addi %mul3A_723, %add3A_724 : i32
      %broadcast_in_dim3A_726 = vector.broadcast %add3A_725 : i32 to vector<16xi32>
      tpu.vector_store_idx %arg7[%iota3A, %broadcast_in_dim3A_726], %gather3A_721 : memref<16x512xf32, #tpu.memory_space<vmem>>[vector<16xi32>, vector<16xi32>], vector<16xf32>,
      %slice3A_727 = vector.extract_strided_slice %and3A_628 {offsets = [9], sizes = [1], strides = [1]} : vector<16xi32> to vector<1xi32>
      %squeeze3A_728 = vector.extract %slice3A_727[0] : i32 from vector<1xi32>
      %broadcast_in_dim3A_729 = arith.constant 9 : i32
      %broadcast_in_dim3A_730 = vector.broadcast %broadcast_in_dim3A_729 : i32 to vector<16xi32>
      %broadcast_in_dim3A_731 = vector.broadcast %squeeze3A_728 : i32 to vector<16xi32>
      %gather3A_732 = tpu.vector_load_idx %arg6[%broadcast_in_dim3A, %broadcast_in_dim3A_730, %iota3A, %broadcast_in_dim3A_731] : memref<3x16x16x128xf32, #tpu.memory_space<vmem>>[vector<16xi32>, vector<16xi32>, vector<16xi32>, vector<16xi32>], vector<16xf32>,
      %mul3A_733 = arith.constant 16 : i32
      %mul3A_734 = arith.muli %scan3A_467, %mul3A_733 : i32
      %add3A_735 = arith.constant 9 : i32
      %add3A_736 = arith.addi %mul3A_734, %add3A_735 : i32
      %broadcast_in_dim3A_737 = vector.broadcast %add3A_736 : i32 to vector<16xi32>
      tpu.vector_store_idx %arg7[%iota3A, %broadcast_in_dim3A_737], %gather3A_732 : memref<16x512xf32, #tpu.memory_space<vmem>>[vector<16xi32>, vector<16xi32>], vector<16xf32>,
      %slice3A_738 = vector.extract_strided_slice %and3A_628 {offsets = [10], sizes = [1], strides = [1]} : vector<16xi32> to vector<1xi32>
      %squeeze3A_739 = vector.extract %slice3A_738[0] : i32 from vector<1xi32>
      %broadcast_in_dim3A_740 = arith.constant 10 : i32
      %broadcast_in_dim3A_741 = vector.broadcast %broadcast_in_dim3A_740 : i32 to vector<16xi32>
      %broadcast_in_dim3A_742 = vector.broadcast %squeeze3A_739 : i32 to vector<16xi32>
      %gather3A_743 = tpu.vector_load_idx %arg6[%broadcast_in_dim3A, %broadcast_in_dim3A_741, %iota3A, %broadcast_in_dim3A_742] : memref<3x16x16x128xf32, #tpu.memory_space<vmem>>[vector<16xi32>, vector<16xi32>, vector<16xi32>, vector<16xi32>], vector<16xf32>,
      %mul3A_744 = arith.constant 16 : i32
      %mul3A_745 = arith.muli %scan3A_467, %mul3A_744 : i32
      %add3A_746 = arith.constant 10 : i32
      %add3A_747 = arith.addi %mul3A_745, %add3A_746 : i32
      %broadcast_in_dim3A_748 = vector.broadcast %add3A_747 : i32 to vector<16xi32>
      tpu.vector_store_idx %arg7[%iota3A, %broadcast_in_dim3A_748], %gather3A_743 : memref<16x512xf32, #tpu.memory_space<vmem>>[vector<16xi32>, vector<16xi32>], vector<16xf32>,
      %slice3A_749 = vector.extract_strided_slice %and3A_628 {offsets = [11], sizes = [1], strides = [1]} : vector<16xi32> to vector<1xi32>
      %squeeze3A_750 = vector.extract %slice3A_749[0] : i32 from vector<1xi32>
      %broadcast_in_dim3A_751 = arith.constant 11 : i32
      %broadcast_in_dim3A_752 = vector.broadcast %broadcast_in_dim3A_751 : i32 to vector<16xi32>
      %broadcast_in_dim3A_753 = vector.broadcast %squeeze3A_750 : i32 to vector<16xi32>
      %gather3A_754 = tpu.vector_load_idx %arg6[%broadcast_in_dim3A, %broadcast_in_dim3A_752, %iota3A, %broadcast_in_dim3A_753] : memref<3x16x16x128xf32, #tpu.memory_space<vmem>>[vector<16xi32>, vector<16xi32>, vector<16xi32>, vector<16xi32>], vector<16xf32>,
      %mul3A_755 = arith.constant 16 : i32
      %mul3A_756 = arith.muli %scan3A_467, %mul3A_755 : i32
      %add3A_757 = arith.constant 11 : i32
      %add3A_758 = arith.addi %mul3A_756, %add3A_757 : i32
      %broadcast_in_dim3A_759 = vector.broadcast %add3A_758 : i32 to vector<16xi32>
      tpu.vector_store_idx %arg7[%iota3A, %broadcast_in_dim3A_759], %gather3A_754 : memref<16x512xf32, #tpu.memory_space<vmem>>[vector<16xi32>, vector<16xi32>], vector<16xf32>,
      %slice3A_760 = vector.extract_strided_slice %and3A_628 {offsets = [12], sizes = [1], strides = [1]} : vector<16xi32> to vector<1xi32>
      %squeeze3A_761 = vector.extract %slice3A_760[0] : i32 from vector<1xi32>
      %broadcast_in_dim3A_762 = arith.constant 12 : i32
      %broadcast_in_dim3A_763 = vector.broadcast %broadcast_in_dim3A_762 : i32 to vector<16xi32>
      %broadcast_in_dim3A_764 = vector.broadcast %squeeze3A_761 : i32 to vector<16xi32>
      %gather3A_765 = tpu.vector_load_idx %arg6[%broadcast_in_dim3A, %broadcast_in_dim3A_763, %iota3A, %broadcast_in_dim3A_764] : memref<3x16x16x128xf32, #tpu.memory_space<vmem>>[vector<16xi32>, vector<16xi32>, vector<16xi32>, vector<16xi32>], vector<16xf32>,
      %mul3A_766 = arith.constant 16 : i32
      %mul3A_767 = arith.muli %scan3A_467, %mul3A_766 : i32
      %add3A_768 = arith.constant 12 : i32
      %add3A_769 = arith.addi %mul3A_767, %add3A_768 : i32
      %broadcast_in_dim3A_770 = vector.broadcast %add3A_769 : i32 to vector<16xi32>
      tpu.vector_store_idx %arg7[%iota3A, %broadcast_in_dim3A_770], %gather3A_765 : memref<16x512xf32, #tpu.memory_space<vmem>>[vector<16xi32>, vector<16xi32>], vector<16xf32>,
      %slice3A_771 = vector.extract_strided_slice %and3A_628 {offsets = [13], sizes = [1], strides = [1]} : vector<16xi32> to vector<1xi32>
      %squeeze3A_772 = vector.extract %slice3A_771[0] : i32 from vector<1xi32>
      %broadcast_in_dim3A_773 = arith.constant 13 : i32
      %broadcast_in_dim3A_774 = vector.broadcast %broadcast_in_dim3A_773 : i32 to vector<16xi32>
      %broadcast_in_dim3A_775 = vector.broadcast %squeeze3A_772 : i32 to vector<16xi32>
      %gather3A_776 = tpu.vector_load_idx %arg6[%broadcast_in_dim3A, %broadcast_in_dim3A_774, %iota3A, %broadcast_in_dim3A_775] : memref<3x16x16x128xf32, #tpu.memory_space<vmem>>[vector<16xi32>, vector<16xi32>, vector<16xi32>, vector<16xi32>], vector<16xf32>,
      %mul3A_777 = arith.constant 16 : i32
      %mul3A_778 = arith.muli %scan3A_467, %mul3A_777 : i32
      %add3A_779 = arith.constant 13 : i32
      %add3A_780 = arith.addi %mul3A_778, %add3A_779 : i32
      %broadcast_in_dim3A_781 = vector.broadcast %add3A_780 : i32 to vector<16xi32>
      tpu.vector_store_idx %arg7[%iota3A, %broadcast_in_dim3A_781], %gather3A_776 : memref<16x512xf32, #tpu.memory_space<vmem>>[vector<16xi32>, vector<16xi32>], vector<16xf32>,
      %slice3A_782 = vector.extract_strided_slice %and3A_628 {offsets = [14], sizes = [1], strides = [1]} : vector<16xi32> to vector<1xi32>
      %squeeze3A_783 = vector.extract %slice3A_782[0] : i32 from vector<1xi32>
      %broadcast_in_dim3A_784 = arith.constant 14 : i32
      %broadcast_in_dim3A_785 = vector.broadcast %broadcast_in_dim3A_784 : i32 to vector<16xi32>
      %broadcast_in_dim3A_786 = vector.broadcast %squeeze3A_783 : i32 to vector<16xi32>
      %gather3A_787 = tpu.vector_load_idx %arg6[%broadcast_in_dim3A, %broadcast_in_dim3A_785, %iota3A, %broadcast_in_dim3A_786] : memref<3x16x16x128xf32, #tpu.memory_space<vmem>>[vector<16xi32>, vector<16xi32>, vector<16xi32>, vector<16xi32>], vector<16xf32>,
      %mul3A_788 = arith.constant 16 : i32
      %mul3A_789 = arith.muli %scan3A_467, %mul3A_788 : i32
      %add3A_790 = arith.constant 14 : i32
      %add3A_791 = arith.addi %mul3A_789, %add3A_790 : i32
      %broadcast_in_dim3A_792 = vector.broadcast %add3A_791 : i32 to vector<16xi32>
      tpu.vector_store_idx %arg7[%iota3A, %broadcast_in_dim3A_792], %gather3A_787 : memref<16x512xf32, #tpu.memory_space<vmem>>[vector<16xi32>, vector<16xi32>], vector<16xf32>,
      %slice3A_793 = vector.extract_strided_slice %and3A_628 {offsets = [15], sizes = [1], strides = [1]} : vector<16xi32> to vector<1xi32>
      %squeeze3A_794 = vector.extract %slice3A_793[0] : i32 from vector<1xi32>
      %broadcast_in_dim3A_795 = arith.constant 15 : i32
      %broadcast_in_dim3A_796 = vector.broadcast %broadcast_in_dim3A_795 : i32 to vector<16xi32>
      %broadcast_in_dim3A_797 = vector.broadcast %squeeze3A_794 : i32 to vector<16xi32>
      %gather3A_798 = tpu.vector_load_idx %arg6[%broadcast_in_dim3A, %broadcast_in_dim3A_796, %iota3A, %broadcast_in_dim3A_797] : memref<3x16x16x128xf32, #tpu.memory_space<vmem>>[vector<16xi32>, vector<16xi32>, vector<16xi32>, vector<16xi32>], vector<16xf32>,
      %mul3A_799 = arith.constant 16 : i32
      %mul3A_800 = arith.muli %scan3A_467, %mul3A_799 : i32
      %add3A_801 = arith.constant 15 : i32
      %add3A_802 = arith.addi %mul3A_800, %add3A_801 : i32
      %broadcast_in_dim3A_803 = vector.broadcast %add3A_802 : i32 to vector<16xi32>
      tpu.vector_store_idx %arg7[%iota3A, %broadcast_in_dim3A_803], %gather3A_798 : memref<16x512xf32, #tpu.memory_space<vmem>>[vector<16xi32>, vector<16xi32>], vector<16xf32>,
    }
    %scan3A_466 = arith.constant 32 : i32
    "tpu.region"() ({
      %run_scoped3A = tpu.sem_alloc : memref<!tpu.dma_semaphore, #tpu.memory_space<semaphore_mem>>
      %dma_start3A_467 = arith.constant 0 : i32
      %dma_start3A_468 = tpu.memref_slice %arg4[%dma_start3A_467, %mul3A_2] : memref<16x16384xf32, #tpu.memory_space<hbm>> -> memref<16x512xf32, #tpu.memory_space<hbm>>
      %dma_start3A_469 = arith.constant 0 : i32
      %dma_start3A_470 = tpu.memref_slice %arg4[%dma_start3A_469, %mul3A_2] : memref<16x16384xf32, #tpu.memory_space<hbm>> -> memref<16x512xf32, #tpu.memory_space<hbm>>
      tpu.enqueue_dma source(%arg7 : memref<16x512xf32, #tpu.memory_space<vmem>>) target(%dma_start3A_470 : memref<16x512xf32, #tpu.memory_space<hbm>>) target_semaphore(%run_scoped3A : memref<!tpu.dma_semaphore, #tpu.memory_space<semaphore_mem>>)
      %dma_wait3A = arith.constant 0 : i32
      %dma_wait3A_471 = tpu.memref_slice %arg4[%dma_wait3A, %mul3A_2] : memref<16x16384xf32, #tpu.memory_space<hbm>> -> memref<16x512xf32, #tpu.memory_space<hbm>>
      %dma_wait3A_472 = arith.constant 0 : i32
      %dma_wait3A_473 = tpu.memref_slice %arg4[%dma_wait3A_472, %mul3A_2] : memref<16x16384xf32, #tpu.memory_space<hbm>> -> memref<16x512xf32, #tpu.memory_space<hbm>>
      tpu.wait_dma2 semaphore(%run_scoped3A : memref<!tpu.dma_semaphore, #tpu.memory_space<semaphore_mem>>) src(%arg7 : memref<16x512xf32, #tpu.memory_space<vmem>>) dst(%dma_wait3A_473 : memref<16x512xf32, #tpu.memory_space<hbm>>)
      tpu.yield
    }) : () -> ()
    return
  }
}

</mosaic_0001>

<sc_bundles>
// kernel: kernel.3.cloned.1.call-start
scs
__scs_entry_jumppad:
0x0: {  	(pc) =	sbr.rel $0x88, $3  }
0x1: {  	(tag) =	ssettag $0x0;
	lr =	simm.s32 $0x1  }
0x2: {  	[smem:$0x3F9F] =	sst lr;
	_ =	strace $0xD0000000  }
0x3: {  	_ = 	snop  }
0x4: {  	_ = 	snop  }
0x5: {  	_ = 	snop  }
0x6: {  	_ = 	snop  }
0x7: {  	_ = 	snop  }
__scs_overlays_trampoline_lowered:
0x8: {  	[smem:$0x3FAE] =	sst s0  }
0x9: {  	[smem:$0x3FAF] =	sst s1  }
0xa: {  	[smem:$0x3FB0] =	sst s2  }
0xb: {  	[smem:$0x3FB1] =	sst s3  }
0xc: {  	[smem:$0x3FB2] =	sst s4  }
0xd: {  	[smem:$0x3FB3] =	sst s5  }
0xe: {  	[smem:$0x3FB4] =	sst s6  }
0xf: {  	[smem:$0x3FB5] =	sst s7  }
0x10: {  	[smem:$0x3FB6] =	sst s8  }
0x11: {  	[smem:$0x3FB7] =	sst s9;
	s0 =	simm.s32 @!p0 $0x0  }
0x12: {  	s1 =	sld [smem:$0x3F9D];
	s0 =	simm.s32 @p0 $0x1  }
0x13: {  	[smem:$0x3FB8] =	sst s0;
	s0 =	simm.s32 @!p1 $0x0  }
0x14: {  	s2 =	sld [smem:$0x3F9C];
	s0 =	simm.s32 @p1 $0x1  }
0x15: {  	[smem:$0x3FB9] =	sst s0;
	s0 =	simm.s32 @!p2 $0x0  }
0x16: {  	s3 =	sld [smem:$0x3FDB];
	s0 =	simm.s32 @p2 $0x1  }
0x17: {  	s4 =	simm.s32 $0x1BF5;
	[smem:$0x3FBB] =	sst s0  }
0x18: {  	s0 =	sld [smem:$0x3F9E];
	_ =	swait.ge [sflag:s4], $0x0  }
0x19: {  	s7 =	sld [smem:$0x3F9F]  }
0x1a: {  	s8 =	sadd.s32 $0xFFFFE003, lr  }
0x1b: {  	s9 =	sadd.s32 $0xFFFFFEF7, lr;
	s5 =	simm.s32 $0xFFFFFFFF;
	p2 =	slt.u32 s8, $0xFFFFF086  }
0x1c: {  	p1 =	slt.u32 s9, $0xF7A;
	s5 =	simm.s32 @!p2 $0x0  }
0x1d: {  	s5 =	simm.s32 @p1 $0x1;
	p0 =	seq.s32 s7, s2  }
0x1e: {  	s7 =	smul.u32 @!p0 $0xF7A, s2;
	p2 =	seq.s32 @!p0 s5, $0x0  }
0x1f: {  	s9 =	smul.u32 $0xF7A, s1;
	s8 =	simm.s32 @!p0 $0x1BF5;
	p2 =	por !p2, p0  }
0x20: {  	[sflag:s8] =	ssyncset.s32 @!p0 $0xFFFFF086;
	s6 =	sadd.s32 @!p0 s3, s7;
	s7 =	simm.s32 @!p0 $0x108  }
0x21: {  	s3 =	sadd.s32 s3, s9;
	s6 =	sadd.s32 @!p0 $0x88, s6;
	s7 =	simm.s32 @p2 $0x1082  }
0x22: {  	[simem:s7], [sflag:s8] =	dma.local @!p0 [hbm:s6], $0xF7A  }
0x23: {  	s9 =	sor.u32 $0xD0000000, s2;
	s6 =	simm.s32 $0x108;
	_ =	swait.ge @!p0 [sflag:s8], $0x0  }
0x24: {  	s3 =	sadd.s32 $0x88, s3;
	s6 =	simm.s32 @!p1 $0x1082;
	[sflag:s4] =	ssyncset.s32 $0xFFFFF086  }
0x25: {  	[simem:s6], [sflag:s4] =	dma.local [hbm:s3], $0xF7A  }
0x26: {  	[smem:$0x3F9F] =	sst s1;
	(tag) =	ssettag s2;
	_ =	strace s9  }
0x27: {  	s1 =	sld [smem:$0x3FAF]  }
0x28: {  	s2 =	sld [smem:$0x3FB0]  }
0x29: {  	s4 =	sld [smem:$0x3FB2]  }
0x2a: {  	p0 =	seq.s32 s5, $0x0;
	s5 =	sld [smem:$0x3FB3]  }
0x2b: {  	s6 =	sld [smem:$0x3FB4]  }
0x2c: {  	s7 =	sld [smem:$0x3FB5]  }
0x2d: {  	s3 =	simm.s32 $0x108;
	s8 =	sld [smem:$0x3FB6]  }
0x2e: {  	s3 =	simm.s32 @!p0 $0x1082;
	s9 =	sld [smem:$0x3FB7]  }
0x2f: {  	lr =	sadd.s32 s0, s3;
	s0 =	sld [smem:$0x3FAE]  }
0x30: {  	s3 =	sld [smem:$0x3FB1]  }
0x31: {  	[smem:$0x3FBA] =	sst s10  }
0x32: {  	s10 =	sld [smem:$0x3FB8];
	_ =	sdelay $0x3  }
0x33: {  	p0 =	seq.s32 s10, $0x1;
	s10 =	sld [smem:$0x3FBA];
	_ =	sdelay $0x3  }
0x34: {  	[smem:$0x3FBA] =	sst s10  }
0x35: {  	s10 =	sld [smem:$0x3FB9];
	_ =	sdelay $0x3  }
0x36: {  	p1 =	seq.s32 s10, $0x1;
	s10 =	sld [smem:$0x3FBA];
	_ =	sdelay $0x3  }
0x37: {  	[smem:$0x3FBA] =	sst s10  }
0x38: {  	s10 =	sld [smem:$0x3FBB]  }
0x39: {  	_ = 	snop;
	(pc) =	sbr.ind lr, $3  }
0x3a: {  	_ = 	snop  }
0x3b: {  	_ = 	snop  }
0x3c: {  	p2 =	seq.s32 s10, $0x1;
	s10 =	sld [smem:$0x3FBA]  }
0x3d: {  	_ =	shalt  }
0x3e: {  	_ =	shalt  }
0x3f: {  	_ =	shalt  }
0x40: {  	_ =	shalt  }
0x41: {  	_ =	shalt  }
0x42: {  	_ =	shalt  }
0x43: {  	_ =	shalt  }
0x44: {  	_ =	shalt  }
0x45: {  	_ =	shalt  }
0x46: {  	_ =	shalt  }
0x47: {  	_ =	shalt  }
0x48: {  	_ =	shalt  }
0x49: {  	_ =	shalt  }
0x4a: {  	_ =	shalt  }
0x4b: {  	_ =	shalt  }
0x4c: {  	_ =	shalt  }
0x4d: {  	_ =	shalt  }
0x4e: {  	_ =	shalt  }
0x4f: {  	_ =	shalt  }
0x50: {  	_ =	shalt  }
0x51: {  	_ =	shalt  }
0x52: {  	_ =	shalt  }
0x53: {  	_ =	shalt  }
0x54: {  	_ =	shalt  }
0x55: {  	_ =	shalt  }
0x56: {  	_ =	shalt  }
0x57: {  	_ =	shalt  }
0x58: {  	_ =	shalt  }
0x59: {  	_ =	shalt  }
0x5a: {  	_ =	shalt  }
0x5b: {  	_ =	shalt  }
0x5c: {  	_ =	shalt  }
0x5d: {  	_ =	shalt  }
0x5e: {  	_ =	shalt  }
0x5f: {  	_ =	shalt  }
0x60: {  	_ =	shalt  }
0x61: {  	_ =	shalt  }
0x62: {  	_ =	shalt  }
0x63: {  	_ =	shalt  }
0x64: {  	_ =	shalt  }
0x65: {  	_ =	shalt  }
0x66: {  	_ =	shalt  }
0x67: {  	_ =	shalt  }
0x68: {  	_ =	shalt  }
0x69: {  	_ =	shalt  }
0x6a: {  	_ =	shalt  }
0x6b: {  	_ =	shalt  }
0x6c: {  	_ =	shalt  }
0x6d: {  	_ =	shalt  }
0x6e: {  	_ =	shalt  }
0x6f: {  	_ =	shalt  }
0x70: {  	_ =	shalt  }
0x71: {  	_ =	shalt  }
0x72: {  	_ =	shalt  }
0x73: {  	_ =	shalt  }
0x74: {  	_ =	shalt  }
0x75: {  	_ =	shalt  }
0x76: {  	_ =	shalt  }
0x77: {  	_ =	shalt  }
0x78: {  	_ =	shalt  }
0x79: {  	_ =	shalt  }
0x7a: {  	_ =	shalt  }
0x7b: {  	_ =	shalt  }
0x7c: {  	_ =	shalt  }
0x7d: {  	_ =	shalt  }
0x7e: {  	_ =	shalt  }
0x7f: {  	_ =	shalt  }
0x80: {  	_ =	shalt  }
0x81: {  	_ =	shalt  }
0x82: {  	_ =	shalt  }
0x83: {  	_ =	shalt  }
0x84: {  	_ =	shalt  }
0x85: {  	_ =	shalt  }
0x86: {  	_ =	shalt  }
0x87: {  	_ =	shalt  }
.Lfunc_end0:
.L_simem_size_0:
called_computation_lowered:
.L_overlay_start_0:
0x88: {  	s2 =	sld [smem:$0x3FD9]  }
0x89: {  	s3 =	sld [smem:$0x3FFE];
	_ =	sdelay $0x1  }
0x8a: {  	s1 =	srdreg.scid  }
0x8b: {  	s0 =	sand.u32 $0x1, s1  }
0x8c: {  	s18 =	sshll.u32 s0, $0xA;
	s2 =	sadd.s32 s3, s2  }
0x8d: {  	s2 =	sadd.s32 s2, s18  }
0x8e: {  	[smem:$0x3FC6] =	sst s2  }
0x8f: {  	_ = 	snop  }
0x90: {  	s2 =	sld [smem:$0x3FC9]  }
0x91: {  	s19 =	sld [smem:$0x3FC8]  }
0x92: {  	s4 =	sld [smem:$0x3FD0];
	(tm) =	ssettm $0x1  }
0x93: {  	s5 =	sld [smem:$0x3FFB];
	_ =	sdelay $0x3  }
0x94: {  	_ =	strace s5  }
0x95: {  	s5 =	sld [smem:$0x3FFC];
	_ =	sdelay $0x3  }
0x96: {  	_ =	strace s5  }
0x97: {  	s5 =	sld [smem:$0x3FFD];
	_ =	sdelay $0x3  }
0x98: {  	_ =	strace s5  }
0x99: {  	_ =	strace $0x8FFFFFFF  }
0x9a: {  	s20 =	sld [smem:$0x3FDB];
	_ =	sdelay $0x1  }
0x9b: {  	s6 =	simm.s32 $_scs_section_size  }
0x9c: {  	s7 =	simm.s32 $_size__tile_overlayer_lowered;
	s8 =	simm.s32 $_tile_overlayer_lowered  }
0x9d: {  	s23 =	simm.s32 $0x1BFF;
	s22 =	sshll.u32 s8, $0x1;
	s5 =	sadd.s32 s6, s20  }
0x9e: {  	s9 =	simm.s32 $0x0;
	s21 =	sshll.u32 s7, $0x1;
	s7 =	sadd.s32 s22, s5  }
0x9f: {  	[timem:s9], [sflag:s23] =	dma.local [hbm:s7], s21  }
0xa0: {  	_ =	swait.ge [sflag:s23], s21  }
0xa1: {  	s6 =	ssub.s32 $0x0, s21;
	[sflag:s23] =	ssyncset.done $0x0  }
0xa2: {  	[sflag:s23] =	ssyncadd.s32 s6;
	_ =	sdelay $0x1  }
0xa3: {  	s24 =	simm.s32 $0x1B8B  }
0xa4: {  	_ =	swait.ge [sflag:s24], $0x1  }
0xa5: {  	[sflag:s24] =	ssyncset.done $0x0  }
0xa6: {  	s25 =	simm.s32 $0x1B8E;
	[sflag:s24] =	ssyncadd.s32 $0xFFFFFFFF  }
0xa7: {  	s26 =	simm.s32 $execute0_lowered;
	[smem:$0x3FD2] =	sst s25  }
0xa8: {  	s6 =	sshll.u32 s26, $0x1;
	_ =	strace $0x80000046;
	[dreg:$0x1] =	wrdreg $0xFFFFFFFF  }
0xa9: {  	s28 =	simm.s32 $_size_execute0_lowered;
	s5 =	sadd.s32 s5, s6;
	[dreg:$0x0] =	wrdreg $0x0  }
0xaa: {  	s6 =	sshll.u32 s28, $0x1;
	[dreg:$0x2] =	wrdreg s5  }
0xab: {  	[dreg:$0x3] =	wrdreg s6  }
0xac: {  	[dreg:$0x4] =	wrdreg $0xC0  }
0xad: {  	_ =	task [dreg:s9], $0x5FFFF  }
0xae: {  	[dreg:$0x1] =	wrdreg $0xFFFFFFFF  }
0xaf: {  	[dreg:$0x0] =	wrdreg $0x60  }
0xb0: {  	[dreg:$0x2] =	wrdreg s19  }
0xb1: {  	[dreg:$0x3] =	wrdreg s2  }
0xb2: {  	[dreg:$0x4] =	wrdreg s4  }
0xb3: {  	[dreg:$0x5] =	wrdreg $0x9  }
0xb4: {  	_ =	task.clear_ibuf [dreg:s9], $0x6FFFF;
	_ =	strace $0x90000046  }
0xb5: {  	s29 =	simm.s32 $0x9;
	_ =	strace $0x80000048  }
0xb6: {  	_ =	swait.ge [sflag:s29], $0x1  }
0xb7: {  	[sflag:s29] =	ssyncadd.s32 $0xFFFFFFFF  }
0xb8: {  	_ =	strace $0x90000048  }
0xb9: {  	_ =	sfence  }
0xba: {  	s30 =	sld [smem:$0x0];
	_ =	sdelay $0x2  }
0xbb: {  	s31 =	sshll.u32 s1, $0xD;
	s1 =	sshrl.u32 s1, $0x2  }
0xbc: {  	s3 =	sand.u32 $0x4000, s31;
	s1 =	sadd.s32 s1, s30  }
0xbd: {  	s0 =	sor.u32 s3, s0;
	s1 =	sshll.u32 s1, $0x11  }
0xbe: {  	s0 =	sor.u32 s1, s0  }
0xbf: {  	s0 =	sadd.s32 $0x8F2B, s0  }
0xc0: {  	[sflag:s0] =	ssyncadd.remote.s32 $0x1  }
0xc1: {  	_ =	sfence.sel $0xFFFF  }
0xc2: {  	[dreg:$0x0] =	wrdreg $0xFFFFFFFF;
	(pc) =	sbr.abs _section_cstart, $3  }
0xc3: {  	[dreg:$0x1] =	wrdreg $0xFFFFFFFF  }
0xc4: {  	_ =	task.clear_ibuf [dreg:s9], $0x2FFFF;
	_ =	strace $0x9FFFFFFF  }
0xc5: {  	(tm) =	ssettm $0x7FFFFFFF  }
tec
execute0_lowered:
.L_overlay_start_1:
0x0: {  	(tag) =	ssettag $0x1  }
0x1: {  	v0 =	vimm.s32 $0x76543210;
	vm0 =	vcmask $0x1F00  }
0x2: {  	vm7 =	vcmask $0x2320;
	vm6 =	vcmask $0x2724;
	vm5 =	vcmask $0x2B28  }
0x3: {  	vm4 =	vcmask $0x2F2C;
	vm3 =	vcmask $0x3330;
	vm2 =	vcmask $0x3734  }
0x4: {  	vm1 =	vcmask $0x3B38;
	v14 =	vlaneseq.u32;
	v1 =	vimm.s32 $0x1  }
0x5: {  	v2 =	vimm.s32 $0x2;
	v3 =	vimm.s32 $0x3;
	v4 =	vimm.s32 $0x4  }
0x6: {  	v5 =	vimm.s32 $0x5;
	v6 =	vimm.s32 $0x6;
	v7 =	vimm.s32 $0x7  }
0x7: {  	v8 =	vimm.s32 $0x8;
	v9 =	vimm.s32 $0x1380;
	v0 =	vunpack.c.l.s4.s8 v0  }
0x8: {  	vm8 =	vcmask $0x300;
	v10 =	vimm.s32 $0x9;
	vm13 =	vcmask $0x704  }
0x9: {  	vm14 =	vcmask $0xB08;
	vm15 =	vcmask $0xF0C;
	v0 =	vunpack.c.0.s8.s32 v0  }
0xa: {  	vm12 =	vcmask $0x1310;
	v12 =	vimm.s32 $0xB;
	v15 =	vimm.s32 $0xC  }
0xb: {  	v18 =	vimm.s32 $0xD;
	v19 =	vimm.s32 $0xF;
	v0 =	vnsel vm0, $0xF42F, v0  }
0xc: {  	v16 =	vmul.u32 $0x8, v14;
	v9 =	vsel vm8, $0x0, v9;
	v0 =	vsel vm7, $0xF428, v0  }
0xd: {  	v14 =	vmul.u32 $0x80, v14;
	v9 =	vsel vm13, $0x80, v9;
	v0 =	vsel vm6, $0xF429, v0  }
0xe: {  	vm13 =	vcmask $0x1714;
	v11 =	vsel vm14, $0x100, v9;
	v0 =	vsel vm5, $0xF42A, v0  }
0xf: {  	vm14 =	vcmask $0x1B18;
	v20 =	vor.u32 $0x1800, v14;
	v0 =	vsel vm4, $0xF42B, v0  }
0x10: {  	v21 =	vor.u32 $0x2000, v14;
	v22 =	vor.u32 $0x2800, v14;
	v0 =	vsel vm3, $0xF42C, v0  }
0x11: {  	v23 =	vor.u32 $0x3000, v14;
	v24 =	vor.u32 $0x3800, v14;
	v0 =	vsel vm2, $0xF42D, v0  }
0x12: {  	v25 =	vor.u32 $0x4000, v14;
	v13 =	vsel vm1, $0xF42E, v0;
	v0 =	vimm.s32 $0x0  }
0x13: {  	v26 =	vor.u32 $0x4800, v14;
	v27 =	vor.u32 $0x5000, v14;
	v0 =	vperm.xlane v13, v0  }
0x14: {  	v28 =	vor.u32 $0x5800, v14;
	v1 =	vperm.xlane v13, v1;
	v2 =	vperm.xlane v13, v2  }
0x15: {  	v29 =	vor.u32 $0x6000, v14;
	v3 =	vperm.xlane v13, v3;
	v4 =	vperm.xlane v13, v4  }
0x16: {  	v30 =	vor.u32 $0x6800, v14;
	v5 =	vperm.xlane v13, v5;
	v6 =	vperm.xlane v13, v6  }
0x17: {  	v31 =	vor.u32 $0x7000, v14;
	v7 =	vperm.xlane v13, v7;
	v8 =	vperm.xlane v13, v8  }
0x18: {  	s1 =	rddreg [dreg:$0x0];
	v32 =	vor.u32 $0x7800, v14;
	v10 =	vperm.xlane v13, v10;
	v12 =	vperm.xlane v13, v12  }
0x19: {  	s0 =	rddreg [dreg:$0x1];
	vm0 =	vmmov $0x1;
	v15 =	vperm.xlane v13, v15;
	v19 =	vperm.xlane v13, v19  }
0x1a: {  	s2 =	rddreg [dreg:$0x2];
	s4 =	srdreg.scid;
	s3 =	simm.s32 $0x0;
	v0 =	vadd.s32 v16, v0;
	v9 =	vadd.s32 v16, v10;
	v10 =	vsel vm15, $0x180, v11  }
0x1b: {  	s6 =	stileid.u32;
	s8 =	simm.s32 $0x200;
	s12 =	simm.s32 $0x1000;
	v1 =	vadd.s32 v16, v1;
	v2 =	vadd.s32 v16, v2;
	v10 =	vsel vm12, $0x200, v10  }
0x1c: {  	s24 =	simm.s32 $0xFF80;
	s25 =	simm.s32 $0xFE80;
	s26 =	simm.s32 $0xFF00;
	v3 =	vadd.s32 v16, v3;
	v11 =	vimm.s32 $0xA;
	v10 =	vsel vm13, $0x280, v10  }
0x1d: {  	s28 =	simm.s32 $0xFE00;
	s29 =	simm.s32 $0xFD00;
	s30 =	simm.s32 $0xFD80;
	vm15 =	vcmask $0x1F1C;
	v11 =	vperm.xlane v13, v11;
	v10 =	vsel vm14, $0x300, v10  }
0x1e: {  	s31 =	simm.s32 $0xFC80;
	s9 =	simm.s32 $0xFB00;
	s10 =	simm.s32 $0xFA80;
	v4 =	vadd.s32 v16, v4;
	v5 =	vadd.s32 v16, v5;
	v17 =	vsel vm15, $0x380, v10  }
0x1f: {  	s11 =	simm.s32 $0xFA00;
	s13 =	simm.s32 $0x18200;
	s14 =	simm.s32 $0x20000;
	v6 =	vadd.s32 v16, v6;
	v10 =	vadd.s32 v16, v11;
	v17 =	vsel vm7, $0x1000, v17  }
0x20: {  	s15 =	simm.s32 $0x0;
	s4 =	sand.u32 $0x1, s4;
	s6 =	sshll.u32 s6, $0xA;
	v11 =	vadd.s32 v16, v12;
	v12 =	vadd.s32 v16, v15;
	v17 =	vsel vm6, $0x1080, v17  }
.Ltmp0:
0x21: {  	s5 =	ssub.s32 $0x2, s4;
	s4 =	sshll.u32 s4, $0x9;
	v15 =	vperm.xlane v13, v18;
	v18 =	vimm.s32 $0xE;
	v17 =	vsel vm5, $0x1100, v17;
	(pc) =	sbr.rel .LBB2_1-.Ltmp0, $4  }
0x22: {  	[smem:$0x7FF] =	sst s3;
	s7 =	sshrl.u32 s5, $0x1;
	s6 =	sor.u32 s4, s6;
	v7 =	vadd.s32 v16, v7;
	v18 =	vperm.xlane v13, v18;
	v17 =	vsel vm4, $0x1180, v17  }
0x23: {  	_ =	strace $0x80000047;
	s7 =	ssub.s32 s5, s7;
	s4 =	sshrl.u32 s6, $0x3;
	v8 =	vadd.s32 v16, v8;
	v13 =	vadd.s32 v16, v15;
	v17 =	vsel vm3, $0x1200, v17  }
0x24: {  	s5 =	sadd.s32 s2, s6;
	s2 =	simm.s32 $0xFC00;
	s4 =	sadd.s32 s0, s4;
	v15 =	vadd.s32 v16, v18;
	v16 =	vadd.s32 v16, v19;
	v17 =	vsel vm2, $0x1280, v17  }
0x25: {  	s6 =	smax.u32 s7, $0x1;
	s7 =	simm.s32 $0x4;
	s0 =	simm.s32 $0xFB80;
	v18 =	vor.u32 $0x800, v14;
	v19 =	vor.u32 $0x1000, v14;
	v17 =	vsel vm1, $0x1300, v17  }
.LBB2_5:
0x26: {  	s15 =	sadd.s32 $0x1, s15  }
0x27: {  	p0 =	sne.s32 s15, s6  }
.Ltmp1:
0x28: {  	_ = 	snop;
	(pc) =	sbr.rel @!p0 .LBB2_6-.Ltmp1, $4  }
0x29: {  	[hbm4b:s5+s12] =	stream.strided.scatter [tilespmem:s13], [sflag:$0x4], $0x2000, s14, s12, $0x38;
	[tilespmem:$0x1A200] =	vst v63  }
0x2a: {  	_ =	swait.ge [sflag:s7], $0x2000  }
0x2b: {  	[sflag:s7] =	ssyncset.done $0x0  }
0x2c: {  	[sflag:s7] =	ssyncadd.s32 $0xFFFFE000  }
.LBB2_1:
0x2d: {  	[tilespmem:s3], [sflag:$0x4] =	stream.linear.gather [hbm4b:s4+s3], $0x200, $0x38;
	[tilespmem:$0x1A200] =	vst v63  }
0x2e: {  	_ =	swait.ge [sflag:s7], $0x200  }
0x2f: {  	[sflag:s7] =	ssyncset.done $0x0  }
0x30: {  	[sflag:s7] =	ssyncadd.s32 $0xFFFFFE00  }
0x31: {  	v33 =	vld [tilespmem:$0x0];
	_ =	sdelay $0x4  }
0x32: {  	v33 =	vand.u32 $0xFFFFFF80, v33  }
0x33: {  	v33 =	vadd.s32 s1, v33  }
0x34: {  	(v2sf) =	vpush v33, $0x0;
	_ =	sdelay $0xe  }
0x35: {  	s16 =	spop (v2sf)  }
0x36: {  	[tilespmem:s8], [sflag:$0x1] =	stream.indirect_vreg.gather [hbm4b:s16+s3], $0x80, v0, vm0, $0xb8;
	[tilespmem:$0x1A200] =	vst v63  }
0x37: {  	s17 =	simm.s32 $0x280  }
0x38: {  	[tilespmem:s17], [sflag:$0x1] =	stream.indirect_vreg.gather [hbm4b:s16+s3], $0x80, v1, vm0, $0xb8;
	[tilespmem:$0x1A200] =	vst v63  }
0x39: {  	s18 =	simm.s32 $0x300  }
0x3a: {  	[tilespmem:s18], [sflag:$0x1] =	stream.indirect_vreg.gather [hbm4b:s16+s3], $0x80, v2, vm0, $0xb8;
	[tilespmem:$0x1A200] =	vst v63  }
0x3b: {  	s19 =	simm.s32 $0x380  }
0x3c: {  	[tilespmem:s19], [sflag:$0x1] =	stream.indirect_vreg.gather [hbm4b:s16+s3], $0x80, v3, vm0, $0xb8;
	[tilespmem:$0x1A200] =	vst v63  }
0x3d: {  	s20 =	simm.s32 $0x400  }
0x3e: {  	[tilespmem:s20], [sflag:$0x1] =	stream.indirect_vreg.gather [hbm4b:s16+s3], $0x80, v4, vm0, $0xb8;
	[tilespmem:$0x1A200] =	vst v63  }
0x3f: {  	s21 =	simm.s32 $0x480  }
0x40: {  	[tilespmem:s21], [sflag:$0x1] =	stream.indirect_vreg.gather [hbm4b:s16+s3], $0x80, v5, vm0, $0xb8;
	[tilespmem:$0x1A200] =	vst v63  }
0x41: {  	s22 =	simm.s32 $0x500  }
0x42: {  	[tilespmem:s22], [sflag:$0x1] =	stream.indirect_vreg.gather [hbm4b:s16+s3], $0x80, v6, vm0, $0xb8;
	[tilespmem:$0x1A200] =	vst v63  }
0x43: {  	s23 =	simm.s32 $0x580  }
0x44: {  	[tilespmem:s23], [sflag:$0x1] =	stream.indirect_vreg.gather [hbm4b:s16+s3], $0x80, v7, vm0, $0xb8;
	[tilespmem:$0x1A200] =	vst v63  }
0x45: {  	s18 =	simm.s32 $0x600  }
0x46: {  	(v2sf) =	vpush v33, $0x1;
	[tilespmem:s18], [sflag:$0x1] =	stream.indirect_vreg.gather [hbm4b:s16+s3], $0x80, v8, vm0, $0xb8;
	[tilespmem:$0x1A200] =	vst v63  }
0x47: {  	s19 =	simm.s32 $0x680  }
0x48: {  	[tilespmem:s19], [sflag:$0x1] =	stream.indirect_vreg.gather [hbm4b:s16+s3], $0x80, v9, vm0, $0xb8;
	[tilespmem:$0x1A200] =	vst v63  }
0x49: {  	s20 =	simm.s32 $0x700  }
0x4a: {  	[tilespmem:s20], [sflag:$0x1] =	stream.indirect_vreg.gather [hbm4b:s16+s3], $0x80, v10, vm0, $0xb8;
	[tilespmem:$0x1A200] =	vst v63  }
0x4b: {  	s21 =	simm.s32 $0x780  }
0x4c: {  	[tilespmem:s21], [sflag:$0x1] =	stream.indirect_vreg.gather [hbm4b:s16+s3], $0x80, v11, vm0, $0xb8;
	[tilespmem:$0x1A200] =	vst v63  }
0x4d: {  	s22 =	simm.s32 $0x800  }
0x4e: {  	[tilespmem:s22], [sflag:$0x1] =	stream.indirect_vreg.gather [hbm4b:s16+s3], $0x80, v12, vm0, $0xb8;
	[tilespmem:$0x1A200] =	vst v63  }
0x4f: {  	s23 =	simm.s32 $0x880  }
0x50: {  	[tilespmem:s23], [sflag:$0x1] =	stream.indirect_vreg.gather [hbm4b:s16+s3], $0x80, v13, vm0, $0xb8;
	[tilespmem:$0x1A200] =	vst v63  }
0x51: {  	s18 =	simm.s32 $0x900  }
0x52: {  	[tilespmem:s18], [sflag:$0x1] =	stream.indirect_vreg.gather [hbm4b:s16+s3], $0x80, v15, vm0, $0xb8;
	[tilespmem:$0x1A200] =	vst v63  }
0x53: {  	s19 =	simm.s32 $0x980  }
0x54: {  	[tilespmem:s19], [sflag:$0x1] =	stream.indirect_vreg.gather [hbm4b:s16+s3], $0x80, v16, vm0, $0xb8;
	[tilespmem:$0x1A200] =	vst v63  }
0x55: {  	s20 =	simm.s32 $0xA00;
	s16 =	spop (v2sf)  }
0x56: {  	[tilespmem:s20], [sflag:$0x1] =	stream.indirect_vreg.gather [hbm4b:s16+s3], $0x80, v0, vm0, $0xb8;
	[tilespmem:$0x1A200] =	vst v63  }
0x57: {  	s21 =	simm.s32 $0xA80  }
0x58: {  	[tilespmem:s21], [sflag:$0x1] =	stream.indirect_vreg.gather [hbm4b:s16+s3], $0x80, v1, vm0, $0xb8;
	[tilespmem:$0x1A200] =	vst v63  }
0x59: {  	s22 =	simm.s32 $0xB00  }
0x5a: {  	[tilespmem:s22], [sflag:$0x1] =	stream.indirect_vreg.gather [hbm4b:s16+s3], $0x80, v2, vm0, $0xb8;
	[tilespmem:$0x1A200] =	vst v63  }
0x5b: {  	s23 =	simm.s32 $0xB80  }
0x5c: {  	[tilespmem:s23], [sflag:$0x1] =	stream.indirect_vreg.gather [hbm4b:s16+s3], $0x80, v3, vm0, $0xb8;
	[tilespmem:$0x1A200] =	vst v63  }
0x5d: {  	s18 =	simm.s32 $0xC00  }
0x5e: {  	[tilespmem:s18], [sflag:$0x1] =	stream.indirect_vreg.gather [hbm4b:s16+s3], $0x80, v4, vm0, $0xb8;
	[tilespmem:$0x1A200] =	vst v63  }
0x5f: {  	s19 =	simm.s32 $0xC80  }
0x60: {  	[tilespmem:s19], [sflag:$0x1] =	stream.indirect_vreg.gather [hbm4b:s16+s3], $0x80, v5, vm0, $0xb8;
	[tilespmem:$0x1A200] =	vst v63  }
0x61: {  	s20 =	simm.s32 $0xD00  }
0x62: {  	[tilespmem:s20], [sflag:$0x1] =	stream.indirect_vreg.gather [hbm4b:s16+s3], $0x80, v6, vm0, $0xb8;
	[tilespmem:$0x1A200] =	vst v63  }
0x63: {  	s21 =	simm.s32 $0xD80  }
0x64: {  	[tilespmem:s21], [sflag:$0x1] =	stream.indirect_vreg.gather [hbm4b:s16+s3], $0x80, v7, vm0, $0xb8;
	[tilespmem:$0x1A200] =	vst v63  }
0x65: {  	s22 =	simm.s32 $0xE00  }
0x66: {  	(v2sf) =	vpush v33, $0x2;
	[tilespmem:s22], [sflag:$0x1] =	stream.indirect_vreg.gather [hbm4b:s16+s3], $0x80, v8, vm0, $0xb8;
	[tilespmem:$0x1A200] =	vst v63  }
0x67: {  	s23 =	simm.s32 $0xE80  }
0x68: {  	[tilespmem:s23], [sflag:$0x1] =	stream.indirect_vreg.gather [hbm4b:s16+s3], $0x80, v9, vm0, $0xb8;
	[tilespmem:$0x1A200] =	vst v63  }
0x69: {  	s18 =	simm.s32 $0xF00  }
0x6a: {  	[tilespmem:s18], [sflag:$0x1] =	stream.indirect_vreg.gather [hbm4b:s16+s3], $0x80, v10, vm0, $0xb8;
	[tilespmem:$0x1A200] =	vst v63  }
0x6b: {  	s19 =	simm.s32 $0xF80  }
0x6c: {  	[tilespmem:s19], [sflag:$0x1] =	stream.indirect_vreg.gather [hbm4b:s16+s3], $0x80, v11, vm0, $0xb8;
	[tilespmem:$0x1A200] =	vst v63  }
0x6d: {  	_ = 	snop  }
0x6e: {  	[tilespmem:s12], [sflag:$0x1] =	stream.indirect_vreg.gather [hbm4b:s16+s3], $0x80, v12, vm0, $0xb8;
	[tilespmem:$0x1A200] =	vst v63  }
0x6f: {  	s20 =	simm.s32 $0x1080  }
0x70: {  	[tilespmem:s20], [sflag:$0x1] =	stream.indirect_vreg.gather [hbm4b:s16+s3], $0x80, v13, vm0, $0xb8;
	[tilespmem:$0x1A200] =	vst v63  }
0x71: {  	s21 =	simm.s32 $0x1100  }
0x72: {  	[tilespmem:s21], [sflag:$0x1] =	stream.indirect_vreg.gather [hbm4b:s16+s3], $0x80, v15, vm0, $0xb8;
	[tilespmem:$0x1A200] =	vst v63  }
0x73: {  	s22 =	simm.s32 $0x1180  }
0x74: {  	[tilespmem:s22], [sflag:$0x1] =	stream.indirect_vreg.gather [hbm4b:s16+s3], $0x80, v16, vm0, $0xb8;
	[tilespmem:$0x1A200] =	vst v63  }
0x75: {  	s23 =	simm.s32 $0x1200;
	s16 =	spop (v2sf)  }
0x76: {  	[tilespmem:s23], [sflag:$0x1] =	stream.indirect_vreg.gather [hbm4b:s16+s3], $0x80, v0, vm0, $0xb8;
	[tilespmem:$0x1A200] =	vst v63  }
0x77: {  	s18 =	simm.s32 $0x1280  }
0x78: {  	[tilespmem:s18], [sflag:$0x1] =	stream.indirect_vreg.gather [hbm4b:s16+s3], $0x80, v1, vm0, $0xb8;
	[tilespmem:$0x1A200] =	vst v63  }
0x79: {  	s19 =	simm.s32 $0x1300  }
0x7a: {  	[tilespmem:s19], [sflag:$0x1] =	stream.indirect_vreg.gather [hbm4b:s16+s3], $0x80, v2, vm0, $0xb8;
	[tilespmem:$0x1A200] =	vst v63  }
0x7b: {  	s20 =	simm.s32 $0x1380  }
0x7c: {  	[tilespmem:s20], [sflag:$0x1] =	stream.indirect_vreg.gather [hbm4b:s16+s3], $0x80, v3, vm0, $0xb8;
	[tilespmem:$0x1A200] =	vst v63  }
0x7d: {  	s21 =	simm.s32 $0x1400  }
0x7e: {  	[tilespmem:s21], [sflag:$0x1] =	stream.indirect_vreg.gather [hbm4b:s16+s3], $0x80, v4, vm0, $0xb8;
	[tilespmem:$0x1A200] =	vst v63  }
0x7f: {  	s22 =	simm.s32 $0x1480  }
0x80: {  	[tilespmem:s22], [sflag:$0x1] =	stream.indirect_vreg.gather [hbm4b:s16+s3], $0x80, v5, vm0, $0xb8;
	[tilespmem:$0x1A200] =	vst v63  }
0x81: {  	s23 =	simm.s32 $0x1500  }
0x82: {  	[tilespmem:s23], [sflag:$0x1] =	stream.indirect_vreg.gather [hbm4b:s16+s3], $0x80, v6, vm0, $0xb8;
	[tilespmem:$0x1A200] =	vst v63  }
0x83: {  	s18 =	simm.s32 $0x1580  }
0x84: {  	[tilespmem:s18], [sflag:$0x1] =	stream.indirect_vreg.gather [hbm4b:s16+s3], $0x80, v7, vm0, $0xb8;
	[tilespmem:$0x1A200] =	vst v63  }
0x85: {  	s19 =	simm.s32 $0x1600  }
0x86: {  	(v2sf) =	vpush v33, $0x3;
	[tilespmem:s19], [sflag:$0x1] =	stream.indirect_vreg.gather [hbm4b:s16+s3], $0x80, v8, vm0, $0xb8;
	[tilespmem:$0x1A200] =	vst v63  }
0x87: {  	s20 =	simm.s32 $0x1680  }
0x88: {  	[tilespmem:s20], [sflag:$0x1] =	stream.indirect_vreg.gather [hbm4b:s16+s3], $0x80, v9, vm0, $0xb8;
	[tilespmem:$0x1A200] =	vst v63  }
0x89: {  	s21 =	simm.s32 $0x1700  }
0x8a: {  	[tilespmem:s21], [sflag:$0x1] =	stream.indirect_vreg.gather [hbm4b:s16+s3], $0x80, v10, vm0, $0xb8;
	[tilespmem:$0x1A200] =	vst v63  }
0x8b: {  	s22 =	simm.s32 $0x1780  }
0x8c: {  	[tilespmem:s22], [sflag:$0x1] =	stream.indirect_vreg.gather [hbm4b:s16+s3], $0x80, v11, vm0, $0xb8;
	[tilespmem:$0x1A200] =	vst v63  }
0x8d: {  	s23 =	simm.s32 $0x1800  }
0x8e: {  	[tilespmem:s23], [sflag:$0x1] =	stream.indirect_vreg.gather [hbm4b:s16+s3], $0x80, v12, vm0, $0xb8;
	[tilespmem:$0x1A200] =	vst v63  }
0x8f: {  	s18 =	simm.s32 $0x1880  }
0x90: {  	[tilespmem:s18], [sflag:$0x1] =	stream.indirect_vreg.gather [hbm4b:s16+s3], $0x80, v13, vm0, $0xb8;
	[tilespmem:$0x1A200] =	vst v63  }
0x91: {  	s19 =	simm.s32 $0x1900  }
0x92: {  	[tilespmem:s19], [sflag:$0x1] =	stream.indirect_vreg.gather [hbm4b:s16+s3], $0x80, v15, vm0, $0xb8;
	[tilespmem:$0x1A200] =	vst v63  }
0x93: {  	s20 =	simm.s32 $0x1980  }
0x94: {  	[tilespmem:s20], [sflag:$0x1] =	stream.indirect_vreg.gather [hbm4b:s16+s3], $0x80, v16, vm0, $0xb8;
	[tilespmem:$0x1A200] =	vst v63  }
0x95: {  	s21 =	simm.s32 $0x1A00;
	s16 =	spop (v2sf)  }
0x96: {  	[tilespmem:s21], [sflag:$0x1] =	stream.indirect_vreg.gather [hbm4b:s16+s3], $0x80, v0, vm0, $0xb8;
	[tilespmem:$0x1A200] =	vst v63  }
0x97: {  	s22 =	simm.s32 $0x1A80  }
0x98: {  	[tilespmem:s22], [sflag:$0x1] =	stream.indirect_vreg.gather [hbm4b:s16+s3], $0x80, v1, vm0, $0xb8;
	[tilespmem:$0x1A200] =	vst v63  }
0x99: {  	s23 =	simm.s32 $0x1B00  }
0x9a: {  	[tilespmem:s23], [sflag:$0x1] =	stream.indirect_vreg.gather [hbm4b:s16+s3], $0x80, v2, vm0, $0xb8;
	[tilespmem:$0x1A200] =	vst v63  }
0x9b: {  	s18 =	simm.s32 $0x1B80  }
0x9c: {  	[tilespmem:s18], [sflag:$0x1] =	stream.indirect_vreg.gather [hbm4b:s16+s3], $0x80, v3, vm0, $0xb8;
	[tilespmem:$0x1A200] =	vst v63  }
0x9d: {  	s19 =	simm.s32 $0x1C00  }
0x9e: {  	[tilespmem:s19], [sflag:$0x1] =	stream.indirect_vreg.gather [hbm4b:s16+s3], $0x80, v4, vm0, $0xb8;
	[tilespmem:$0x1A200] =	vst v63  }
0x9f: {  	s20 =	simm.s32 $0x1C80  }
0xa0: {  	[tilespmem:s20], [sflag:$0x1] =	stream.indirect_vreg.gather [hbm4b:s16+s3], $0x80, v5, vm0, $0xb8;
	[tilespmem:$0x1A200] =	vst v63  }
0xa1: {  	s21 =	simm.s32 $0x1D00  }
0xa2: {  	[tilespmem:s21], [sflag:$0x1] =	stream.indirect_vreg.gather [hbm4b:s16+s3], $0x80, v6, vm0, $0xb8;
	[tilespmem:$0x1A200] =	vst v63  }
0xa3: {  	s22 =	simm.s32 $0x1D80  }
0xa4: {  	[tilespmem:s22], [sflag:$0x1] =	stream.indirect_vreg.gather [hbm4b:s16+s3], $0x80, v7, vm0, $0xb8;
	[tilespmem:$0x1A200] =	vst v63  }
0xa5: {  	s23 =	simm.s32 $0x1E00  }
0xa6: {  	(v2sf) =	vpush v33, $0x4;
	[tilespmem:s23], [sflag:$0x1] =	stream.indirect_vreg.gather [hbm4b:s16+s3], $0x80, v8, vm0, $0xb8;
	[tilespmem:$0x1A200] =	vst v63  }
0xa7: {  	s18 =	simm.s32 $0x1E80  }
0xa8: {  	[tilespmem:s18], [sflag:$0x1] =	stream.indirect_vreg.gather [hbm4b:s16+s3], $0x80, v9, vm0, $0xb8;
	[tilespmem:$0x1A200] =	vst v63  }
0xa9: {  	s19 =	simm.s32 $0x1F00  }
0xaa: {  	[tilespmem:s19], [sflag:$0x1] =	stream.indirect_vreg.gather [hbm4b:s16+s3], $0x80, v10, vm0, $0xb8;
	[tilespmem:$0x1A200] =	vst v63  }
0xab: {  	s20 =	simm.s32 $0x1F80  }
0xac: {  	[tilespmem:s20], [sflag:$0x1] =	stream.indirect_vreg.gather [hbm4b:s16+s3], $0x80, v11, vm0, $0xb8;
	[tilespmem:$0x1A200] =	vst v63  }
0xad: {  	s21 =	simm.s32 $0x2000  }
0xae: {  	[tilespmem:s21], [sflag:$0x1] =	stream.indirect_vreg.gather [hbm4b:s16+s3], $0x80, v12, vm0, $0xb8;
	[tilespmem:$0x1A200] =	vst v63  }
0xaf: {  	s22 =	simm.s32 $0x2080  }
0xb0: {  	[tilespmem:s22], [sflag:$0x1] =	stream.indirect_vreg.gather [hbm4b:s16+s3], $0x80, v13, vm0, $0xb8;
	[tilespmem:$0x1A200] =	vst v63  }
0xb1: {  	s23 =	simm.s32 $0x2100  }
0xb2: {  	[tilespmem:s23], [sflag:$0x1] =	stream.indirect_vreg.gather [hbm4b:s16+s3], $0x80, v15, vm0, $0xb8;
	[tilespmem:$0x1A200] =	vst v63  }
0xb3: {  	s18 =	simm.s32 $0x2180  }
0xb4: {  	[tilespmem:s18], [sflag:$0x1] =	stream.indirect_vreg.gather [hbm4b:s16+s3], $0x80, v16, vm0, $0xb8;
	[tilespmem:$0x1A200] =	vst v63  }
0xb5: {  	s19 =	simm.s32 $0x2200;
	s16 =	spop (v2sf)  }
0xb6: {  	[tilespmem:s19], [sflag:$0x1] =	stream.indirect_vreg.gather [hbm4b:s16+s3], $0x80, v0, vm0, $0xb8;
	[tilespmem:$0x1A200] =	vst v63  }
0xb7: {  	s20 =	simm.s32 $0x2280  }
0xb8: {  	[tilespmem:s20], [sflag:$0x1] =	stream.indirect_vreg.gather [hbm4b:s16+s3], $0x80, v1, vm0, $0xb8;
	[tilespmem:$0x1A200] =	vst v63  }
0xb9: {  	s21 =	simm.s32 $0x2300  }
0xba: {  	[tilespmem:s21], [sflag:$0x1] =	stream.indirect_vreg.gather [hbm4b:s16+s3], $0x80, v2, vm0, $0xb8;
	[tilespmem:$0x1A200] =	vst v63  }
0xbb: {  	s22 =	simm.s32 $0x2380  }
0xbc: {  	[tilespmem:s22], [sflag:$0x1] =	stream.indirect_vreg.gather [hbm4b:s16+s3], $0x80, v3, vm0, $0xb8;
	[tilespmem:$0x1A200] =	vst v63  }
0xbd: {  	s23 =	simm.s32 $0x2400  }
0xbe: {  	[tilespmem:s23], [sflag:$0x1] =	stream.indirect_vreg.gather [hbm4b:s16+s3], $0x80, v4, vm0, $0xb8;
	[tilespmem:$0x1A200] =	vst v63  }
0xbf: {  	s18 =	simm.s32 $0x2480  }
0xc0: {  	[tilespmem:s18], [sflag:$0x1] =	stream.indirect_vreg.gather [hbm4b:s16+s3], $0x80, v5, vm0, $0xb8;
	[tilespmem:$0x1A200] =	vst v63  }
0xc1: {  	s19 =	simm.s32 $0x2500  }
0xc2: {  	[tilespmem:s19], [sflag:$0x1] =	stream.indirect_vreg.gather [hbm4b:s16+s3], $0x80, v6, vm0, $0xb8;
	[tilespmem:$0x1A200] =	vst v63  }
0xc3: {  	s20 =	simm.s32 $0x2580  }
0xc4: {  	[tilespmem:s20], [sflag:$0x1] =	stream.indirect_vreg.gather [hbm4b:s16+s3], $0x80, v7, vm0, $0xb8;
	[tilespmem:$0x1A200] =	vst v63  }
0xc5: {  	s21 =	simm.s32 $0x2600  }
0xc6: {  	(v2sf) =	vpush v33, $0x5;
	[tilespmem:s21], [sflag:$0x1] =	stream.indirect_vreg.gather [hbm4b:s16+s3], $0x80, v8, vm0, $0xb8;
	[tilespmem:$0x1A200] =	vst v63  }
0xc7: {  	s22 =	simm.s32 $0x2680  }
0xc8: {  	[tilespmem:s22], [sflag:$0x1] =	stream.indirect_vreg.gather [hbm4b:s16+s3], $0x80, v9, vm0, $0xb8;
	[tilespmem:$0x1A200] =	vst v63  }
0xc9: {  	s23 =	simm.s32 $0x2700  }
0xca: {  	[tilespmem:s23], [sflag:$0x1] =	stream.indirect_vreg.gather [hbm4b:s16+s3], $0x80, v10, vm0, $0xb8;
	[tilespmem:$0x1A200] =	vst v63  }
0xcb: {  	s18 =	simm.s32 $0x2780  }
0xcc: {  	[tilespmem:s18], [sflag:$0x1] =	stream.indirect_vreg.gather [hbm4b:s16+s3], $0x80, v11, vm0, $0xb8;
	[tilespmem:$0x1A200] =	vst v63  }
0xcd: {  	s19 =	simm.s32 $0x2800  }
0xce: {  	[tilespmem:s19], [sflag:$0x1] =	stream.indirect_vreg.gather [hbm4b:s16+s3], $0x80, v12, vm0, $0xb8;
	[tilespmem:$0x1A200] =	vst v63  }
0xcf: {  	s20 =	simm.s32 $0x2880  }
0xd0: {  	[tilespmem:s20], [sflag:$0x1] =	stream.indirect_vreg.gather [hbm4b:s16+s3], $0x80, v13, vm0, $0xb8;
	[tilespmem:$0x1A200] =	vst v63  }
0xd1: {  	s21 =	simm.s32 $0x2900  }
0xd2: {  	[tilespmem:s21], [sflag:$0x1] =	stream.indirect_vreg.gather [hbm4b:s16+s3], $0x80, v15, vm0, $0xb8;
	[tilespmem:$0x1A200] =	vst v63  }
0xd3: {  	s22 =	simm.s32 $0x2980  }
0xd4: {  	[tilespmem:s22], [sflag:$0x1] =	stream.indirect_vreg.gather [hbm4b:s16+s3], $0x80, v16, vm0, $0xb8;
	[tilespmem:$0x1A200] =	vst v63  }
0xd5: {  	s23 =	simm.s32 $0x2A00;
	s16 =	spop (v2sf)  }
0xd6: {  	[tilespmem:s23], [sflag:$0x1] =	stream.indirect_vreg.gather [hbm4b:s16+s3], $0x80, v0, vm0, $0xb8;
	[tilespmem:$0x1A200] =	vst v63  }
0xd7: {  	s18 =	simm.s32 $0x2A80  }
0xd8: {  	[tilespmem:s18], [sflag:$0x1] =	stream.indirect_vreg.gather [hbm4b:s16+s3], $0x80, v1, vm0, $0xb8;
	[tilespmem:$0x1A200] =	vst v63  }
0xd9: {  	s19 =	simm.s32 $0x2B00  }
0xda: {  	[tilespmem:s19], [sflag:$0x1] =	stream.indirect_vreg.gather [hbm4b:s16+s3], $0x80, v2, vm0, $0xb8;
	[tilespmem:$0x1A200] =	vst v63  }
0xdb: {  	s20 =	simm.s32 $0x2B80  }
0xdc: {  	[tilespmem:s20], [sflag:$0x1] =	stream.indirect_vreg.gather [hbm4b:s16+s3], $0x80, v3, vm0, $0xb8;
	[tilespmem:$0x1A200] =	vst v63  }
0xdd: {  	s21 =	simm.s32 $0x2C00  }
0xde: {  	[tilespmem:s21], [sflag:$0x1] =	stream.indirect_vreg.gather [hbm4b:s16+s3], $0x80, v4, vm0, $0xb8;
	[tilespmem:$0x1A200] =	vst v63  }
0xdf: {  	s22 =	simm.s32 $0x2C80  }
0xe0: {  	[tilespmem:s22], [sflag:$0x1] =	stream.indirect_vreg.gather [hbm4b:s16+s3], $0x80, v5, vm0, $0xb8;
	[tilespmem:$0x1A200] =	vst v63  }
0xe1: {  	s23 =	simm.s32 $0x2D00  }
0xe2: {  	[tilespmem:s23], [sflag:$0x1] =	stream.indirect_vreg.gather [hbm4b:s16+s3], $0x80, v6, vm0, $0xb8;
	[tilespmem:$0x1A200] =	vst v63  }
0xe3: {  	s18 =	simm.s32 $0x2D80  }
0xe4: {  	[tilespmem:s18], [sflag:$0x1] =	stream.indirect_vreg.gather [hbm4b:s16+s3], $0x80, v7, vm0, $0xb8;
	[tilespmem:$0x1A200] =	vst v63  }
0xe5: {  	s19 =	simm.s32 $0x2E00  }
0xe6: {  	(v2sf) =	vpush v33, $0x6;
	[tilespmem:s19], [sflag:$0x1] =	stream.indirect_vreg.gather [hbm4b:s16+s3], $0x80, v8, vm0, $0xb8;
	[tilespmem:$0x1A200] =	vst v63  }
0xe7: {  	s20 =	simm.s32 $0x2E80  }
0xe8: {  	[tilespmem:s20], [sflag:$0x1] =	stream.indirect_vreg.gather [hbm4b:s16+s3], $0x80, v9, vm0, $0xb8;
	[tilespmem:$0x1A200] =	vst v63  }
0xe9: {  	s21 =	simm.s32 $0x2F00  }
0xea: {  	[tilespmem:s21], [sflag:$0x1] =	stream.indirect_vreg.gather [hbm4b:s16+s3], $0x80, v10, vm0, $0xb8;
	[tilespmem:$0x1A200] =	vst v63  }
0xeb: {  	s22 =	simm.s32 $0x2F80  }
0xec: {  	[tilespmem:s22], [sflag:$0x1] =	stream.indirect_vreg.gather [hbm4b:s16+s3], $0x80, v11, vm0, $0xb8;
	[tilespmem:$0x1A200] =	vst v63  }
0xed: {  	s23 =	simm.s32 $0x3000  }
0xee: {  	[tilespmem:s23], [sflag:$0x1] =	stream.indirect_vreg.gather [hbm4b:s16+s3], $0x80, v12, vm0, $0xb8;
	[tilespmem:$0x1A200] =	vst v63  }
0xef: {  	s18 =	simm.s32 $0x3080  }
0xf0: {  	[tilespmem:s18], [sflag:$0x1] =	stream.indirect_vreg.gather [hbm4b:s16+s3], $0x80, v13, vm0, $0xb8;
	[tilespmem:$0x1A200] =	vst v63  }
0xf1: {  	s19 =	simm.s32 $0x3100  }
0xf2: {  	[tilespmem:s19], [sflag:$0x1] =	stream.indirect_vreg.gather [hbm4b:s16+s3], $0x80, v15, vm0, $0xb8;
	[tilespmem:$0x1A200] =	vst v63  }
0xf3: {  	s20 =	simm.s32 $0x3180  }
0xf4: {  	[tilespmem:s20], [sflag:$0x1] =	stream.indirect_vreg.gather [hbm4b:s16+s3], $0x80, v16, vm0, $0xb8;
	[tilespmem:$0x1A200] =	vst v63  }
0xf5: {  	s21 =	simm.s32 $0x3200;
	s16 =	spop (v2sf)  }
0xf6: {  	[tilespmem:s21], [sflag:$0x1] =	stream.indirect_vreg.gather [hbm4b:s16+s3], $0x80, v0, vm0, $0xb8;
	[tilespmem:$0x1A200] =	vst v63  }
0xf7: {  	s22 =	simm.s32 $0x3280  }
0xf8: {  	[tilespmem:s22], [sflag:$0x1] =	stream.indirect_vreg.gather [hbm4b:s16+s3], $0x80, v1, vm0, $0xb8;
	[tilespmem:$0x1A200] =	vst v63  }
0xf9: {  	s23 =	simm.s32 $0x3300  }
0xfa: {  	[tilespmem:s23], [sflag:$0x1] =	stream.indirect_vreg.gather [hbm4b:s16+s3], $0x80, v2, vm0, $0xb8;
	[tilespmem:$0x1A200] =	vst v63  }
0xfb: {  	s18 =	simm.s32 $0x3380  }
0xfc: {  	[tilespmem:s18], [sflag:$0x1] =	stream.indirect_vreg.gather [hbm4b:s16+s3], $0x80, v3, vm0, $0xb8;
	[tilespmem:$0x1A200] =	vst v63  }
0xfd: {  	s19 =	simm.s32 $0x3400  }
0xfe: {  	[tilespmem:s19], [sflag:$0x1] =	stream.indirect_vreg.gather [hbm4b:s16+s3], $0x80, v4, vm0, $0xb8;
	[tilespmem:$0x1A200] =	vst v63  }
0xff: {  	s20 =	simm.s32 $0x3480  }
0x100: {  	[tilespmem:s20], [sflag:$0x1] =	stream.indirect_vreg.gather [hbm4b:s16+s3], $0x80, v5, vm0, $0xb8;
	[tilespmem:$0x1A200] =	vst v63  }
0x101: {  	s21 =	simm.s32 $0x3500  }
0x102: {  	[tilespmem:s21], [sflag:$0x1] =	stream.indirect_vreg.gather [hbm4b:s16+s3], $0x80, v6, vm0, $0xb8;
	[tilespmem:$0x1A200] =	vst v63  }
0x103: {  	s22 =	simm.s32 $0x3580  }
0x104: {  	[tilespmem:s22], [sflag:$0x1] =	stream.indirect_vreg.gather [hbm4b:s16+s3], $0x80, v7, vm0, $0xb8;
	[tilespmem:$0x1A200] =	vst v63  }
0x105: {  	s23 =	simm.s32 $0x3600  }
0x106: {  	(v2sf) =	vpush v33, $0x7;
	[tilespmem:s23], [sflag:$0x1] =	stream.indirect_vreg.gather [hbm4b:s16+s3], $0x80, v8, vm0, $0xb8;
	[tilespmem:$0x1A200] =	vst v63  }
0x107: {  	s18 =	simm.s32 $0x3680  }
0x108: {  	[tilespmem:s18], [sflag:$0x1] =	stream.indirect_vreg.gather [hbm4b:s16+s3], $0x80, v9, vm0, $0xb8;
	[tilespmem:$0x1A200] =	vst v63  }
0x109: {  	s19 =	simm.s32 $0x3700  }
0x10a: {  	[tilespmem:s19], [sflag:$0x1] =	stream.indirect_vreg.gather [hbm4b:s16+s3], $0x80, v10, vm0, $0xb8;
	[tilespmem:$0x1A200] =	vst v63  }
0x10b: {  	s20 =	simm.s32 $0x3780  }
0x10c: {  	[tilespmem:s20], [sflag:$0x1] =	stream.indirect_vreg.gather [hbm4b:s16+s3], $0x80, v11, vm0, $0xb8;
	[tilespmem:$0x1A200] =	vst v63  }
0x10d: {  	s21 =	simm.s32 $0x3800  }
0x10e: {  	[tilespmem:s21], [sflag:$0x1] =	stream.indirect_vreg.gather [hbm4b:s16+s3], $0x80, v12, vm0, $0xb8;
	[tilespmem:$0x1A200] =	vst v63  }
0x10f: {  	s22 =	simm.s32 $0x3880  }
0x110: {  	[tilespmem:s22], [sflag:$0x1] =	stream.indirect_vreg.gather [hbm4b:s16+s3], $0x80, v13, vm0, $0xb8;
	[tilespmem:$0x1A200] =	vst v63  }
0x111: {  	s23 =	simm.s32 $0x3900  }
0x112: {  	[tilespmem:s23], [sflag:$0x1] =	stream.indirect_vreg.gather [hbm4b:s16+s3], $0x80, v15, vm0, $0xb8;
	[tilespmem:$0x1A200] =	vst v63  }
0x113: {  	s18 =	simm.s32 $0x3980  }
0x114: {  	[tilespmem:s18], [sflag:$0x1] =	stream.indirect_vreg.gather [hbm4b:s16+s3], $0x80, v16, vm0, $0xb8;
	[tilespmem:$0x1A200] =	vst v63  }
0x115: {  	s19 =	simm.s32 $0x3A00;
	s16 =	spop (v2sf)  }
0x116: {  	[tilespmem:s19], [sflag:$0x1] =	stream.indirect_vreg.gather [hbm4b:s16+s3], $0x80, v0, vm0, $0xb8;
	[tilespmem:$0x1A200] =	vst v63  }
0x117: {  	s20 =	simm.s32 $0x3A80  }
0x118: {  	[tilespmem:s20], [sflag:$0x1] =	stream.indirect_vreg.gather [hbm4b:s16+s3], $0x80, v1, vm0, $0xb8;
	[tilespmem:$0x1A200] =	vst v63  }
0x119: {  	s21 =	simm.s32 $0x3B00  }
0x11a: {  	[tilespmem:s21], [sflag:$0x1] =	stream.indirect_vreg.gather [hbm4b:s16+s3], $0x80, v2, vm0, $0xb8;
	[tilespmem:$0x1A200] =	vst v63  }
0x11b: {  	s22 =	simm.s32 $0x3B80  }
0x11c: {  	[tilespmem:s22], [sflag:$0x1] =	stream.indirect_vreg.gather [hbm4b:s16+s3], $0x80, v3, vm0, $0xb8;
	[tilespmem:$0x1A200] =	vst v63  }
0x11d: {  	s23 =	simm.s32 $0x3C00  }
0x11e: {  	[tilespmem:s23], [sflag:$0x1] =	stream.indirect_vreg.gather [hbm4b:s16+s3], $0x80, v4, vm0, $0xb8;
	[tilespmem:$0x1A200] =	vst v63  }
0x11f: {  	s18 =	simm.s32 $0x3C80  }
0x120: {  	[tilespmem:s18], [sflag:$0x1] =	stream.indirect_vreg.gather [hbm4b:s16+s3], $0x80, v5, vm0, $0xb8;
	[tilespmem:$0x1A200] =	vst v63  }
0x121: {  	s19 =	simm.s32 $0x3D00  }
0x122: {  	[tilespmem:s19], [sflag:$0x1] =	stream.indirect_vreg.gather [hbm4b:s16+s3], $0x80, v6, vm0, $0xb8;
	[tilespmem:$0x1A200] =	vst v63  }
0x123: {  	s20 =	simm.s32 $0x3D80  }
0x124: {  	[tilespmem:s20], [sflag:$0x1] =	stream.indirect_vreg.gather [hbm4b:s16+s3], $0x80, v7, vm0, $0xb8;
	[tilespmem:$0x1A200] =	vst v63  }
0x125: {  	s21 =	simm.s32 $0x3E00  }
0x126: {  	(v2sf) =	vpush v33, $0x8;
	[tilespmem:s21], [sflag:$0x1] =	stream.indirect_vreg.gather [hbm4b:s16+s3], $0x80, v8, vm0, $0xb8;
	[tilespmem:$0x1A200] =	vst v63  }
0x127: {  	s22 =	simm.s32 $0x3E80  }
0x128: {  	[tilespmem:s22], [sflag:$0x1] =	stream.indirect_vreg.gather [hbm4b:s16+s3], $0x80, v9, vm0, $0xb8;
	[tilespmem:$0x1A200] =	vst v63  }
0x129: {  	s23 =	simm.s32 $0x3F00  }
0x12a: {  	[tilespmem:s23], [sflag:$0x1] =	stream.indirect_vreg.gather [hbm4b:s16+s3], $0x80, v10, vm0, $0xb8;
	[tilespmem:$0x1A200] =	vst v63  }
0x12b: {  	s18 =	simm.s32 $0x3F80  }
0x12c: {  	[tilespmem:s18], [sflag:$0x1] =	stream.indirect_vreg.gather [hbm4b:s16+s3], $0x80, v11, vm0, $0xb8;
	[tilespmem:$0x1A200] =	vst v63  }
0x12d: {  	s19 =	simm.s32 $0x4000  }
0x12e: {  	[tilespmem:s19], [sflag:$0x1] =	stream.indirect_vreg.gather [hbm4b:s16+s3], $0x80, v12, vm0, $0xb8;
	[tilespmem:$0x1A200] =	vst v63  }
0x12f: {  	s20 =	simm.s32 $0x4080  }
0x130: {  	[tilespmem:s20], [sflag:$0x1] =	stream.indirect_vreg.gather [hbm4b:s16+s3], $0x80, v13, vm0, $0xb8;
	[tilespmem:$0x1A200] =	vst v63  }
0x131: {  	s21 =	simm.s32 $0x4100  }
0x132: {  	[tilespmem:s21], [sflag:$0x1] =	stream.indirect_vreg.gather [hbm4b:s16+s3], $0x80, v15, vm0, $0xb8;
	[tilespmem:$0x1A200] =	vst v63  }
0x133: {  	s22 =	simm.s32 $0x4180  }
0x134: {  	[tilespmem:s22], [sflag:$0x1] =	stream.indirect_vreg.gather [hbm4b:s16+s3], $0x80, v16, vm0, $0xb8;
	[tilespmem:$0x1A200] =	vst v63  }
0x135: {  	s23 =	simm.s32 $0x4200;
	s16 =	spop (v2sf)  }
0x136: {  	[tilespmem:s23], [sflag:$0x1] =	stream.indirect_vreg.gather [hbm4b:s16+s3], $0x80, v0, vm0, $0xb8;
	[tilespmem:$0x1A200] =	vst v63  }
0x137: {  	s18 =	simm.s32 $0x4280  }
0x138: {  	[tilespmem:s18], [sflag:$0x1] =	stream.indirect_vreg.gather [hbm4b:s16+s3], $0x80, v1, vm0, $0xb8;
	[tilespmem:$0x1A200] =	vst v63  }
0x139: {  	s19 =	simm.s32 $0x4300  }
0x13a: {  	[tilespmem:s19], [sflag:$0x1] =	stream.indirect_vreg.gather [hbm4b:s16+s3], $0x80, v2, vm0, $0xb8;
	[tilespmem:$0x1A200] =	vst v63  }
0x13b: {  	s20 =	simm.s32 $0x4380  }
0x13c: {  	[tilespmem:s20], [sflag:$0x1] =	stream.indirect_vreg.gather [hbm4b:s16+s3], $0x80, v3, vm0, $0xb8;
	[tilespmem:$0x1A200] =	vst v63  }
0x13d: {  	s21 =	simm.s32 $0x4400  }
0x13e: {  	[tilespmem:s21], [sflag:$0x1] =	stream.indirect_vreg.gather [hbm4b:s16+s3], $0x80, v4, vm0, $0xb8;
	[tilespmem:$0x1A200] =	vst v63  }
0x13f: {  	s22 =	simm.s32 $0x4480  }
0x140: {  	[tilespmem:s22], [sflag:$0x1] =	stream.indirect_vreg.gather [hbm4b:s16+s3], $0x80, v5, vm0, $0xb8;
	[tilespmem:$0x1A200] =	vst v63  }
0x141: {  	s23 =	simm.s32 $0x4500  }
0x142: {  	[tilespmem:s23], [sflag:$0x1] =	stream.indirect_vreg.gather [hbm4b:s16+s3], $0x80, v6, vm0, $0xb8;
	[tilespmem:$0x1A200] =	vst v63  }
0x143: {  	s18 =	simm.s32 $0x4580  }
0x144: {  	[tilespmem:s18], [sflag:$0x1] =	stream.indirect_vreg.gather [hbm4b:s16+s3], $0x80, v7, vm0, $0xb8;
	[tilespmem:$0x1A200] =	vst v63  }
0x145: {  	s19 =	simm.s32 $0x4600  }
0x146: {  	(v2sf) =	vpush v33, $0x9;
	[tilespmem:s19], [sflag:$0x1] =	stream.indirect_vreg.gather [hbm4b:s16+s3], $0x80, v8, vm0, $0xb8;
	[tilespmem:$0x1A200] =	vst v63  }
0x147: {  	s20 =	simm.s32 $0x4680  }
0x148: {  	[tilespmem:s20], [sflag:$0x1] =	stream.indirect_vreg.gather [hbm4b:s16+s3], $0x80, v9, vm0, $0xb8;
	[tilespmem:$0x1A200] =	vst v63  }
0x149: {  	s21 =	simm.s32 $0x4700  }
0x14a: {  	[tilespmem:s21], [sflag:$0x1] =	stream.indirect_vreg.gather [hbm4b:s16+s3], $0x80, v10, vm0, $0xb8;
	[tilespmem:$0x1A200] =	vst v63  }
0x14b: {  	s22 =	simm.s32 $0x4780  }
0x14c: {  	[tilespmem:s22], [sflag:$0x1] =	stream.indirect_vreg.gather [hbm4b:s16+s3], $0x80, v11, vm0, $0xb8;
	[tilespmem:$0x1A200] =	vst v63  }
0x14d: {  	s23 =	simm.s32 $0x4800  }
0x14e: {  	[tilespmem:s23], [sflag:$0x1] =	stream.indirect_vreg.gather [hbm4b:s16+s3], $0x80, v12, vm0, $0xb8;
	[tilespmem:$0x1A200] =	vst v63  }
0x14f: {  	s18 =	simm.s32 $0x4880  }
0x150: {  	[tilespmem:s18], [sflag:$0x1] =	stream.indirect_vreg.gather [hbm4b:s16+s3], $0x80, v13, vm0, $0xb8;
	[tilespmem:$0x1A200] =	vst v63  }
0x151: {  	s19 =	simm.s32 $0x4900  }
0x152: {  	[tilespmem:s19], [sflag:$0x1] =	stream.indirect_vreg.gather [hbm4b:s16+s3], $0x80, v15, vm0, $0xb8;
	[tilespmem:$0x1A200] =	vst v63  }
0x153: {  	s20 =	simm.s32 $0x4980  }
0x154: {  	[tilespmem:s20], [sflag:$0x1] =	stream.indirect_vreg.gather [hbm4b:s16+s3], $0x80, v16, vm0, $0xb8;
	[tilespmem:$0x1A200] =	vst v63  }
0x155: {  	s21 =	simm.s32 $0x4A00;
	s16 =	spop (v2sf)  }
0x156: {  	[tilespmem:s21], [sflag:$0x1] =	stream.indirect_vreg.gather [hbm4b:s16+s3], $0x80, v0, vm0, $0xb8;
	[tilespmem:$0x1A200] =	vst v63  }
0x157: {  	s22 =	simm.s32 $0x4A80  }
0x158: {  	[tilespmem:s22], [sflag:$0x1] =	stream.indirect_vreg.gather [hbm4b:s16+s3], $0x80, v1, vm0, $0xb8;
	[tilespmem:$0x1A200] =	vst v63  }
0x159: {  	s23 =	simm.s32 $0x4B00  }
0x15a: {  	[tilespmem:s23], [sflag:$0x1] =	stream.indirect_vreg.gather [hbm4b:s16+s3], $0x80, v2, vm0, $0xb8;
	[tilespmem:$0x1A200] =	vst v63  }
0x15b: {  	s18 =	simm.s32 $0x4B80  }
0x15c: {  	[tilespmem:s18], [sflag:$0x1] =	stream.indirect_vreg.gather [hbm4b:s16+s3], $0x80, v3, vm0, $0xb8;
	[tilespmem:$0x1A200] =	vst v63  }
0x15d: {  	s19 =	simm.s32 $0x4C00  }
0x15e: {  	[tilespmem:s19], [sflag:$0x1] =	stream.indirect_vreg.gather [hbm4b:s16+s3], $0x80, v4, vm0, $0xb8;
	[tilespmem:$0x1A200] =	vst v63  }
0x15f: {  	s20 =	simm.s32 $0x4C80  }
0x160: {  	[tilespmem:s20], [sflag:$0x1] =	stream.indirect_vreg.gather [hbm4b:s16+s3], $0x80, v5, vm0, $0xb8;
	[tilespmem:$0x1A200] =	vst v63  }
0x161: {  	s21 =	simm.s32 $0x4D00  }
0x162: {  	[tilespmem:s21], [sflag:$0x1] =	stream.indirect_vreg.gather [hbm4b:s16+s3], $0x80, v6, vm0, $0xb8;
	[tilespmem:$0x1A200] =	vst v63  }
0x163: {  	s22 =	simm.s32 $0x4D80  }
0x164: {  	[tilespmem:s22], [sflag:$0x1] =	stream.indirect_vreg.gather [hbm4b:s16+s3], $0x80, v7, vm0, $0xb8;
	[tilespmem:$0x1A200] =	vst v63  }
0x165: {  	s23 =	simm.s32 $0x4E00  }
0x166: {  	(v2sf) =	vpush v33, $0xA;
	[tilespmem:s23], [sflag:$0x1] =	stream.indirect_vreg.gather [hbm4b:s16+s3], $0x80, v8, vm0, $0xb8;
	[tilespmem:$0x1A200] =	vst v63  }
0x167: {  	s18 =	simm.s32 $0x4E80  }
0x168: {  	[tilespmem:s18], [sflag:$0x1] =	stream.indirect_vreg.gather [hbm4b:s16+s3], $0x80, v9, vm0, $0xb8;
	[tilespmem:$0x1A200] =	vst v63  }
0x169: {  	s19 =	simm.s32 $0x4F00  }
0x16a: {  	[tilespmem:s19], [sflag:$0x1] =	stream.indirect_vreg.gather [hbm4b:s16+s3], $0x80, v10, vm0, $0xb8;
	[tilespmem:$0x1A200] =	vst v63  }
0x16b: {  	s20 =	simm.s32 $0x4F80  }
0x16c: {  	[tilespmem:s20], [sflag:$0x1] =	stream.indirect_vreg.gather [hbm4b:s16+s3], $0x80, v11, vm0, $0xb8;
	[tilespmem:$0x1A200] =	vst v63  }
0x16d: {  	s21 =	simm.s32 $0x5000  }
0x16e: {  	[tilespmem:s21], [sflag:$0x1] =	stream.indirect_vreg.gather [hbm4b:s16+s3], $0x80, v12, vm0, $0xb8;
	[tilespmem:$0x1A200] =	vst v63  }
0x16f: {  	s22 =	simm.s32 $0x5080  }
0x170: {  	[tilespmem:s22], [sflag:$0x1] =	stream.indirect_vreg.gather [hbm4b:s16+s3], $0x80, v13, vm0, $0xb8;
	[tilespmem:$0x1A200] =	vst v63  }
0x171: {  	s23 =	simm.s32 $0x5100  }
0x172: {  	[tilespmem:s23], [sflag:$0x1] =	stream.indirect_vreg.gather [hbm4b:s16+s3], $0x80, v15, vm0, $0xb8;
	[tilespmem:$0x1A200] =	vst v63  }
0x173: {  	s18 =	simm.s32 $0x5180  }
0x174: {  	[tilespmem:s18], [sflag:$0x1] =	stream.indirect_vreg.gather [hbm4b:s16+s3], $0x80, v16, vm0, $0xb8;
	[tilespmem:$0x1A200] =	vst v63  }
0x175: {  	s19 =	simm.s32 $0x5200;
	s16 =	spop (v2sf)  }
0x176: {  	[tilespmem:s19], [sflag:$0x1] =	stream.indirect_vreg.gather [hbm4b:s16+s3], $0x80, v0, vm0, $0xb8;
	[tilespmem:$0x1A200] =	vst v63  }
0x177: {  	s20 =	simm.s32 $0x5280  }
0x178: {  	[tilespmem:s20], [sflag:$0x1] =	stream.indirect_vreg.gather [hbm4b:s16+s3], $0x80, v1, vm0, $0xb8;
	[tilespmem:$0x1A200] =	vst v63  }
0x179: {  	s21 =	simm.s32 $0x5300  }
0x17a: {  	[tilespmem:s21], [sflag:$0x1] =	stream.indirect_vreg.gather [hbm4b:s16+s3], $0x80, v2, vm0, $0xb8;
	[tilespmem:$0x1A200] =	vst v63  }
0x17b: {  	s22 =	simm.s32 $0x5380  }
0x17c: {  	[tilespmem:s22], [sflag:$0x1] =	stream.indirect_vreg.gather [hbm4b:s16+s3], $0x80, v3, vm0, $0xb8;
	[tilespmem:$0x1A200] =	vst v63  }
0x17d: {  	s23 =	simm.s32 $0x5400  }
0x17e: {  	[tilespmem:s23], [sflag:$0x1] =	stream.indirect_vreg.gather [hbm4b:s16+s3], $0x80, v4, vm0, $0xb8;
	[tilespmem:$0x1A200] =	vst v63  }
0x17f: {  	s18 =	simm.s32 $0x5480  }
0x180: {  	[tilespmem:s18], [sflag:$0x1] =	stream.indirect_vreg.gather [hbm4b:s16+s3], $0x80, v5, vm0, $0xb8;
	[tilespmem:$0x1A200] =	vst v63  }
0x181: {  	s19 =	simm.s32 $0x5500  }
0x182: {  	[tilespmem:s19], [sflag:$0x1] =	stream.indirect_vreg.gather [hbm4b:s16+s3], $0x80, v6, vm0, $0xb8;
	[tilespmem:$0x1A200] =	vst v63  }
0x183: {  	s20 =	simm.s32 $0x5580  }
0x184: {  	[tilespmem:s20], [sflag:$0x1] =	stream.indirect_vreg.gather [hbm4b:s16+s3], $0x80, v7, vm0, $0xb8;
	[tilespmem:$0x1A200] =	vst v63  }
0x185: {  	s21 =	simm.s32 $0x5600  }
0x186: {  	(v2sf) =	vpush v33, $0xB;
	[tilespmem:s21], [sflag:$0x1] =	stream.indirect_vreg.gather [hbm4b:s16+s3], $0x80, v8, vm0, $0xb8;
	[tilespmem:$0x1A200] =	vst v63  }
0x187: {  	s22 =	simm.s32 $0x5680  }
0x188: {  	[tilespmem:s22], [sflag:$0x1] =	stream.indirect_vreg.gather [hbm4b:s16+s3], $0x80, v9, vm0, $0xb8;
	[tilespmem:$0x1A200] =	vst v63  }
0x189: {  	s23 =	simm.s32 $0x5700  }
0x18a: {  	[tilespmem:s23], [sflag:$0x1] =	stream.indirect_vreg.gather [hbm4b:s16+s3], $0x80, v10, vm0, $0xb8;
	[tilespmem:$0x1A200] =	vst v63  }
0x18b: {  	s18 =	simm.s32 $0x5780  }
0x18c: {  	[tilespmem:s18], [sflag:$0x1] =	stream.indirect_vreg.gather [hbm4b:s16+s3], $0x80, v11, vm0, $0xb8;
	[tilespmem:$0x1A200] =	vst v63  }
0x18d: {  	s19 =	simm.s32 $0x5800  }
0x18e: {  	[tilespmem:s19], [sflag:$0x1] =	stream.indirect_vreg.gather [hbm4b:s16+s3], $0x80, v12, vm0, $0xb8;
	[tilespmem:$0x1A200] =	vst v63  }
0x18f: {  	s20 =	simm.s32 $0x5880  }
0x190: {  	[tilespmem:s20], [sflag:$0x1] =	stream.indirect_vreg.gather [hbm4b:s16+s3], $0x80, v13, vm0, $0xb8;
	[tilespmem:$0x1A200] =	vst v63  }
0x191: {  	s21 =	simm.s32 $0x5900  }
0x192: {  	[tilespmem:s21], [sflag:$0x1] =	stream.indirect_vreg.gather [hbm4b:s16+s3], $0x80, v15, vm0, $0xb8;
	[tilespmem:$0x1A200] =	vst v63  }
0x193: {  	s22 =	simm.s32 $0x5980  }
0x194: {  	[tilespmem:s22], [sflag:$0x1] =	stream.indirect_vreg.gather [hbm4b:s16+s3], $0x80, v16, vm0, $0xb8;
	[tilespmem:$0x1A200] =	vst v63  }
0x195: {  	s23 =	simm.s32 $0x5A00;
	s16 =	spop (v2sf)  }
0x196: {  	[tilespmem:s23], [sflag:$0x1] =	stream.indirect_vreg.gather [hbm4b:s16+s3], $0x80, v0, vm0, $0xb8;
	[tilespmem:$0x1A200] =	vst v63  }
0x197: {  	s18 =	simm.s32 $0x5A80  }
0x198: {  	[tilespmem:s18], [sflag:$0x1] =	stream.indirect_vreg.gather [hbm4b:s16+s3], $0x80, v1, vm0, $0xb8;
	[tilespmem:$0x1A200] =	vst v63  }
0x199: {  	s19 =	simm.s32 $0x5B00  }
0x19a: {  	[tilespmem:s19], [sflag:$0x1] =	stream.indirect_vreg.gather [hbm4b:s16+s3], $0x80, v2, vm0, $0xb8;
	[tilespmem:$0x1A200] =	vst v63  }
0x19b: {  	s20 =	simm.s32 $0x5B80  }
0x19c: {  	[tilespmem:s20], [sflag:$0x1] =	stream.indirect_vreg.gather [hbm4b:s16+s3], $0x80, v3, vm0, $0xb8;
	[tilespmem:$0x1A200] =	vst v63  }
0x19d: {  	s21 =	simm.s32 $0x5C00  }
0x19e: {  	[tilespmem:s21], [sflag:$0x1] =	stream.indirect_vreg.gather [hbm4b:s16+s3], $0x80, v4, vm0, $0xb8;
	[tilespmem:$0x1A200] =	vst v63  }
0x19f: {  	s22 =	simm.s32 $0x5C80  }
0x1a0: {  	[tilespmem:s22], [sflag:$0x1] =	stream.indirect_vreg.gather [hbm4b:s16+s3], $0x80, v5, vm0, $0xb8;
	[tilespmem:$0x1A200] =	vst v63  }
0x1a1: {  	s23 =	simm.s32 $0x5D00  }
0x1a2: {  	[tilespmem:s23], [sflag:$0x1] =	stream.indirect_vreg.gather [hbm4b:s16+s3], $0x80, v6, vm0, $0xb8;
	[tilespmem:$0x1A200] =	vst v63  }
0x1a3: {  	s18 =	simm.s32 $0x5D80  }
0x1a4: {  	[tilespmem:s18], [sflag:$0x1] =	stream.indirect_vreg.gather [hbm4b:s16+s3], $0x80, v7, vm0, $0xb8;
	[tilespmem:$0x1A200] =	vst v63  }
0x1a5: {  	s19 =	simm.s32 $0x5E00  }
0x1a6: {  	(v2sf) =	vpush v33, $0xC;
	[tilespmem:s19], [sflag:$0x1] =	stream.indirect_vreg.gather [hbm4b:s16+s3], $0x80, v8, vm0, $0xb8;
	[tilespmem:$0x1A200] =	vst v63  }
0x1a7: {  	s20 =	simm.s32 $0x5E80  }
0x1a8: {  	[tilespmem:s20], [sflag:$0x1] =	stream.indirect_vreg.gather [hbm4b:s16+s3], $0x80, v9, vm0, $0xb8;
	[tilespmem:$0x1A200] =	vst v63  }
0x1a9: {  	s21 =	simm.s32 $0x5F00  }
0x1aa: {  	[tilespmem:s21], [sflag:$0x1] =	stream.indirect_vreg.gather [hbm4b:s16+s3], $0x80, v10, vm0, $0xb8;
	[tilespmem:$0x1A200] =	vst v63  }
0x1ab: {  	s22 =	simm.s32 $0x5F80  }
0x1ac: {  	[tilespmem:s22], [sflag:$0x1] =	stream.indirect_vreg.gather [hbm4b:s16+s3], $0x80, v11, vm0, $0xb8;
	[tilespmem:$0x1A200] =	vst v63  }
0x1ad: {  	s23 =	simm.s32 $0x6000  }
0x1ae: {  	[tilespmem:s23], [sflag:$0x1] =	stream.indirect_vreg.gather [hbm4b:s16+s3], $0x80, v12, vm0, $0xb8;
	[tilespmem:$0x1A200] =	vst v63  }
0x1af: {  	s18 =	simm.s32 $0x6080  }
0x1b0: {  	[tilespmem:s18], [sflag:$0x1] =	stream.indirect_vreg.gather [hbm4b:s16+s3], $0x80, v13, vm0, $0xb8;
	[tilespmem:$0x1A200] =	vst v63  }
0x1b1: {  	s19 =	simm.s32 $0x6100  }
0x1b2: {  	[tilespmem:s19], [sflag:$0x1] =	stream.indirect_vreg.gather [hbm4b:s16+s3], $0x80, v15, vm0, $0xb8;
	[tilespmem:$0x1A200] =	vst v63  }
0x1b3: {  	s20 =	simm.s32 $0x6180  }
0x1b4: {  	[tilespmem:s20], [sflag:$0x1] =	stream.indirect_vreg.gather [hbm4b:s16+s3], $0x80, v16, vm0, $0xb8;
	[tilespmem:$0x1A200] =	vst v63  }
0x1b5: {  	s21 =	simm.s32 $0x6200;
	s16 =	spop (v2sf)  }
0x1b6: {  	[tilespmem:s21], [sflag:$0x1] =	stream.indirect_vreg.gather [hbm4b:s16+s3], $0x80, v0, vm0, $0xb8;
	[tilespmem:$0x1A200] =	vst v63  }
0x1b7: {  	s22 =	simm.s32 $0x6280  }
0x1b8: {  	[tilespmem:s22], [sflag:$0x1] =	stream.indirect_vreg.gather [hbm4b:s16+s3], $0x80, v1, vm0, $0xb8;
	[tilespmem:$0x1A200] =	vst v63  }
0x1b9: {  	s23 =	simm.s32 $0x6300  }
0x1ba: {  	[tilespmem:s23], [sflag:$0x1] =	stream.indirect_vreg.gather [hbm4b:s16+s3], $0x80, v2, vm0, $0xb8;
	[tilespmem:$0x1A200] =	vst v63  }
0x1bb: {  	s18 =	simm.s32 $0x6380  }
0x1bc: {  	[tilespmem:s18], [sflag:$0x1] =	stream.indirect_vreg.gather [hbm4b:s16+s3], $0x80, v3, vm0, $0xb8;
	[tilespmem:$0x1A200] =	vst v63  }
0x1bd: {  	s19 =	simm.s32 $0x6400  }
0x1be: {  	[tilespmem:s19], [sflag:$0x1] =	stream.indirect_vreg.gather [hbm4b:s16+s3], $0x80, v4, vm0, $0xb8;
	[tilespmem:$0x1A200] =	vst v63  }
0x1bf: {  	s20 =	simm.s32 $0x6480  }
0x1c0: {  	[tilespmem:s20], [sflag:$0x1] =	stream.indirect_vreg.gather [hbm4b:s16+s3], $0x80, v5, vm0, $0xb8;
	[tilespmem:$0x1A200] =	vst v63  }
0x1c1: {  	s21 =	simm.s32 $0x6500  }
0x1c2: {  	[tilespmem:s21], [sflag:$0x1] =	stream.indirect_vreg.gather [hbm4b:s16+s3], $0x80, v6, vm0, $0xb8;
	[tilespmem:$0x1A200] =	vst v63  }
0x1c3: {  	s22 =	simm.s32 $0x6580  }
0x1c4: {  	[tilespmem:s22], [sflag:$0x1] =	stream.indirect_vreg.gather [hbm4b:s16+s3], $0x80, v7, vm0, $0xb8;
	[tilespmem:$0x1A200] =	vst v63  }
0x1c5: {  	s23 =	simm.s32 $0x6600  }
0x1c6: {  	(v2sf) =	vpush v33, $0xD;
	[tilespmem:s23], [sflag:$0x1] =	stream.indirect_vreg.gather [hbm4b:s16+s3], $0x80, v8, vm0, $0xb8;
	[tilespmem:$0x1A200] =	vst v63  }
0x1c7: {  	s18 =	simm.s32 $0x6680  }
0x1c8: {  	[tilespmem:s18], [sflag:$0x1] =	stream.indirect_vreg.gather [hbm4b:s16+s3], $0x80, v9, vm0, $0xb8;
	[tilespmem:$0x1A200] =	vst v63  }
0x1c9: {  	s19 =	simm.s32 $0x6700  }
0x1ca: {  	[tilespmem:s19], [sflag:$0x1] =	stream.indirect_vreg.gather [hbm4b:s16+s3], $0x80, v10, vm0, $0xb8;
	[tilespmem:$0x1A200] =	vst v63  }
0x1cb: {  	s20 =	simm.s32 $0x6780  }
0x1cc: {  	[tilespmem:s20], [sflag:$0x1] =	stream.indirect_vreg.gather [hbm4b:s16+s3], $0x80, v11, vm0, $0xb8;
	[tilespmem:$0x1A200] =	vst v63  }
0x1cd: {  	s21 =	simm.s32 $0x6800  }
0x1ce: {  	[tilespmem:s21], [sflag:$0x1] =	stream.indirect_vreg.gather [hbm4b:s16+s3], $0x80, v12, vm0, $0xb8;
	[tilespmem:$0x1A200] =	vst v63  }
0x1cf: {  	s22 =	simm.s32 $0x6880  }
0x1d0: {  	[tilespmem:s22], [sflag:$0x1] =	stream.indirect_vreg.gather [hbm4b:s16+s3], $0x80, v13, vm0, $0xb8;
	[tilespmem:$0x1A200] =	vst v63  }
0x1d1: {  	s23 =	simm.s32 $0x6900  }
0x1d2: {  	[tilespmem:s23], [sflag:$0x1] =	stream.indirect_vreg.gather [hbm4b:s16+s3], $0x80, v15, vm0, $0xb8;
	[tilespmem:$0x1A200] =	vst v63  }
0x1d3: {  	s18 =	simm.s32 $0x6980  }
0x1d4: {  	[tilespmem:s18], [sflag:$0x1] =	stream.indirect_vreg.gather [hbm4b:s16+s3], $0x80, v16, vm0, $0xb8;
	[tilespmem:$0x1A200] =	vst v63  }
0x1d5: {  	s19 =	simm.s32 $0x6A00;
	s16 =	spop (v2sf)  }
0x1d6: {  	[tilespmem:s19], [sflag:$0x1] =	stream.indirect_vreg.gather [hbm4b:s16+s3], $0x80, v0, vm0, $0xb8;
	[tilespmem:$0x1A200] =	vst v63  }
0x1d7: {  	s20 =	simm.s32 $0x6A80  }
0x1d8: {  	[tilespmem:s20], [sflag:$0x1] =	stream.indirect_vreg.gather [hbm4b:s16+s3], $0x80, v1, vm0, $0xb8;
	[tilespmem:$0x1A200] =	vst v63  }
0x1d9: {  	s21 =	simm.s32 $0x6B00  }
0x1da: {  	[tilespmem:s21], [sflag:$0x1] =	stream.indirect_vreg.gather [hbm4b:s16+s3], $0x80, v2, vm0, $0xb8;
	[tilespmem:$0x1A200] =	vst v63  }
0x1db: {  	s22 =	simm.s32 $0x6B80  }
0x1dc: {  	[tilespmem:s22], [sflag:$0x1] =	stream.indirect_vreg.gather [hbm4b:s16+s3], $0x80, v3, vm0, $0xb8;
	[tilespmem:$0x1A200] =	vst v63  }
0x1dd: {  	s23 =	simm.s32 $0x6C00  }
0x1de: {  	[tilespmem:s23], [sflag:$0x1] =	stream.indirect_vreg.gather [hbm4b:s16+s3], $0x80, v4, vm0, $0xb8;
	[tilespmem:$0x1A200] =	vst v63  }
0x1df: {  	s18 =	simm.s32 $0x6C80  }
0x1e0: {  	[tilespmem:s18], [sflag:$0x1] =	stream.indirect_vreg.gather [hbm4b:s16+s3], $0x80, v5, vm0, $0xb8;
	[tilespmem:$0x1A200] =	vst v63  }
0x1e1: {  	s19 =	simm.s32 $0x6D00  }
0x1e2: {  	[tilespmem:s19], [sflag:$0x1] =	stream.indirect_vreg.gather [hbm4b:s16+s3], $0x80, v6, vm0, $0xb8;
	[tilespmem:$0x1A200] =	vst v63  }
0x1e3: {  	s20 =	simm.s32 $0x6D80  }
0x1e4: {  	[tilespmem:s20], [sflag:$0x1] =	stream.indirect_vreg.gather [hbm4b:s16+s3], $0x80, v7, vm0, $0xb8;
	[tilespmem:$0x1A200] =	vst v63  }
0x1e5: {  	s21 =	simm.s32 $0x6E00  }
0x1e6: {  	(v2sf) =	vpush v33, $0xE;
	[tilespmem:s21], [sflag:$0x1] =	stream.indirect_vreg.gather [hbm4b:s16+s3], $0x80, v8, vm0, $0xb8;
	[tilespmem:$0x1A200] =	vst v63  }
0x1e7: {  	s22 =	simm.s32 $0x6E80  }
0x1e8: {  	[tilespmem:s22], [sflag:$0x1] =	stream.indirect_vreg.gather [hbm4b:s16+s3], $0x80, v9, vm0, $0xb8;
	[tilespmem:$0x1A200] =	vst v63  }
0x1e9: {  	s23 =	simm.s32 $0x6F00  }
0x1ea: {  	[tilespmem:s23], [sflag:$0x1] =	stream.indirect_vreg.gather [hbm4b:s16+s3], $0x80, v10, vm0, $0xb8;
	[tilespmem:$0x1A200] =	vst v63  }
0x1eb: {  	s18 =	simm.s32 $0x6F80  }
0x1ec: {  	[tilespmem:s18], [sflag:$0x1] =	stream.indirect_vreg.gather [hbm4b:s16+s3], $0x80, v11, vm0, $0xb8;
	[tilespmem:$0x1A200] =	vst v63  }
0x1ed: {  	s19 =	simm.s32 $0x7000  }
0x1ee: {  	[tilespmem:s19], [sflag:$0x1] =	stream.indirect_vreg.gather [hbm4b:s16+s3], $0x80, v12, vm0, $0xb8;
	[tilespmem:$0x1A200] =	vst v63  }
0x1ef: {  	s20 =	simm.s32 $0x7080  }
0x1f0: {  	[tilespmem:s20], [sflag:$0x1] =	stream.indirect_vreg.gather [hbm4b:s16+s3], $0x80, v13, vm0, $0xb8;
	[tilespmem:$0x1A200] =	vst v63  }
0x1f1: {  	s21 =	simm.s32 $0x7100  }
0x1f2: {  	[tilespmem:s21], [sflag:$0x1] =	stream.indirect_vreg.gather [hbm4b:s16+s3], $0x80, v15, vm0, $0xb8;
	[tilespmem:$0x1A200] =	vst v63  }
0x1f3: {  	s22 =	simm.s32 $0x7180  }
0x1f4: {  	[tilespmem:s22], [sflag:$0x1] =	stream.indirect_vreg.gather [hbm4b:s16+s3], $0x80, v16, vm0, $0xb8;
	[tilespmem:$0x1A200] =	vst v63  }
0x1f5: {  	s23 =	simm.s32 $0x7200;
	s16 =	spop (v2sf)  }
0x1f6: {  	[tilespmem:s23], [sflag:$0x1] =	stream.indirect_vreg.gather [hbm4b:s16+s3], $0x80, v0, vm0, $0xb8;
	[tilespmem:$0x1A200] =	vst v63  }
0x1f7: {  	s18 =	simm.s32 $0x7280  }
0x1f8: {  	[tilespmem:s18], [sflag:$0x1] =	stream.indirect_vreg.gather [hbm4b:s16+s3], $0x80, v1, vm0, $0xb8;
	[tilespmem:$0x1A200] =	vst v63  }
0x1f9: {  	s19 =	simm.s32 $0x7300  }
0x1fa: {  	[tilespmem:s19], [sflag:$0x1] =	stream.indirect_vreg.gather [hbm4b:s16+s3], $0x80, v2, vm0, $0xb8;
	[tilespmem:$0x1A200] =	vst v63  }
0x1fb: {  	s20 =	simm.s32 $0x7380  }
0x1fc: {  	[tilespmem:s20], [sflag:$0x1] =	stream.indirect_vreg.gather [hbm4b:s16+s3], $0x80, v3, vm0, $0xb8;
	[tilespmem:$0x1A200] =	vst v63  }
0x1fd: {  	s21 =	simm.s32 $0x7400  }
0x1fe: {  	[tilespmem:s21], [sflag:$0x1] =	stream.indirect_vreg.gather [hbm4b:s16+s3], $0x80, v4, vm0, $0xb8;
	[tilespmem:$0x1A200] =	vst v63  }
0x1ff: {  	s22 =	simm.s32 $0x7480  }
0x200: {  	[tilespmem:s22], [sflag:$0x1] =	stream.indirect_vreg.gather [hbm4b:s16+s3], $0x80, v5, vm0, $0xb8;
	[tilespmem:$0x1A200] =	vst v63  }
0x201: {  	s23 =	simm.s32 $0x7500  }
0x202: {  	[tilespmem:s23], [sflag:$0x1] =	stream.indirect_vreg.gather [hbm4b:s16+s3], $0x80, v6, vm0, $0xb8;
	[tilespmem:$0x1A200] =	vst v63  }
0x203: {  	s18 =	simm.s32 $0x7580  }
0x204: {  	[tilespmem:s18], [sflag:$0x1] =	stream.indirect_vreg.gather [hbm4b:s16+s3], $0x80, v7, vm0, $0xb8;
	[tilespmem:$0x1A200] =	vst v63  }
0x205: {  	s19 =	simm.s32 $0x7600  }
0x206: {  	(v2sf) =	vpush v33, $0xF;
	[tilespmem:s19], [sflag:$0x1] =	stream.indirect_vreg.gather [hbm4b:s16+s3], $0x80, v8, vm0, $0xb8;
	[tilespmem:$0x1A200] =	vst v63  }
0x207: {  	s20 =	simm.s32 $0x7680  }
0x208: {  	[tilespmem:s20], [sflag:$0x1] =	stream.indirect_vreg.gather [hbm4b:s16+s3], $0x80, v9, vm0, $0xb8;
	[tilespmem:$0x1A200] =	vst v63  }
0x209: {  	s21 =	simm.s32 $0x7700  }
0x20a: {  	[tilespmem:s21], [sflag:$0x1] =	stream.indirect_vreg.gather [hbm4b:s16+s3], $0x80, v10, vm0, $0xb8;
	[tilespmem:$0x1A200] =	vst v63  }
0x20b: {  	s22 =	simm.s32 $0x7780  }
0x20c: {  	[tilespmem:s22], [sflag:$0x1] =	stream.indirect_vreg.gather [hbm4b:s16+s3], $0x80, v11, vm0, $0xb8;
	[tilespmem:$0x1A200] =	vst v63  }
0x20d: {  	s23 =	simm.s32 $0x7800  }
0x20e: {  	[tilespmem:s23], [sflag:$0x1] =	stream.indirect_vreg.gather [hbm4b:s16+s3], $0x80, v12, vm0, $0xb8;
	[tilespmem:$0x1A200] =	vst v63  }
0x20f: {  	s18 =	simm.s32 $0x7880  }
0x210: {  	[tilespmem:s18], [sflag:$0x1] =	stream.indirect_vreg.gather [hbm4b:s16+s3], $0x80, v13, vm0, $0xb8;
	[tilespmem:$0x1A200] =	vst v63  }
0x211: {  	s19 =	simm.s32 $0x7900  }
0x212: {  	[tilespmem:s19], [sflag:$0x1] =	stream.indirect_vreg.gather [hbm4b:s16+s3], $0x80, v15, vm0, $0xb8;
	[tilespmem:$0x1A200] =	vst v63  }
0x213: {  	s20 =	simm.s32 $0x7980  }
0x214: {  	[tilespmem:s20], [sflag:$0x1] =	stream.indirect_vreg.gather [hbm4b:s16+s3], $0x80, v16, vm0, $0xb8;
	[tilespmem:$0x1A200] =	vst v63  }
0x215: {  	s21 =	simm.s32 $0x7A00;
	s16 =	spop (v2sf)  }
0x216: {  	[tilespmem:s21], [sflag:$0x1] =	stream.indirect_vreg.gather [hbm4b:s16+s3], $0x80, v0, vm0, $0xb8;
	[tilespmem:$0x1A200] =	vst v63  }
0x217: {  	s22 =	simm.s32 $0x7A80  }
0x218: {  	[tilespmem:s22], [sflag:$0x1] =	stream.indirect_vreg.gather [hbm4b:s16+s3], $0x80, v1, vm0, $0xb8;
	[tilespmem:$0x1A200] =	vst v63  }
0x219: {  	s23 =	simm.s32 $0x7B00  }
0x21a: {  	[tilespmem:s23], [sflag:$0x1] =	stream.indirect_vreg.gather [hbm4b:s16+s3], $0x80, v2, vm0, $0xb8;
	[tilespmem:$0x1A200] =	vst v63  }
0x21b: {  	s18 =	simm.s32 $0x7B80  }
0x21c: {  	[tilespmem:s18], [sflag:$0x1] =	stream.indirect_vreg.gather [hbm4b:s16+s3], $0x80, v3, vm0, $0xb8;
	[tilespmem:$0x1A200] =	vst v63  }
0x21d: {  	s19 =	simm.s32 $0x7C00  }
0x21e: {  	[tilespmem:s19], [sflag:$0x1] =	stream.indirect_vreg.gather [hbm4b:s16+s3], $0x80, v4, vm0, $0xb8;
	[tilespmem:$0x1A200] =	vst v63  }
0x21f: {  	s20 =	simm.s32 $0x7C80  }
0x220: {  	[tilespmem:s20], [sflag:$0x1] =	stream.indirect_vreg.gather [hbm4b:s16+s3], $0x80, v5, vm0, $0xb8;
	[tilespmem:$0x1A200] =	vst v63  }
0x221: {  	s21 =	simm.s32 $0x7D00  }
0x222: {  	[tilespmem:s21], [sflag:$0x1] =	stream.indirect_vreg.gather [hbm4b:s16+s3], $0x80, v6, vm0, $0xb8;
	[tilespmem:$0x1A200] =	vst v63  }
0x223: {  	s22 =	simm.s32 $0x7D80  }
0x224: {  	[tilespmem:s22], [sflag:$0x1] =	stream.indirect_vreg.gather [hbm4b:s16+s3], $0x80, v7, vm0, $0xb8;
	[tilespmem:$0x1A200] =	vst v63  }
0x225: {  	s23 =	simm.s32 $0x7E00  }
0x226: {  	[tilespmem:s23], [sflag:$0x1] =	stream.indirect_vreg.gather [hbm4b:s16+s3], $0x80, v8, vm0, $0xb8;
	[tilespmem:$0x1A200] =	vst v63  }
0x227: {  	s18 =	simm.s32 $0x7E80  }
0x228: {  	[tilespmem:s18], [sflag:$0x1] =	stream.indirect_vreg.gather [hbm4b:s16+s3], $0x80, v9, vm0, $0xb8;
	[tilespmem:$0x1A200] =	vst v63  }
0x229: {  	s19 =	simm.s32 $0x7F00  }
0x22a: {  	[tilespmem:s19], [sflag:$0x1] =	stream.indirect_vreg.gather [hbm4b:s16+s3], $0x80, v10, vm0, $0xb8;
	[tilespmem:$0x1A200] =	vst v63  }
0x22b: {  	s20 =	simm.s32 $0x7F80  }
0x22c: {  	[tilespmem:s20], [sflag:$0x1] =	stream.indirect_vreg.gather [hbm4b:s16+s3], $0x80, v11, vm0, $0xb8;
	[tilespmem:$0x1A200] =	vst v63  }
0x22d: {  	s21 =	simm.s32 $0x8000  }
0x22e: {  	[tilespmem:s21], [sflag:$0x1] =	stream.indirect_vreg.gather [hbm4b:s16+s3], $0x80, v12, vm0, $0xb8;
	[tilespmem:$0x1A200] =	vst v63  }
0x22f: {  	s22 =	simm.s32 $0x8080  }
0x230: {  	[tilespmem:s22], [sflag:$0x1] =	stream.indirect_vreg.gather [hbm4b:s16+s3], $0x80, v13, vm0, $0xb8;
	[tilespmem:$0x1A200] =	vst v63  }
0x231: {  	s23 =	simm.s32 $0x8100  }
0x232: {  	[tilespmem:s23], [sflag:$0x1] =	stream.indirect_vreg.gather [hbm4b:s16+s3], $0x80, v15, vm0, $0xb8;
	[tilespmem:$0x1A200] =	vst v63  }
0x233: {  	s18 =	simm.s32 $0x8180  }
0x234: {  	[tilespmem:s18], [sflag:$0x1] =	stream.indirect_vreg.gather [hbm4b:s16+s3], $0x80, v16, vm0, $0xb8;
	[tilespmem:$0x1A200] =	vst v63  }
0x235: {  	v63 =	vld [tilespmem:$0x10];
	_ =	sdelay $0x4  }
0x236: {  	v33 =	vand.u32 $0xFFFFFF80, v63  }
0x237: {  	v33 =	vadd.s32 s1, v33  }
0x238: {  	(v2sf) =	vpush v33, $0x0;
	_ =	sdelay $0xe  }
0x239: {  	s19 =	simm.s32 $0x8200;
	s16 =	spop (v2sf)  }
0x23a: {  	[tilespmem:s19], [sflag:$0x2] =	stream.indirect_vreg.gather [hbm4b:s16+s3], $0x80, v0, vm0, $0xb8;
	[tilespmem:$0x1A200] =	vst v63  }
0x23b: {  	s20 =	simm.s32 $0x8280  }
0x23c: {  	[tilespmem:s20], [sflag:$0x2] =	stream.indirect_vreg.gather [hbm4b:s16+s3], $0x80, v1, vm0, $0xb8;
	[tilespmem:$0x1A200] =	vst v63  }
0x23d: {  	s21 =	simm.s32 $0x8300  }
0x23e: {  	[tilespmem:s21], [sflag:$0x2] =	stream.indirect_vreg.gather [hbm4b:s16+s3], $0x80, v2, vm0, $0xb8;
	[tilespmem:$0x1A200] =	vst v63  }
0x23f: {  	s22 =	simm.s32 $0x8380  }
0x240: {  	[tilespmem:s22], [sflag:$0x2] =	stream.indirect_vreg.gather [hbm4b:s16+s3], $0x80, v3, vm0, $0xb8;
	[tilespmem:$0x1A200] =	vst v63  }
0x241: {  	s23 =	simm.s32 $0x8400  }
0x242: {  	[tilespmem:s23], [sflag:$0x2] =	stream.indirect_vreg.gather [hbm4b:s16+s3], $0x80, v4, vm0, $0xb8;
	[tilespmem:$0x1A200] =	vst v63  }
0x243: {  	s18 =	simm.s32 $0x8480  }
0x244: {  	[tilespmem:s18], [sflag:$0x2] =	stream.indirect_vreg.gather [hbm4b:s16+s3], $0x80, v5, vm0, $0xb8;
	[tilespmem:$0x1A200] =	vst v63  }
0x245: {  	s19 =	simm.s32 $0x8500  }
0x246: {  	[tilespmem:s19], [sflag:$0x2] =	stream.indirect_vreg.gather [hbm4b:s16+s3], $0x80, v6, vm0, $0xb8;
	[tilespmem:$0x1A200] =	vst v63  }
0x247: {  	s20 =	simm.s32 $0x8580  }
0x248: {  	[tilespmem:s20], [sflag:$0x2] =	stream.indirect_vreg.gather [hbm4b:s16+s3], $0x80, v7, vm0, $0xb8;
	[tilespmem:$0x1A200] =	vst v63  }
0x249: {  	s21 =	simm.s32 $0x8600  }
0x24a: {  	(v2sf) =	vpush v33, $0x1;
	[tilespmem:s21], [sflag:$0x2] =	stream.indirect_vreg.gather [hbm4b:s16+s3], $0x80, v8, vm0, $0xb8;
	[tilespmem:$0x1A200] =	vst v63  }
0x24b: {  	s22 =	simm.s32 $0x8680  }
0x24c: {  	[tilespmem:s22], [sflag:$0x2] =	stream.indirect_vreg.gather [hbm4b:s16+s3], $0x80, v9, vm0, $0xb8;
	[tilespmem:$0x1A200] =	vst v63  }
0x24d: {  	s23 =	simm.s32 $0x8700  }
0x24e: {  	[tilespmem:s23], [sflag:$0x2] =	stream.indirect_vreg.gather [hbm4b:s16+s3], $0x80, v10, vm0, $0xb8;
	[tilespmem:$0x1A200] =	vst v63  }
0x24f: {  	s18 =	simm.s32 $0x8780  }
0x250: {  	[tilespmem:s18], [sflag:$0x2] =	stream.indirect_vreg.gather [hbm4b:s16+s3], $0x80, v11, vm0, $0xb8;
	[tilespmem:$0x1A200] =	vst v63  }
0x251: {  	s19 =	simm.s32 $0x8800  }
0x252: {  	[tilespmem:s19], [sflag:$0x2] =	stream.indirect_vreg.gather [hbm4b:s16+s3], $0x80, v12, vm0, $0xb8;
	[tilespmem:$0x1A200] =	vst v63  }
0x253: {  	s20 =	simm.s32 $0x8880  }
0x254: {  	[tilespmem:s20], [sflag:$0x2] =	stream.indirect_vreg.gather [hbm4b:s16+s3], $0x80, v13, vm0, $0xb8;
	[tilespmem:$0x1A200] =	vst v63  }
0x255: {  	s21 =	simm.s32 $0x8900  }
0x256: {  	[tilespmem:s21], [sflag:$0x2] =	stream.indirect_vreg.gather [hbm4b:s16+s3], $0x80, v15, vm0, $0xb8;
	[tilespmem:$0x1A200] =	vst v63  }
0x257: {  	s22 =	simm.s32 $0x8980  }
0x258: {  	[tilespmem:s22], [sflag:$0x2] =	stream.indirect_vreg.gather [hbm4b:s16+s3], $0x80, v16, vm0, $0xb8;
	[tilespmem:$0x1A200] =	vst v63  }
0x259: {  	s23 =	simm.s32 $0x8A00;
	s16 =	spop (v2sf)  }
0x25a: {  	[tilespmem:s23], [sflag:$0x2] =	stream.indirect_vreg.gather [hbm4b:s16+s3], $0x80, v0, vm0, $0xb8;
	[tilespmem:$0x1A200] =	vst v63  }
0x25b: {  	s18 =	simm.s32 $0x8A80  }
0x25c: {  	[tilespmem:s18], [sflag:$0x2] =	stream.indirect_vreg.gather [hbm4b:s16+s3], $0x80, v1, vm0, $0xb8;
	[tilespmem:$0x1A200] =	vst v63  }
0x25d: {  	s19 =	simm.s32 $0x8B00  }
0x25e: {  	[tilespmem:s19], [sflag:$0x2] =	stream.indirect_vreg.gather [hbm4b:s16+s3], $0x80, v2, vm0, $0xb8;
	[tilespmem:$0x1A200] =	vst v63  }
0x25f: {  	s20 =	simm.s32 $0x8B80  }
0x260: {  	[tilespmem:s20], [sflag:$0x2] =	stream.indirect_vreg.gather [hbm4b:s16+s3], $0x80, v3, vm0, $0xb8;
	[tilespmem:$0x1A200] =	vst v63  }
0x261: {  	s21 =	simm.s32 $0x8C00  }
0x262: {  	[tilespmem:s21], [sflag:$0x2] =	stream.indirect_vreg.gather [hbm4b:s16+s3], $0x80, v4, vm0, $0xb8;
	[tilespmem:$0x1A200] =	vst v63  }
0x263: {  	s22 =	simm.s32 $0x8C80  }
0x264: {  	[tilespmem:s22], [sflag:$0x2] =	stream.indirect_vreg.gather [hbm4b:s16+s3], $0x80, v5, vm0, $0xb8;
	[tilespmem:$0x1A200] =	vst v63  }
0x265: {  	s23 =	simm.s32 $0x8D00  }
0x266: {  	[tilespmem:s23], [sflag:$0x2] =	stream.indirect_vreg.gather [hbm4b:s16+s3], $0x80, v6, vm0, $0xb8;
	[tilespmem:$0x1A200] =	vst v63  }
0x267: {  	s18 =	simm.s32 $0x8D80  }
0x268: {  	[tilespmem:s18], [sflag:$0x2] =	stream.indirect_vreg.gather [hbm4b:s16+s3], $0x80, v7, vm0, $0xb8;
	[tilespmem:$0x1A200] =	vst v63  }
0x269: {  	s19 =	simm.s32 $0x8E00  }
0x26a: {  	(v2sf) =	vpush v33, $0x2;
	[tilespmem:s19], [sflag:$0x2] =	stream.indirect_vreg.gather [hbm4b:s16+s3], $0x80, v8, vm0, $0xb8;
	[tilespmem:$0x1A200] =	vst v63  }
0x26b: {  	s20 =	simm.s32 $0x8E80  }
0x26c: {  	[tilespmem:s20], [sflag:$0x2] =	stream.indirect_vreg.gather [hbm4b:s16+s3], $0x80, v9, vm0, $0xb8;
	[tilespmem:$0x1A200] =	vst v63  }
0x26d: {  	s21 =	simm.s32 $0x8F00  }
0x26e: {  	[tilespmem:s21], [sflag:$0x2] =	stream.indirect_vreg.gather [hbm4b:s16+s3], $0x80, v10, vm0, $0xb8;
	[tilespmem:$0x1A200] =	vst v63  }
0x26f: {  	s22 =	simm.s32 $0x8F80  }
0x270: {  	[tilespmem:s22], [sflag:$0x2] =	stream.indirect_vreg.gather [hbm4b:s16+s3], $0x80, v11, vm0, $0xb8;
	[tilespmem:$0x1A200] =	vst v63  }
0x271: {  	s23 =	simm.s32 $0x9000  }
0x272: {  	[tilespmem:s23], [sflag:$0x2] =	stream.indirect_vreg.gather [hbm4b:s16+s3], $0x80, v12, vm0, $0xb8;
	[tilespmem:$0x1A200] =	vst v63  }
0x273: {  	s18 =	simm.s32 $0x9080  }
0x274: {  	[tilespmem:s18], [sflag:$0x2] =	stream.indirect_vreg.gather [hbm4b:s16+s3], $0x80, v13, vm0, $0xb8;
	[tilespmem:$0x1A200] =	vst v63  }
0x275: {  	s19 =	simm.s32 $0x9100  }
0x276: {  	[tilespmem:s19], [sflag:$0x2] =	stream.indirect_vreg.gather [hbm4b:s16+s3], $0x80, v15, vm0, $0xb8;
	[tilespmem:$0x1A200] =	vst v63  }
0x277: {  	s20 =	simm.s32 $0x9180  }
0x278: {  	[tilespmem:s20], [sflag:$0x2] =	stream.indirect_vreg.gather [hbm4b:s16+s3], $0x80, v16, vm0, $0xb8;
	[tilespmem:$0x1A200] =	vst v63  }
0x279: {  	s21 =	simm.s32 $0x9200;
	s16 =	spop (v2sf)  }
0x27a: {  	[tilespmem:s21], [sflag:$0x2] =	stream.indirect_vreg.gather [hbm4b:s16+s3], $0x80, v0, vm0, $0xb8;
	[tilespmem:$0x1A200] =	vst v63  }
0x27b: {  	s22 =	simm.s32 $0x9280  }
0x27c: {  	[tilespmem:s22], [sflag:$0x2] =	stream.indirect_vreg.gather [hbm4b:s16+s3], $0x80, v1, vm0, $0xb8;
	[tilespmem:$0x1A200] =	vst v63  }
0x27d: {  	s23 =	simm.s32 $0x9300  }
0x27e: {  	[tilespmem:s23], [sflag:$0x2] =	stream.indirect_vreg.gather [hbm4b:s16+s3], $0x80, v2, vm0, $0xb8;
	[tilespmem:$0x1A200] =	vst v63  }
0x27f: {  	s18 =	simm.s32 $0x9380  }
0x280: {  	[tilespmem:s18], [sflag:$0x2] =	stream.indirect_vreg.gather [hbm4b:s16+s3], $0x80, v3, vm0, $0xb8;
	[tilespmem:$0x1A200] =	vst v63  }
0x281: {  	s19 =	simm.s32 $0x9400  }
0x282: {  	[tilespmem:s19], [sflag:$0x2] =	stream.indirect_vreg.gather [hbm4b:s16+s3], $0x80, v4, vm0, $0xb8;
	[tilespmem:$0x1A200] =	vst v63  }
0x283: {  	s20 =	simm.s32 $0x9480  }
0x284: {  	[tilespmem:s20], [sflag:$0x2] =	stream.indirect_vreg.gather [hbm4b:s16+s3], $0x80, v5, vm0, $0xb8;
	[tilespmem:$0x1A200] =	vst v63  }
0x285: {  	s21 =	simm.s32 $0x9500  }
0x286: {  	[tilespmem:s21], [sflag:$0x2] =	stream.indirect_vreg.gather [hbm4b:s16+s3], $0x80, v6, vm0, $0xb8;
	[tilespmem:$0x1A200] =	vst v63  }
0x287: {  	s22 =	simm.s32 $0x9580  }
0x288: {  	[tilespmem:s22], [sflag:$0x2] =	stream.indirect_vreg.gather [hbm4b:s16+s3], $0x80, v7, vm0, $0xb8;
	[tilespmem:$0x1A200] =	vst v63  }
0x289: {  	s23 =	simm.s32 $0x9600  }
0x28a: {  	(v2sf) =	vpush v33, $0x3;
	[tilespmem:s23], [sflag:$0x2] =	stream.indirect_vreg.gather [hbm4b:s16+s3], $0x80, v8, vm0, $0xb8;
	[tilespmem:$0x1A200] =	vst v63  }
0x28b: {  	s18 =	simm.s32 $0x9680  }
0x28c: {  	[tilespmem:s18], [sflag:$0x2] =	stream.indirect_vreg.gather [hbm4b:s16+s3], $0x80, v9, vm0, $0xb8;
	[tilespmem:$0x1A200] =	vst v63  }
0x28d: {  	s19 =	simm.s32 $0x9700  }
0x28e: {  	[tilespmem:s19], [sflag:$0x2] =	stream.indirect_vreg.gather [hbm4b:s16+s3], $0x80, v10, vm0, $0xb8;
	[tilespmem:$0x1A200] =	vst v63  }
0x28f: {  	s20 =	simm.s32 $0x9780  }
0x290: {  	[tilespmem:s20], [sflag:$0x2] =	stream.indirect_vreg.gather [hbm4b:s16+s3], $0x80, v11, vm0, $0xb8;
	[tilespmem:$0x1A200] =	vst v63  }
0x291: {  	s21 =	simm.s32 $0x9800  }
0x292: {  	[tilespmem:s21], [sflag:$0x2] =	stream.indirect_vreg.gather [hbm4b:s16+s3], $0x80, v12, vm0, $0xb8;
	[tilespmem:$0x1A200] =	vst v63  }
0x293: {  	s22 =	simm.s32 $0x9880  }
0x294: {  	[tilespmem:s22], [sflag:$0x2] =	stream.indirect_vreg.gather [hbm4b:s16+s3], $0x80, v13, vm0, $0xb8;
	[tilespmem:$0x1A200] =	vst v63  }
0x295: {  	s23 =	simm.s32 $0x9900  }
0x296: {  	[tilespmem:s23], [sflag:$0x2] =	stream.indirect_vreg.gather [hbm4b:s16+s3], $0x80, v15, vm0, $0xb8;
	[tilespmem:$0x1A200] =	vst v63  }
0x297: {  	s18 =	simm.s32 $0x9980  }
0x298: {  	[tilespmem:s18], [sflag:$0x2] =	stream.indirect_vreg.gather [hbm4b:s16+s3], $0x80, v16, vm0, $0xb8;
	[tilespmem:$0x1A200] =	vst v63  }
0x299: {  	s19 =	simm.s32 $0x9A00;
	s16 =	spop (v2sf)  }
0x29a: {  	[tilespmem:s19], [sflag:$0x2] =	stream.indirect_vreg.gather [hbm4b:s16+s3], $0x80, v0, vm0, $0xb8;
	[tilespmem:$0x1A200] =	vst v63  }
0x29b: {  	s20 =	simm.s32 $0x9A80  }
0x29c: {  	[tilespmem:s20], [sflag:$0x2] =	stream.indirect_vreg.gather [hbm4b:s16+s3], $0x80, v1, vm0, $0xb8;
	[tilespmem:$0x1A200] =	vst v63  }
0x29d: {  	s21 =	simm.s32 $0x9B00  }
0x29e: {  	[tilespmem:s21], [sflag:$0x2] =	stream.indirect_vreg.gather [hbm4b:s16+s3], $0x80, v2, vm0, $0xb8;
	[tilespmem:$0x1A200] =	vst v63  }
0x29f: {  	s22 =	simm.s32 $0x9B80  }
0x2a0: {  	[tilespmem:s22], [sflag:$0x2] =	stream.indirect_vreg.gather [hbm4b:s16+s3], $0x80, v3, vm0, $0xb8;
	[tilespmem:$0x1A200] =	vst v63  }
0x2a1: {  	s23 =	simm.s32 $0x9C00  }
0x2a2: {  	[tilespmem:s23], [sflag:$0x2] =	stream.indirect_vreg.gather [hbm4b:s16+s3], $0x80, v4, vm0, $0xb8;
	[tilespmem:$0x1A200] =	vst v63  }
0x2a3: {  	s18 =	simm.s32 $0x9C80  }
0x2a4: {  	[tilespmem:s18], [sflag:$0x2] =	stream.indirect_vreg.gather [hbm4b:s16+s3], $0x80, v5, vm0, $0xb8;
	[tilespmem:$0x1A200] =	vst v63  }
0x2a5: {  	s19 =	simm.s32 $0x9D00  }
0x2a6: {  	[tilespmem:s19], [sflag:$0x2] =	stream.indirect_vreg.gather [hbm4b:s16+s3], $0x80, v6, vm0, $0xb8;
	[tilespmem:$0x1A200] =	vst v63  }
0x2a7: {  	s20 =	simm.s32 $0x9D80  }
0x2a8: {  	[tilespmem:s20], [sflag:$0x2] =	stream.indirect_vreg.gather [hbm4b:s16+s3], $0x80, v7, vm0, $0xb8;
	[tilespmem:$0x1A200] =	vst v63  }
0x2a9: {  	s21 =	simm.s32 $0x9E00  }
0x2aa: {  	(v2sf) =	vpush v33, $0x4;
	[tilespmem:s21], [sflag:$0x2] =	stream.indirect_vreg.gather [hbm4b:s16+s3], $0x80, v8, vm0, $0xb8;
	[tilespmem:$0x1A200] =	vst v63  }
0x2ab: {  	s22 =	simm.s32 $0x9E80  }
0x2ac: {  	[tilespmem:s22], [sflag:$0x2] =	stream.indirect_vreg.gather [hbm4b:s16+s3], $0x80, v9, vm0, $0xb8;
	[tilespmem:$0x1A200] =	vst v63  }
0x2ad: {  	s23 =	simm.s32 $0x9F00  }
0x2ae: {  	[tilespmem:s23], [sflag:$0x2] =	stream.indirect_vreg.gather [hbm4b:s16+s3], $0x80, v10, vm0, $0xb8;
	[tilespmem:$0x1A200] =	vst v63  }
0x2af: {  	s18 =	simm.s32 $0x9F80  }
0x2b0: {  	[tilespmem:s18], [sflag:$0x2] =	stream.indirect_vreg.gather [hbm4b:s16+s3], $0x80, v11, vm0, $0xb8;
	[tilespmem:$0x1A200] =	vst v63  }
0x2b1: {  	s19 =	simm.s32 $0xA000  }
0x2b2: {  	[tilespmem:s19], [sflag:$0x2] =	stream.indirect_vreg.gather [hbm4b:s16+s3], $0x80, v12, vm0, $0xb8;
	[tilespmem:$0x1A200] =	vst v63  }
0x2b3: {  	s20 =	simm.s32 $0xA080  }
0x2b4: {  	[tilespmem:s20], [sflag:$0x2] =	stream.indirect_vreg.gather [hbm4b:s16+s3], $0x80, v13, vm0, $0xb8;
	[tilespmem:$0x1A200] =	vst v63  }
0x2b5: {  	s21 =	simm.s32 $0xA100  }
0x2b6: {  	[tilespmem:s21], [sflag:$0x2] =	stream.indirect_vreg.gather [hbm4b:s16+s3], $0x80, v15, vm0, $0xb8;
	[tilespmem:$0x1A200] =	vst v63  }
0x2b7: {  	s22 =	simm.s32 $0xA180  }
0x2b8: {  	[tilespmem:s22], [sflag:$0x2] =	stream.indirect_vreg.gather [hbm4b:s16+s3], $0x80, v16, vm0, $0xb8;
	[tilespmem:$0x1A200] =	vst v63  }
0x2b9: {  	s23 =	simm.s32 $0xA200;
	s16 =	spop (v2sf)  }
0x2ba: {  	[tilespmem:s23], [sflag:$0x2] =	stream.indirect_vreg.gather [hbm4b:s16+s3], $0x80, v0, vm0, $0xb8;
	[tilespmem:$0x1A200] =	vst v63  }
0x2bb: {  	s18 =	simm.s32 $0xA280  }
0x2bc: {  	[tilespmem:s18], [sflag:$0x2] =	stream.indirect_vreg.gather [hbm4b:s16+s3], $0x80, v1, vm0, $0xb8;
	[tilespmem:$0x1A200] =	vst v63  }
0x2bd: {  	s19 =	simm.s32 $0xA300  }
0x2be: {  	[tilespmem:s19], [sflag:$0x2] =	stream.indirect_vreg.gather [hbm4b:s16+s3], $0x80, v2, vm0, $0xb8;
	[tilespmem:$0x1A200] =	vst v63  }
0x2bf: {  	s20 =	simm.s32 $0xA380  }
0x2c0: {  	[tilespmem:s20], [sflag:$0x2] =	stream.indirect_vreg.gather [hbm4b:s16+s3], $0x80, v3, vm0, $0xb8;
	[tilespmem:$0x1A200] =	vst v63  }
0x2c1: {  	s21 =	simm.s32 $0xA400  }
0x2c2: {  	[tilespmem:s21], [sflag:$0x2] =	stream.indirect_vreg.gather [hbm4b:s16+s3], $0x80, v4, vm0, $0xb8;
	[tilespmem:$0x1A200] =	vst v63  }
0x2c3: {  	s22 =	simm.s32 $0xA480  }
0x2c4: {  	[tilespmem:s22], [sflag:$0x2] =	stream.indirect_vreg.gather [hbm4b:s16+s3], $0x80, v5, vm0, $0xb8;
	[tilespmem:$0x1A200] =	vst v63  }
0x2c5: {  	s23 =	simm.s32 $0xA500  }
0x2c6: {  	[tilespmem:s23], [sflag:$0x2] =	stream.indirect_vreg.gather [hbm4b:s16+s3], $0x80, v6, vm0, $0xb8;
	[tilespmem:$0x1A200] =	vst v63  }
0x2c7: {  	s18 =	simm.s32 $0xA580  }
0x2c8: {  	[tilespmem:s18], [sflag:$0x2] =	stream.indirect_vreg.gather [hbm4b:s16+s3], $0x80, v7, vm0, $0xb8;
	[tilespmem:$0x1A200] =	vst v63  }
0x2c9: {  	s19 =	simm.s32 $0xA600  }
0x2ca: {  	(v2sf) =	vpush v33, $0x5;
	[tilespmem:s19], [sflag:$0x2] =	stream.indirect_vreg.gather [hbm4b:s16+s3], $0x80, v8, vm0, $0xb8;
	[tilespmem:$0x1A200] =	vst v63  }
0x2cb: {  	s20 =	simm.s32 $0xA680  }
0x2cc: {  	[tilespmem:s20], [sflag:$0x2] =	stream.indirect_vreg.gather [hbm4b:s16+s3], $0x80, v9, vm0, $0xb8;
	[tilespmem:$0x1A200] =	vst v63  }
0x2cd: {  	s21 =	simm.s32 $0xA700  }
0x2ce: {  	[tilespmem:s21], [sflag:$0x2] =	stream.indirect_vreg.gather [hbm4b:s16+s3], $0x80, v10, vm0, $0xb8;
	[tilespmem:$0x1A200] =	vst v63  }
0x2cf: {  	s22 =	simm.s32 $0xA780  }
0x2d0: {  	[tilespmem:s22], [sflag:$0x2] =	stream.indirect_vreg.gather [hbm4b:s16+s3], $0x80, v11, vm0, $0xb8;
	[tilespmem:$0x1A200] =	vst v63  }
0x2d1: {  	s23 =	simm.s32 $0xA800  }
0x2d2: {  	[tilespmem:s23], [sflag:$0x2] =	stream.indirect_vreg.gather [hbm4b:s16+s3], $0x80, v12, vm0, $0xb8;
	[tilespmem:$0x1A200] =	vst v63  }
0x2d3: {  	s18 =	simm.s32 $0xA880  }
0x2d4: {  	[tilespmem:s18], [sflag:$0x2] =	stream.indirect_vreg.gather [hbm4b:s16+s3], $0x80, v13, vm0, $0xb8;
	[tilespmem:$0x1A200] =	vst v63  }
0x2d5: {  	s19 =	simm.s32 $0xA900  }
0x2d6: {  	[tilespmem:s19], [sflag:$0x2] =	stream.indirect_vreg.gather [hbm4b:s16+s3], $0x80, v15, vm0, $0xb8;
	[tilespmem:$0x1A200] =	vst v63  }
0x2d7: {  	s20 =	simm.s32 $0xA980  }
0x2d8: {  	[tilespmem:s20], [sflag:$0x2] =	stream.indirect_vreg.gather [hbm4b:s16+s3], $0x80, v16, vm0, $0xb8;
	[tilespmem:$0x1A200] =	vst v63  }
0x2d9: {  	s21 =	simm.s32 $0xAA00;
	s16 =	spop (v2sf)  }
0x2da: {  	[tilespmem:s21], [sflag:$0x2] =	stream.indirect_vreg.gather [hbm4b:s16+s3], $0x80, v0, vm0, $0xb8;
	[tilespmem:$0x1A200] =	vst v63  }
0x2db: {  	s22 =	simm.s32 $0xAA80  }
0x2dc: {  	[tilespmem:s22], [sflag:$0x2] =	stream.indirect_vreg.gather [hbm4b:s16+s3], $0x80, v1, vm0, $0xb8;
	[tilespmem:$0x1A200] =	vst v63  }
0x2dd: {  	s23 =	simm.s32 $0xAB00  }
0x2de: {  	[tilespmem:s23], [sflag:$0x2] =	stream.indirect_vreg.gather [hbm4b:s16+s3], $0x80, v2, vm0, $0xb8;
	[tilespmem:$0x1A200] =	vst v63  }
0x2df: {  	s18 =	simm.s32 $0xAB80  }
0x2e0: {  	[tilespmem:s18], [sflag:$0x2] =	stream.indirect_vreg.gather [hbm4b:s16+s3], $0x80, v3, vm0, $0xb8;
	[tilespmem:$0x1A200] =	vst v63  }
0x2e1: {  	s19 =	simm.s32 $0xAC00  }
0x2e2: {  	[tilespmem:s19], [sflag:$0x2] =	stream.indirect_vreg.gather [hbm4b:s16+s3], $0x80, v4, vm0, $0xb8;
	[tilespmem:$0x1A200] =	vst v63  }
0x2e3: {  	s20 =	simm.s32 $0xAC80  }
0x2e4: {  	[tilespmem:s20], [sflag:$0x2] =	stream.indirect_vreg.gather [hbm4b:s16+s3], $0x80, v5, vm0, $0xb8;
	[tilespmem:$0x1A200] =	vst v63  }
0x2e5: {  	s21 =	simm.s32 $0xAD00  }
0x2e6: {  	[tilespmem:s21], [sflag:$0x2] =	stream.indirect_vreg.gather [hbm4b:s16+s3], $0x80, v6, vm0, $0xb8;
	[tilespmem:$0x1A200] =	vst v63  }
0x2e7: {  	s22 =	simm.s32 $0xAD80  }
0x2e8: {  	[tilespmem:s22], [sflag:$0x2] =	stream.indirect_vreg.gather [hbm4b:s16+s3], $0x80, v7, vm0, $0xb8;
	[tilespmem:$0x1A200] =	vst v63  }
0x2e9: {  	s23 =	simm.s32 $0xAE00  }
0x2ea: {  	(v2sf) =	vpush v33, $0x6;
	[tilespmem:s23], [sflag:$0x2] =	stream.indirect_vreg.gather [hbm4b:s16+s3], $0x80, v8, vm0, $0xb8;
	[tilespmem:$0x1A200] =	vst v63  }
0x2eb: {  	s18 =	simm.s32 $0xAE80  }
0x2ec: {  	[tilespmem:s18], [sflag:$0x2] =	stream.indirect_vreg.gather [hbm4b:s16+s3], $0x80, v9, vm0, $0xb8;
	[tilespmem:$0x1A200] =	vst v63  }
0x2ed: {  	s19 =	simm.s32 $0xAF00  }
0x2ee: {  	[tilespmem:s19], [sflag:$0x2] =	stream.indirect_vreg.gather [hbm4b:s16+s3], $0x80, v10, vm0, $0xb8;
	[tilespmem:$0x1A200] =	vst v63  }
0x2ef: {  	s20 =	simm.s32 $0xAF80  }
0x2f0: {  	[tilespmem:s20], [sflag:$0x2] =	stream.indirect_vreg.gather [hbm4b:s16+s3], $0x80, v11, vm0, $0xb8;
	[tilespmem:$0x1A200] =	vst v63  }
0x2f1: {  	s21 =	simm.s32 $0xB000  }
0x2f2: {  	[tilespmem:s21], [sflag:$0x2] =	stream.indirect_vreg.gather [hbm4b:s16+s3], $0x80, v12, vm0, $0xb8;
	[tilespmem:$0x1A200] =	vst v63  }
0x2f3: {  	s22 =	simm.s32 $0xB080  }
0x2f4: {  	[tilespmem:s22], [sflag:$0x2] =	stream.indirect_vreg.gather [hbm4b:s16+s3], $0x80, v13, vm0, $0xb8;
	[tilespmem:$0x1A200] =	vst v63  }
0x2f5: {  	s23 =	simm.s32 $0xB100  }
0x2f6: {  	[tilespmem:s23], [sflag:$0x2] =	stream.indirect_vreg.gather [hbm4b:s16+s3], $0x80, v15, vm0, $0xb8;
	[tilespmem:$0x1A200] =	vst v63  }
0x2f7: {  	s18 =	simm.s32 $0xB180  }
0x2f8: {  	[tilespmem:s18], [sflag:$0x2] =	stream.indirect_vreg.gather [hbm4b:s16+s3], $0x80, v16, vm0, $0xb8;
	[tilespmem:$0x1A200] =	vst v63  }
0x2f9: {  	s19 =	simm.s32 $0xB200;
	s16 =	spop (v2sf)  }
0x2fa: {  	[tilespmem:s19], [sflag:$0x2] =	stream.indirect_vreg.gather [hbm4b:s16+s3], $0x80, v0, vm0, $0xb8;
	[tilespmem:$0x1A200] =	vst v63  }
0x2fb: {  	s20 =	simm.s32 $0xB280  }
0x2fc: {  	[tilespmem:s20], [sflag:$0x2] =	stream.indirect_vreg.gather [hbm4b:s16+s3], $0x80, v1, vm0, $0xb8;
	[tilespmem:$0x1A200] =	vst v63  }
0x2fd: {  	s21 =	simm.s32 $0xB300  }
0x2fe: {  	[tilespmem:s21], [sflag:$0x2] =	stream.indirect_vreg.gather [hbm4b:s16+s3], $0x80, v2, vm0, $0xb8;
	[tilespmem:$0x1A200] =	vst v63  }
0x2ff: {  	s22 =	simm.s32 $0xB380  }
0x300: {  	[tilespmem:s22], [sflag:$0x2] =	stream.indirect_vreg.gather [hbm4b:s16+s3], $0x80, v3, vm0, $0xb8;
	[tilespmem:$0x1A200] =	vst v63  }
0x301: {  	s23 =	simm.s32 $0xB400  }
0x302: {  	[tilespmem:s23], [sflag:$0x2] =	stream.indirect_vreg.gather [hbm4b:s16+s3], $0x80, v4, vm0, $0xb8;
	[tilespmem:$0x1A200] =	vst v63  }
0x303: {  	s18 =	simm.s32 $0xB480  }
0x304: {  	[tilespmem:s18], [sflag:$0x2] =	stream.indirect_vreg.gather [hbm4b:s16+s3], $0x80, v5, vm0, $0xb8;
	[tilespmem:$0x1A200] =	vst v63  }
0x305: {  	s19 =	simm.s32 $0xB500  }
0x306: {  	[tilespmem:s19], [sflag:$0x2] =	stream.indirect_vreg.gather [hbm4b:s16+s3], $0x80, v6, vm0, $0xb8;
	[tilespmem:$0x1A200] =	vst v63  }
0x307: {  	s20 =	simm.s32 $0xB580  }
0x308: {  	[tilespmem:s20], [sflag:$0x2] =	stream.indirect_vreg.gather [hbm4b:s16+s3], $0x80, v7, vm0, $0xb8;
	[tilespmem:$0x1A200] =	vst v63  }
0x309: {  	s21 =	simm.s32 $0xB600  }
0x30a: {  	(v2sf) =	vpush v33, $0x7;
	[tilespmem:s21], [sflag:$0x2] =	stream.indirect_vreg.gather [hbm4b:s16+s3], $0x80, v8, vm0, $0xb8;
	[tilespmem:$0x1A200] =	vst v63  }
0x30b: {  	s22 =	simm.s32 $0xB680  }
0x30c: {  	[tilespmem:s22], [sflag:$0x2] =	stream.indirect_vreg.gather [hbm4b:s16+s3], $0x80, v9, vm0, $0xb8;
	[tilespmem:$0x1A200] =	vst v63  }
0x30d: {  	s23 =	simm.s32 $0xB700  }
0x30e: {  	[tilespmem:s23], [sflag:$0x2] =	stream.indirect_vreg.gather [hbm4b:s16+s3], $0x80, v10, vm0, $0xb8;
	[tilespmem:$0x1A200] =	vst v63  }
0x30f: {  	s18 =	simm.s32 $0xB780  }
0x310: {  	[tilespmem:s18], [sflag:$0x2] =	stream.indirect_vreg.gather [hbm4b:s16+s3], $0x80, v11, vm0, $0xb8;
	[tilespmem:$0x1A200] =	vst v63  }
0x311: {  	s19 =	simm.s32 $0xB800  }
0x312: {  	[tilespmem:s19], [sflag:$0x2] =	stream.indirect_vreg.gather [hbm4b:s16+s3], $0x80, v12, vm0, $0xb8;
	[tilespmem:$0x1A200] =	vst v63  }
0x313: {  	s20 =	simm.s32 $0xB880  }
0x314: {  	[tilespmem:s20], [sflag:$0x2] =	stream.indirect_vreg.gather [hbm4b:s16+s3], $0x80, v13, vm0, $0xb8;
	[tilespmem:$0x1A200] =	vst v63  }
0x315: {  	s21 =	simm.s32 $0xB900  }
0x316: {  	[tilespmem:s21], [sflag:$0x2] =	stream.indirect_vreg.gather [hbm4b:s16+s3], $0x80, v15, vm0, $0xb8;
	[tilespmem:$0x1A200] =	vst v63  }
0x317: {  	s22 =	simm.s32 $0xB980  }
0x318: {  	[tilespmem:s22], [sflag:$0x2] =	stream.indirect_vreg.gather [hbm4b:s16+s3], $0x80, v16, vm0, $0xb8;
	[tilespmem:$0x1A200] =	vst v63  }
0x319: {  	s23 =	simm.s32 $0xBA00;
	s16 =	spop (v2sf)  }
0x31a: {  	[tilespmem:s23], [sflag:$0x2] =	stream.indirect_vreg.gather [hbm4b:s16+s3], $0x80, v0, vm0, $0xb8;
	[tilespmem:$0x1A200] =	vst v63  }
0x31b: {  	s18 =	simm.s32 $0xBA80  }
0x31c: {  	[tilespmem:s18], [sflag:$0x2] =	stream.indirect_vreg.gather [hbm4b:s16+s3], $0x80, v1, vm0, $0xb8;
	[tilespmem:$0x1A200] =	vst v63  }
0x31d: {  	s19 =	simm.s32 $0xBB00  }
0x31e: {  	[tilespmem:s19], [sflag:$0x2] =	stream.indirect_vreg.gather [hbm4b:s16+s3], $0x80, v2, vm0, $0xb8;
	[tilespmem:$0x1A200] =	vst v63  }
0x31f: {  	s20 =	simm.s32 $0xBB80  }
0x320: {  	[tilespmem:s20], [sflag:$0x2] =	stream.indirect_vreg.gather [hbm4b:s16+s3], $0x80, v3, vm0, $0xb8;
	[tilespmem:$0x1A200] =	vst v63  }
0x321: {  	s21 =	simm.s32 $0xBC00  }
0x322: {  	[tilespmem:s21], [sflag:$0x2] =	stream.indirect_vreg.gather [hbm4b:s16+s3], $0x80, v4, vm0, $0xb8;
	[tilespmem:$0x1A200] =	vst v63  }
0x323: {  	s22 =	simm.s32 $0xBC80  }
0x324: {  	[tilespmem:s22], [sflag:$0x2] =	stream.indirect_vreg.gather [hbm4b:s16+s3], $0x80, v5, vm0, $0xb8;
	[tilespmem:$0x1A200] =	vst v63  }
0x325: {  	s23 =	simm.s32 $0xBD00  }
0x326: {  	[tilespmem:s23], [sflag:$0x2] =	stream.indirect_vreg.gather [hbm4b:s16+s3], $0x80, v6, vm0, $0xb8;
	[tilespmem:$0x1A200] =	vst v63  }
0x327: {  	s18 =	simm.s32 $0xBD80  }
0x328: {  	[tilespmem:s18], [sflag:$0x2] =	stream.indirect_vreg.gather [hbm4b:s16+s3], $0x80, v7, vm0, $0xb8;
	[tilespmem:$0x1A200] =	vst v63  }
0x329: {  	s19 =	simm.s32 $0xBE00  }
0x32a: {  	(v2sf) =	vpush v33, $0x8;
	[tilespmem:s19], [sflag:$0x2] =	stream.indirect_vreg.gather [hbm4b:s16+s3], $0x80, v8, vm0, $0xb8;
	[tilespmem:$0x1A200] =	vst v63  }
0x32b: {  	s20 =	simm.s32 $0xBE80  }
0x32c: {  	[tilespmem:s20], [sflag:$0x2] =	stream.indirect_vreg.gather [hbm4b:s16+s3], $0x80, v9, vm0, $0xb8;
	[tilespmem:$0x1A200] =	vst v63  }
0x32d: {  	s21 =	simm.s32 $0xBF00  }
0x32e: {  	[tilespmem:s21], [sflag:$0x2] =	stream.indirect_vreg.gather [hbm4b:s16+s3], $0x80, v10, vm0, $0xb8;
	[tilespmem:$0x1A200] =	vst v63  }
0x32f: {  	s22 =	simm.s32 $0xBF80  }
0x330: {  	[tilespmem:s22], [sflag:$0x2] =	stream.indirect_vreg.gather [hbm4b:s16+s3], $0x80, v11, vm0, $0xb8;
	[tilespmem:$0x1A200] =	vst v63  }
0x331: {  	s23 =	simm.s32 $0xC000  }
0x332: {  	[tilespmem:s23], [sflag:$0x2] =	stream.indirect_vreg.gather [hbm4b:s16+s3], $0x80, v12, vm0, $0xb8;
	[tilespmem:$0x1A200] =	vst v63  }
0x333: {  	s18 =	simm.s32 $0xC080  }
0x334: {  	[tilespmem:s18], [sflag:$0x2] =	stream.indirect_vreg.gather [hbm4b:s16+s3], $0x80, v13, vm0, $0xb8;
	[tilespmem:$0x1A200] =	vst v63  }
0x335: {  	s19 =	simm.s32 $0xC100  }
0x336: {  	[tilespmem:s19], [sflag:$0x2] =	stream.indirect_vreg.gather [hbm4b:s16+s3], $0x80, v15, vm0, $0xb8;
	[tilespmem:$0x1A200] =	vst v63  }
0x337: {  	s20 =	simm.s32 $0xC180  }
0x338: {  	[tilespmem:s20], [sflag:$0x2] =	stream.indirect_vreg.gather [hbm4b:s16+s3], $0x80, v16, vm0, $0xb8;
	[tilespmem:$0x1A200] =	vst v63  }
0x339: {  	s21 =	simm.s32 $0xC200;
	s16 =	spop (v2sf)  }
0x33a: {  	[tilespmem:s21], [sflag:$0x2] =	stream.indirect_vreg.gather [hbm4b:s16+s3], $0x80, v0, vm0, $0xb8;
	[tilespmem:$0x1A200] =	vst v63  }
0x33b: {  	s22 =	simm.s32 $0xC280  }
0x33c: {  	[tilespmem:s22], [sflag:$0x2] =	stream.indirect_vreg.gather [hbm4b:s16+s3], $0x80, v1, vm0, $0xb8;
	[tilespmem:$0x1A200] =	vst v63  }
0x33d: {  	s23 =	simm.s32 $0xC300  }
0x33e: {  	[tilespmem:s23], [sflag:$0x2] =	stream.indirect_vreg.gather [hbm4b:s16+s3], $0x80, v2, vm0, $0xb8;
	[tilespmem:$0x1A200] =	vst v63  }
0x33f: {  	s18 =	simm.s32 $0xC380  }
0x340: {  	[tilespmem:s18], [sflag:$0x2] =	stream.indirect_vreg.gather [hbm4b:s16+s3], $0x80, v3, vm0, $0xb8;
	[tilespmem:$0x1A200] =	vst v63  }
0x341: {  	s19 =	simm.s32 $0xC400  }
0x342: {  	[tilespmem:s19], [sflag:$0x2] =	stream.indirect_vreg.gather [hbm4b:s16+s3], $0x80, v4, vm0, $0xb8;
	[tilespmem:$0x1A200] =	vst v63  }
0x343: {  	s20 =	simm.s32 $0xC480  }
0x344: {  	[tilespmem:s20], [sflag:$0x2] =	stream.indirect_vreg.gather [hbm4b:s16+s3], $0x80, v5, vm0, $0xb8;
	[tilespmem:$0x1A200] =	vst v63  }
0x345: {  	s21 =	simm.s32 $0xC500  }
0x346: {  	[tilespmem:s21], [sflag:$0x2] =	stream.indirect_vreg.gather [hbm4b:s16+s3], $0x80, v6, vm0, $0xb8;
	[tilespmem:$0x1A200] =	vst v63  }
0x347: {  	s22 =	simm.s32 $0xC580  }
0x348: {  	[tilespmem:s22], [sflag:$0x2] =	stream.indirect_vreg.gather [hbm4b:s16+s3], $0x80, v7, vm0, $0xb8;
	[tilespmem:$0x1A200] =	vst v63  }
0x349: {  	s23 =	simm.s32 $0xC600  }
0x34a: {  	(v2sf) =	vpush v33, $0x9;
	[tilespmem:s23], [sflag:$0x2] =	stream.indirect_vreg.gather [hbm4b:s16+s3], $0x80, v8, vm0, $0xb8;
	[tilespmem:$0x1A200] =	vst v63  }
0x34b: {  	s18 =	simm.s32 $0xC680  }
0x34c: {  	[tilespmem:s18], [sflag:$0x2] =	stream.indirect_vreg.gather [hbm4b:s16+s3], $0x80, v9, vm0, $0xb8;
	[tilespmem:$0x1A200] =	vst v63  }
0x34d: {  	s19 =	simm.s32 $0xC700  }
0x34e: {  	[tilespmem:s19], [sflag:$0x2] =	stream.indirect_vreg.gather [hbm4b:s16+s3], $0x80, v10, vm0, $0xb8;
	[tilespmem:$0x1A200] =	vst v63  }
0x34f: {  	s20 =	simm.s32 $0xC780  }
0x350: {  	[tilespmem:s20], [sflag:$0x2] =	stream.indirect_vreg.gather [hbm4b:s16+s3], $0x80, v11, vm0, $0xb8;
	[tilespmem:$0x1A200] =	vst v63  }
0x351: {  	s21 =	simm.s32 $0xC800  }
0x352: {  	[tilespmem:s21], [sflag:$0x2] =	stream.indirect_vreg.gather [hbm4b:s16+s3], $0x80, v12, vm0, $0xb8;
	[tilespmem:$0x1A200] =	vst v63  }
0x353: {  	s22 =	simm.s32 $0xC880  }
0x354: {  	[tilespmem:s22], [sflag:$0x2] =	stream.indirect_vreg.gather [hbm4b:s16+s3], $0x80, v13, vm0, $0xb8;
	[tilespmem:$0x1A200] =	vst v63  }
0x355: {  	s23 =	simm.s32 $0xC900  }
0x356: {  	[tilespmem:s23], [sflag:$0x2] =	stream.indirect_vreg.gather [hbm4b:s16+s3], $0x80, v15, vm0, $0xb8;
	[tilespmem:$0x1A200] =	vst v63  }
0x357: {  	s18 =	simm.s32 $0xC980  }
0x358: {  	[tilespmem:s18], [sflag:$0x2] =	stream.indirect_vreg.gather [hbm4b:s16+s3], $0x80, v16, vm0, $0xb8;
	[tilespmem:$0x1A200] =	vst v63  }
0x359: {  	s19 =	simm.s32 $0xCA00;
	s16 =	spop (v2sf)  }
0x35a: {  	[tilespmem:s19], [sflag:$0x2] =	stream.indirect_vreg.gather [hbm4b:s16+s3], $0x80, v0, vm0, $0xb8;
	[tilespmem:$0x1A200] =	vst v63  }
0x35b: {  	s20 =	simm.s32 $0xCA80  }
0x35c: {  	[tilespmem:s20], [sflag:$0x2] =	stream.indirect_vreg.gather [hbm4b:s16+s3], $0x80, v1, vm0, $0xb8;
	[tilespmem:$0x1A200] =	vst v63  }
0x35d: {  	s21 =	simm.s32 $0xCB00  }
0x35e: {  	[tilespmem:s21], [sflag:$0x2] =	stream.indirect_vreg.gather [hbm4b:s16+s3], $0x80, v2, vm0, $0xb8;
	[tilespmem:$0x1A200] =	vst v63  }
0x35f: {  	s22 =	simm.s32 $0xCB80  }
0x360: {  	[tilespmem:s22], [sflag:$0x2] =	stream.indirect_vreg.gather [hbm4b:s16+s3], $0x80, v3, vm0, $0xb8;
	[tilespmem:$0x1A200] =	vst v63  }
0x361: {  	s23 =	simm.s32 $0xCC00  }
0x362: {  	[tilespmem:s23], [sflag:$0x2] =	stream.indirect_vreg.gather [hbm4b:s16+s3], $0x80, v4, vm0, $0xb8;
	[tilespmem:$0x1A200] =	vst v63  }
0x363: {  	s18 =	simm.s32 $0xCC80  }
0x364: {  	[tilespmem:s18], [sflag:$0x2] =	stream.indirect_vreg.gather [hbm4b:s16+s3], $0x80, v5, vm0, $0xb8;
	[tilespmem:$0x1A200] =	vst v63  }
0x365: {  	s19 =	simm.s32 $0xCD00  }
0x366: {  	[tilespmem:s19], [sflag:$0x2] =	stream.indirect_vreg.gather [hbm4b:s16+s3], $0x80, v6, vm0, $0xb8;
	[tilespmem:$0x1A200] =	vst v63  }
0x367: {  	s20 =	simm.s32 $0xCD80  }
0x368: {  	[tilespmem:s20], [sflag:$0x2] =	stream.indirect_vreg.gather [hbm4b:s16+s3], $0x80, v7, vm0, $0xb8;
	[tilespmem:$0x1A200] =	vst v63  }
0x369: {  	s21 =	simm.s32 $0xCE00  }
0x36a: {  	(v2sf) =	vpush v33, $0xA;
	[tilespmem:s21], [sflag:$0x2] =	stream.indirect_vreg.gather [hbm4b:s16+s3], $0x80, v8, vm0, $0xb8;
	[tilespmem:$0x1A200] =	vst v63  }
0x36b: {  	s22 =	simm.s32 $0xCE80  }
0x36c: {  	[tilespmem:s22], [sflag:$0x2] =	stream.indirect_vreg.gather [hbm4b:s16+s3], $0x80, v9, vm0, $0xb8;
	[tilespmem:$0x1A200] =	vst v63  }
0x36d: {  	s23 =	simm.s32 $0xCF00  }
0x36e: {  	[tilespmem:s23], [sflag:$0x2] =	stream.indirect_vreg.gather [hbm4b:s16+s3], $0x80, v10, vm0, $0xb8;
	[tilespmem:$0x1A200] =	vst v63  }
0x36f: {  	s18 =	simm.s32 $0xCF80  }
0x370: {  	[tilespmem:s18], [sflag:$0x2] =	stream.indirect_vreg.gather [hbm4b:s16+s3], $0x80, v11, vm0, $0xb8;
	[tilespmem:$0x1A200] =	vst v63  }
0x371: {  	s19 =	simm.s32 $0xD000  }
0x372: {  	[tilespmem:s19], [sflag:$0x2] =	stream.indirect_vreg.gather [hbm4b:s16+s3], $0x80, v12, vm0, $0xb8;
	[tilespmem:$0x1A200] =	vst v63  }
0x373: {  	s20 =	simm.s32 $0xD080  }
0x374: {  	[tilespmem:s20], [sflag:$0x2] =	stream.indirect_vreg.gather [hbm4b:s16+s3], $0x80, v13, vm0, $0xb8;
	[tilespmem:$0x1A200] =	vst v63  }
0x375: {  	s21 =	simm.s32 $0xD100  }
0x376: {  	[tilespmem:s21], [sflag:$0x2] =	stream.indirect_vreg.gather [hbm4b:s16+s3], $0x80, v15, vm0, $0xb8;
	[tilespmem:$0x1A200] =	vst v63  }
0x377: {  	s22 =	simm.s32 $0xD180  }
0x378: {  	[tilespmem:s22], [sflag:$0x2] =	stream.indirect_vreg.gather [hbm4b:s16+s3], $0x80, v16, vm0, $0xb8;
	[tilespmem:$0x1A200] =	vst v63  }
0x379: {  	s23 =	simm.s32 $0xD200;
	s16 =	spop (v2sf)  }
0x37a: {  	[tilespmem:s23], [sflag:$0x2] =	stream.indirect_vreg.gather [hbm4b:s16+s3], $0x80, v0, vm0, $0xb8;
	[tilespmem:$0x1A200] =	vst v63  }
0x37b: {  	s18 =	simm.s32 $0xD280  }
0x37c: {  	[tilespmem:s18], [sflag:$0x2] =	stream.indirect_vreg.gather [hbm4b:s16+s3], $0x80, v1, vm0, $0xb8;
	[tilespmem:$0x1A200] =	vst v63  }
0x37d: {  	s19 =	simm.s32 $0xD300  }
0x37e: {  	[tilespmem:s19], [sflag:$0x2] =	stream.indirect_vreg.gather [hbm4b:s16+s3], $0x80, v2, vm0, $0xb8;
	[tilespmem:$0x1A200] =	vst v63  }
0x37f: {  	s20 =	simm.s32 $0xD380  }
0x380: {  	[tilespmem:s20], [sflag:$0x2] =	stream.indirect_vreg.gather [hbm4b:s16+s3], $0x80, v3, vm0, $0xb8;
	[tilespmem:$0x1A200] =	vst v63  }
0x381: {  	s21 =	simm.s32 $0xD400  }
0x382: {  	[tilespmem:s21], [sflag:$0x2] =	stream.indirect_vreg.gather [hbm4b:s16+s3], $0x80, v4, vm0, $0xb8;
	[tilespmem:$0x1A200] =	vst v63  }
0x383: {  	s22 =	simm.s32 $0xD480  }
0x384: {  	[tilespmem:s22], [sflag:$0x2] =	stream.indirect_vreg.gather [hbm4b:s16+s3], $0x80, v5, vm0, $0xb8;
	[tilespmem:$0x1A200] =	vst v63  }
0x385: {  	s23 =	simm.s32 $0xD500  }
0x386: {  	[tilespmem:s23], [sflag:$0x2] =	stream.indirect_vreg.gather [hbm4b:s16+s3], $0x80, v6, vm0, $0xb8;
	[tilespmem:$0x1A200] =	vst v63  }
0x387: {  	s18 =	simm.s32 $0xD580  }
0x388: {  	[tilespmem:s18], [sflag:$0x2] =	stream.indirect_vreg.gather [hbm4b:s16+s3], $0x80, v7, vm0, $0xb8;
	[tilespmem:$0x1A200] =	vst v63  }
0x389: {  	s19 =	simm.s32 $0xD600  }
0x38a: {  	(v2sf) =	vpush v33, $0xB;
	[tilespmem:s19], [sflag:$0x2] =	stream.indirect_vreg.gather [hbm4b:s16+s3], $0x80, v8, vm0, $0xb8;
	[tilespmem:$0x1A200] =	vst v63  }
0x38b: {  	s20 =	simm.s32 $0xD680  }
0x38c: {  	[tilespmem:s20], [sflag:$0x2] =	stream.indirect_vreg.gather [hbm4b:s16+s3], $0x80, v9, vm0, $0xb8;
	[tilespmem:$0x1A200] =	vst v63  }
0x38d: {  	s21 =	simm.s32 $0xD700  }
0x38e: {  	[tilespmem:s21], [sflag:$0x2] =	stream.indirect_vreg.gather [hbm4b:s16+s3], $0x80, v10, vm0, $0xb8;
	[tilespmem:$0x1A200] =	vst v63  }
0x38f: {  	s22 =	simm.s32 $0xD780  }
0x390: {  	[tilespmem:s22], [sflag:$0x2] =	stream.indirect_vreg.gather [hbm4b:s16+s3], $0x80, v11, vm0, $0xb8;
	[tilespmem:$0x1A200] =	vst v63  }
0x391: {  	s23 =	simm.s32 $0xD800  }
0x392: {  	[tilespmem:s23], [sflag:$0x2] =	stream.indirect_vreg.gather [hbm4b:s16+s3], $0x80, v12, vm0, $0xb8;
	[tilespmem:$0x1A200] =	vst v63  }
0x393: {  	s18 =	simm.s32 $0xD880  }
0x394: {  	[tilespmem:s18], [sflag:$0x2] =	stream.indirect_vreg.gather [hbm4b:s16+s3], $0x80, v13, vm0, $0xb8;
	[tilespmem:$0x1A200] =	vst v63  }
0x395: {  	s19 =	simm.s32 $0xD900  }
0x396: {  	[tilespmem:s19], [sflag:$0x2] =	stream.indirect_vreg.gather [hbm4b:s16+s3], $0x80, v15, vm0, $0xb8;
	[tilespmem:$0x1A200] =	vst v63  }
0x397: {  	s20 =	simm.s32 $0xD980  }
0x398: {  	[tilespmem:s20], [sflag:$0x2] =	stream.indirect_vreg.gather [hbm4b:s16+s3], $0x80, v16, vm0, $0xb8;
	[tilespmem:$0x1A200] =	vst v63  }
0x399: {  	s21 =	simm.s32 $0xDA00;
	s16 =	spop (v2sf)  }
0x39a: {  	[tilespmem:s21], [sflag:$0x2] =	stream.indirect_vreg.gather [hbm4b:s16+s3], $0x80, v0, vm0, $0xb8;
	[tilespmem:$0x1A200] =	vst v63  }
0x39b: {  	s22 =	simm.s32 $0xDA80  }
0x39c: {  	[tilespmem:s22], [sflag:$0x2] =	stream.indirect_vreg.gather [hbm4b:s16+s3], $0x80, v1, vm0, $0xb8;
	[tilespmem:$0x1A200] =	vst v63  }
0x39d: {  	s23 =	simm.s32 $0xDB00  }
0x39e: {  	[tilespmem:s23], [sflag:$0x2] =	stream.indirect_vreg.gather [hbm4b:s16+s3], $0x80, v2, vm0, $0xb8;
	[tilespmem:$0x1A200] =	vst v63  }
0x39f: {  	s18 =	simm.s32 $0xDB80  }
0x3a0: {  	[tilespmem:s18], [sflag:$0x2] =	stream.indirect_vreg.gather [hbm4b:s16+s3], $0x80, v3, vm0, $0xb8;
	[tilespmem:$0x1A200] =	vst v63  }
0x3a1: {  	s19 =	simm.s32 $0xDC00  }
0x3a2: {  	[tilespmem:s19], [sflag:$0x2] =	stream.indirect_vreg.gather [hbm4b:s16+s3], $0x80, v4, vm0, $0xb8;
	[tilespmem:$0x1A200] =	vst v63  }
0x3a3: {  	s20 =	simm.s32 $0xDC80  }
0x3a4: {  	[tilespmem:s20], [sflag:$0x2] =	stream.indirect_vreg.gather [hbm4b:s16+s3], $0x80, v5, vm0, $0xb8;
	[tilespmem:$0x1A200] =	vst v63  }
0x3a5: {  	s21 =	simm.s32 $0xDD00  }
0x3a6: {  	[tilespmem:s21], [sflag:$0x2] =	stream.indirect_vreg.gather [hbm4b:s16+s3], $0x80, v6, vm0, $0xb8;
	[tilespmem:$0x1A200] =	vst v63  }
0x3a7: {  	s22 =	simm.s32 $0xDD80  }
0x3a8: {  	[tilespmem:s22], [sflag:$0x2] =	stream.indirect_vreg.gather [hbm4b:s16+s3], $0x80, v7, vm0, $0xb8;
	[tilespmem:$0x1A200] =	vst v63  }
0x3a9: {  	s23 =	simm.s32 $0xDE00  }
0x3aa: {  	(v2sf) =	vpush v33, $0xC;
	[tilespmem:s23], [sflag:$0x2] =	stream.indirect_vreg.gather [hbm4b:s16+s3], $0x80, v8, vm0, $0xb8;
	[tilespmem:$0x1A200] =	vst v63  }
0x3ab: {  	s18 =	simm.s32 $0xDE80  }
0x3ac: {  	[tilespmem:s18], [sflag:$0x2] =	stream.indirect_vreg.gather [hbm4b:s16+s3], $0x80, v9, vm0, $0xb8;
	[tilespmem:$0x1A200] =	vst v63  }
0x3ad: {  	s19 =	simm.s32 $0xDF00  }
0x3ae: {  	[tilespmem:s19], [sflag:$0x2] =	stream.indirect_vreg.gather [hbm4b:s16+s3], $0x80, v10, vm0, $0xb8;
	[tilespmem:$0x1A200] =	vst v63  }
0x3af: {  	s20 =	simm.s32 $0xDF80  }
0x3b0: {  	[tilespmem:s20], [sflag:$0x2] =	stream.indirect_vreg.gather [hbm4b:s16+s3], $0x80, v11, vm0, $0xb8;
	[tilespmem:$0x1A200] =	vst v63  }
0x3b1: {  	s21 =	simm.s32 $0xE000  }
0x3b2: {  	[tilespmem:s21], [sflag:$0x2] =	stream.indirect_vreg.gather [hbm4b:s16+s3], $0x80, v12, vm0, $0xb8;
	[tilespmem:$0x1A200] =	vst v63  }
0x3b3: {  	s22 =	simm.s32 $0xE080  }
0x3b4: {  	[tilespmem:s22], [sflag:$0x2] =	stream.indirect_vreg.gather [hbm4b:s16+s3], $0x80, v13, vm0, $0xb8;
	[tilespmem:$0x1A200] =	vst v63  }
0x3b5: {  	s23 =	simm.s32 $0xE100  }
0x3b6: {  	[tilespmem:s23], [sflag:$0x2] =	stream.indirect_vreg.gather [hbm4b:s16+s3], $0x80, v15, vm0, $0xb8;
	[tilespmem:$0x1A200] =	vst v63  }
0x3b7: {  	s18 =	simm.s32 $0xE180  }
0x3b8: {  	[tilespmem:s18], [sflag:$0x2] =	stream.indirect_vreg.gather [hbm4b:s16+s3], $0x80, v16, vm0, $0xb8;
	[tilespmem:$0x1A200] =	vst v63  }
0x3b9: {  	s19 =	simm.s32 $0xE200;
	s16 =	spop (v2sf)  }
0x3ba: {  	[tilespmem:s19], [sflag:$0x2] =	stream.indirect_vreg.gather [hbm4b:s16+s3], $0x80, v0, vm0, $0xb8;
	[tilespmem:$0x1A200] =	vst v63  }
0x3bb: {  	s20 =	simm.s32 $0xE280  }
0x3bc: {  	[tilespmem:s20], [sflag:$0x2] =	stream.indirect_vreg.gather [hbm4b:s16+s3], $0x80, v1, vm0, $0xb8;
	[tilespmem:$0x1A200] =	vst v63  }
0x3bd: {  	s21 =	simm.s32 $0xE300  }
0x3be: {  	[tilespmem:s21], [sflag:$0x2] =	stream.indirect_vreg.gather [hbm4b:s16+s3], $0x80, v2, vm0, $0xb8;
	[tilespmem:$0x1A200] =	vst v63  }
0x3bf: {  	s22 =	simm.s32 $0xE380  }
0x3c0: {  	[tilespmem:s22], [sflag:$0x2] =	stream.indirect_vreg.gather [hbm4b:s16+s3], $0x80, v3, vm0, $0xb8;
	[tilespmem:$0x1A200] =	vst v63  }
0x3c1: {  	s23 =	simm.s32 $0xE400  }
0x3c2: {  	[tilespmem:s23], [sflag:$0x2] =	stream.indirect_vreg.gather [hbm4b:s16+s3], $0x80, v4, vm0, $0xb8;
	[tilespmem:$0x1A200] =	vst v63  }
0x3c3: {  	s18 =	simm.s32 $0xE480  }
0x3c4: {  	[tilespmem:s18], [sflag:$0x2] =	stream.indirect_vreg.gather [hbm4b:s16+s3], $0x80, v5, vm0, $0xb8;
	[tilespmem:$0x1A200] =	vst v63  }
0x3c5: {  	s19 =	simm.s32 $0xE500  }
0x3c6: {  	[tilespmem:s19], [sflag:$0x2] =	stream.indirect_vreg.gather [hbm4b:s16+s3], $0x80, v6, vm0, $0xb8;
	[tilespmem:$0x1A200] =	vst v63  }
0x3c7: {  	s20 =	simm.s32 $0xE580  }
0x3c8: {  	[tilespmem:s20], [sflag:$0x2] =	stream.indirect_vreg.gather [hbm4b:s16+s3], $0x80, v7, vm0, $0xb8;
	[tilespmem:$0x1A200] =	vst v63  }
0x3c9: {  	s21 =	simm.s32 $0xE600  }
0x3ca: {  	(v2sf) =	vpush v33, $0xD;
	[tilespmem:s21], [sflag:$0x2] =	stream.indirect_vreg.gather [hbm4b:s16+s3], $0x80, v8, vm0, $0xb8;
	[tilespmem:$0x1A200] =	vst v63  }
0x3cb: {  	s22 =	simm.s32 $0xE680  }
0x3cc: {  	[tilespmem:s22], [sflag:$0x2] =	stream.indirect_vreg.gather [hbm4b:s16+s3], $0x80, v9, vm0, $0xb8;
	[tilespmem:$0x1A200] =	vst v63  }
0x3cd: {  	s23 =	simm.s32 $0xE700  }
0x3ce: {  	[tilespmem:s23], [sflag:$0x2] =	stream.indirect_vreg.gather [hbm4b:s16+s3], $0x80, v10, vm0, $0xb8;
	[tilespmem:$0x1A200] =	vst v63  }
0x3cf: {  	s18 =	simm.s32 $0xE780  }
0x3d0: {  	[tilespmem:s18], [sflag:$0x2] =	stream.indirect_vreg.gather [hbm4b:s16+s3], $0x80, v11, vm0, $0xb8;
	[tilespmem:$0x1A200] =	vst v63  }
0x3d1: {  	s19 =	simm.s32 $0xE800  }
0x3d2: {  	[tilespmem:s19], [sflag:$0x2] =	stream.indirect_vreg.gather [hbm4b:s16+s3], $0x80, v12, vm0, $0xb8;
	[tilespmem:$0x1A200] =	vst v63  }
0x3d3: {  	s20 =	simm.s32 $0xE880  }
0x3d4: {  	[tilespmem:s20], [sflag:$0x2] =	stream.indirect_vreg.gather [hbm4b:s16+s3], $0x80, v13, vm0, $0xb8;
	[tilespmem:$0x1A200] =	vst v63  }
0x3d5: {  	s21 =	simm.s32 $0xE900  }
0x3d6: {  	[tilespmem:s21], [sflag:$0x2] =	stream.indirect_vreg.gather [hbm4b:s16+s3], $0x80, v15, vm0, $0xb8;
	[tilespmem:$0x1A200] =	vst v63  }
0x3d7: {  	s22 =	simm.s32 $0xE980  }
0x3d8: {  	[tilespmem:s22], [sflag:$0x2] =	stream.indirect_vreg.gather [hbm4b:s16+s3], $0x80, v16, vm0, $0xb8;
	[tilespmem:$0x1A200] =	vst v63  }
0x3d9: {  	s23 =	simm.s32 $0xEA00;
	s16 =	spop (v2sf)  }
0x3da: {  	[tilespmem:s23], [sflag:$0x2] =	stream.indirect_vreg.gather [hbm4b:s16+s3], $0x80, v0, vm0, $0xb8;
	[tilespmem:$0x1A200] =	vst v63  }
0x3db: {  	s18 =	simm.s32 $0xEA80  }
0x3dc: {  	[tilespmem:s18], [sflag:$0x2] =	stream.indirect_vreg.gather [hbm4b:s16+s3], $0x80, v1, vm0, $0xb8;
	[tilespmem:$0x1A200] =	vst v63  }
0x3dd: {  	s19 =	simm.s32 $0xEB00  }
0x3de: {  	[tilespmem:s19], [sflag:$0x2] =	stream.indirect_vreg.gather [hbm4b:s16+s3], $0x80, v2, vm0, $0xb8;
	[tilespmem:$0x1A200] =	vst v63  }
0x3df: {  	s20 =	simm.s32 $0xEB80  }
0x3e0: {  	[tilespmem:s20], [sflag:$0x2] =	stream.indirect_vreg.gather [hbm4b:s16+s3], $0x80, v3, vm0, $0xb8;
	[tilespmem:$0x1A200] =	vst v63  }
0x3e1: {  	s21 =	simm.s32 $0xEC00  }
0x3e2: {  	[tilespmem:s21], [sflag:$0x2] =	stream.indirect_vreg.gather [hbm4b:s16+s3], $0x80, v4, vm0, $0xb8;
	[tilespmem:$0x1A200] =	vst v63  }
0x3e3: {  	s22 =	simm.s32 $0xEC80  }
0x3e4: {  	[tilespmem:s22], [sflag:$0x2] =	stream.indirect_vreg.gather [hbm4b:s16+s3], $0x80, v5, vm0, $0xb8;
	[tilespmem:$0x1A200] =	vst v63  }
0x3e5: {  	s23 =	simm.s32 $0xED00  }
0x3e6: {  	[tilespmem:s23], [sflag:$0x2] =	stream.indirect_vreg.gather [hbm4b:s16+s3], $0x80, v6, vm0, $0xb8;
	[tilespmem:$0x1A200] =	vst v63  }
0x3e7: {  	s18 =	simm.s32 $0xED80  }
0x3e8: {  	[tilespmem:s18], [sflag:$0x2] =	stream.indirect_vreg.gather [hbm4b:s16+s3], $0x80, v7, vm0, $0xb8;
	[tilespmem:$0x1A200] =	vst v63  }
0x3e9: {  	s19 =	simm.s32 $0xEE00  }
0x3ea: {  	(v2sf) =	vpush v33, $0xE;
	[tilespmem:s19], [sflag:$0x2] =	stream.indirect_vreg.gather [hbm4b:s16+s3], $0x80, v8, vm0, $0xb8;
	[tilespmem:$0x1A200] =	vst v63  }
0x3eb: {  	s20 =	simm.s32 $0xEE80  }
0x3ec: {  	[tilespmem:s20], [sflag:$0x2] =	stream.indirect_vreg.gather [hbm4b:s16+s3], $0x80, v9, vm0, $0xb8;
	[tilespmem:$0x1A200] =	vst v63  }
0x3ed: {  	s21 =	simm.s32 $0xEF00  }
0x3ee: {  	[tilespmem:s21], [sflag:$0x2] =	stream.indirect_vreg.gather [hbm4b:s16+s3], $0x80, v10, vm0, $0xb8;
	[tilespmem:$0x1A200] =	vst v63  }
0x3ef: {  	s22 =	simm.s32 $0xEF80  }
0x3f0: {  	[tilespmem:s22], [sflag:$0x2] =	stream.indirect_vreg.gather [hbm4b:s16+s3], $0x80, v11, vm0, $0xb8;
	[tilespmem:$0x1A200] =	vst v63  }
0x3f1: {  	s23 =	simm.s32 $0xF000  }
0x3f2: {  	[tilespmem:s23], [sflag:$0x2] =	stream.indirect_vreg.gather [hbm4b:s16+s3], $0x80, v12, vm0, $0xb8;
	[tilespmem:$0x1A200] =	vst v63  }
0x3f3: {  	s18 =	simm.s32 $0xF080  }
0x3f4: {  	[tilespmem:s18], [sflag:$0x2] =	stream.indirect_vreg.gather [hbm4b:s16+s3], $0x80, v13, vm0, $0xb8;
	[tilespmem:$0x1A200] =	vst v63  }
0x3f5: {  	s19 =	simm.s32 $0xF100  }
0x3f6: {  	[tilespmem:s19], [sflag:$0x2] =	stream.indirect_vreg.gather [hbm4b:s16+s3], $0x80, v15, vm0, $0xb8;
	[tilespmem:$0x1A200] =	vst v63  }
0x3f7: {  	s20 =	simm.s32 $0xF180  }
0x3f8: {  	[tilespmem:s20], [sflag:$0x2] =	stream.indirect_vreg.gather [hbm4b:s16+s3], $0x80, v16, vm0, $0xb8;
	[tilespmem:$0x1A200] =	vst v63  }
0x3f9: {  	s21 =	simm.s32 $0xF200;
	s16 =	spop (v2sf)  }
0x3fa: {  	[tilespmem:s21], [sflag:$0x2] =	stream.indirect_vreg.gather [hbm4b:s16+s3], $0x80, v0, vm0, $0xb8;
	[tilespmem:$0x1A200] =	vst v63  }
0x3fb: {  	s22 =	simm.s32 $0xF280  }
0x3fc: {  	[tilespmem:s22], [sflag:$0x2] =	stream.indirect_vreg.gather [hbm4b:s16+s3], $0x80, v1, vm0, $0xb8;
	[tilespmem:$0x1A200] =	vst v63  }
0x3fd: {  	s23 =	simm.s32 $0xF300  }
0x3fe: {  	[tilespmem:s23], [sflag:$0x2] =	stream.indirect_vreg.gather [hbm4b:s16+s3], $0x80, v2, vm0, $0xb8;
	[tilespmem:$0x1A200] =	vst v63  }
0x3ff: {  	s18 =	simm.s32 $0xF380  }
0x400: {  	[tilespmem:s18], [sflag:$0x2] =	stream.indirect_vreg.gather [hbm4b:s16+s3], $0x80, v3, vm0, $0xb8;
	[tilespmem:$0x1A200] =	vst v63  }
0x401: {  	s19 =	simm.s32 $0xF400  }
0x402: {  	[tilespmem:s19], [sflag:$0x2] =	stream.indirect_vreg.gather [hbm4b:s16+s3], $0x80, v4, vm0, $0xb8;
	[tilespmem:$0x1A200] =	vst v63  }
0x403: {  	s20 =	simm.s32 $0xF480  }
0x404: {  	[tilespmem:s20], [sflag:$0x2] =	stream.indirect_vreg.gather [hbm4b:s16+s3], $0x80, v5, vm0, $0xb8;
	[tilespmem:$0x1A200] =	vst v63  }
0x405: {  	s21 =	simm.s32 $0xF500  }
0x406: {  	[tilespmem:s21], [sflag:$0x2] =	stream.indirect_vreg.gather [hbm4b:s16+s3], $0x80, v6, vm0, $0xb8;
	[tilespmem:$0x1A200] =	vst v63  }
0x407: {  	s22 =	simm.s32 $0xF580  }
0x408: {  	[tilespmem:s22], [sflag:$0x2] =	stream.indirect_vreg.gather [hbm4b:s16+s3], $0x80, v7, vm0, $0xb8;
	[tilespmem:$0x1A200] =	vst v63  }
0x409: {  	s23 =	simm.s32 $0xF600  }
0x40a: {  	(v2sf) =	vpush v33, $0xF;
	[tilespmem:s23], [sflag:$0x2] =	stream.indirect_vreg.gather [hbm4b:s16+s3], $0x80, v8, vm0, $0xb8;
	[tilespmem:$0x1A200] =	vst v63  }
0x40b: {  	s18 =	simm.s32 $0xF680  }
0x40c: {  	[tilespmem:s18], [sflag:$0x2] =	stream.indirect_vreg.gather [hbm4b:s16+s3], $0x80, v9, vm0, $0xb8;
	[tilespmem:$0x1A200] =	vst v63  }
0x40d: {  	s19 =	simm.s32 $0xF700  }
0x40e: {  	[tilespmem:s19], [sflag:$0x2] =	stream.indirect_vreg.gather [hbm4b:s16+s3], $0x80, v10, vm0, $0xb8;
	[tilespmem:$0x1A200] =	vst v63  }
0x40f: {  	s20 =	simm.s32 $0xF780  }
0x410: {  	[tilespmem:s20], [sflag:$0x2] =	stream.indirect_vreg.gather [hbm4b:s16+s3], $0x80, v11, vm0, $0xb8;
	[tilespmem:$0x1A200] =	vst v63  }
0x411: {  	s21 =	simm.s32 $0xF800  }
0x412: {  	[tilespmem:s21], [sflag:$0x2] =	stream.indirect_vreg.gather [hbm4b:s16+s3], $0x80, v12, vm0, $0xb8;
	[tilespmem:$0x1A200] =	vst v63  }
0x413: {  	s22 =	simm.s32 $0xF880  }
0x414: {  	[tilespmem:s22], [sflag:$0x2] =	stream.indirect_vreg.gather [hbm4b:s16+s3], $0x80, v13, vm0, $0xb8;
	[tilespmem:$0x1A200] =	vst v63  }
0x415: {  	s23 =	simm.s32 $0xF900  }
0x416: {  	[tilespmem:s23], [sflag:$0x2] =	stream.indirect_vreg.gather [hbm4b:s16+s3], $0x80, v15, vm0, $0xb8;
	[tilespmem:$0x1A200] =	vst v63  }
0x417: {  	s18 =	simm.s32 $0xF980  }
0x418: {  	[tilespmem:s18], [sflag:$0x2] =	stream.indirect_vreg.gather [hbm4b:s16+s3], $0x80, v16, vm0, $0xb8;
	[tilespmem:$0x1A200] =	vst v63  }
0x419: {  	s19 =	spop (v2sf)  }
0x41a: {  	[tilespmem:s11], [sflag:$0x2] =	stream.indirect_vreg.gather [hbm4b:s19+s3], $0x80, v0, vm0, $0xb8;
	[tilespmem:$0x1A200] =	vst v63  }
0x41b: {  	_ = 	snop  }
0x41c: {  	[tilespmem:s10], [sflag:$0x2] =	stream.indirect_vreg.gather [hbm4b:s19+s3], $0x80, v1, vm0, $0xb8;
	[tilespmem:$0x1A200] =	vst v63  }
0x41d: {  	_ = 	snop  }
0x41e: {  	[tilespmem:s9], [sflag:$0x2] =	stream.indirect_vreg.gather [hbm4b:s19+s3], $0x80, v2, vm0, $0xb8;
	[tilespmem:$0x1A200] =	vst v63  }
0x41f: {  	_ = 	snop  }
0x420: {  	[tilespmem:s0], [sflag:$0x2] =	stream.indirect_vreg.gather [hbm4b:s19+s3], $0x80, v3, vm0, $0xb8;
	[tilespmem:$0x1A200] =	vst v63  }
0x421: {  	_ = 	snop  }
0x422: {  	[tilespmem:s2], [sflag:$0x2] =	stream.indirect_vreg.gather [hbm4b:s19+s3], $0x80, v4, vm0, $0xb8;
	[tilespmem:$0x1A200] =	vst v63  }
0x423: {  	_ = 	snop  }
0x424: {  	[tilespmem:s31], [sflag:$0x2] =	stream.indirect_vreg.gather [hbm4b:s19+s3], $0x80, v5, vm0, $0xb8;
	[tilespmem:$0x1A200] =	vst v63  }
0x425: {  	_ = 	snop  }
0x426: {  	[tilespmem:s29], [sflag:$0x2] =	stream.indirect_vreg.gather [hbm4b:s19+s3], $0x80, v6, vm0, $0xb8;
	[tilespmem:$0x1A200] =	vst v63  }
0x427: {  	_ = 	snop  }
0x428: {  	[tilespmem:s30], [sflag:$0x2] =	stream.indirect_vreg.gather [hbm4b:s19+s3], $0x80, v7, vm0, $0xb8;
	[tilespmem:$0x1A200] =	vst v63  }
0x429: {  	_ = 	snop  }
0x42a: {  	[tilespmem:s28], [sflag:$0x2] =	stream.indirect_vreg.gather [hbm4b:s19+s3], $0x80, v8, vm0, $0xb8;
	[tilespmem:$0x1A200] =	vst v63  }
0x42b: {  	_ = 	snop  }
0x42c: {  	[tilespmem:s25], [sflag:$0x2] =	stream.indirect_vreg.gather [hbm4b:s19+s3], $0x80, v9, vm0, $0xb8;
	[tilespmem:$0x1A200] =	vst v63  }
0x42d: {  	_ = 	snop  }
0x42e: {  	[tilespmem:s26], [sflag:$0x2] =	stream.indirect_vreg.gather [hbm4b:s19+s3], $0x80, v10, vm0, $0xb8;
	[tilespmem:$0x1A200] =	vst v63  }
0x42f: {  	_ = 	snop  }
0x430: {  	[tilespmem:s24], [sflag:$0x2] =	stream.indirect_vreg.gather [hbm4b:s19+s3], $0x80, v11, vm0, $0xb8;
	[tilespmem:$0x1A200] =	vst v63  }
0x431: {  	s20 =	simm.s32 $0x10000  }
0x432: {  	[tilespmem:s20], [sflag:$0x2] =	stream.indirect_vreg.gather [hbm4b:s19+s3], $0x80, v12, vm0, $0xb8;
	[tilespmem:$0x1A200] =	vst v63  }
0x433: {  	s21 =	simm.s32 $0x10080  }
0x434: {  	[tilespmem:s21], [sflag:$0x2] =	stream.indirect_vreg.gather [hbm4b:s19+s3], $0x80, v13, vm0, $0xb8;
	[tilespmem:$0x1A200] =	vst v63  }
.Ltmp2:
0x435: {  	_ = 	snop;
	(pc) =	sbr.rel .LBB2_2-.Ltmp2, $4  }
0x436: {  	s17 =	simm.s32 $0xF;
	s22 =	simm.s32 $0x10100  }
0x437: {  	[tilespmem:s22], [sflag:$0x2] =	stream.indirect_vreg.gather [hbm4b:s19+s3], $0x80, v15, vm0, $0xb8;
	[tilespmem:$0x1A200] =	vst v63  }
0x438: {  	s23 =	simm.s32 $0x10180;
	s16 =	simm.s32 $0x2;
	s18 =	simm.s32 $0x20  }
0x439: {  	[tilespmem:s23], [sflag:$0x2] =	stream.indirect_vreg.gather [hbm4b:s19+s3], $0x80, v16, vm0, $0xb8;
	[tilespmem:$0x1A200] =	vst v63  }
.LBB2_4:
0x43a: {  	s20 =	smul.u32 $0xAB, s19;
	_ =	sdelay $0x1  }
0x43b: {  	s20 =	sshrl.u32 s20, $0x9  }
0x43c: {  	s20 =	sand.u32 $0x7F, s20  }
0x43d: {  	s20 =	smul.u32 $0x3, s20;
	_ =	sdelay $0x1  }
0x43e: {  	s22 =	ssub.s32 s19, s20  }
0x43f: {  	s19 =	sand.u32 $0xFF, s22  }
0x440: {  	s23 =	sadd.s32 $0x1, s19  }
0x441: {  	_ =	swait.ge [sflag:s23], $0x800  }
0x442: {  	[sflag:s23] =	ssyncset.done $0x0  }
0x443: {  	[sflag:s23] =	ssyncadd.s32 $0xFFFFF800  }
0x444: {  	_ =	swait.ge [sflag:s23], $0x800  }
0x445: {  	[sflag:s23] =	ssyncset.done $0x0  }
0x446: {  	[sflag:s23] =	ssyncadd.s32 $0xFFFFF800  }
0x447: {  	_ =	swait.ge [sflag:s23], $0x800  }
0x448: {  	[sflag:s23] =	ssyncset.done $0x0  }
0x449: {  	[sflag:s23] =	ssyncadd.s32 $0xFFFFF800  }
0x44a: {  	_ =	swait.ge [sflag:s23], $0x800  }
0x44b: {  	[sflag:s23] =	ssyncset.done $0x0  }
0x44c: {  	[sflag:s23] =	ssyncadd.s32 $0xFFFFF800  }
0x44d: {  	_ =	swait.ge [sflag:s23], $0x800  }
0x44e: {  	[sflag:s23] =	ssyncset.done $0x0  }
0x44f: {  	[sflag:s23] =	ssyncadd.s32 $0xFFFFF800  }
0x450: {  	_ =	swait.ge [sflag:s23], $0x800  }
0x451: {  	[sflag:s23] =	ssyncset.done $0x0  }
0x452: {  	[sflag:s23] =	ssyncadd.s32 $0xFFFFF800  }
0x453: {  	_ =	swait.ge [sflag:s23], $0x800  }
0x454: {  	[sflag:s23] =	ssyncset.done $0x0  }
0x455: {  	[sflag:s23] =	ssyncadd.s32 $0xFFFFF800  }
0x456: {  	_ =	swait.ge [sflag:s23], $0x800  }
0x457: {  	[sflag:s23] =	ssyncset.done $0x0  }
0x458: {  	[sflag:s23] =	ssyncadd.s32 $0xFFFFF800  }
0x459: {  	_ =	swait.ge [sflag:s23], $0x800  }
0x45a: {  	[sflag:s23] =	ssyncset.done $0x0  }
0x45b: {  	[sflag:s23] =	ssyncadd.s32 $0xFFFFF800  }
0x45c: {  	_ =	swait.ge [sflag:s23], $0x800  }
0x45d: {  	[sflag:s23] =	ssyncset.done $0x0  }
0x45e: {  	[sflag:s23] =	ssyncadd.s32 $0xFFFFF800  }
0x45f: {  	_ =	swait.ge [sflag:s23], $0x800  }
0x460: {  	[sflag:s23] =	ssyncset.done $0x0  }
0x461: {  	[sflag:s23] =	ssyncadd.s32 $0xFFFFF800  }
0x462: {  	_ =	swait.ge [sflag:s23], $0x800  }
0x463: {  	[sflag:s23] =	ssyncset.done $0x0  }
0x464: {  	[sflag:s23] =	ssyncadd.s32 $0xFFFFF800  }
0x465: {  	_ =	swait.ge [sflag:s23], $0x800  }
0x466: {  	[sflag:s23] =	ssyncset.done $0x0  }
0x467: {  	[sflag:s23] =	ssyncadd.s32 $0xFFFFF800  }
0x468: {  	_ =	swait.ge [sflag:s23], $0x800  }
0x469: {  	[sflag:s23] =	ssyncset.done $0x0  }
0x46a: {  	[sflag:s23] =	ssyncadd.s32 $0xFFFFF800  }
0x46b: {  	_ =	swait.ge [sflag:s23], $0x800  }
0x46c: {  	[sflag:s23] =	ssyncset.done $0x0  }
0x46d: {  	[sflag:s23] =	ssyncadd.s32 $0xFFFFF800  }
0x46e: {  	_ =	swait.ge [sflag:s23], $0x800  }
0x46f: {  	[sflag:s23] =	ssyncset.done $0x0  }
0x470: {  	[sflag:s23] =	ssyncadd.s32 $0xFFFFF800  }
0x471: {  	v33 =	vld [tilespmem:s18+$0xFFFFFFE0];
	_ =	sdelay $0x4  }
0x472: {  	s19 =	sshll.u32 s19, $0xF;
	v33 =	vand.u32 $0x7F, v33  }
0x473: {  	v34 =	vor.u32 s19, v33  }
0x474: {  	v34 =	vbroadcast v34, $0x0;
	_ =	sdelay $0x1  }
0x475: {  	s21 =	sadd.s32 $0xFFFFFFF1, s17;
	v34 =	vor.u32 v14, v34  }
0x476: {  	v35 =	vmov s21  }
0x477: {  	v36 =	vshll.u32 v35, $0x3  }
0x478: {  	v35 =	vand.u32 $0x70, v35;
	v36 =	vand.u32 $0xC00, v36;
	v37 =	vbroadcast v33, $0x1  }
0x479: {  	v35 =	vor.u32 v36, v35  }
0x47a: {  	v35 =	vor.u32 v17, v35;
	v42 =	vor.u32 s19, v37;
	v34 =	vld.idx.msk [tilespmem:v34+s8+$0x0], $0xffff  }
0x47b: {  	s22 =	sadd.s32 $0xFFFFFFF2, s17;
	v36 =	vor.u32 v18, v42  }
0x47c: {  	v43 =	vmov s22  }
0x47d: {  	v38 =	vshll.u32 v43, $0x3  }
0x47e: {  	v38 =	vand.u32 $0xC00, v38;
	v39 =	vbroadcast v33, $0x2;
	v37 =	vand.u32 $0x71, v43  }
0x47f: {  	v44 =	vor.u32 v38, v37;
	[tilespmem:v35+s13+$0x0] =	vst.idx.msk $0xffff, v34  }
0x480: {  	v45 =	vor.u32 s19, v39;
	v34 =	vor.u32 v17, v44;
	v35 =	vld.idx.msk [tilespmem:v36+s8+$0x0], $0xffff  }
0x481: {  	s23 =	sadd.s32 $0xFFFFFFF3, s17;
	v36 =	vor.u32 v19, v45  }
0x482: {  	v46 =	vmov s23  }
0x483: {  	v47 =	vshll.u32 v46, $0x3  }
0x484: {  	v48 =	vbroadcast v33, $0x3;
	v37 =	vand.u32 $0x72, v46;
	v38 =	vand.u32 $0xC00, v47  }
0x485: {  	v49 =	vor.u32 v38, v37;
	[tilespmem:v34+s13+$0x0] =	vst.idx.msk $0xffff, v35  }
0x486: {  	v50 =	vor.u32 s19, v48;
	v34 =	vor.u32 v17, v49;
	v35 =	vld.idx.msk [tilespmem:v36+s8+$0x0], $0xffff  }
0x487: {  	s21 =	sadd.s32 $0xFFFFFFF4, s17;
	v36 =	vor.u32 v20, v50  }
0x488: {  	v51 =	vmov s21  }
0x489: {  	v52 =	vshll.u32 v51, $0x3  }
0x48a: {  	v53 =	vbroadcast v33, $0x4;
	v37 =	vand.u32 $0x73, v51;
	v38 =	vand.u32 $0xC00, v52  }
0x48b: {  	v54 =	vor.u32 v38, v37;
	[tilespmem:v34+s13+$0x0] =	vst.idx.msk $0xffff, v35  }
0x48c: {  	v55 =	vor.u32 s19, v53;
	v34 =	vor.u32 v17, v54;
	v35 =	vld.idx.msk [tilespmem:v36+s8+$0x0], $0xffff  }
0x48d: {  	s22 =	sadd.s32 $0xFFFFFFF5, s17;
	v36 =	vor.u32 v21, v55  }
0x48e: {  	v56 =	vmov s22  }
0x48f: {  	v57 =	vshll.u32 v56, $0x3  }
0x490: {  	v58 =	vbroadcast v33, $0x5;
	v37 =	vand.u32 $0x74, v56;
	v38 =	vand.u32 $0xC00, v57  }
0x491: {  	v59 =	vor.u32 v38, v37;
	[tilespmem:v34+s13+$0x0] =	vst.idx.msk $0xffff, v35  }
0x492: {  	v60 =	vor.u32 s19, v58;
	v34 =	vor.u32 v17, v59;
	v35 =	vld.idx.msk [tilespmem:v36+s8+$0x0], $0xffff  }
0x493: {  	s23 =	sadd.s32 $0xFFFFFFF6, s17;
	v36 =	vor.u32 v22, v60  }
0x494: {  	v61 =	vmov s23  }
0x495: {  	v62 =	vshll.u32 v61, $0x3  }
0x496: {  	v63 =	vbroadcast v33, $0x6;
	v37 =	vand.u32 $0x75, v61;
	v38 =	vand.u32 $0xC00, v62  }
0x497: {  	v38 =	vor.u32 v38, v37;
	[tilespmem:v34+s13+$0x0] =	vst.idx.msk $0xffff, v35  }
0x498: {  	v40 =	vor.u32 s19, v63;
	v34 =	vor.u32 v17, v38;
	v35 =	vld.idx.msk [tilespmem:v36+s8+$0x0], $0xffff  }
0x499: {  	s21 =	sadd.s32 $0xFFFFFFF7, s17;
	v36 =	vor.u32 v23, v40  }
0x49a: {  	v41 =	vmov s21  }
0x49b: {  	v42 =	vshll.u32 v41, $0x3  }
0x49c: {  	v43 =	vbroadcast v33, $0x7;
	v37 =	vand.u32 $0x76, v41;
	v38 =	vand.u32 $0xC00, v42  }
0x49d: {  	v44 =	vor.u32 v38, v37;
	[tilespmem:v34+s13+$0x0] =	vst.idx.msk $0xffff, v35  }
0x49e: {  	v45 =	vor.u32 s19, v43;
	v34 =	vor.u32 v17, v44;
	v35 =	vld.idx.msk [tilespmem:v36+s8+$0x0], $0xffff  }
0x49f: {  	s22 =	sadd.s32 $0xFFFFFFF8, s17;
	v36 =	vor.u32 v24, v45  }
0x4a0: {  	v46 =	vmov s22  }
0x4a1: {  	v47 =	vshll.u32 v46, $0x3  }
0x4a2: {  	v48 =	vbroadcast v33, $0x8;
	v37 =	vand.u32 $0x77, v46;
	v38 =	vand.u32 $0xC00, v47  }
0x4a3: {  	v49 =	vor.u32 v38, v37;
	[tilespmem:v34+s13+$0x0] =	vst.idx.msk $0xffff, v35  }
0x4a4: {  	v50 =	vor.u32 s19, v48;
	v34 =	vor.u32 v17, v49;
	v35 =	vld.idx.msk [tilespmem:v36+s8+$0x0], $0xffff  }
0x4a5: {  	s23 =	sadd.s32 $0xFFFFFFF9, s17;
	v36 =	vor.u32 v25, v50  }
0x4a6: {  	v51 =	vmov s23  }
0x4a7: {  	v52 =	vshll.u32 v51, $0x3  }
0x4a8: {  	v53 =	vbroadcast v33, $0x9;
	v37 =	vand.u32 $0x78, v51;
	v38 =	vand.u32 $0xC00, v52  }
0x4a9: {  	v54 =	vor.u32 v38, v37;
	[tilespmem:v34+s13+$0x0] =	vst.idx.msk $0xffff, v35  }
0x4aa: {  	v55 =	vor.u32 s19, v53;
	v34 =	vor.u32 v17, v54;
	v35 =	vld.idx.msk [tilespmem:v36+s8+$0x0], $0xffff  }
0x4ab: {  	s21 =	sadd.s32 $0xFFFFFFFA, s17;
	v36 =	vor.u32 v26, v55  }
0x4ac: {  	v56 =	vmov s21  }
0x4ad: {  	v57 =	vshll.u32 v56, $0x3  }
0x4ae: {  	v58 =	vbroadcast v33, $0xA;
	v37 =	vand.u32 $0x79, v56;
	v38 =	vand.u32 $0xC00, v57  }
0x4af: {  	v59 =	vor.u32 v38, v37;
	[tilespmem:v34+s13+$0x0] =	vst.idx.msk $0xffff, v35  }
0x4b0: {  	v60 =	vor.u32 s19, v58;
	v34 =	vor.u32 v17, v59;
	v35 =	vld.idx.msk [tilespmem:v36+s8+$0x0], $0xffff  }
0x4b1: {  	s22 =	sadd.s32 $0xFFFFFFFB, s17;
	v36 =	vor.u32 v27, v60  }
0x4b2: {  	v61 =	vmov s22  }
0x4b3: {  	v62 =	vshll.u32 v61, $0x3  }
0x4b4: {  	v63 =	vbroadcast v33, $0xB;
	v37 =	vand.u32 $0x7A, v61;
	v38 =	vand.u32 $0xC00, v62  }
0x4b5: {  	v41 =	vor.u32 v38, v37;
	[tilespmem:v34+s13+$0x0] =	vst.idx.msk $0xffff, v35  }
0x4b6: {  	v42 =	vor.u32 s19, v63;
	v34 =	vor.u32 v17, v41;
	v35 =	vld.idx.msk [tilespmem:v36+s8+$0x0], $0xffff  }
0x4b7: {  	s23 =	sadd.s32 $0xFFFFFFFC, s17;
	v36 =	vor.u32 v28, v42  }
0x4b8: {  	v43 =	vmov s23  }
0x4b9: {  	v44 =	vshll.u32 v43, $0x3  }
0x4ba: {  	v37 =	vand.u32 $0x7B, v43;
	v38 =	vand.u32 $0xC00, v44;
	v45 =	vbroadcast v33, $0xC  }
0x4bb: {  	v46 =	vor.u32 v38, v37;
	[tilespmem:v34+s13+$0x0] =	vst.idx.msk $0xffff, v35  }
0x4bc: {  	v47 =	vor.u32 s19, v45;
	v34 =	vor.u32 v17, v46;
	v35 =	vld.idx.msk [tilespmem:v36+s8+$0x0], $0xffff  }
0x4bd: {  	s21 =	sadd.s32 $0xFFFFFFFD, s17;
	v36 =	vor.u32 v29, v47  }
0x4be: {  	v48 =	vmov s21  }
0x4bf: {  	v49 =	vshll.u32 v48, $0x3  }
0x4c0: {  	v37 =	vand.u32 $0x7C, v48;
	v38 =	vand.u32 $0xC00, v49;
	v50 =	vbroadcast v33, $0xD  }
0x4c1: {  	v51 =	vor.u32 v38, v37;
	[tilespmem:v34+s13+$0x0] =	vst.idx.msk $0xffff, v35  }
0x4c2: {  	v52 =	vor.u32 s19, v50;
	v34 =	vor.u32 v17, v51;
	v35 =	vld.idx.msk [tilespmem:v36+s8+$0x0], $0xffff  }
0x4c3: {  	s22 =	sadd.s32 $0xFFFFFFFE, s17;
	v36 =	vor.u32 v30, v52  }
0x4c4: {  	v53 =	vmov s22  }
0x4c5: {  	v54 =	vshll.u32 v53, $0x3  }
0x4c6: {  	v37 =	vand.u32 $0x7D, v53;
	v38 =	vand.u32 $0xC00, v54;
	v55 =	vbroadcast v33, $0xE  }
0x4c7: {  	v56 =	vor.u32 v38, v37;
	[tilespmem:v34+s13+$0x0] =	vst.idx.msk $0xffff, v35  }
0x4c8: {  	v57 =	vor.u32 s19, v55;
	v34 =	vor.u32 v17, v56;
	v35 =	vld.idx.msk [tilespmem:v36+s8+$0x0], $0xffff  }
0x4c9: {  	s23 =	sadd.s32 $0xFFFFFFFF, s17;
	v36 =	vor.u32 v31, v57  }
0x4ca: {  	v58 =	vmov s23  }
0x4cb: {  	v59 =	vshll.u32 v58, $0x3  }
0x4cc: {  	v33 =	vbroadcast v33, $0xF;
	v37 =	vand.u32 $0x7E, v58;
	v38 =	vand.u32 $0xC00, v59  }
0x4cd: {  	v60 =	vor.u32 v38, v37;
	[tilespmem:v34+s13+$0x0] =	vst.idx.msk $0xffff, v35  }
0x4ce: {  	v33 =	vor.u32 s19, v33;
	v34 =	vor.u32 v17, v60;
	v35 =	vld.idx.msk [tilespmem:v36+s8+$0x0], $0xffff  }
0x4cf: {  	v33 =	vor.u32 v32, v33  }
0x4d0: {  	v61 =	vmov s17  }
0x4d1: {  	v62 =	vshll.u32 v61, $0x3  }
0x4d2: {  	v37 =	vand.u32 $0xC00, v62;
	v36 =	vand.u32 $0x7F, v61  }
0x4d3: {  	s17 =	sadd.s32 $0x10, s17;
	v63 =	vor.u32 v37, v36;
	[tilespmem:v34+s13+$0x0] =	vst.idx.msk $0xffff, v35  }
0x4d4: {  	p0 =	sne.s32 s17, $0x20F;
	v34 =	vor.u32 v17, v63;
	v33 =	vld.idx.msk [tilespmem:v33+s8+$0x0], $0xffff  }
.Ltmp3:
0x4d5: {  	_ = 	snop;
	(pc) =	sbr.rel @!p0 .LBB2_5-.Ltmp3, $2  }
0x4d6: {  	_ =	sdelay $0x2  }
0x4d7: {  	s16 =	sadd.s32 $0x1, s16;
	s18 =	sadd.s32 $0x10, s18;
	[tilespmem:v34+s13+$0x0] =	vst.idx.msk $0xffff, v33  }
.LBB2_2:
0x4d8: {  	s19 =	sadd.s32 $0xFFFFFFFE, s16  }
0x4d9: {  	p0 =	sgt.u32 s19, $0x1D  }
.Ltmp4:
0x4da: {  	_ = 	snop;
	(pc) =	sbr.rel @p0 .LBB2_4-.Ltmp4, $1  }
0x4db: {  	_ =	sdelay $0x3  }
0x4dc: {  	v33 =	vld [tilespmem:s18+$0x0];
	_ =	sdelay $0x4  }
0x4dd: {  	v33 =	vand.u32 $0xFFFFFF80, v33  }
0x4de: {  	v33 =	vadd.s32 s1, v33  }
0x4df: {  	(v2sf) =	vpush v33, $0x0;
	_ =	sdelay $0x5  }
0x4e0: {  	s20 =	smul.u32 $0xAB, s16;
	_ =	sdelay $0x1  }
0x4e1: {  	s20 =	sshrl.u32 s20, $0x9  }
0x4e2: {  	s20 =	sand.u32 $0x7F, s20  }
0x4e3: {  	s20 =	smul.u32 $0x3, s20;
	_ =	sdelay $0x1  }
0x4e4: {  	s20 =	ssub.s32 s16, s20  }
0x4e5: {  	s20 =	sand.u32 $0xFF, s20  }
0x4e6: {  	s21 =	sshll.u32 s20, $0xF  }
0x4e7: {  	s20 =	sadd.s32 $0x1, s20;
	s22 =	sor.u32 $0x200, s21;
	s23 =	spop (v2sf)  }
0x4e8: {  	[tilespmem:s22], [sflag:s20] =	stream.indirect_vreg.gather [hbm4b:s23+s3], $0x80, v0, vm0, $0xb8;
	[tilespmem:$0x1A200] =	vst v63  }
0x4e9: {  	s22 =	sor.u32 $0x280, s21  }
0x4ea: {  	[tilespmem:s22], [sflag:s20] =	stream.indirect_vreg.gather [hbm4b:s23+s3], $0x80, v1, vm0, $0xb8;
	[tilespmem:$0x1A200] =	vst v63  }
0x4eb: {  	s22 =	sor.u32 $0x300, s21  }
0x4ec: {  	[tilespmem:s22], [sflag:s20] =	stream.indirect_vreg.gather [hbm4b:s23+s3], $0x80, v2, vm0, $0xb8;
	[tilespmem:$0x1A200] =	vst v63  }
0x4ed: {  	s22 =	sor.u32 $0x380, s21  }
0x4ee: {  	[tilespmem:s22], [sflag:s20] =	stream.indirect_vreg.gather [hbm4b:s23+s3], $0x80, v3, vm0, $0xb8;
	[tilespmem:$0x1A200] =	vst v63  }
0x4ef: {  	s22 =	sor.u32 $0x400, s21  }
0x4f0: {  	[tilespmem:s22], [sflag:s20] =	stream.indirect_vreg.gather [hbm4b:s23+s3], $0x80, v4, vm0, $0xb8;
	[tilespmem:$0x1A200] =	vst v63  }
0x4f1: {  	s22 =	sor.u32 $0x480, s21  }
0x4f2: {  	[tilespmem:s22], [sflag:s20] =	stream.indirect_vreg.gather [hbm4b:s23+s3], $0x80, v5, vm0, $0xb8;
	[tilespmem:$0x1A200] =	vst v63  }
0x4f3: {  	s22 =	sor.u32 $0x500, s21  }
0x4f4: {  	[tilespmem:s22], [sflag:s20] =	stream.indirect_vreg.gather [hbm4b:s23+s3], $0x80, v6, vm0, $0xb8;
	[tilespmem:$0x1A200] =	vst v63  }
0x4f5: {  	s22 =	sor.u32 $0x580, s21  }
0x4f6: {  	[tilespmem:s22], [sflag:s20] =	stream.indirect_vreg.gather [hbm4b:s23+s3], $0x80, v7, vm0, $0xb8;
	[tilespmem:$0x1A200] =	vst v63  }
0x4f7: {  	s22 =	sor.u32 $0x600, s21  }
0x4f8: {  	(v2sf) =	vpush v33, $0x1;
	[tilespmem:s22], [sflag:s20] =	stream.indirect_vreg.gather [hbm4b:s23+s3], $0x80, v8, vm0, $0xb8;
	[tilespmem:$0x1A200] =	vst v63  }
0x4f9: {  	s22 =	sor.u32 $0x680, s21  }
0x4fa: {  	[tilespmem:s22], [sflag:s20] =	stream.indirect_vreg.gather [hbm4b:s23+s3], $0x80, v9, vm0, $0xb8;
	[tilespmem:$0x1A200] =	vst v63  }
0x4fb: {  	s22 =	sor.u32 $0x700, s21  }
0x4fc: {  	[tilespmem:s22], [sflag:s20] =	stream.indirect_vreg.gather [hbm4b:s23+s3], $0x80, v10, vm0, $0xb8;
	[tilespmem:$0x1A200] =	vst v63  }
0x4fd: {  	s22 =	sor.u32 $0x780, s21  }
0x4fe: {  	[tilespmem:s22], [sflag:s20] =	stream.indirect_vreg.gather [hbm4b:s23+s3], $0x80, v11, vm0, $0xb8;
	[tilespmem:$0x1A200] =	vst v63  }
0x4ff: {  	s22 =	sor.u32 $0x800, s21  }
0x500: {  	[tilespmem:s22], [sflag:s20] =	stream.indirect_vreg.gather [hbm4b:s23+s3], $0x80, v12, vm0, $0xb8;
	[tilespmem:$0x1A200] =	vst v63  }
0x501: {  	s22 =	sor.u32 $0x880, s21  }
0x502: {  	[tilespmem:s22], [sflag:s20] =	stream.indirect_vreg.gather [hbm4b:s23+s3], $0x80, v13, vm0, $0xb8;
	[tilespmem:$0x1A200] =	vst v63  }
0x503: {  	s22 =	sor.u32 $0x900, s21  }
0x504: {  	[tilespmem:s22], [sflag:s20] =	stream.indirect_vreg.gather [hbm4b:s23+s3], $0x80, v15, vm0, $0xb8;
	[tilespmem:$0x1A200] =	vst v63  }
0x505: {  	s22 =	sor.u32 $0x980, s21  }
0x506: {  	[tilespmem:s22], [sflag:s20] =	stream.indirect_vreg.gather [hbm4b:s23+s3], $0x80, v16, vm0, $0xb8;
	[tilespmem:$0x1A200] =	vst v63  }
0x507: {  	s22 =	sor.u32 $0xA00, s21;
	s23 =	spop (v2sf)  }
0x508: {  	[tilespmem:s22], [sflag:s20] =	stream.indirect_vreg.gather [hbm4b:s23+s3], $0x80, v0, vm0, $0xb8;
	[tilespmem:$0x1A200] =	vst v63  }
0x509: {  	s22 =	sor.u32 $0xA80, s21  }
0x50a: {  	[tilespmem:s22], [sflag:s20] =	stream.indirect_vreg.gather [hbm4b:s23+s3], $0x80, v1, vm0, $0xb8;
	[tilespmem:$0x1A200] =	vst v63  }
0x50b: {  	s22 =	sor.u32 $0xB00, s21  }
0x50c: {  	[tilespmem:s22], [sflag:s20] =	stream.indirect_vreg.gather [hbm4b:s23+s3], $0x80, v2, vm0, $0xb8;
	[tilespmem:$0x1A200] =	vst v63  }
0x50d: {  	s22 =	sor.u32 $0xB80, s21  }
0x50e: {  	[tilespmem:s22], [sflag:s20] =	stream.indirect_vreg.gather [hbm4b:s23+s3], $0x80, v3, vm0, $0xb8;
	[tilespmem:$0x1A200] =	vst v63  }
0x50f: {  	s22 =	sor.u32 $0xC00, s21  }
0x510: {  	[tilespmem:s22], [sflag:s20] =	stream.indirect_vreg.gather [hbm4b:s23+s3], $0x80, v4, vm0, $0xb8;
	[tilespmem:$0x1A200] =	vst v63  }
0x511: {  	s22 =	sor.u32 $0xC80, s21  }
0x512: {  	[tilespmem:s22], [sflag:s20] =	stream.indirect_vreg.gather [hbm4b:s23+s3], $0x80, v5, vm0, $0xb8;
	[tilespmem:$0x1A200] =	vst v63  }
0x513: {  	s22 =	sor.u32 $0xD00, s21  }
0x514: {  	[tilespmem:s22], [sflag:s20] =	stream.indirect_vreg.gather [hbm4b:s23+s3], $0x80, v6, vm0, $0xb8;
	[tilespmem:$0x1A200] =	vst v63  }
0x515: {  	s22 =	sor.u32 $0xD80, s21  }
0x516: {  	[tilespmem:s22], [sflag:s20] =	stream.indirect_vreg.gather [hbm4b:s23+s3], $0x80, v7, vm0, $0xb8;
	[tilespmem:$0x1A200] =	vst v63  }
0x517: {  	s22 =	sor.u32 $0xE00, s21  }
0x518: {  	(v2sf) =	vpush v33, $0x2;
	[tilespmem:s22], [sflag:s20] =	stream.indirect_vreg.gather [hbm4b:s23+s3], $0x80, v8, vm0, $0xb8;
	[tilespmem:$0x1A200] =	vst v63  }
0x519: {  	s22 =	sor.u32 $0xE80, s21  }
0x51a: {  	[tilespmem:s22], [sflag:s20] =	stream.indirect_vreg.gather [hbm4b:s23+s3], $0x80, v9, vm0, $0xb8;
	[tilespmem:$0x1A200] =	vst v63  }
0x51b: {  	s22 =	sor.u32 $0xF00, s21  }
0x51c: {  	[tilespmem:s22], [sflag:s20] =	stream.indirect_vreg.gather [hbm4b:s23+s3], $0x80, v10, vm0, $0xb8;
	[tilespmem:$0x1A200] =	vst v63  }
0x51d: {  	s22 =	sor.u32 $0xF80, s21  }
0x51e: {  	[tilespmem:s22], [sflag:s20] =	stream.indirect_vreg.gather [hbm4b:s23+s3], $0x80, v11, vm0, $0xb8;
	[tilespmem:$0x1A200] =	vst v63  }
0x51f: {  	s22 =	sor.u32 $0x1000, s21  }
0x520: {  	[tilespmem:s22], [sflag:s20] =	stream.indirect_vreg.gather [hbm4b:s23+s3], $0x80, v12, vm0, $0xb8;
	[tilespmem:$0x1A200] =	vst v63  }
0x521: {  	s22 =	sor.u32 $0x1080, s21  }
0x522: {  	[tilespmem:s22], [sflag:s20] =	stream.indirect_vreg.gather [hbm4b:s23+s3], $0x80, v13, vm0, $0xb8;
	[tilespmem:$0x1A200] =	vst v63  }
0x523: {  	s22 =	sor.u32 $0x1100, s21  }
0x524: {  	[tilespmem:s22], [sflag:s20] =	stream.indirect_vreg.gather [hbm4b:s23+s3], $0x80, v15, vm0, $0xb8;
	[tilespmem:$0x1A200] =	vst v63  }
0x525: {  	s22 =	sor.u32 $0x1180, s21  }
0x526: {  	[tilespmem:s22], [sflag:s20] =	stream.indirect_vreg.gather [hbm4b:s23+s3], $0x80, v16, vm0, $0xb8;
	[tilespmem:$0x1A200] =	vst v63  }
0x527: {  	s22 =	sor.u32 $0x1200, s21;
	s23 =	spop (v2sf)  }
0x528: {  	[tilespmem:s22], [sflag:s20] =	stream.indirect_vreg.gather [hbm4b:s23+s3], $0x80, v0, vm0, $0xb8;
	[tilespmem:$0x1A200] =	vst v63  }
0x529: {  	s22 =	sor.u32 $0x1280, s21  }
0x52a: {  	[tilespmem:s22], [sflag:s20] =	stream.indirect_vreg.gather [hbm4b:s23+s3], $0x80, v1, vm0, $0xb8;
	[tilespmem:$0x1A200] =	vst v63  }
0x52b: {  	s22 =	sor.u32 $0x1300, s21  }
0x52c: {  	[tilespmem:s22], [sflag:s20] =	stream.indirect_vreg.gather [hbm4b:s23+s3], $0x80, v2, vm0, $0xb8;
	[tilespmem:$0x1A200] =	vst v63  }
0x52d: {  	s22 =	sor.u32 $0x1380, s21  }
0x52e: {  	[tilespmem:s22], [sflag:s20] =	stream.indirect_vreg.gather [hbm4b:s23+s3], $0x80, v3, vm0, $0xb8;
	[tilespmem:$0x1A200] =	vst v63  }
0x52f: {  	s22 =	sor.u32 $0x1400, s21  }
0x530: {  	[tilespmem:s22], [sflag:s20] =	stream.indirect_vreg.gather [hbm4b:s23+s3], $0x80, v4, vm0, $0xb8;
	[tilespmem:$0x1A200] =	vst v63  }
0x531: {  	s22 =	sor.u32 $0x1480, s21  }
0x532: {  	[tilespmem:s22], [sflag:s20] =	stream.indirect_vreg.gather [hbm4b:s23+s3], $0x80, v5, vm0, $0xb8;
	[tilespmem:$0x1A200] =	vst v63  }
0x533: {  	s22 =	sor.u32 $0x1500, s21  }
0x534: {  	[tilespmem:s22], [sflag:s20] =	stream.indirect_vreg.gather [hbm4b:s23+s3], $0x80, v6, vm0, $0xb8;
	[tilespmem:$0x1A200] =	vst v63  }
0x535: {  	s22 =	sor.u32 $0x1580, s21  }
0x536: {  	[tilespmem:s22], [sflag:s20] =	stream.indirect_vreg.gather [hbm4b:s23+s3], $0x80, v7, vm0, $0xb8;
	[tilespmem:$0x1A200] =	vst v63  }
0x537: {  	s22 =	sor.u32 $0x1600, s21  }
0x538: {  	(v2sf) =	vpush v33, $0x3;
	[tilespmem:s22], [sflag:s20] =	stream.indirect_vreg.gather [hbm4b:s23+s3], $0x80, v8, vm0, $0xb8;
	[tilespmem:$0x1A200] =	vst v63  }
0x539: {  	s22 =	sor.u32 $0x1680, s21  }
0x53a: {  	[tilespmem:s22], [sflag:s20] =	stream.indirect_vreg.gather [hbm4b:s23+s3], $0x80, v9, vm0, $0xb8;
	[tilespmem:$0x1A200] =	vst v63  }
0x53b: {  	s22 =	sor.u32 $0x1700, s21  }
0x53c: {  	[tilespmem:s22], [sflag:s20] =	stream.indirect_vreg.gather [hbm4b:s23+s3], $0x80, v10, vm0, $0xb8;
	[tilespmem:$0x1A200] =	vst v63  }
0x53d: {  	s22 =	sor.u32 $0x1780, s21  }
0x53e: {  	[tilespmem:s22], [sflag:s20] =	stream.indirect_vreg.gather [hbm4b:s23+s3], $0x80, v11, vm0, $0xb8;
	[tilespmem:$0x1A200] =	vst v63  }
0x53f: {  	s22 =	sor.u32 $0x1800, s21  }
0x540: {  	[tilespmem:s22], [sflag:s20] =	stream.indirect_vreg.gather [hbm4b:s23+s3], $0x80, v12, vm0, $0xb8;
	[tilespmem:$0x1A200] =	vst v63  }
0x541: {  	s22 =	sor.u32 $0x1880, s21  }
0x542: {  	[tilespmem:s22], [sflag:s20] =	stream.indirect_vreg.gather [hbm4b:s23+s3], $0x80, v13, vm0, $0xb8;
	[tilespmem:$0x1A200] =	vst v63  }
0x543: {  	s22 =	sor.u32 $0x1900, s21  }
0x544: {  	[tilespmem:s22], [sflag:s20] =	stream.indirect_vreg.gather [hbm4b:s23+s3], $0x80, v15, vm0, $0xb8;
	[tilespmem:$0x1A200] =	vst v63  }
0x545: {  	s22 =	sor.u32 $0x1980, s21  }
0x546: {  	[tilespmem:s22], [sflag:s20] =	stream.indirect_vreg.gather [hbm4b:s23+s3], $0x80, v16, vm0, $0xb8;
	[tilespmem:$0x1A200] =	vst v63  }
0x547: {  	s22 =	sor.u32 $0x1A00, s21;
	s23 =	spop (v2sf)  }
0x548: {  	[tilespmem:s22], [sflag:s20] =	stream.indirect_vreg.gather [hbm4b:s23+s3], $0x80, v0, vm0, $0xb8;
	[tilespmem:$0x1A200] =	vst v63  }
0x549: {  	s22 =	sor.u32 $0x1A80, s21  }
0x54a: {  	[tilespmem:s22], [sflag:s20] =	stream.indirect_vreg.gather [hbm4b:s23+s3], $0x80, v1, vm0, $0xb8;
	[tilespmem:$0x1A200] =	vst v63  }
0x54b: {  	s22 =	sor.u32 $0x1B00, s21  }
0x54c: {  	[tilespmem:s22], [sflag:s20] =	stream.indirect_vreg.gather [hbm4b:s23+s3], $0x80, v2, vm0, $0xb8;
	[tilespmem:$0x1A200] =	vst v63  }
0x54d: {  	s22 =	sor.u32 $0x1B80, s21  }
0x54e: {  	[tilespmem:s22], [sflag:s20] =	stream.indirect_vreg.gather [hbm4b:s23+s3], $0x80, v3, vm0, $0xb8;
	[tilespmem:$0x1A200] =	vst v63  }
0x54f: {  	s22 =	sor.u32 $0x1C00, s21  }
0x550: {  	[tilespmem:s22], [sflag:s20] =	stream.indirect_vreg.gather [hbm4b:s23+s3], $0x80, v4, vm0, $0xb8;
	[tilespmem:$0x1A200] =	vst v63  }
0x551: {  	s22 =	sor.u32 $0x1C80, s21  }
0x552: {  	[tilespmem:s22], [sflag:s20] =	stream.indirect_vreg.gather [hbm4b:s23+s3], $0x80, v5, vm0, $0xb8;
	[tilespmem:$0x1A200] =	vst v63  }
0x553: {  	s22 =	sor.u32 $0x1D00, s21  }
0x554: {  	[tilespmem:s22], [sflag:s20] =	stream.indirect_vreg.gather [hbm4b:s23+s3], $0x80, v6, vm0, $0xb8;
	[tilespmem:$0x1A200] =	vst v63  }
0x555: {  	s22 =	sor.u32 $0x1D80, s21  }
0x556: {  	[tilespmem:s22], [sflag:s20] =	stream.indirect_vreg.gather [hbm4b:s23+s3], $0x80, v7, vm0, $0xb8;
	[tilespmem:$0x1A200] =	vst v63  }
0x557: {  	s22 =	sor.u32 $0x1E00, s21  }
0x558: {  	(v2sf) =	vpush v33, $0x4;
	[tilespmem:s22], [sflag:s20] =	stream.indirect_vreg.gather [hbm4b:s23+s3], $0x80, v8, vm0, $0xb8;
	[tilespmem:$0x1A200] =	vst v63  }
0x559: {  	s22 =	sor.u32 $0x1E80, s21  }
0x55a: {  	[tilespmem:s22], [sflag:s20] =	stream.indirect_vreg.gather [hbm4b:s23+s3], $0x80, v9, vm0, $0xb8;
	[tilespmem:$0x1A200] =	vst v63  }
0x55b: {  	s22 =	sor.u32 $0x1F00, s21  }
0x55c: {  	[tilespmem:s22], [sflag:s20] =	stream.indirect_vreg.gather [hbm4b:s23+s3], $0x80, v10, vm0, $0xb8;
	[tilespmem:$0x1A200] =	vst v63  }
0x55d: {  	s22 =	sor.u32 $0x1F80, s21  }
0x55e: {  	[tilespmem:s22], [sflag:s20] =	stream.indirect_vreg.gather [hbm4b:s23+s3], $0x80, v11, vm0, $0xb8;
	[tilespmem:$0x1A200] =	vst v63  }
0x55f: {  	s22 =	sor.u32 $0x2000, s21  }
0x560: {  	[tilespmem:s22], [sflag:s20] =	stream.indirect_vreg.gather [hbm4b:s23+s3], $0x80, v12, vm0, $0xb8;
	[tilespmem:$0x1A200] =	vst v63  }
0x561: {  	s22 =	sor.u32 $0x2080, s21  }
0x562: {  	[tilespmem:s22], [sflag:s20] =	stream.indirect_vreg.gather [hbm4b:s23+s3], $0x80, v13, vm0, $0xb8;
	[tilespmem:$0x1A200] =	vst v63  }
0x563: {  	s22 =	sor.u32 $0x2100, s21  }
0x564: {  	[tilespmem:s22], [sflag:s20] =	stream.indirect_vreg.gather [hbm4b:s23+s3], $0x80, v15, vm0, $0xb8;
	[tilespmem:$0x1A200] =	vst v63  }
0x565: {  	s22 =	sor.u32 $0x2180, s21  }
0x566: {  	[tilespmem:s22], [sflag:s20] =	stream.indirect_vreg.gather [hbm4b:s23+s3], $0x80, v16, vm0, $0xb8;
	[tilespmem:$0x1A200] =	vst v63  }
0x567: {  	s22 =	sor.u32 $0x2200, s21;
	s23 =	spop (v2sf)  }
0x568: {  	[tilespmem:s22], [sflag:s20] =	stream.indirect_vreg.gather [hbm4b:s23+s3], $0x80, v0, vm0, $0xb8;
	[tilespmem:$0x1A200] =	vst v63  }
0x569: {  	s22 =	sor.u32 $0x2280, s21  }
0x56a: {  	[tilespmem:s22], [sflag:s20] =	stream.indirect_vreg.gather [hbm4b:s23+s3], $0x80, v1, vm0, $0xb8;
	[tilespmem:$0x1A200] =	vst v63  }
0x56b: {  	s22 =	sor.u32 $0x2300, s21  }
0x56c: {  	[tilespmem:s22], [sflag:s20] =	stream.indirect_vreg.gather [hbm4b:s23+s3], $0x80, v2, vm0, $0xb8;
	[tilespmem:$0x1A200] =	vst v63  }
0x56d: {  	s22 =	sor.u32 $0x2380, s21  }
0x56e: {  	[tilespmem:s22], [sflag:s20] =	stream.indirect_vreg.gather [hbm4b:s23+s3], $0x80, v3, vm0, $0xb8;
	[tilespmem:$0x1A200] =	vst v63  }
0x56f: {  	s22 =	sor.u32 $0x2400, s21  }
0x570: {  	[tilespmem:s22], [sflag:s20] =	stream.indirect_vreg.gather [hbm4b:s23+s3], $0x80, v4, vm0, $0xb8;
	[tilespmem:$0x1A200] =	vst v63  }
0x571: {  	s22 =	sor.u32 $0x2480, s21  }
0x572: {  	[tilespmem:s22], [sflag:s20] =	stream.indirect_vreg.gather [hbm4b:s23+s3], $0x80, v5, vm0, $0xb8;
	[tilespmem:$0x1A200] =	vst v63  }
0x573: {  	s22 =	sor.u32 $0x2500, s21  }
0x574: {  	[tilespmem:s22], [sflag:s20] =	stream.indirect_vreg.gather [hbm4b:s23+s3], $0x80, v6, vm0, $0xb8;
	[tilespmem:$0x1A200] =	vst v63  }
0x575: {  	s22 =	sor.u32 $0x2580, s21  }
0x576: {  	[tilespmem:s22], [sflag:s20] =	stream.indirect_vreg.gather [hbm4b:s23+s3], $0x80, v7, vm0, $0xb8;
	[tilespmem:$0x1A200] =	vst v63  }
0x577: {  	s22 =	sor.u32 $0x2600, s21  }
0x578: {  	(v2sf) =	vpush v33, $0x5;
	[tilespmem:s22], [sflag:s20] =	stream.indirect_vreg.gather [hbm4b:s23+s3], $0x80, v8, vm0, $0xb8;
	[tilespmem:$0x1A200] =	vst v63  }
0x579: {  	s22 =	sor.u32 $0x2680, s21  }
0x57a: {  	[tilespmem:s22], [sflag:s20] =	stream.indirect_vreg.gather [hbm4b:s23+s3], $0x80, v9, vm0, $0xb8;
	[tilespmem:$0x1A200] =	vst v63  }
0x57b: {  	s22 =	sor.u32 $0x2700, s21  }
0x57c: {  	[tilespmem:s22], [sflag:s20] =	stream.indirect_vreg.gather [hbm4b:s23+s3], $0x80, v10, vm0, $0xb8;
	[tilespmem:$0x1A200] =	vst v63  }
0x57d: {  	s22 =	sor.u32 $0x2780, s21  }
0x57e: {  	[tilespmem:s22], [sflag:s20] =	stream.indirect_vreg.gather [hbm4b:s23+s3], $0x80, v11, vm0, $0xb8;
	[tilespmem:$0x1A200] =	vst v63  }
0x57f: {  	s22 =	sor.u32 $0x2800, s21  }
0x580: {  	[tilespmem:s22], [sflag:s20] =	stream.indirect_vreg.gather [hbm4b:s23+s3], $0x80, v12, vm0, $0xb8;
	[tilespmem:$0x1A200] =	vst v63  }
0x581: {  	s22 =	sor.u32 $0x2880, s21  }
0x582: {  	[tilespmem:s22], [sflag:s20] =	stream.indirect_vreg.gather [hbm4b:s23+s3], $0x80, v13, vm0, $0xb8;
	[tilespmem:$0x1A200] =	vst v63  }
0x583: {  	s22 =	sor.u32 $0x2900, s21  }
0x584: {  	[tilespmem:s22], [sflag:s20] =	stream.indirect_vreg.gather [hbm4b:s23+s3], $0x80, v15, vm0, $0xb8;
	[tilespmem:$0x1A200] =	vst v63  }
0x585: {  	s22 =	sor.u32 $0x2980, s21  }
0x586: {  	[tilespmem:s22], [sflag:s20] =	stream.indirect_vreg.gather [hbm4b:s23+s3], $0x80, v16, vm0, $0xb8;
	[tilespmem:$0x1A200] =	vst v63  }
0x587: {  	s22 =	sor.u32 $0x2A00, s21;
	s23 =	spop (v2sf)  }
0x588: {  	[tilespmem:s22], [sflag:s20] =	stream.indirect_vreg.gather [hbm4b:s23+s3], $0x80, v0, vm0, $0xb8;
	[tilespmem:$0x1A200] =	vst v63  }
0x589: {  	s22 =	sor.u32 $0x2A80, s21  }
0x58a: {  	[tilespmem:s22], [sflag:s20] =	stream.indirect_vreg.gather [hbm4b:s23+s3], $0x80, v1, vm0, $0xb8;
	[tilespmem:$0x1A200] =	vst v63  }
0x58b: {  	s22 =	sor.u32 $0x2B00, s21  }
0x58c: {  	[tilespmem:s22], [sflag:s20] =	stream.indirect_vreg.gather [hbm4b:s23+s3], $0x80, v2, vm0, $0xb8;
	[tilespmem:$0x1A200] =	vst v63  }
0x58d: {  	s22 =	sor.u32 $0x2B80, s21  }
0x58e: {  	[tilespmem:s22], [sflag:s20] =	stream.indirect_vreg.gather [hbm4b:s23+s3], $0x80, v3, vm0, $0xb8;
	[tilespmem:$0x1A200] =	vst v63  }
0x58f: {  	s22 =	sor.u32 $0x2C00, s21  }
0x590: {  	[tilespmem:s22], [sflag:s20] =	stream.indirect_vreg.gather [hbm4b:s23+s3], $0x80, v4, vm0, $0xb8;
	[tilespmem:$0x1A200] =	vst v63  }
0x591: {  	s22 =	sor.u32 $0x2C80, s21  }
0x592: {  	[tilespmem:s22], [sflag:s20] =	stream.indirect_vreg.gather [hbm4b:s23+s3], $0x80, v5, vm0, $0xb8;
	[tilespmem:$0x1A200] =	vst v63  }
0x593: {  	s22 =	sor.u32 $0x2D00, s21  }
0x594: {  	[tilespmem:s22], [sflag:s20] =	stream.indirect_vreg.gather [hbm4b:s23+s3], $0x80, v6, vm0, $0xb8;
	[tilespmem:$0x1A200] =	vst v63  }
0x595: {  	s22 =	sor.u32 $0x2D80, s21  }
0x596: {  	[tilespmem:s22], [sflag:s20] =	stream.indirect_vreg.gather [hbm4b:s23+s3], $0x80, v7, vm0, $0xb8;
	[tilespmem:$0x1A200] =	vst v63  }
0x597: {  	s22 =	sor.u32 $0x2E00, s21  }
0x598: {  	(v2sf) =	vpush v33, $0x6;
	[tilespmem:s22], [sflag:s20] =	stream.indirect_vreg.gather [hbm4b:s23+s3], $0x80, v8, vm0, $0xb8;
	[tilespmem:$0x1A200] =	vst v63  }
0x599: {  	s22 =	sor.u32 $0x2E80, s21  }
0x59a: {  	[tilespmem:s22], [sflag:s20] =	stream.indirect_vreg.gather [hbm4b:s23+s3], $0x80, v9, vm0, $0xb8;
	[tilespmem:$0x1A200] =	vst v63  }
0x59b: {  	s22 =	sor.u32 $0x2F00, s21  }
0x59c: {  	[tilespmem:s22], [sflag:s20] =	stream.indirect_vreg.gather [hbm4b:s23+s3], $0x80, v10, vm0, $0xb8;
	[tilespmem:$0x1A200] =	vst v63  }
0x59d: {  	s22 =	sor.u32 $0x2F80, s21  }
0x59e: {  	[tilespmem:s22], [sflag:s20] =	stream.indirect_vreg.gather [hbm4b:s23+s3], $0x80, v11, vm0, $0xb8;
	[tilespmem:$0x1A200] =	vst v63  }
0x59f: {  	s22 =	sor.u32 $0x3000, s21  }
0x5a0: {  	[tilespmem:s22], [sflag:s20] =	stream.indirect_vreg.gather [hbm4b:s23+s3], $0x80, v12, vm0, $0xb8;
	[tilespmem:$0x1A200] =	vst v63  }
0x5a1: {  	s22 =	sor.u32 $0x3080, s21  }
0x5a2: {  	[tilespmem:s22], [sflag:s20] =	stream.indirect_vreg.gather [hbm4b:s23+s3], $0x80, v13, vm0, $0xb8;
	[tilespmem:$0x1A200] =	vst v63  }
0x5a3: {  	s22 =	sor.u32 $0x3100, s21  }
0x5a4: {  	[tilespmem:s22], [sflag:s20] =	stream.indirect_vreg.gather [hbm4b:s23+s3], $0x80, v15, vm0, $0xb8;
	[tilespmem:$0x1A200] =	vst v63  }
0x5a5: {  	s22 =	sor.u32 $0x3180, s21  }
0x5a6: {  	[tilespmem:s22], [sflag:s20] =	stream.indirect_vreg.gather [hbm4b:s23+s3], $0x80, v16, vm0, $0xb8;
	[tilespmem:$0x1A200] =	vst v63  }
0x5a7: {  	s22 =	sor.u32 $0x3200, s21;
	s23 =	spop (v2sf)  }
0x5a8: {  	[tilespmem:s22], [sflag:s20] =	stream.indirect_vreg.gather [hbm4b:s23+s3], $0x80, v0, vm0, $0xb8;
	[tilespmem:$0x1A200] =	vst v63  }
0x5a9: {  	s22 =	sor.u32 $0x3280, s21  }
0x5aa: {  	[tilespmem:s22], [sflag:s20] =	stream.indirect_vreg.gather [hbm4b:s23+s3], $0x80, v1, vm0, $0xb8;
	[tilespmem:$0x1A200] =	vst v63  }
0x5ab: {  	s22 =	sor.u32 $0x3300, s21  }
0x5ac: {  	[tilespmem:s22], [sflag:s20] =	stream.indirect_vreg.gather [hbm4b:s23+s3], $0x80, v2, vm0, $0xb8;
	[tilespmem:$0x1A200] =	vst v63  }
0x5ad: {  	s22 =	sor.u32 $0x3380, s21  }
0x5ae: {  	[tilespmem:s22], [sflag:s20] =	stream.indirect_vreg.gather [hbm4b:s23+s3], $0x80, v3, vm0, $0xb8;
	[tilespmem:$0x1A200] =	vst v63  }
0x5af: {  	s22 =	sor.u32 $0x3400, s21  }
0x5b0: {  	[tilespmem:s22], [sflag:s20] =	stream.indirect_vreg.gather [hbm4b:s23+s3], $0x80, v4, vm0, $0xb8;
	[tilespmem:$0x1A200] =	vst v63  }
0x5b1: {  	s22 =	sor.u32 $0x3480, s21  }
0x5b2: {  	[tilespmem:s22], [sflag:s20] =	stream.indirect_vreg.gather [hbm4b:s23+s3], $0x80, v5, vm0, $0xb8;
	[tilespmem:$0x1A200] =	vst v63  }
0x5b3: {  	s22 =	sor.u32 $0x3500, s21  }
0x5b4: {  	[tilespmem:s22], [sflag:s20] =	stream.indirect_vreg.gather [hbm4b:s23+s3], $0x80, v6, vm0, $0xb8;
	[tilespmem:$0x1A200] =	vst v63  }
0x5b5: {  	s22 =	sor.u32 $0x3580, s21  }
0x5b6: {  	[tilespmem:s22], [sflag:s20] =	stream.indirect_vreg.gather [hbm4b:s23+s3], $0x80, v7, vm0, $0xb8;
	[tilespmem:$0x1A200] =	vst v63  }
0x5b7: {  	s22 =	sor.u32 $0x3600, s21  }
0x5b8: {  	(v2sf) =	vpush v33, $0x7;
	[tilespmem:s22], [sflag:s20] =	stream.indirect_vreg.gather [hbm4b:s23+s3], $0x80, v8, vm0, $0xb8;
	[tilespmem:$0x1A200] =	vst v63  }
0x5b9: {  	s22 =	sor.u32 $0x3680, s21  }
0x5ba: {  	[tilespmem:s22], [sflag:s20] =	stream.indirect_vreg.gather [hbm4b:s23+s3], $0x80, v9, vm0, $0xb8;
	[tilespmem:$0x1A200] =	vst v63  }
0x5bb: {  	s22 =	sor.u32 $0x3700, s21  }
0x5bc: {  	[tilespmem:s22], [sflag:s20] =	stream.indirect_vreg.gather [hbm4b:s23+s3], $0x80, v10, vm0, $0xb8;
	[tilespmem:$0x1A200] =	vst v63  }
0x5bd: {  	s22 =	sor.u32 $0x3780, s21  }
0x5be: {  	[tilespmem:s22], [sflag:s20] =	stream.indirect_vreg.gather [hbm4b:s23+s3], $0x80, v11, vm0, $0xb8;
	[tilespmem:$0x1A200] =	vst v63  }
0x5bf: {  	s22 =	sor.u32 $0x3800, s21  }
0x5c0: {  	[tilespmem:s22], [sflag:s20] =	stream.indirect_vreg.gather [hbm4b:s23+s3], $0x80, v12, vm0, $0xb8;
	[tilespmem:$0x1A200] =	vst v63  }
0x5c1: {  	s22 =	sor.u32 $0x3880, s21  }
0x5c2: {  	[tilespmem:s22], [sflag:s20] =	stream.indirect_vreg.gather [hbm4b:s23+s3], $0x80, v13, vm0, $0xb8;
	[tilespmem:$0x1A200] =	vst v63  }
0x5c3: {  	s22 =	sor.u32 $0x3900, s21  }
0x5c4: {  	[tilespmem:s22], [sflag:s20] =	stream.indirect_vreg.gather [hbm4b:s23+s3], $0x80, v15, vm0, $0xb8;
	[tilespmem:$0x1A200] =	vst v63  }
0x5c5: {  	s22 =	sor.u32 $0x3980, s21  }
0x5c6: {  	[tilespmem:s22], [sflag:s20] =	stream.indirect_vreg.gather [hbm4b:s23+s3], $0x80, v16, vm0, $0xb8;
	[tilespmem:$0x1A200] =	vst v63  }
0x5c7: {  	s22 =	sor.u32 $0x3A00, s21;
	s23 =	spop (v2sf)  }
0x5c8: {  	[tilespmem:s22], [sflag:s20] =	stream.indirect_vreg.gather [hbm4b:s23+s3], $0x80, v0, vm0, $0xb8;
	[tilespmem:$0x1A200] =	vst v63  }
0x5c9: {  	s22 =	sor.u32 $0x3A80, s21  }
0x5ca: {  	[tilespmem:s22], [sflag:s20] =	stream.indirect_vreg.gather [hbm4b:s23+s3], $0x80, v1, vm0, $0xb8;
	[tilespmem:$0x1A200] =	vst v63  }
0x5cb: {  	s22 =	sor.u32 $0x3B00, s21  }
0x5cc: {  	[tilespmem:s22], [sflag:s20] =	stream.indirect_vreg.gather [hbm4b:s23+s3], $0x80, v2, vm0, $0xb8;
	[tilespmem:$0x1A200] =	vst v63  }
0x5cd: {  	s22 =	sor.u32 $0x3B80, s21  }
0x5ce: {  	[tilespmem:s22], [sflag:s20] =	stream.indirect_vreg.gather [hbm4b:s23+s3], $0x80, v3, vm0, $0xb8;
	[tilespmem:$0x1A200] =	vst v63  }
0x5cf: {  	s22 =	sor.u32 $0x3C00, s21  }
0x5d0: {  	[tilespmem:s22], [sflag:s20] =	stream.indirect_vreg.gather [hbm4b:s23+s3], $0x80, v4, vm0, $0xb8;
	[tilespmem:$0x1A200] =	vst v63  }
0x5d1: {  	s22 =	sor.u32 $0x3C80, s21  }
0x5d2: {  	[tilespmem:s22], [sflag:s20] =	stream.indirect_vreg.gather [hbm4b:s23+s3], $0x80, v5, vm0, $0xb8;
	[tilespmem:$0x1A200] =	vst v63  }
0x5d3: {  	s22 =	sor.u32 $0x3D00, s21  }
0x5d4: {  	[tilespmem:s22], [sflag:s20] =	stream.indirect_vreg.gather [hbm4b:s23+s3], $0x80, v6, vm0, $0xb8;
	[tilespmem:$0x1A200] =	vst v63  }
0x5d5: {  	s22 =	sor.u32 $0x3D80, s21  }
0x5d6: {  	[tilespmem:s22], [sflag:s20] =	stream.indirect_vreg.gather [hbm4b:s23+s3], $0x80, v7, vm0, $0xb8;
	[tilespmem:$0x1A200] =	vst v63  }
0x5d7: {  	s22 =	sor.u32 $0x3E00, s21  }
0x5d8: {  	(v2sf) =	vpush v33, $0x8;
	[tilespmem:s22], [sflag:s20] =	stream.indirect_vreg.gather [hbm4b:s23+s3], $0x80, v8, vm0, $0xb8;
	[tilespmem:$0x1A200] =	vst v63  }
0x5d9: {  	s22 =	sor.u32 $0x3E80, s21  }
0x5da: {  	[tilespmem:s22], [sflag:s20] =	stream.indirect_vreg.gather [hbm4b:s23+s3], $0x80, v9, vm0, $0xb8;
	[tilespmem:$0x1A200] =	vst v63  }
0x5db: {  	s22 =	sor.u32 $0x3F00, s21  }
0x5dc: {  	[tilespmem:s22], [sflag:s20] =	stream.indirect_vreg.gather [hbm4b:s23+s3], $0x80, v10, vm0, $0xb8;
	[tilespmem:$0x1A200] =	vst v63  }
0x5dd: {  	s22 =	sor.u32 $0x3F80, s21  }
0x5de: {  	[tilespmem:s22], [sflag:s20] =	stream.indirect_vreg.gather [hbm4b:s23+s3], $0x80, v11, vm0, $0xb8;
	[tilespmem:$0x1A200] =	vst v63  }
0x5df: {  	s22 =	sor.u32 $0x4000, s21  }
0x5e0: {  	[tilespmem:s22], [sflag:s20] =	stream.indirect_vreg.gather [hbm4b:s23+s3], $0x80, v12, vm0, $0xb8;
	[tilespmem:$0x1A200] =	vst v63  }
0x5e1: {  	s22 =	sor.u32 $0x4080, s21  }
0x5e2: {  	[tilespmem:s22], [sflag:s20] =	stream.indirect_vreg.gather [hbm4b:s23+s3], $0x80, v13, vm0, $0xb8;
	[tilespmem:$0x1A200] =	vst v63  }
0x5e3: {  	s22 =	sor.u32 $0x4100, s21  }
0x5e4: {  	[tilespmem:s22], [sflag:s20] =	stream.indirect_vreg.gather [hbm4b:s23+s3], $0x80, v15, vm0, $0xb8;
	[tilespmem:$0x1A200] =	vst v63  }
0x5e5: {  	s22 =	sor.u32 $0x4180, s21  }
0x5e6: {  	[tilespmem:s22], [sflag:s20] =	stream.indirect_vreg.gather [hbm4b:s23+s3], $0x80, v16, vm0, $0xb8;
	[tilespmem:$0x1A200] =	vst v63  }
0x5e7: {  	s22 =	sor.u32 $0x4200, s21;
	s23 =	spop (v2sf)  }
0x5e8: {  	[tilespmem:s22], [sflag:s20] =	stream.indirect_vreg.gather [hbm4b:s23+s3], $0x80, v0, vm0, $0xb8;
	[tilespmem:$0x1A200] =	vst v63  }
0x5e9: {  	s22 =	sor.u32 $0x4280, s21  }
0x5ea: {  	[tilespmem:s22], [sflag:s20] =	stream.indirect_vreg.gather [hbm4b:s23+s3], $0x80, v1, vm0, $0xb8;
	[tilespmem:$0x1A200] =	vst v63  }
0x5eb: {  	s22 =	sor.u32 $0x4300, s21  }
0x5ec: {  	[tilespmem:s22], [sflag:s20] =	stream.indirect_vreg.gather [hbm4b:s23+s3], $0x80, v2, vm0, $0xb8;
	[tilespmem:$0x1A200] =	vst v63  }
0x5ed: {  	s22 =	sor.u32 $0x4380, s21  }
0x5ee: {  	[tilespmem:s22], [sflag:s20] =	stream.indirect_vreg.gather [hbm4b:s23+s3], $0x80, v3, vm0, $0xb8;
	[tilespmem:$0x1A200] =	vst v63  }
0x5ef: {  	s22 =	sor.u32 $0x4400, s21  }
0x5f0: {  	[tilespmem:s22], [sflag:s20] =	stream.indirect_vreg.gather [hbm4b:s23+s3], $0x80, v4, vm0, $0xb8;
	[tilespmem:$0x1A200] =	vst v63  }
0x5f1: {  	s22 =	sor.u32 $0x4480, s21  }
0x5f2: {  	[tilespmem:s22], [sflag:s20] =	stream.indirect_vreg.gather [hbm4b:s23+s3], $0x80, v5, vm0, $0xb8;
	[tilespmem:$0x1A200] =	vst v63  }
0x5f3: {  	s22 =	sor.u32 $0x4500, s21  }
0x5f4: {  	[tilespmem:s22], [sflag:s20] =	stream.indirect_vreg.gather [hbm4b:s23+s3], $0x80, v6, vm0, $0xb8;
	[tilespmem:$0x1A200] =	vst v63  }
0x5f5: {  	s22 =	sor.u32 $0x4580, s21  }
0x5f6: {  	[tilespmem:s22], [sflag:s20] =	stream.indirect_vreg.gather [hbm4b:s23+s3], $0x80, v7, vm0, $0xb8;
	[tilespmem:$0x1A200] =	vst v63  }
0x5f7: {  	s22 =	sor.u32 $0x4600, s21  }
0x5f8: {  	(v2sf) =	vpush v33, $0x9;
	[tilespmem:s22], [sflag:s20] =	stream.indirect_vreg.gather [hbm4b:s23+s3], $0x80, v8, vm0, $0xb8;
	[tilespmem:$0x1A200] =	vst v63  }
0x5f9: {  	s22 =	sor.u32 $0x4680, s21  }
0x5fa: {  	[tilespmem:s22], [sflag:s20] =	stream.indirect_vreg.gather [hbm4b:s23+s3], $0x80, v9, vm0, $0xb8;
	[tilespmem:$0x1A200] =	vst v63  }
0x5fb: {  	s22 =	sor.u32 $0x4700, s21  }
0x5fc: {  	[tilespmem:s22], [sflag:s20] =	stream.indirect_vreg.gather [hbm4b:s23+s3], $0x80, v10, vm0, $0xb8;
	[tilespmem:$0x1A200] =	vst v63  }
0x5fd: {  	s22 =	sor.u32 $0x4780, s21  }
0x5fe: {  	[tilespmem:s22], [sflag:s20] =	stream.indirect_vreg.gather [hbm4b:s23+s3], $0x80, v11, vm0, $0xb8;
	[tilespmem:$0x1A200] =	vst v63  }
0x5ff: {  	s22 =	sor.u32 $0x4800, s21  }
0x600: {  	[tilespmem:s22], [sflag:s20] =	stream.indirect_vreg.gather [hbm4b:s23+s3], $0x80, v12, vm0, $0xb8;
	[tilespmem:$0x1A200] =	vst v63  }
0x601: {  	s22 =	sor.u32 $0x4880, s21  }
0x602: {  	[tilespmem:s22], [sflag:s20] =	stream.indirect_vreg.gather [hbm4b:s23+s3], $0x80, v13, vm0, $0xb8;
	[tilespmem:$0x1A200] =	vst v63  }
0x603: {  	s22 =	sor.u32 $0x4900, s21  }
0x604: {  	[tilespmem:s22], [sflag:s20] =	stream.indirect_vreg.gather [hbm4b:s23+s3], $0x80, v15, vm0, $0xb8;
	[tilespmem:$0x1A200] =	vst v63  }
0x605: {  	s22 =	sor.u32 $0x4980, s21  }
0x606: {  	[tilespmem:s22], [sflag:s20] =	stream.indirect_vreg.gather [hbm4b:s23+s3], $0x80, v16, vm0, $0xb8;
	[tilespmem:$0x1A200] =	vst v63  }
0x607: {  	s22 =	sor.u32 $0x4A00, s21;
	s23 =	spop (v2sf)  }
0x608: {  	[tilespmem:s22], [sflag:s20] =	stream.indirect_vreg.gather [hbm4b:s23+s3], $0x80, v0, vm0, $0xb8;
	[tilespmem:$0x1A200] =	vst v63  }
0x609: {  	s22 =	sor.u32 $0x4A80, s21  }
0x60a: {  	[tilespmem:s22], [sflag:s20] =	stream.indirect_vreg.gather [hbm4b:s23+s3], $0x80, v1, vm0, $0xb8;
	[tilespmem:$0x1A200] =	vst v63  }
0x60b: {  	s22 =	sor.u32 $0x4B00, s21  }
0x60c: {  	[tilespmem:s22], [sflag:s20] =	stream.indirect_vreg.gather [hbm4b:s23+s3], $0x80, v2, vm0, $0xb8;
	[tilespmem:$0x1A200] =	vst v63  }
0x60d: {  	s22 =	sor.u32 $0x4B80, s21  }
0x60e: {  	[tilespmem:s22], [sflag:s20] =	stream.indirect_vreg.gather [hbm4b:s23+s3], $0x80, v3, vm0, $0xb8;
	[tilespmem:$0x1A200] =	vst v63  }
0x60f: {  	s22 =	sor.u32 $0x4C00, s21  }
0x610: {  	[tilespmem:s22], [sflag:s20] =	stream.indirect_vreg.gather [hbm4b:s23+s3], $0x80, v4, vm0, $0xb8;
	[tilespmem:$0x1A200] =	vst v63  }
0x611: {  	s22 =	sor.u32 $0x4C80, s21  }
0x612: {  	[tilespmem:s22], [sflag:s20] =	stream.indirect_vreg.gather [hbm4b:s23+s3], $0x80, v5, vm0, $0xb8;
	[tilespmem:$0x1A200] =	vst v63  }
0x613: {  	s22 =	sor.u32 $0x4D00, s21  }
0x614: {  	[tilespmem:s22], [sflag:s20] =	stream.indirect_vreg.gather [hbm4b:s23+s3], $0x80, v6, vm0, $0xb8;
	[tilespmem:$0x1A200] =	vst v63  }
0x615: {  	s22 =	sor.u32 $0x4D80, s21  }
0x616: {  	[tilespmem:s22], [sflag:s20] =	stream.indirect_vreg.gather [hbm4b:s23+s3], $0x80, v7, vm0, $0xb8;
	[tilespmem:$0x1A200] =	vst v63  }
0x617: {  	s22 =	sor.u32 $0x4E00, s21  }
0x618: {  	(v2sf) =	vpush v33, $0xA;
	[tilespmem:s22], [sflag:s20] =	stream.indirect_vreg.gather [hbm4b:s23+s3], $0x80, v8, vm0, $0xb8;
	[tilespmem:$0x1A200] =	vst v63  }
0x619: {  	s22 =	sor.u32 $0x4E80, s21  }
0x61a: {  	[tilespmem:s22], [sflag:s20] =	stream.indirect_vreg.gather [hbm4b:s23+s3], $0x80, v9, vm0, $0xb8;
	[tilespmem:$0x1A200] =	vst v63  }
0x61b: {  	s22 =	sor.u32 $0x4F00, s21  }
0x61c: {  	[tilespmem:s22], [sflag:s20] =	stream.indirect_vreg.gather [hbm4b:s23+s3], $0x80, v10, vm0, $0xb8;
	[tilespmem:$0x1A200] =	vst v63  }
0x61d: {  	s22 =	sor.u32 $0x4F80, s21  }
0x61e: {  	[tilespmem:s22], [sflag:s20] =	stream.indirect_vreg.gather [hbm4b:s23+s3], $0x80, v11, vm0, $0xb8;
	[tilespmem:$0x1A200] =	vst v63  }
0x61f: {  	s22 =	sor.u32 $0x5000, s21  }
0x620: {  	[tilespmem:s22], [sflag:s20] =	stream.indirect_vreg.gather [hbm4b:s23+s3], $0x80, v12, vm0, $0xb8;
	[tilespmem:$0x1A200] =	vst v63  }
0x621: {  	s22 =	sor.u32 $0x5080, s21  }
0x622: {  	[tilespmem:s22], [sflag:s20] =	stream.indirect_vreg.gather [hbm4b:s23+s3], $0x80, v13, vm0, $0xb8;
	[tilespmem:$0x1A200] =	vst v63  }
0x623: {  	s22 =	sor.u32 $0x5100, s21  }
0x624: {  	[tilespmem:s22], [sflag:s20] =	stream.indirect_vreg.gather [hbm4b:s23+s3], $0x80, v15, vm0, $0xb8;
	[tilespmem:$0x1A200] =	vst v63  }
0x625: {  	s22 =	sor.u32 $0x5180, s21  }
0x626: {  	[tilespmem:s22], [sflag:s20] =	stream.indirect_vreg.gather [hbm4b:s23+s3], $0x80, v16, vm0, $0xb8;
	[tilespmem:$0x1A200] =	vst v63  }
0x627: {  	s22 =	sor.u32 $0x5200, s21;
	s23 =	spop (v2sf)  }
0x628: {  	[tilespmem:s22], [sflag:s20] =	stream.indirect_vreg.gather [hbm4b:s23+s3], $0x80, v0, vm0, $0xb8;
	[tilespmem:$0x1A200] =	vst v63  }
0x629: {  	s22 =	sor.u32 $0x5280, s21  }
0x62a: {  	[tilespmem:s22], [sflag:s20] =	stream.indirect_vreg.gather [hbm4b:s23+s3], $0x80, v1, vm0, $0xb8;
	[tilespmem:$0x1A200] =	vst v63  }
0x62b: {  	s22 =	sor.u32 $0x5300, s21  }
0x62c: {  	[tilespmem:s22], [sflag:s20] =	stream.indirect_vreg.gather [hbm4b:s23+s3], $0x80, v2, vm0, $0xb8;
	[tilespmem:$0x1A200] =	vst v63  }
0x62d: {  	s22 =	sor.u32 $0x5380, s21  }
0x62e: {  	[tilespmem:s22], [sflag:s20] =	stream.indirect_vreg.gather [hbm4b:s23+s3], $0x80, v3, vm0, $0xb8;
	[tilespmem:$0x1A200] =	vst v63  }
0x62f: {  	s22 =	sor.u32 $0x5400, s21  }
0x630: {  	[tilespmem:s22], [sflag:s20] =	stream.indirect_vreg.gather [hbm4b:s23+s3], $0x80, v4, vm0, $0xb8;
	[tilespmem:$0x1A200] =	vst v63  }
0x631: {  	s22 =	sor.u32 $0x5480, s21  }
0x632: {  	[tilespmem:s22], [sflag:s20] =	stream.indirect_vreg.gather [hbm4b:s23+s3], $0x80, v5, vm0, $0xb8;
	[tilespmem:$0x1A200] =	vst v63  }
0x633: {  	s22 =	sor.u32 $0x5500, s21  }
0x634: {  	[tilespmem:s22], [sflag:s20] =	stream.indirect_vreg.gather [hbm4b:s23+s3], $0x80, v6, vm0, $0xb8;
	[tilespmem:$0x1A200] =	vst v63  }
0x635: {  	s22 =	sor.u32 $0x5580, s21  }
0x636: {  	[tilespmem:s22], [sflag:s20] =	stream.indirect_vreg.gather [hbm4b:s23+s3], $0x80, v7, vm0, $0xb8;
	[tilespmem:$0x1A200] =	vst v63  }
0x637: {  	s22 =	sor.u32 $0x5600, s21  }
0x638: {  	(v2sf) =	vpush v33, $0xB;
	[tilespmem:s22], [sflag:s20] =	stream.indirect_vreg.gather [hbm4b:s23+s3], $0x80, v8, vm0, $0xb8;
	[tilespmem:$0x1A200] =	vst v63  }
0x639: {  	s22 =	sor.u32 $0x5680, s21  }
0x63a: {  	[tilespmem:s22], [sflag:s20] =	stream.indirect_vreg.gather [hbm4b:s23+s3], $0x80, v9, vm0, $0xb8;
	[tilespmem:$0x1A200] =	vst v63  }
0x63b: {  	s22 =	sor.u32 $0x5700, s21  }
0x63c: {  	[tilespmem:s22], [sflag:s20] =	stream.indirect_vreg.gather [hbm4b:s23+s3], $0x80, v10, vm0, $0xb8;
	[tilespmem:$0x1A200] =	vst v63  }
0x63d: {  	s22 =	sor.u32 $0x5780, s21  }
0x63e: {  	[tilespmem:s22], [sflag:s20] =	stream.indirect_vreg.gather [hbm4b:s23+s3], $0x80, v11, vm0, $0xb8;
	[tilespmem:$0x1A200] =	vst v63  }
0x63f: {  	s22 =	sor.u32 $0x5800, s21  }
0x640: {  	[tilespmem:s22], [sflag:s20] =	stream.indirect_vreg.gather [hbm4b:s23+s3], $0x80, v12, vm0, $0xb8;
	[tilespmem:$0x1A200] =	vst v63  }
0x641: {  	s22 =	sor.u32 $0x5880, s21  }
0x642: {  	[tilespmem:s22], [sflag:s20] =	stream.indirect_vreg.gather [hbm4b:s23+s3], $0x80, v13, vm0, $0xb8;
	[tilespmem:$0x1A200] =	vst v63  }
0x643: {  	s22 =	sor.u32 $0x5900, s21  }
0x644: {  	[tilespmem:s22], [sflag:s20] =	stream.indirect_vreg.gather [hbm4b:s23+s3], $0x80, v15, vm0, $0xb8;
	[tilespmem:$0x1A200] =	vst v63  }
0x645: {  	s22 =	sor.u32 $0x5980, s21  }
0x646: {  	[tilespmem:s22], [sflag:s20] =	stream.indirect_vreg.gather [hbm4b:s23+s3], $0x80, v16, vm0, $0xb8;
	[tilespmem:$0x1A200] =	vst v63  }
0x647: {  	s22 =	sor.u32 $0x5A00, s21;
	s23 =	spop (v2sf)  }
0x648: {  	[tilespmem:s22], [sflag:s20] =	stream.indirect_vreg.gather [hbm4b:s23+s3], $0x80, v0, vm0, $0xb8;
	[tilespmem:$0x1A200] =	vst v63  }
0x649: {  	s22 =	sor.u32 $0x5A80, s21  }
0x64a: {  	[tilespmem:s22], [sflag:s20] =	stream.indirect_vreg.gather [hbm4b:s23+s3], $0x80, v1, vm0, $0xb8;
	[tilespmem:$0x1A200] =	vst v63  }
0x64b: {  	s22 =	sor.u32 $0x5B00, s21  }
0x64c: {  	[tilespmem:s22], [sflag:s20] =	stream.indirect_vreg.gather [hbm4b:s23+s3], $0x80, v2, vm0, $0xb8;
	[tilespmem:$0x1A200] =	vst v63  }
0x64d: {  	s22 =	sor.u32 $0x5B80, s21  }
0x64e: {  	[tilespmem:s22], [sflag:s20] =	stream.indirect_vreg.gather [hbm4b:s23+s3], $0x80, v3, vm0, $0xb8;
	[tilespmem:$0x1A200] =	vst v63  }
0x64f: {  	s22 =	sor.u32 $0x5C00, s21  }
0x650: {  	[tilespmem:s22], [sflag:s20] =	stream.indirect_vreg.gather [hbm4b:s23+s3], $0x80, v4, vm0, $0xb8;
	[tilespmem:$0x1A200] =	vst v63  }
0x651: {  	s22 =	sor.u32 $0x5C80, s21  }
0x652: {  	[tilespmem:s22], [sflag:s20] =	stream.indirect_vreg.gather [hbm4b:s23+s3], $0x80, v5, vm0, $0xb8;
	[tilespmem:$0x1A200] =	vst v63  }
0x653: {  	s22 =	sor.u32 $0x5D00, s21  }
0x654: {  	[tilespmem:s22], [sflag:s20] =	stream.indirect_vreg.gather [hbm4b:s23+s3], $0x80, v6, vm0, $0xb8;
	[tilespmem:$0x1A200] =	vst v63  }
0x655: {  	s22 =	sor.u32 $0x5D80, s21  }
0x656: {  	[tilespmem:s22], [sflag:s20] =	stream.indirect_vreg.gather [hbm4b:s23+s3], $0x80, v7, vm0, $0xb8;
	[tilespmem:$0x1A200] =	vst v63  }
0x657: {  	s22 =	sor.u32 $0x5E00, s21  }
0x658: {  	(v2sf) =	vpush v33, $0xC;
	[tilespmem:s22], [sflag:s20] =	stream.indirect_vreg.gather [hbm4b:s23+s3], $0x80, v8, vm0, $0xb8;
	[tilespmem:$0x1A200] =	vst v63  }
0x659: {  	s22 =	sor.u32 $0x5E80, s21  }
0x65a: {  	[tilespmem:s22], [sflag:s20] =	stream.indirect_vreg.gather [hbm4b:s23+s3], $0x80, v9, vm0, $0xb8;
	[tilespmem:$0x1A200] =	vst v63  }
0x65b: {  	s22 =	sor.u32 $0x5F00, s21  }
0x65c: {  	[tilespmem:s22], [sflag:s20] =	stream.indirect_vreg.gather [hbm4b:s23+s3], $0x80, v10, vm0, $0xb8;
	[tilespmem:$0x1A200] =	vst v63  }
0x65d: {  	s22 =	sor.u32 $0x5F80, s21  }
0x65e: {  	[tilespmem:s22], [sflag:s20] =	stream.indirect_vreg.gather [hbm4b:s23+s3], $0x80, v11, vm0, $0xb8;
	[tilespmem:$0x1A200] =	vst v63  }
0x65f: {  	s22 =	sor.u32 $0x6000, s21  }
0x660: {  	[tilespmem:s22], [sflag:s20] =	stream.indirect_vreg.gather [hbm4b:s23+s3], $0x80, v12, vm0, $0xb8;
	[tilespmem:$0x1A200] =	vst v63  }
0x661: {  	s22 =	sor.u32 $0x6080, s21  }
0x662: {  	[tilespmem:s22], [sflag:s20] =	stream.indirect_vreg.gather [hbm4b:s23+s3], $0x80, v13, vm0, $0xb8;
	[tilespmem:$0x1A200] =	vst v63  }
0x663: {  	s22 =	sor.u32 $0x6100, s21  }
0x664: {  	[tilespmem:s22], [sflag:s20] =	stream.indirect_vreg.gather [hbm4b:s23+s3], $0x80, v15, vm0, $0xb8;
	[tilespmem:$0x1A200] =	vst v63  }
0x665: {  	s22 =	sor.u32 $0x6180, s21  }
0x666: {  	[tilespmem:s22], [sflag:s20] =	stream.indirect_vreg.gather [hbm4b:s23+s3], $0x80, v16, vm0, $0xb8;
	[tilespmem:$0x1A200] =	vst v63  }
0x667: {  	s22 =	sor.u32 $0x6200, s21;
	s23 =	spop (v2sf)  }
0x668: {  	[tilespmem:s22], [sflag:s20] =	stream.indirect_vreg.gather [hbm4b:s23+s3], $0x80, v0, vm0, $0xb8;
	[tilespmem:$0x1A200] =	vst v63  }
0x669: {  	s22 =	sor.u32 $0x6280, s21  }
0x66a: {  	[tilespmem:s22], [sflag:s20] =	stream.indirect_vreg.gather [hbm4b:s23+s3], $0x80, v1, vm0, $0xb8;
	[tilespmem:$0x1A200] =	vst v63  }
0x66b: {  	s22 =	sor.u32 $0x6300, s21  }
0x66c: {  	[tilespmem:s22], [sflag:s20] =	stream.indirect_vreg.gather [hbm4b:s23+s3], $0x80, v2, vm0, $0xb8;
	[tilespmem:$0x1A200] =	vst v63  }
0x66d: {  	s22 =	sor.u32 $0x6380, s21  }
0x66e: {  	[tilespmem:s22], [sflag:s20] =	stream.indirect_vreg.gather [hbm4b:s23+s3], $0x80, v3, vm0, $0xb8;
	[tilespmem:$0x1A200] =	vst v63  }
0x66f: {  	s22 =	sor.u32 $0x6400, s21  }
0x670: {  	[tilespmem:s22], [sflag:s20] =	stream.indirect_vreg.gather [hbm4b:s23+s3], $0x80, v4, vm0, $0xb8;
	[tilespmem:$0x1A200] =	vst v63  }
0x671: {  	s22 =	sor.u32 $0x6480, s21  }
0x672: {  	[tilespmem:s22], [sflag:s20] =	stream.indirect_vreg.gather [hbm4b:s23+s3], $0x80, v5, vm0, $0xb8;
	[tilespmem:$0x1A200] =	vst v63  }
0x673: {  	s22 =	sor.u32 $0x6500, s21  }
0x674: {  	[tilespmem:s22], [sflag:s20] =	stream.indirect_vreg.gather [hbm4b:s23+s3], $0x80, v6, vm0, $0xb8;
	[tilespmem:$0x1A200] =	vst v63  }
0x675: {  	s22 =	sor.u32 $0x6580, s21  }
0x676: {  	[tilespmem:s22], [sflag:s20] =	stream.indirect_vreg.gather [hbm4b:s23+s3], $0x80, v7, vm0, $0xb8;
	[tilespmem:$0x1A200] =	vst v63  }
0x677: {  	s22 =	sor.u32 $0x6600, s21  }
0x678: {  	(v2sf) =	vpush v33, $0xD;
	[tilespmem:s22], [sflag:s20] =	stream.indirect_vreg.gather [hbm4b:s23+s3], $0x80, v8, vm0, $0xb8;
	[tilespmem:$0x1A200] =	vst v63  }
0x679: {  	s22 =	sor.u32 $0x6680, s21  }
0x67a: {  	[tilespmem:s22], [sflag:s20] =	stream.indirect_vreg.gather [hbm4b:s23+s3], $0x80, v9, vm0, $0xb8;
	[tilespmem:$0x1A200] =	vst v63  }
0x67b: {  	s22 =	sor.u32 $0x6700, s21  }
0x67c: {  	[tilespmem:s22], [sflag:s20] =	stream.indirect_vreg.gather [hbm4b:s23+s3], $0x80, v10, vm0, $0xb8;
	[tilespmem:$0x1A200] =	vst v63  }
0x67d: {  	s22 =	sor.u32 $0x6780, s21  }
0x67e: {  	[tilespmem:s22], [sflag:s20] =	stream.indirect_vreg.gather [hbm4b:s23+s3], $0x80, v11, vm0, $0xb8;
	[tilespmem:$0x1A200] =	vst v63  }
0x67f: {  	s22 =	sor.u32 $0x6800, s21  }
0x680: {  	[tilespmem:s22], [sflag:s20] =	stream.indirect_vreg.gather [hbm4b:s23+s3], $0x80, v12, vm0, $0xb8;
	[tilespmem:$0x1A200] =	vst v63  }
0x681: {  	s22 =	sor.u32 $0x6880, s21  }
0x682: {  	[tilespmem:s22], [sflag:s20] =	stream.indirect_vreg.gather [hbm4b:s23+s3], $0x80, v13, vm0, $0xb8;
	[tilespmem:$0x1A200] =	vst v63  }
0x683: {  	s22 =	sor.u32 $0x6900, s21  }
0x684: {  	[tilespmem:s22], [sflag:s20] =	stream.indirect_vreg.gather [hbm4b:s23+s3], $0x80, v15, vm0, $0xb8;
	[tilespmem:$0x1A200] =	vst v63  }
0x685: {  	s22 =	sor.u32 $0x6980, s21  }
0x686: {  	[tilespmem:s22], [sflag:s20] =	stream.indirect_vreg.gather [hbm4b:s23+s3], $0x80, v16, vm0, $0xb8;
	[tilespmem:$0x1A200] =	vst v63  }
0x687: {  	s22 =	sor.u32 $0x6A00, s21;
	s23 =	spop (v2sf)  }
0x688: {  	[tilespmem:s22], [sflag:s20] =	stream.indirect_vreg.gather [hbm4b:s23+s3], $0x80, v0, vm0, $0xb8;
	[tilespmem:$0x1A200] =	vst v63  }
0x689: {  	s22 =	sor.u32 $0x6A80, s21  }
0x68a: {  	[tilespmem:s22], [sflag:s20] =	stream.indirect_vreg.gather [hbm4b:s23+s3], $0x80, v1, vm0, $0xb8;
	[tilespmem:$0x1A200] =	vst v63  }
0x68b: {  	s22 =	sor.u32 $0x6B00, s21  }
0x68c: {  	[tilespmem:s22], [sflag:s20] =	stream.indirect_vreg.gather [hbm4b:s23+s3], $0x80, v2, vm0, $0xb8;
	[tilespmem:$0x1A200] =	vst v63  }
0x68d: {  	s22 =	sor.u32 $0x6B80, s21  }
0x68e: {  	[tilespmem:s22], [sflag:s20] =	stream.indirect_vreg.gather [hbm4b:s23+s3], $0x80, v3, vm0, $0xb8;
	[tilespmem:$0x1A200] =	vst v63  }
0x68f: {  	s22 =	sor.u32 $0x6C00, s21  }
0x690: {  	[tilespmem:s22], [sflag:s20] =	stream.indirect_vreg.gather [hbm4b:s23+s3], $0x80, v4, vm0, $0xb8;
	[tilespmem:$0x1A200] =	vst v63  }
0x691: {  	s22 =	sor.u32 $0x6C80, s21  }
0x692: {  	[tilespmem:s22], [sflag:s20] =	stream.indirect_vreg.gather [hbm4b:s23+s3], $0x80, v5, vm0, $0xb8;
	[tilespmem:$0x1A200] =	vst v63  }
0x693: {  	s22 =	sor.u32 $0x6D00, s21  }
0x694: {  	[tilespmem:s22], [sflag:s20] =	stream.indirect_vreg.gather [hbm4b:s23+s3], $0x80, v6, vm0, $0xb8;
	[tilespmem:$0x1A200] =	vst v63  }
0x695: {  	s22 =	sor.u32 $0x6D80, s21  }
0x696: {  	[tilespmem:s22], [sflag:s20] =	stream.indirect_vreg.gather [hbm4b:s23+s3], $0x80, v7, vm0, $0xb8;
	[tilespmem:$0x1A200] =	vst v63  }
0x697: {  	s22 =	sor.u32 $0x6E00, s21  }
0x698: {  	(v2sf) =	vpush v33, $0xE;
	[tilespmem:s22], [sflag:s20] =	stream.indirect_vreg.gather [hbm4b:s23+s3], $0x80, v8, vm0, $0xb8;
	[tilespmem:$0x1A200] =	vst v63  }
0x699: {  	s22 =	sor.u32 $0x6E80, s21  }
0x69a: {  	[tilespmem:s22], [sflag:s20] =	stream.indirect_vreg.gather [hbm4b:s23+s3], $0x80, v9, vm0, $0xb8;
	[tilespmem:$0x1A200] =	vst v63  }
0x69b: {  	s22 =	sor.u32 $0x6F00, s21  }
0x69c: {  	[tilespmem:s22], [sflag:s20] =	stream.indirect_vreg.gather [hbm4b:s23+s3], $0x80, v10, vm0, $0xb8;
	[tilespmem:$0x1A200] =	vst v63  }
0x69d: {  	s22 =	sor.u32 $0x6F80, s21  }
0x69e: {  	[tilespmem:s22], [sflag:s20] =	stream.indirect_vreg.gather [hbm4b:s23+s3], $0x80, v11, vm0, $0xb8;
	[tilespmem:$0x1A200] =	vst v63  }
0x69f: {  	s22 =	sor.u32 $0x7000, s21  }
0x6a0: {  	[tilespmem:s22], [sflag:s20] =	stream.indirect_vreg.gather [hbm4b:s23+s3], $0x80, v12, vm0, $0xb8;
	[tilespmem:$0x1A200] =	vst v63  }
0x6a1: {  	s22 =	sor.u32 $0x7080, s21  }
0x6a2: {  	[tilespmem:s22], [sflag:s20] =	stream.indirect_vreg.gather [hbm4b:s23+s3], $0x80, v13, vm0, $0xb8;
	[tilespmem:$0x1A200] =	vst v63  }
0x6a3: {  	s22 =	sor.u32 $0x7100, s21  }
0x6a4: {  	[tilespmem:s22], [sflag:s20] =	stream.indirect_vreg.gather [hbm4b:s23+s3], $0x80, v15, vm0, $0xb8;
	[tilespmem:$0x1A200] =	vst v63  }
0x6a5: {  	s22 =	sor.u32 $0x7180, s21  }
0x6a6: {  	[tilespmem:s22], [sflag:s20] =	stream.indirect_vreg.gather [hbm4b:s23+s3], $0x80, v16, vm0, $0xb8;
	[tilespmem:$0x1A200] =	vst v63  }
0x6a7: {  	s22 =	sor.u32 $0x7200, s21;
	s23 =	spop (v2sf)  }
0x6a8: {  	[tilespmem:s22], [sflag:s20] =	stream.indirect_vreg.gather [hbm4b:s23+s3], $0x80, v0, vm0, $0xb8;
	[tilespmem:$0x1A200] =	vst v63  }
0x6a9: {  	s22 =	sor.u32 $0x7280, s21  }
0x6aa: {  	[tilespmem:s22], [sflag:s20] =	stream.indirect_vreg.gather [hbm4b:s23+s3], $0x80, v1, vm0, $0xb8;
	[tilespmem:$0x1A200] =	vst v63  }
0x6ab: {  	s22 =	sor.u32 $0x7300, s21  }
0x6ac: {  	[tilespmem:s22], [sflag:s20] =	stream.indirect_vreg.gather [hbm4b:s23+s3], $0x80, v2, vm0, $0xb8;
	[tilespmem:$0x1A200] =	vst v63  }
0x6ad: {  	s22 =	sor.u32 $0x7380, s21  }
0x6ae: {  	[tilespmem:s22], [sflag:s20] =	stream.indirect_vreg.gather [hbm4b:s23+s3], $0x80, v3, vm0, $0xb8;
	[tilespmem:$0x1A200] =	vst v63  }
0x6af: {  	s22 =	sor.u32 $0x7400, s21  }
0x6b0: {  	[tilespmem:s22], [sflag:s20] =	stream.indirect_vreg.gather [hbm4b:s23+s3], $0x80, v4, vm0, $0xb8;
	[tilespmem:$0x1A200] =	vst v63  }
0x6b1: {  	s22 =	sor.u32 $0x7480, s21  }
0x6b2: {  	[tilespmem:s22], [sflag:s20] =	stream.indirect_vreg.gather [hbm4b:s23+s3], $0x80, v5, vm0, $0xb8;
	[tilespmem:$0x1A200] =	vst v63  }
0x6b3: {  	s22 =	sor.u32 $0x7500, s21  }
0x6b4: {  	[tilespmem:s22], [sflag:s20] =	stream.indirect_vreg.gather [hbm4b:s23+s3], $0x80, v6, vm0, $0xb8;
	[tilespmem:$0x1A200] =	vst v63  }
0x6b5: {  	s22 =	sor.u32 $0x7580, s21  }
0x6b6: {  	[tilespmem:s22], [sflag:s20] =	stream.indirect_vreg.gather [hbm4b:s23+s3], $0x80, v7, vm0, $0xb8;
	[tilespmem:$0x1A200] =	vst v63  }
0x6b7: {  	s22 =	sor.u32 $0x7600, s21  }
0x6b8: {  	(v2sf) =	vpush v33, $0xF;
	[tilespmem:s22], [sflag:s20] =	stream.indirect_vreg.gather [hbm4b:s23+s3], $0x80, v8, vm0, $0xb8;
	[tilespmem:$0x1A200] =	vst v63  }
0x6b9: {  	s22 =	sor.u32 $0x7680, s21  }
0x6ba: {  	[tilespmem:s22], [sflag:s20] =	stream.indirect_vreg.gather [hbm4b:s23+s3], $0x80, v9, vm0, $0xb8;
	[tilespmem:$0x1A200] =	vst v63  }
0x6bb: {  	s22 =	sor.u32 $0x7700, s21  }
0x6bc: {  	[tilespmem:s22], [sflag:s20] =	stream.indirect_vreg.gather [hbm4b:s23+s3], $0x80, v10, vm0, $0xb8;
	[tilespmem:$0x1A200] =	vst v63  }
0x6bd: {  	s22 =	sor.u32 $0x7780, s21  }
0x6be: {  	[tilespmem:s22], [sflag:s20] =	stream.indirect_vreg.gather [hbm4b:s23+s3], $0x80, v11, vm0, $0xb8;
	[tilespmem:$0x1A200] =	vst v63  }
0x6bf: {  	s22 =	sor.u32 $0x7800, s21  }
0x6c0: {  	[tilespmem:s22], [sflag:s20] =	stream.indirect_vreg.gather [hbm4b:s23+s3], $0x80, v12, vm0, $0xb8;
	[tilespmem:$0x1A200] =	vst v63  }
0x6c1: {  	s22 =	sor.u32 $0x7880, s21  }
0x6c2: {  	[tilespmem:s22], [sflag:s20] =	stream.indirect_vreg.gather [hbm4b:s23+s3], $0x80, v13, vm0, $0xb8;
	[tilespmem:$0x1A200] =	vst v63  }
0x6c3: {  	s22 =	sor.u32 $0x7900, s21  }
0x6c4: {  	[tilespmem:s22], [sflag:s20] =	stream.indirect_vreg.gather [hbm4b:s23+s3], $0x80, v15, vm0, $0xb8;
	[tilespmem:$0x1A200] =	vst v63  }
0x6c5: {  	s22 =	sor.u32 $0x7980, s21  }
0x6c6: {  	[tilespmem:s22], [sflag:s20] =	stream.indirect_vreg.gather [hbm4b:s23+s3], $0x80, v16, vm0, $0xb8;
	[tilespmem:$0x1A200] =	vst v63  }
0x6c7: {  	s22 =	sor.u32 $0x7A00, s21;
	s23 =	spop (v2sf)  }
0x6c8: {  	[tilespmem:s22], [sflag:s20] =	stream.indirect_vreg.gather [hbm4b:s23+s3], $0x80, v0, vm0, $0xb8;
	[tilespmem:$0x1A200] =	vst v63  }
0x6c9: {  	s22 =	sor.u32 $0x7A80, s21  }
0x6ca: {  	[tilespmem:s22], [sflag:s20] =	stream.indirect_vreg.gather [hbm4b:s23+s3], $0x80, v1, vm0, $0xb8;
	[tilespmem:$0x1A200] =	vst v63  }
0x6cb: {  	s22 =	sor.u32 $0x7B00, s21  }
0x6cc: {  	[tilespmem:s22], [sflag:s20] =	stream.indirect_vreg.gather [hbm4b:s23+s3], $0x80, v2, vm0, $0xb8;
	[tilespmem:$0x1A200] =	vst v63  }
0x6cd: {  	s22 =	sor.u32 $0x7B80, s21  }
0x6ce: {  	[tilespmem:s22], [sflag:s20] =	stream.indirect_vreg.gather [hbm4b:s23+s3], $0x80, v3, vm0, $0xb8;
	[tilespmem:$0x1A200] =	vst v63  }
0x6cf: {  	s22 =	sor.u32 $0x7C00, s21  }
0x6d0: {  	[tilespmem:s22], [sflag:s20] =	stream.indirect_vreg.gather [hbm4b:s23+s3], $0x80, v4, vm0, $0xb8;
	[tilespmem:$0x1A200] =	vst v63  }
0x6d1: {  	s22 =	sor.u32 $0x7C80, s21  }
0x6d2: {  	[tilespmem:s22], [sflag:s20] =	stream.indirect_vreg.gather [hbm4b:s23+s3], $0x80, v5, vm0, $0xb8;
	[tilespmem:$0x1A200] =	vst v63  }
0x6d3: {  	s22 =	sor.u32 $0x7D00, s21  }
0x6d4: {  	[tilespmem:s22], [sflag:s20] =	stream.indirect_vreg.gather [hbm4b:s23+s3], $0x80, v6, vm0, $0xb8;
	[tilespmem:$0x1A200] =	vst v63  }
0x6d5: {  	s22 =	sor.u32 $0x7D80, s21  }
0x6d6: {  	[tilespmem:s22], [sflag:s20] =	stream.indirect_vreg.gather [hbm4b:s23+s3], $0x80, v7, vm0, $0xb8;
	[tilespmem:$0x1A200] =	vst v63  }
0x6d7: {  	s22 =	sor.u32 $0x7E00, s21  }
0x6d8: {  	[tilespmem:s22], [sflag:s20] =	stream.indirect_vreg.gather [hbm4b:s23+s3], $0x80, v8, vm0, $0xb8;
	[tilespmem:$0x1A200] =	vst v63  }
0x6d9: {  	s22 =	sor.u32 $0x7E80, s21  }
0x6da: {  	[tilespmem:s22], [sflag:s20] =	stream.indirect_vreg.gather [hbm4b:s23+s3], $0x80, v9, vm0, $0xb8;
	[tilespmem:$0x1A200] =	vst v63  }
0x6db: {  	s22 =	sor.u32 $0x7F00, s21  }
0x6dc: {  	[tilespmem:s22], [sflag:s20] =	stream.indirect_vreg.gather [hbm4b:s23+s3], $0x80, v10, vm0, $0xb8;
	[tilespmem:$0x1A200] =	vst v63  }
0x6dd: {  	s22 =	sor.u32 $0x7F80, s21  }
0x6de: {  	[tilespmem:s22], [sflag:s20] =	stream.indirect_vreg.gather [hbm4b:s23+s3], $0x80, v11, vm0, $0xb8;
	[tilespmem:$0x1A200] =	vst v63  }
0x6df: {  	s22 =	sadd.s32 $0x8000, s21  }
0x6e0: {  	[tilespmem:s22], [sflag:s20] =	stream.indirect_vreg.gather [hbm4b:s23+s3], $0x80, v12, vm0, $0xb8;
	[tilespmem:$0x1A200] =	vst v63  }
0x6e1: {  	s22 =	sadd.s32 $0x8080, s21  }
0x6e2: {  	[tilespmem:s22], [sflag:s20] =	stream.indirect_vreg.gather [hbm4b:s23+s3], $0x80, v13, vm0, $0xb8;
	[tilespmem:$0x1A200] =	vst v63  }
.Ltmp5:
0x6e3: {  	_ = 	snop;
	(pc) =	sbr.rel .LBB2_4-.Ltmp5, $4  }
0x6e4: {  	s22 =	sadd.s32 $0x8100, s21  }
0x6e5: {  	[tilespmem:s22], [sflag:s20] =	stream.indirect_vreg.gather [hbm4b:s23+s3], $0x80, v15, vm0, $0xb8;
	[tilespmem:$0x1A200] =	vst v63  }
0x6e6: {  	s21 =	sadd.s32 $0x8180, s21  }
0x6e7: {  	[tilespmem:s21], [sflag:s20] =	stream.indirect_vreg.gather [hbm4b:s23+s3], $0x80, v16, vm0, $0xb8;
	[tilespmem:$0x1A200] =	vst v63  }
.LBB2_6:
0x6e8: {  	_ =	sfence.sel $0x180000  }
0x6e9: {  	[bflag:$0x0] =	sbarrier.arrive $0xFFFF  }
0x6ea: {  	_ =	strace $0x90000047  }
0x6eb: {  	s0 =	stileid.u32;
	[bflag:$0x2] =	sbarrier.arrive $0xFFFF  }
0x6ec: {  	p0 =	sne.s32 s0, $0x0;
	s0 =	rddreg [dreg:$0x3]  }
0x6ed: {  	s0 =	sadd.s32 @!p0 $0x100000, s0  }
0x6ee: {  	[sflag:s0] =	ssyncadd.tile.s32 @!p0 $0x1;
	_ =	shalt  }
.Lfunc_end2:
_tile_overlayer_lowered:
.L_overlay_start_2:
0x6ef: {  	(tag) =	ssettag $0x2  }
0x6f0: {  	s0 =	rddreg [dreg:$0x0];
	s2 =	stileid.u32  }
0x6f1: {  	s1 =	rddreg [dreg:$0x1];
	p0 =	sne.s32 s2, $0x0  }
0x6f2: {  	s3 =	rddreg [dreg:$0x2];
	[bflag:$0x3] =	sbarrier.arrive $0xFFFF;
	s2 =	simm.s32 @!p0 $0x1C04  }
0x6f3: {  	[timem:s3], [sflag:s2] =	dma.local @!p0 [hbm:s0], s1  }
0x6f4: {  	s0 =	simm.s32 @!p0 $0x4  }
0x6f5: {  	_ =	swait.ge @!p0 [sflag:s0], s1  }
0x6f6: {  	s1 =	ssub.s32 @!p0 $0x0, s1;
	[sflag:s0] =	ssyncset.done @!p0 $0x0  }
0x6f7: {  	[sflag:s0] =	ssyncadd.s32 @!p0 s1  }
0x6f8: {  	[bflag:$0x3] =	sbarrier.arrive $0xFFFF  }
0x6f9: {  	_ =	shalt  }

</sc_bundles>
